<compile_context>
chip_gen: v7x
topology: tpu7x:2x2x1
jax: 0.10.2.dev20260603
libtpu: 0.0.44.dev20260713+nightly
codegen_flags: <defaults>
</compile_context>

<pallas_src>
import functools
import jax
import jax.numpy as jnp
from jax import lax
from jax.experimental import pallas as pl
from jax.experimental.pallas import tpu as pltpu
from jax.experimental.pallas import tpu_sc as plsc

_N = 10000
_E = 320000
_D = 128
_H = 128

_NC = 2
_NS = 16
_NHALF = _N // _NC
_CH = 128
_NCHUNK = 160
_EPAD = _NS * _NCHUNK * _CH
_APAD = 5120
_RPT = _APAD // _NS
_DGPAD = 10240
_DRPT = _DGPAD // _NS
_R = 1000


def _deg_body(dst_hbm, out_hbm, didx, ones_v, zbuf, deg_sh):
    cid = lax.axis_index("c")
    sid = lax.axis_index("s")
    pltpu.sync_copy(dst_hbm.at[sid], didx)
    for r in range(16):
        zbuf[r, :] = jnp.zeros((16,), jnp.float32)
    for r in range(_CH):
        ones_v[r, :] = jnp.ones((16,), jnp.float32)
    base = sid * _DRPT
    @pl.loop(0, _DRPT // 16)
    def _zero(k):
        pltpu.sync_copy(zbuf, deg_sh.at[pl.ds(base + k * 16, 16)])
    plsc.subcore_barrier()
    @pl.loop(0, _NCHUNK)
    def _acc(j):
        pltpu.sync_copy(ones_v, deg_sh.at[didx.at[j]], add=True)
    plsc.subcore_barrier()
    pltpu.sync_copy(deg_sh.at[pl.ds(base, _DRPT)],
                    out_hbm.at[cid].at[pl.ds(base, _DRPT)])


def _agg_body(g_hbm, src_hbm, dst_hbm, out_hbm,
              sidx, didx, rows0, rows1, zbuf, acc_sh, sem0, sem1):
    cid = lax.axis_index("c")
    sid = lax.axis_index("s")
    pltpu.sync_copy(src_hbm.at[sid], sidx)
    pltpu.sync_copy(dst_hbm.at[sid], didx)

    lo = cid * _NHALF
    @pl.loop(0, _NCHUNK)
    def _remap(j):
        for c in range(_CH // 16):
            d = didx[j, pl.ds(c * 16, 16)] - lo
            ok = (d >= 0) & (d < _NHALF)
            didx[j, pl.ds(c * 16, 16)] = jnp.where(ok, d, _NHALF)

    for r in range(16):
        for c in range(_H // 16):
            zbuf[r, pl.ds(c * 16, 16)] = jnp.zeros((16,), jnp.float32)
    base = sid * _RPT
    @pl.loop(0, _RPT // 16)
    def _zero(k):
        pltpu.sync_copy(zbuf, acc_sh.at[pl.ds(base + k * 16, 16)])
    plsc.subcore_barrier()

    rows = (rows0, rows1)
    sems = (sem0, sem1)
    pltpu.async_copy(g_hbm.at[sidx.at[0]], rows0, sem0)
    pltpu.async_copy(g_hbm.at[sidx.at[1]], rows1, sem1)
    @pl.loop(0, _NCHUNK, step=2)
    def _chunks(j):
        for b in range(2):
            jj = j + b
            pltpu.make_async_copy(g_hbm.at[sidx.at[jj]], rows[b],
                                  sems[b]).wait()
            pltpu.sync_copy(rows[b], acc_sh.at[didx.at[jj]], add=True)
            @pl.when(jj + 2 < _NCHUNK)
            def _next():
                pltpu.async_copy(g_hbm.at[sidx.at[jj + 2]], rows[b], sems[b])
    plsc.subcore_barrier()
    pltpu.sync_copy(acc_sh.at[pl.ds(base, _RPT)],
                    out_hbm.at[cid].at[pl.ds(base, _RPT)])


@functools.lru_cache(maxsize=1)
def _sc_kernels():
    mesh = plsc.VectorSubcoreMesh(core_axis_name="c", subcore_axis_name="s",
                                  num_cores=_NC, num_subcores=_NS)
    deg_call = pl.kernel(
        _deg_body,
        out_type=jax.ShapeDtypeStruct((_NC, _DGPAD, 16), jnp.float32),
        mesh=mesh,
        scratch_types=[
            pltpu.VMEM((_NCHUNK, _CH), jnp.int32),
            pltpu.VMEM((_CH, 16), jnp.float32),
            pltpu.VMEM((16, 16), jnp.float32),
            pltpu.VMEM_SHARED((_DGPAD, 16), jnp.float32),
        ],
    )
    agg_call = pl.kernel(
        _agg_body,
        out_type=jax.ShapeDtypeStruct((_NC, _APAD, _H), jnp.float32),
        mesh=mesh,
        scratch_types=[
            pltpu.VMEM((_NCHUNK, _CH), jnp.int32),
            pltpu.VMEM((_NCHUNK, _CH), jnp.int32),
            pltpu.VMEM((_CH, _H), jnp.float32),
            pltpu.VMEM((_CH, _H), jnp.float32),
            pltpu.VMEM((16, _H), jnp.float32),
            pltpu.VMEM_SHARED((_APAD, _H), jnp.float32),
            pltpu.SemaphoreType.DMA,
            pltpu.SemaphoreType.DMA,
        ],
    )
    return deg_call, agg_call


def _dinv_block(dp):
    return lax.rsqrt(dp[0, :, 0] + 1.0)


def _k1_body(x_ref, w1_ref, b1_ref, w2_ref, b2_ref, gw_ref, dp_ref, g_ref):
    h = jax.nn.relu(jnp.dot(x_ref[...], w1_ref[...],
                            preferred_element_type=jnp.float32) + b1_ref[...])
    h = jax.nn.relu(jnp.dot(h, w2_ref[...],
                            preferred_element_type=jnp.float32) + b2_ref[...])
    dinv = _dinv_block(dp_ref[...])
    g_ref[...] = jnp.dot(h, gw_ref[...],
                         preferred_element_type=jnp.float32) * dinv[:, None]


def _combine(a_ref, g_ref, dp_ref, b_ref):
    dinv = _dinv_block(dp_ref[...])
    tot = a_ref[0] + g_ref[...]
    return jax.nn.relu(tot * dinv[:, None] + b_ref[...]), dinv


def _k2_body(a_ref, g_ref, dp_ref, b_ref, gw_ref, out_ref):
    h, dinv = _combine(a_ref, g_ref, dp_ref, b_ref)
    out_ref[...] = jnp.dot(h, gw_ref[...],
                           preferred_element_type=jnp.float32) * dinv[:, None]


def _k3_body(a_ref, g_ref, dp_ref, b_ref,
             lpw1_ref, lpb1_ref, lpw2_ref, lpb2_ref,
             vw1_ref, vb1_ref, vw2_ref, vb2_ref,
             probs_ref, pool_ref, sv_ref):
    i = pl.program_id(0)
    h, _ = _combine(a_ref, g_ref, dp_ref, b_ref)
    lp = jax.nn.relu(jnp.dot(h, lpw1_ref[...],
                             preferred_element_type=jnp.float32) + lpb1_ref[...])
    logit = jnp.dot(lp, lpw2_ref[...],
                    preferred_element_type=jnp.float32) + lpb2_ref[0, 0]
    probs_ref[...] = jax.nn.sigmoid(logit)
    bsum = jnp.sum(h, axis=0, keepdims=True)

    @pl.when(i == 0)
    def _init():
        pool_ref[...] = bsum
        sv_ref[...] = jnp.zeros_like(sv_ref)

    @pl.when(i > 0)
    def _acc():
        pool_ref[...] = pool_ref[...] + bsum

    @pl.when(i == pl.num_programs(0) - 1)
    def _value():
        pooled = pool_ref[...] * (1.0 / _N)
        v = jax.nn.relu(jnp.dot(pooled, vw1_ref[...],
                                preferred_element_type=jnp.float32)
                        + vb1_ref[...])
        sval = jnp.dot(v, vw2_ref[...],
                       preferred_element_type=jnp.float32) + vb2_ref[0, 0]
        sv_ref[...] = jnp.broadcast_to(sval, sv_ref.shape)


def _row_spec(last):
    return pl.BlockSpec((_R, last), lambda i: (i, 0))


def _full_spec(shape):
    nd = len(shape)
    return pl.BlockSpec(shape, lambda i: (0,) * nd)


_dp_spec = pl.BlockSpec((_NC, _R, 16), lambda i: (0, i, 0))
_acc_spec = pl.BlockSpec((1, _R, _H), lambda i: (i // 5, i % 5, 0))


def kernel(x, edge_index, enc_w1, enc_b1, enc_w2, enc_b2,
           gcn_w1, gcn_b1, gcn_w2, gcn_b2,
           lp_w1, lp_b1, lp_w2, lp_b2,
           v_w1, v_b1, v_w2, v_b2):
    src = edge_index[0]
    dst = edge_index[1]
    pad = _EPAD - _E
    srcp = jnp.concatenate([src, jnp.zeros((pad,), jnp.int32)])
    srcp = srcp.reshape(_NS, _NCHUNK, _CH)
    dstp = jnp.concatenate([dst, jnp.full((pad,), _N, jnp.int32)])
    dstp = dstp.reshape(_NS, _NCHUNK, _CH)

    deg_call, agg_call = _sc_kernels()
    dp = deg_call(dstp)

    grid = _N // _R
    g1 = pl.pallas_call(
        _k1_body,
        grid=(grid,),
        in_specs=[_row_spec(_D), _full_spec((_D, _H)), _full_spec((1, _H)),
                  _full_spec((_H, _H)), _full_spec((1, _H)),
                  _full_spec((_H, _H)), _dp_spec],
        out_specs=_row_spec(_H),
        out_shape=jax.ShapeDtypeStruct((_N, _H), jnp.float32),
    )(x, enc_w1, enc_b1.reshape(1, _H), enc_w2, enc_b2.reshape(1, _H),
      gcn_w1, dp)

    a1 = agg_call(g1, srcp, dstp)
    g2 = pl.pallas_call(
        _k2_body,
        grid=(grid,),
        in_specs=[_acc_spec, _row_spec(_H), _dp_spec, _full_spec((1, _H)),
                  _full_spec((_H, _H))],
        out_specs=_row_spec(_H),
        out_shape=jax.ShapeDtypeStruct((_N, _H), jnp.float32),
    )(a1, g1, dp, gcn_b1.reshape(1, _H), gcn_w2)

    a2 = agg_call(g2, srcp, dstp)
    probs, _, sv = pl.pallas_call(
        _k3_body,
        grid=(grid,),
        in_specs=[_acc_spec, _row_spec(_H), _dp_spec, _full_spec((1, _H)),
                  _full_spec((_H, _H)), _full_spec((1, _H)),
                  _full_spec((_H, 1)), _full_spec((1, 1)),
                  _full_spec((_H, _H)), _full_spec((1, _H)),
                  _full_spec((_H, 1)), _full_spec((1, 1))],
        out_specs=[_row_spec(1),
                   pl.BlockSpec((1, _H), lambda i: (0, 0)),
                   pl.BlockSpec((1, _H), lambda i: (0, 0))],
        out_shape=[jax.ShapeDtypeStruct((_N, 1), jnp.float32),
                   jax.ShapeDtypeStruct((1, _H), jnp.float32),
                   jax.ShapeDtypeStruct((1, _H), jnp.float32)],
    )(a2, g2, dp, gcn_b2.reshape(1, _H),
      lp_w1, lp_b1.reshape(1, _H), lp_w2, lp_b2.reshape(1, 1),
      v_w1, v_b1.reshape(1, _H), v_w2, v_b2.reshape(1, 1))

    return probs[:, 0], sv[0, :1]

# --- scband reference (transcript-rebuilt; emitter-appended) ---
"""Pipeline reference for scband-pruning-agent-52690658787736 (READ-ONLY COPY).

The authoritative reference and input builder live on the scoring server;
editing this copy changes nothing except your own understanding.
"""

import jax, jax.numpy as jnp
import numpy as np

N = 10000
E = 320000
D = 128
H = 128


def _init_linear(key, fan_in, fan_out):
    k1, k2 = jax.random.split(key)
    bound = 1.0 / np.sqrt(fan_in)
    w = jax.random.uniform(k1, (fan_in, fan_out), jnp.float32, -bound, bound)
    b = jax.random.uniform(k2, (fan_out,), jnp.float32, -bound, bound)
    return w, b


def setup_inputs(seed: int = 0) -> dict:
    key = jax.random.key(seed)
    ks = jax.random.split(key, 12)
    x = jax.random.normal(ks[0], (N, D), jnp.float32)
    edge_index = jax.random.randint(ks[1], (2, E), 0, N, jnp.int32)
    enc_w1, enc_b1 = _init_linear(ks[2], D, H)
    enc_w2, enc_b2 = _init_linear(ks[3], H, H)
    gcn_w1, gcn_b1 = _init_linear(ks[4], H, H)
    gcn_w2, gcn_b2 = _init_linear(ks[5], H, H)
    lp_w1, lp_b1 = _init_linear(ks[6], H, H)
    lp_w2, lp_b2 = _init_linear(ks[7], H, 1)
    v_w1, v_b1 = _init_linear(ks[8], H, H)
    v_w2, v_b2 = _init_linear(ks[9], H, 1)
    return {
        "x": x, "edge_index": edge_index,
        "enc_w1": enc_w1, "enc_b1": enc_b1, "enc_w2": enc_w2, "enc_b2": enc_b2,
        "gcn_w1": gcn_w1, "gcn_b1": gcn_b1, "gcn_w2": gcn_w2, "gcn_b2": gcn_b2,
        "lp_w1": lp_w1, "lp_b1": lp_b1, "lp_w2": lp_w2, "lp_b2": lp_b2,
        "v_w1": v_w1, "v_b1": v_b1, "v_w2": v_w2, "v_b2": v_b2,
    }


def _gcn_conv(h, edge_index, w, b):
    n = h.shape[0]
    hw = h @ w
    loop = jnp.arange(n, dtype=edge_index.dtype)
    src = jnp.concatenate([edge_index[0], loop])
    dst = jnp.concatenate([edge_index[1], loop])
    deg = jnp.zeros((n,), jnp.float32).at[dst].add(1.0)
    dinv = 1.0 / jnp.sqrt(deg)
    norm = dinv[src] * dinv[dst]
    msg = hw[src] * norm[:, None]
    out = jnp.zeros_like(hw).at[dst].add(msg)
    return out + b


def reference(x, edge_index, enc_w1, enc_b1, enc_w2, enc_b2,
              gcn_w1, gcn_b1, gcn_w2, gcn_b2,
              lp_w1, lp_b1, lp_w2, lp_b2,
              v_w1, v_b1, v_w2, v_b2):
    # feature_encoder (dropout is eval-mode identity)
    h = jax.nn.relu(x @ enc_w1 + enc_b1)
    h = jax.nn.relu(h @ enc_w2 + enc_b2)
    # 2 GCN layers with relu
    h = jax.nn.relu(_gcn_conv(h, edge_index, gcn_w1, gcn_b1))
    h = jax.nn.relu(_gcn_conv(h, edge_index, gcn_w2, gcn_b2))
    # layer policy head -> per-node prune probability
    lp = jax.nn.relu(h @ lp_w1 + lp_b1)
    layer_probs = jax.nn.sigmoid(lp @ lp_w2 + lp_b2).squeeze(-1)
    # value net on mean-pooled node embedding
    pooled = h.mean(axis=0)
    v = jax.nn.relu(pooled @ v_w1 + v_b1)
    state_value = v @ v_w2 + v_b2
    # head_graphs branch is data-dependent Python control flow; harness passes
    # head_graphs=[] so head_probs={} -> layer-graph path only.
    return (layer_probs, state_value)

if __name__ == "__main__":
    import jax
    _d = setup_inputs()
    print(jax.jit(kernel)(*tuple(_d.values())))

</pallas_src>

<mosaic_0001>
#map = affine_map<(d0, d1) -> (0, 0, 0)>
module attributes {stable_mosaic.version = 14 : i64} {
  func.func @_deg_body(%arg0: i32, %arg1: i32, %arg2: memref<16x160x128xi32, #tpu.memory_space<hbm>>, %arg3: memref<2x10240x16xf32, #tpu.memory_space<hbm>>, %arg4: memref<160x128xi32, #tpu.memory_space<vmem>>, %arg5: memref<128x16xf32, #tpu.memory_space<vmem>>, %arg6: memref<16x16xf32, #tpu.memory_space<vmem>>, %arg7: memref<10240x16xf32, #tpu.memory_space<vmem_shared>>) attributes {dimension_semantics = [#tpu.dimension_semantics<core_parallel>, #tpu.dimension_semantics<subcore_parallel>], iteration_bounds = array<i64: 2, 16>, scalar_prefetch = 0 : i64, scratch_operands = 4 : i64, tpu.core_type = #tpu.core_type<sc_vector_subcore>, window_params = [{transform_indices = #map}, {transform_indices = #map}]} {
    "tpu.region"() ({
      %run_scoped3A = tpu.sem_alloc : memref<!tpu.dma_semaphore, #tpu.memory_space<semaphore_mem>>
      %dma_start3A = arith.constant 0 : i32
      %dma_start3A_1161 = arith.constant 0 : i32
      %dma_start3A_1162 = tpu.memref_slice %arg2[%arg1, %dma_start3A, %dma_start3A_1161] : memref<16x160x128xi32, #tpu.memory_space<hbm>> -> memref<1x160x128xi32, #tpu.memory_space<hbm>>
      %dma_start3A_1163 = tpu.memref_squeeze %dma_start3A_1162 : memref<1x160x128xi32, #tpu.memory_space<hbm>> -> memref<160x128xi32, #tpu.memory_space<hbm>>
      %dma_start3A_1164 = arith.constant 0 : i32
      %dma_start3A_1165 = arith.constant 0 : i32
      %dma_start3A_1166 = tpu.memref_slice %arg2[%arg1, %dma_start3A_1164, %dma_start3A_1165] : memref<16x160x128xi32, #tpu.memory_space<hbm>> -> memref<1x160x128xi32, #tpu.memory_space<hbm>>
      %dma_start3A_1167 = tpu.memref_squeeze %dma_start3A_1166 : memref<1x160x128xi32, #tpu.memory_space<hbm>> -> memref<160x128xi32, #tpu.memory_space<hbm>>
      tpu.enqueue_dma source(%dma_start3A_1167 : memref<160x128xi32, #tpu.memory_space<hbm>>) target(%arg4 : memref<160x128xi32, #tpu.memory_space<vmem>>) target_semaphore(%run_scoped3A : memref<!tpu.dma_semaphore, #tpu.memory_space<semaphore_mem>>)
      %dma_wait3A = arith.constant 0 : i32
      %dma_wait3A_1168 = arith.constant 0 : i32
      %dma_wait3A_1169 = tpu.memref_slice %arg2[%arg1, %dma_wait3A, %dma_wait3A_1168] : memref<16x160x128xi32, #tpu.memory_space<hbm>> -> memref<1x160x128xi32, #tpu.memory_space<hbm>>
      %dma_wait3A_1170 = tpu.memref_squeeze %dma_wait3A_1169 : memref<1x160x128xi32, #tpu.memory_space<hbm>> -> memref<160x128xi32, #tpu.memory_space<hbm>>
      %dma_wait3A_1171 = arith.constant 0 : i32
      %dma_wait3A_1172 = arith.constant 0 : i32
      %dma_wait3A_1173 = tpu.memref_slice %arg2[%arg1, %dma_wait3A_1171, %dma_wait3A_1172] : memref<16x160x128xi32, #tpu.memory_space<hbm>> -> memref<1x160x128xi32, #tpu.memory_space<hbm>>
      %dma_wait3A_1174 = tpu.memref_squeeze %dma_wait3A_1173 : memref<1x160x128xi32, #tpu.memory_space<hbm>> -> memref<160x128xi32, #tpu.memory_space<hbm>>
      tpu.wait_dma2 semaphore(%run_scoped3A : memref<!tpu.dma_semaphore, #tpu.memory_space<semaphore_mem>>) src(%dma_wait3A_1174 : memref<160x128xi32, #tpu.memory_space<hbm>>) dst(%arg4 : memref<160x128xi32, #tpu.memory_space<vmem>>)
      tpu.yield
    }) : () -> ()
    %broadcast_in_dim3A = arith.constant 0.000000e+00 : f32
    %broadcast_in_dim3A_0 = vector.broadcast %broadcast_in_dim3A : f32 to vector<16xf32>
    %swap3A = arith.constant 0 : i32
    %swap3A_1 = arith.index_cast %swap3A : i32 to index
    %swap3A_2 = arith.constant 0 : index
    %swap3A_3 = tpu.vector_load %arg6[%swap3A_1, %swap3A_2] {strides = array<i32>} : memref<16x16xf32, #tpu.memory_space<vmem>>, vector<1x16xf32>,
    %swap3A_4 = vector.shape_cast %swap3A_3 : vector<1x16xf32> to vector<16xf32>
    %swap3A_5 = vector.shape_cast %broadcast_in_dim3A_0 : vector<16xf32> to vector<1x16xf32>
    tpu.vector_store %arg6[%swap3A_1, %swap3A_2], %swap3A_5 {strides = array<i32>} : memref<16x16xf32, #tpu.memory_space<vmem>>, vector<1x16xf32>,
    %broadcast_in_dim3A_6 = arith.constant 0.000000e+00 : f32
    %broadcast_in_dim3A_7 = vector.broadcast %broadcast_in_dim3A_6 : f32 to vector<16xf32>
    %swap3A_8 = arith.constant 1 : i32
    %swap3A_9 = arith.index_cast %swap3A_8 : i32 to index
    %swap3A_10 = arith.constant 0 : index
    %swap3A_11 = tpu.vector_load %arg6[%swap3A_9, %swap3A_10] {strides = array<i32>} : memref<16x16xf32, #tpu.memory_space<vmem>>, vector<1x16xf32>,
    %swap3A_12 = vector.shape_cast %swap3A_11 : vector<1x16xf32> to vector<16xf32>
    %swap3A_13 = vector.shape_cast %broadcast_in_dim3A_7 : vector<16xf32> to vector<1x16xf32>
    tpu.vector_store %arg6[%swap3A_9, %swap3A_10], %swap3A_13 {strides = array<i32>} : memref<16x16xf32, #tpu.memory_space<vmem>>, vector<1x16xf32>,
    %broadcast_in_dim3A_14 = arith.constant 0.000000e+00 : f32
    %broadcast_in_dim3A_15 = vector.broadcast %broadcast_in_dim3A_14 : f32 to vector<16xf32>
    %swap3A_16 = arith.constant 2 : i32
    %swap3A_17 = arith.index_cast %swap3A_16 : i32 to index
    %swap3A_18 = arith.constant 0 : index
    %swap3A_19 = tpu.vector_load %arg6[%swap3A_17, %swap3A_18] {strides = array<i32>} : memref<16x16xf32, #tpu.memory_space<vmem>>, vector<1x16xf32>,
    %swap3A_20 = vector.shape_cast %swap3A_19 : vector<1x16xf32> to vector<16xf32>
    %swap3A_21 = vector.shape_cast %broadcast_in_dim3A_15 : vector<16xf32> to vector<1x16xf32>
    tpu.vector_store %arg6[%swap3A_17, %swap3A_18], %swap3A_21 {strides = array<i32>} : memref<16x16xf32, #tpu.memory_space<vmem>>, vector<1x16xf32>,
    %broadcast_in_dim3A_22 = arith.constant 0.000000e+00 : f32
    %broadcast_in_dim3A_23 = vector.broadcast %broadcast_in_dim3A_22 : f32 to vector<16xf32>
    %swap3A_24 = arith.constant 3 : i32
    %swap3A_25 = arith.index_cast %swap3A_24 : i32 to index
    %swap3A_26 = arith.constant 0 : index
    %swap3A_27 = tpu.vector_load %arg6[%swap3A_25, %swap3A_26] {strides = array<i32>} : memref<16x16xf32, #tpu.memory_space<vmem>>, vector<1x16xf32>,
    %swap3A_28 = vector.shape_cast %swap3A_27 : vector<1x16xf32> to vector<16xf32>
    %swap3A_29 = vector.shape_cast %broadcast_in_dim3A_23 : vector<16xf32> to vector<1x16xf32>
    tpu.vector_store %arg6[%swap3A_25, %swap3A_26], %swap3A_29 {strides = array<i32>} : memref<16x16xf32, #tpu.memory_space<vmem>>, vector<1x16xf32>,
    %broadcast_in_dim3A_30 = arith.constant 0.000000e+00 : f32
    %broadcast_in_dim3A_31 = vector.broadcast %broadcast_in_dim3A_30 : f32 to vector<16xf32>
    %swap3A_32 = arith.constant 4 : i32
    %swap3A_33 = arith.index_cast %swap3A_32 : i32 to index
    %swap3A_34 = arith.constant 0 : index
    %swap3A_35 = tpu.vector_load %arg6[%swap3A_33, %swap3A_34] {strides = array<i32>} : memref<16x16xf32, #tpu.memory_space<vmem>>, vector<1x16xf32>,
    %swap3A_36 = vector.shape_cast %swap3A_35 : vector<1x16xf32> to vector<16xf32>
    %swap3A_37 = vector.shape_cast %broadcast_in_dim3A_31 : vector<16xf32> to vector<1x16xf32>
    tpu.vector_store %arg6[%swap3A_33, %swap3A_34], %swap3A_37 {strides = array<i32>} : memref<16x16xf32, #tpu.memory_space<vmem>>, vector<1x16xf32>,
    %broadcast_in_dim3A_38 = arith.constant 0.000000e+00 : f32
    %broadcast_in_dim3A_39 = vector.broadcast %broadcast_in_dim3A_38 : f32 to vector<16xf32>
    %swap3A_40 = arith.constant 5 : i32
    %swap3A_41 = arith.index_cast %swap3A_40 : i32 to index
    %swap3A_42 = arith.constant 0 : index
    %swap3A_43 = tpu.vector_load %arg6[%swap3A_41, %swap3A_42] {strides = array<i32>} : memref<16x16xf32, #tpu.memory_space<vmem>>, vector<1x16xf32>,
    %swap3A_44 = vector.shape_cast %swap3A_43 : vector<1x16xf32> to vector<16xf32>
    %swap3A_45 = vector.shape_cast %broadcast_in_dim3A_39 : vector<16xf32> to vector<1x16xf32>
    tpu.vector_store %arg6[%swap3A_41, %swap3A_42], %swap3A_45 {strides = array<i32>} : memref<16x16xf32, #tpu.memory_space<vmem>>, vector<1x16xf32>,
    %broadcast_in_dim3A_46 = arith.constant 0.000000e+00 : f32
    %broadcast_in_dim3A_47 = vector.broadcast %broadcast_in_dim3A_46 : f32 to vector<16xf32>
    %swap3A_48 = arith.constant 6 : i32
    %swap3A_49 = arith.index_cast %swap3A_48 : i32 to index
    %swap3A_50 = arith.constant 0 : index
    %swap3A_51 = tpu.vector_load %arg6[%swap3A_49, %swap3A_50] {strides = array<i32>} : memref<16x16xf32, #tpu.memory_space<vmem>>, vector<1x16xf32>,
    %swap3A_52 = vector.shape_cast %swap3A_51 : vector<1x16xf32> to vector<16xf32>
    %swap3A_53 = vector.shape_cast %broadcast_in_dim3A_47 : vector<16xf32> to vector<1x16xf32>
    tpu.vector_store %arg6[%swap3A_49, %swap3A_50], %swap3A_53 {strides = array<i32>} : memref<16x16xf32, #tpu.memory_space<vmem>>, vector<1x16xf32>,
    %broadcast_in_dim3A_54 = arith.constant 0.000000e+00 : f32
    %broadcast_in_dim3A_55 = vector.broadcast %broadcast_in_dim3A_54 : f32 to vector<16xf32>
    %swap3A_56 = arith.constant 7 : i32
    %swap3A_57 = arith.index_cast %swap3A_56 : i32 to index
    %swap3A_58 = arith.constant 0 : index
    %swap3A_59 = tpu.vector_load %arg6[%swap3A_57, %swap3A_58] {strides = array<i32>} : memref<16x16xf32, #tpu.memory_space<vmem>>, vector<1x16xf32>,
    %swap3A_60 = vector.shape_cast %swap3A_59 : vector<1x16xf32> to vector<16xf32>
    %swap3A_61 = vector.shape_cast %broadcast_in_dim3A_55 : vector<16xf32> to vector<1x16xf32>
    tpu.vector_store %arg6[%swap3A_57, %swap3A_58], %swap3A_61 {strides = array<i32>} : memref<16x16xf32, #tpu.memory_space<vmem>>, vector<1x16xf32>,
    %broadcast_in_dim3A_62 = arith.constant 0.000000e+00 : f32
    %broadcast_in_dim3A_63 = vector.broadcast %broadcast_in_dim3A_62 : f32 to vector<16xf32>
    %swap3A_64 = arith.constant 8 : i32
    %swap3A_65 = arith.index_cast %swap3A_64 : i32 to index
    %swap3A_66 = arith.constant 0 : index
    %swap3A_67 = tpu.vector_load %arg6[%swap3A_65, %swap3A_66] {strides = array<i32>} : memref<16x16xf32, #tpu.memory_space<vmem>>, vector<1x16xf32>,
    %swap3A_68 = vector.shape_cast %swap3A_67 : vector<1x16xf32> to vector<16xf32>
    %swap3A_69 = vector.shape_cast %broadcast_in_dim3A_63 : vector<16xf32> to vector<1x16xf32>
    tpu.vector_store %arg6[%swap3A_65, %swap3A_66], %swap3A_69 {strides = array<i32>} : memref<16x16xf32, #tpu.memory_space<vmem>>, vector<1x16xf32>,
    %broadcast_in_dim3A_70 = arith.constant 0.000000e+00 : f32
    %broadcast_in_dim3A_71 = vector.broadcast %broadcast_in_dim3A_70 : f32 to vector<16xf32>
    %swap3A_72 = arith.constant 9 : i32
    %swap3A_73 = arith.index_cast %swap3A_72 : i32 to index
    %swap3A_74 = arith.constant 0 : index
    %swap3A_75 = tpu.vector_load %arg6[%swap3A_73, %swap3A_74] {strides = array<i32>} : memref<16x16xf32, #tpu.memory_space<vmem>>, vector<1x16xf32>,
    %swap3A_76 = vector.shape_cast %swap3A_75 : vector<1x16xf32> to vector<16xf32>
    %swap3A_77 = vector.shape_cast %broadcast_in_dim3A_71 : vector<16xf32> to vector<1x16xf32>
    tpu.vector_store %arg6[%swap3A_73, %swap3A_74], %swap3A_77 {strides = array<i32>} : memref<16x16xf32, #tpu.memory_space<vmem>>, vector<1x16xf32>,
    %broadcast_in_dim3A_78 = arith.constant 0.000000e+00 : f32
    %broadcast_in_dim3A_79 = vector.broadcast %broadcast_in_dim3A_78 : f32 to vector<16xf32>
    %swap3A_80 = arith.constant 10 : i32
    %swap3A_81 = arith.index_cast %swap3A_80 : i32 to index
    %swap3A_82 = arith.constant 0 : index
    %swap3A_83 = tpu.vector_load %arg6[%swap3A_81, %swap3A_82] {strides = array<i32>} : memref<16x16xf32, #tpu.memory_space<vmem>>, vector<1x16xf32>,
    %swap3A_84 = vector.shape_cast %swap3A_83 : vector<1x16xf32> to vector<16xf32>
    %swap3A_85 = vector.shape_cast %broadcast_in_dim3A_79 : vector<16xf32> to vector<1x16xf32>
    tpu.vector_store %arg6[%swap3A_81, %swap3A_82], %swap3A_85 {strides = array<i32>} : memref<16x16xf32, #tpu.memory_space<vmem>>, vector<1x16xf32>,
    %broadcast_in_dim3A_86 = arith.constant 0.000000e+00 : f32
    %broadcast_in_dim3A_87 = vector.broadcast %broadcast_in_dim3A_86 : f32 to vector<16xf32>
    %swap3A_88 = arith.constant 11 : i32
    %swap3A_89 = arith.index_cast %swap3A_88 : i32 to index
    %swap3A_90 = arith.constant 0 : index
    %swap3A_91 = tpu.vector_load %arg6[%swap3A_89, %swap3A_90] {strides = array<i32>} : memref<16x16xf32, #tpu.memory_space<vmem>>, vector<1x16xf32>,
    %swap3A_92 = vector.shape_cast %swap3A_91 : vector<1x16xf32> to vector<16xf32>
    %swap3A_93 = vector.shape_cast %broadcast_in_dim3A_87 : vector<16xf32> to vector<1x16xf32>
    tpu.vector_store %arg6[%swap3A_89, %swap3A_90], %swap3A_93 {strides = array<i32>} : memref<16x16xf32, #tpu.memory_space<vmem>>, vector<1x16xf32>,
    %broadcast_in_dim3A_94 = arith.constant 0.000000e+00 : f32
    %broadcast_in_dim3A_95 = vector.broadcast %broadcast_in_dim3A_94 : f32 to vector<16xf32>
    %swap3A_96 = arith.constant 12 : i32
    %swap3A_97 = arith.index_cast %swap3A_96 : i32 to index
    %swap3A_98 = arith.constant 0 : index
    %swap3A_99 = tpu.vector_load %arg6[%swap3A_97, %swap3A_98] {strides = array<i32>} : memref<16x16xf32, #tpu.memory_space<vmem>>, vector<1x16xf32>,
    %swap3A_100 = vector.shape_cast %swap3A_99 : vector<1x16xf32> to vector<16xf32>
    %swap3A_101 = vector.shape_cast %broadcast_in_dim3A_95 : vector<16xf32> to vector<1x16xf32>
    tpu.vector_store %arg6[%swap3A_97, %swap3A_98], %swap3A_101 {strides = array<i32>} : memref<16x16xf32, #tpu.memory_space<vmem>>, vector<1x16xf32>,
    %broadcast_in_dim3A_102 = arith.constant 0.000000e+00 : f32
    %broadcast_in_dim3A_103 = vector.broadcast %broadcast_in_dim3A_102 : f32 to vector<16xf32>
    %swap3A_104 = arith.constant 13 : i32
    %swap3A_105 = arith.index_cast %swap3A_104 : i32 to index
    %swap3A_106 = arith.constant 0 : index
    %swap3A_107 = tpu.vector_load %arg6[%swap3A_105, %swap3A_106] {strides = array<i32>} : memref<16x16xf32, #tpu.memory_space<vmem>>, vector<1x16xf32>,
    %swap3A_108 = vector.shape_cast %swap3A_107 : vector<1x16xf32> to vector<16xf32>
    %swap3A_109 = vector.shape_cast %broadcast_in_dim3A_103 : vector<16xf32> to vector<1x16xf32>
    tpu.vector_store %arg6[%swap3A_105, %swap3A_106], %swap3A_109 {strides = array<i32>} : memref<16x16xf32, #tpu.memory_space<vmem>>, vector<1x16xf32>,
    %broadcast_in_dim3A_110 = arith.constant 0.000000e+00 : f32
    %broadcast_in_dim3A_111 = vector.broadcast %broadcast_in_dim3A_110 : f32 to vector<16xf32>
    %swap3A_112 = arith.constant 14 : i32
    %swap3A_113 = arith.index_cast %swap3A_112 : i32 to index
    %swap3A_114 = arith.constant 0 : index
    %swap3A_115 = tpu.vector_load %arg6[%swap3A_113, %swap3A_114] {strides = array<i32>} : memref<16x16xf32, #tpu.memory_space<vmem>>, vector<1x16xf32>,
    %swap3A_116 = vector.shape_cast %swap3A_115 : vector<1x16xf32> to vector<16xf32>
    %swap3A_117 = vector.shape_cast %broadcast_in_dim3A_111 : vector<16xf32> to vector<1x16xf32>
    tpu.vector_store %arg6[%swap3A_113, %swap3A_114], %swap3A_117 {strides = array<i32>} : memref<16x16xf32, #tpu.memory_space<vmem>>, vector<1x16xf32>,
    %broadcast_in_dim3A_118 = arith.constant 0.000000e+00 : f32
    %broadcast_in_dim3A_119 = vector.broadcast %broadcast_in_dim3A_118 : f32 to vector<16xf32>
    %swap3A_120 = arith.constant 15 : i32
    %swap3A_121 = arith.index_cast %swap3A_120 : i32 to index
    %swap3A_122 = arith.constant 0 : index
    %swap3A_123 = tpu.vector_load %arg6[%swap3A_121, %swap3A_122] {strides = array<i32>} : memref<16x16xf32, #tpu.memory_space<vmem>>, vector<1x16xf32>,
    %swap3A_124 = vector.shape_cast %swap3A_123 : vector<1x16xf32> to vector<16xf32>
    %swap3A_125 = vector.shape_cast %broadcast_in_dim3A_119 : vector<16xf32> to vector<1x16xf32>
    tpu.vector_store %arg6[%swap3A_121, %swap3A_122], %swap3A_125 {strides = array<i32>} : memref<16x16xf32, #tpu.memory_space<vmem>>, vector<1x16xf32>,
    %broadcast_in_dim3A_126 = arith.constant 1.000000e+00 : f32
    %broadcast_in_dim3A_127 = vector.broadcast %broadcast_in_dim3A_126 : f32 to vector<16xf32>
    %swap3A_128 = arith.constant 0 : i32
    %swap3A_129 = arith.index_cast %swap3A_128 : i32 to index
    %swap3A_130 = arith.constant 0 : index
    %swap3A_131 = tpu.vector_load %arg5[%swap3A_129, %swap3A_130] {strides = array<i32>} : memref<128x16xf32, #tpu.memory_space<vmem>>, vector<1x16xf32>,
    %swap3A_132 = vector.shape_cast %swap3A_131 : vector<1x16xf32> to vector<16xf32>
    %swap3A_133 = vector.shape_cast %broadcast_in_dim3A_127 : vector<16xf32> to vector<1x16xf32>
    tpu.vector_store %arg5[%swap3A_129, %swap3A_130], %swap3A_133 {strides = array<i32>} : memref<128x16xf32, #tpu.memory_space<vmem>>, vector<1x16xf32>,
    %broadcast_in_dim3A_134 = arith.constant 1.000000e+00 : f32
    %broadcast_in_dim3A_135 = vector.broadcast %broadcast_in_dim3A_134 : f32 to vector<16xf32>
    %swap3A_136 = arith.constant 1 : i32
    %swap3A_137 = arith.index_cast %swap3A_136 : i32 to index
    %swap3A_138 = arith.constant 0 : index
    %swap3A_139 = tpu.vector_load %arg5[%swap3A_137, %swap3A_138] {strides = array<i32>} : memref<128x16xf32, #tpu.memory_space<vmem>>, vector<1x16xf32>,
    %swap3A_140 = vector.shape_cast %swap3A_139 : vector<1x16xf32> to vector<16xf32>
    %swap3A_141 = vector.shape_cast %broadcast_in_dim3A_135 : vector<16xf32> to vector<1x16xf32>
    tpu.vector_store %arg5[%swap3A_137, %swap3A_138], %swap3A_141 {strides = array<i32>} : memref<128x16xf32, #tpu.memory_space<vmem>>, vector<1x16xf32>,
    %broadcast_in_dim3A_142 = arith.constant 1.000000e+00 : f32
    %broadcast_in_dim3A_143 = vector.broadcast %broadcast_in_dim3A_142 : f32 to vector<16xf32>
    %swap3A_144 = arith.constant 2 : i32
    %swap3A_145 = arith.index_cast %swap3A_144 : i32 to index
    %swap3A_146 = arith.constant 0 : index
    %swap3A_147 = tpu.vector_load %arg5[%swap3A_145, %swap3A_146] {strides = array<i32>} : memref<128x16xf32, #tpu.memory_space<vmem>>, vector<1x16xf32>,
    %swap3A_148 = vector.shape_cast %swap3A_147 : vector<1x16xf32> to vector<16xf32>
    %swap3A_149 = vector.shape_cast %broadcast_in_dim3A_143 : vector<16xf32> to vector<1x16xf32>
    tpu.vector_store %arg5[%swap3A_145, %swap3A_146], %swap3A_149 {strides = array<i32>} : memref<128x16xf32, #tpu.memory_space<vmem>>, vector<1x16xf32>,
    %broadcast_in_dim3A_150 = arith.constant 1.000000e+00 : f32
    %broadcast_in_dim3A_151 = vector.broadcast %broadcast_in_dim3A_150 : f32 to vector<16xf32>
    %swap3A_152 = arith.constant 3 : i32
    %swap3A_153 = arith.index_cast %swap3A_152 : i32 to index
    %swap3A_154 = arith.constant 0 : index
    %swap3A_155 = tpu.vector_load %arg5[%swap3A_153, %swap3A_154] {strides = array<i32>} : memref<128x16xf32, #tpu.memory_space<vmem>>, vector<1x16xf32>,
    %swap3A_156 = vector.shape_cast %swap3A_155 : vector<1x16xf32> to vector<16xf32>
    %swap3A_157 = vector.shape_cast %broadcast_in_dim3A_151 : vector<16xf32> to vector<1x16xf32>
    tpu.vector_store %arg5[%swap3A_153, %swap3A_154], %swap3A_157 {strides = array<i32>} : memref<128x16xf32, #tpu.memory_space<vmem>>, vector<1x16xf32>,
    %broadcast_in_dim3A_158 = arith.constant 1.000000e+00 : f32
    %broadcast_in_dim3A_159 = vector.broadcast %broadcast_in_dim3A_158 : f32 to vector<16xf32>
    %swap3A_160 = arith.constant 4 : i32
    %swap3A_161 = arith.index_cast %swap3A_160 : i32 to index
    %swap3A_162 = arith.constant 0 : index
    %swap3A_163 = tpu.vector_load %arg5[%swap3A_161, %swap3A_162] {strides = array<i32>} : memref<128x16xf32, #tpu.memory_space<vmem>>, vector<1x16xf32>,
    %swap3A_164 = vector.shape_cast %swap3A_163 : vector<1x16xf32> to vector<16xf32>
    %swap3A_165 = vector.shape_cast %broadcast_in_dim3A_159 : vector<16xf32> to vector<1x16xf32>
    tpu.vector_store %arg5[%swap3A_161, %swap3A_162], %swap3A_165 {strides = array<i32>} : memref<128x16xf32, #tpu.memory_space<vmem>>, vector<1x16xf32>,
    %broadcast_in_dim3A_166 = arith.constant 1.000000e+00 : f32
    %broadcast_in_dim3A_167 = vector.broadcast %broadcast_in_dim3A_166 : f32 to vector<16xf32>
    %swap3A_168 = arith.constant 5 : i32
    %swap3A_169 = arith.index_cast %swap3A_168 : i32 to index
    %swap3A_170 = arith.constant 0 : index
    %swap3A_171 = tpu.vector_load %arg5[%swap3A_169, %swap3A_170] {strides = array<i32>} : memref<128x16xf32, #tpu.memory_space<vmem>>, vector<1x16xf32>,
    %swap3A_172 = vector.shape_cast %swap3A_171 : vector<1x16xf32> to vector<16xf32>
    %swap3A_173 = vector.shape_cast %broadcast_in_dim3A_167 : vector<16xf32> to vector<1x16xf32>
    tpu.vector_store %arg5[%swap3A_169, %swap3A_170], %swap3A_173 {strides = array<i32>} : memref<128x16xf32, #tpu.memory_space<vmem>>, vector<1x16xf32>,
    %broadcast_in_dim3A_174 = arith.constant 1.000000e+00 : f32
    %broadcast_in_dim3A_175 = vector.broadcast %broadcast_in_dim3A_174 : f32 to vector<16xf32>
    %swap3A_176 = arith.constant 6 : i32
    %swap3A_177 = arith.index_cast %swap3A_176 : i32 to index
    %swap3A_178 = arith.constant 0 : index
    %swap3A_179 = tpu.vector_load %arg5[%swap3A_177, %swap3A_178] {strides = array<i32>} : memref<128x16xf32, #tpu.memory_space<vmem>>, vector<1x16xf32>,
    %swap3A_180 = vector.shape_cast %swap3A_179 : vector<1x16xf32> to vector<16xf32>
    %swap3A_181 = vector.shape_cast %broadcast_in_dim3A_175 : vector<16xf32> to vector<1x16xf32>
    tpu.vector_store %arg5[%swap3A_177, %swap3A_178], %swap3A_181 {strides = array<i32>} : memref<128x16xf32, #tpu.memory_space<vmem>>, vector<1x16xf32>,
    %broadcast_in_dim3A_182 = arith.constant 1.000000e+00 : f32
    %broadcast_in_dim3A_183 = vector.broadcast %broadcast_in_dim3A_182 : f32 to vector<16xf32>
    %swap3A_184 = arith.constant 7 : i32
    %swap3A_185 = arith.index_cast %swap3A_184 : i32 to index
    %swap3A_186 = arith.constant 0 : index
    %swap3A_187 = tpu.vector_load %arg5[%swap3A_185, %swap3A_186] {strides = array<i32>} : memref<128x16xf32, #tpu.memory_space<vmem>>, vector<1x16xf32>,
    %swap3A_188 = vector.shape_cast %swap3A_187 : vector<1x16xf32> to vector<16xf32>
    %swap3A_189 = vector.shape_cast %broadcast_in_dim3A_183 : vector<16xf32> to vector<1x16xf32>
    tpu.vector_store %arg5[%swap3A_185, %swap3A_186], %swap3A_189 {strides = array<i32>} : memref<128x16xf32, #tpu.memory_space<vmem>>, vector<1x16xf32>,
    %broadcast_in_dim3A_190 = arith.constant 1.000000e+00 : f32
    %broadcast_in_dim3A_191 = vector.broadcast %broadcast_in_dim3A_190 : f32 to vector<16xf32>
    %swap3A_192 = arith.constant 8 : i32
    %swap3A_193 = arith.index_cast %swap3A_192 : i32 to index
    %swap3A_194 = arith.constant 0 : index
    %swap3A_195 = tpu.vector_load %arg5[%swap3A_193, %swap3A_194] {strides = array<i32>} : memref<128x16xf32, #tpu.memory_space<vmem>>, vector<1x16xf32>,
    %swap3A_196 = vector.shape_cast %swap3A_195 : vector<1x16xf32> to vector<16xf32>
    %swap3A_197 = vector.shape_cast %broadcast_in_dim3A_191 : vector<16xf32> to vector<1x16xf32>
    tpu.vector_store %arg5[%swap3A_193, %swap3A_194], %swap3A_197 {strides = array<i32>} : memref<128x16xf32, #tpu.memory_space<vmem>>, vector<1x16xf32>,
    %broadcast_in_dim3A_198 = arith.constant 1.000000e+00 : f32
    %broadcast_in_dim3A_199 = vector.broadcast %broadcast_in_dim3A_198 : f32 to vector<16xf32>
    %swap3A_200 = arith.constant 9 : i32
    %swap3A_201 = arith.index_cast %swap3A_200 : i32 to index
    %swap3A_202 = arith.constant 0 : index
    %swap3A_203 = tpu.vector_load %arg5[%swap3A_201, %swap3A_202] {strides = array<i32>} : memref<128x16xf32, #tpu.memory_space<vmem>>, vector<1x16xf32>,
    %swap3A_204 = vector.shape_cast %swap3A_203 : vector<1x16xf32> to vector<16xf32>
    %swap3A_205 = vector.shape_cast %broadcast_in_dim3A_199 : vector<16xf32> to vector<1x16xf32>
    tpu.vector_store %arg5[%swap3A_201, %swap3A_202], %swap3A_205 {strides = array<i32>} : memref<128x16xf32, #tpu.memory_space<vmem>>, vector<1x16xf32>,
    %broadcast_in_dim3A_206 = arith.constant 1.000000e+00 : f32
    %broadcast_in_dim3A_207 = vector.broadcast %broadcast_in_dim3A_206 : f32 to vector<16xf32>
    %swap3A_208 = arith.constant 10 : i32
    %swap3A_209 = arith.index_cast %swap3A_208 : i32 to index
    %swap3A_210 = arith.constant 0 : index
    %swap3A_211 = tpu.vector_load %arg5[%swap3A_209, %swap3A_210] {strides = array<i32>} : memref<128x16xf32, #tpu.memory_space<vmem>>, vector<1x16xf32>,
    %swap3A_212 = vector.shape_cast %swap3A_211 : vector<1x16xf32> to vector<16xf32>
    %swap3A_213 = vector.shape_cast %broadcast_in_dim3A_207 : vector<16xf32> to vector<1x16xf32>
    tpu.vector_store %arg5[%swap3A_209, %swap3A_210], %swap3A_213 {strides = array<i32>} : memref<128x16xf32, #tpu.memory_space<vmem>>, vector<1x16xf32>,
    %broadcast_in_dim3A_214 = arith.constant 1.000000e+00 : f32
    %broadcast_in_dim3A_215 = vector.broadcast %broadcast_in_dim3A_214 : f32 to vector<16xf32>
    %swap3A_216 = arith.constant 11 : i32
    %swap3A_217 = arith.index_cast %swap3A_216 : i32 to index
    %swap3A_218 = arith.constant 0 : index
    %swap3A_219 = tpu.vector_load %arg5[%swap3A_217, %swap3A_218] {strides = array<i32>} : memref<128x16xf32, #tpu.memory_space<vmem>>, vector<1x16xf32>,
    %swap3A_220 = vector.shape_cast %swap3A_219 : vector<1x16xf32> to vector<16xf32>
    %swap3A_221 = vector.shape_cast %broadcast_in_dim3A_215 : vector<16xf32> to vector<1x16xf32>
    tpu.vector_store %arg5[%swap3A_217, %swap3A_218], %swap3A_221 {strides = array<i32>} : memref<128x16xf32, #tpu.memory_space<vmem>>, vector<1x16xf32>,
    %broadcast_in_dim3A_222 = arith.constant 1.000000e+00 : f32
    %broadcast_in_dim3A_223 = vector.broadcast %broadcast_in_dim3A_222 : f32 to vector<16xf32>
    %swap3A_224 = arith.constant 12 : i32
    %swap3A_225 = arith.index_cast %swap3A_224 : i32 to index
    %swap3A_226 = arith.constant 0 : index
    %swap3A_227 = tpu.vector_load %arg5[%swap3A_225, %swap3A_226] {strides = array<i32>} : memref<128x16xf32, #tpu.memory_space<vmem>>, vector<1x16xf32>,
    %swap3A_228 = vector.shape_cast %swap3A_227 : vector<1x16xf32> to vector<16xf32>
    %swap3A_229 = vector.shape_cast %broadcast_in_dim3A_223 : vector<16xf32> to vector<1x16xf32>
    tpu.vector_store %arg5[%swap3A_225, %swap3A_226], %swap3A_229 {strides = array<i32>} : memref<128x16xf32, #tpu.memory_space<vmem>>, vector<1x16xf32>,
    %broadcast_in_dim3A_230 = arith.constant 1.000000e+00 : f32
    %broadcast_in_dim3A_231 = vector.broadcast %broadcast_in_dim3A_230 : f32 to vector<16xf32>
    %swap3A_232 = arith.constant 13 : i32
    %swap3A_233 = arith.index_cast %swap3A_232 : i32 to index
    %swap3A_234 = arith.constant 0 : index
    %swap3A_235 = tpu.vector_load %arg5[%swap3A_233, %swap3A_234] {strides = array<i32>} : memref<128x16xf32, #tpu.memory_space<vmem>>, vector<1x16xf32>,
    %swap3A_236 = vector.shape_cast %swap3A_235 : vector<1x16xf32> to vector<16xf32>
    %swap3A_237 = vector.shape_cast %broadcast_in_dim3A_231 : vector<16xf32> to vector<1x16xf32>
    tpu.vector_store %arg5[%swap3A_233, %swap3A_234], %swap3A_237 {strides = array<i32>} : memref<128x16xf32, #tpu.memory_space<vmem>>, vector<1x16xf32>,
    %broadcast_in_dim3A_238 = arith.constant 1.000000e+00 : f32
    %broadcast_in_dim3A_239 = vector.broadcast %broadcast_in_dim3A_238 : f32 to vector<16xf32>
    %swap3A_240 = arith.constant 14 : i32
    %swap3A_241 = arith.index_cast %swap3A_240 : i32 to index
    %swap3A_242 = arith.constant 0 : index
    %swap3A_243 = tpu.vector_load %arg5[%swap3A_241, %swap3A_242] {strides = array<i32>} : memref<128x16xf32, #tpu.memory_space<vmem>>, vector<1x16xf32>,
    %swap3A_244 = vector.shape_cast %swap3A_243 : vector<1x16xf32> to vector<16xf32>
    %swap3A_245 = vector.shape_cast %broadcast_in_dim3A_239 : vector<16xf32> to vector<1x16xf32>
    tpu.vector_store %arg5[%swap3A_241, %swap3A_242], %swap3A_245 {strides = array<i32>} : memref<128x16xf32, #tpu.memory_space<vmem>>, vector<1x16xf32>,
    %broadcast_in_dim3A_246 = arith.constant 1.000000e+00 : f32
    %broadcast_in_dim3A_247 = vector.broadcast %broadcast_in_dim3A_246 : f32 to vector<16xf32>
    %swap3A_248 = arith.constant 15 : i32
    %swap3A_249 = arith.index_cast %swap3A_248 : i32 to index
    %swap3A_250 = arith.constant 0 : index
    %swap3A_251 = tpu.vector_load %arg5[%swap3A_249, %swap3A_250] {strides = array<i32>} : memref<128x16xf32, #tpu.memory_space<vmem>>, vector<1x16xf32>,
    %swap3A_252 = vector.shape_cast %swap3A_251 : vector<1x16xf32> to vector<16xf32>
    %swap3A_253 = vector.shape_cast %broadcast_in_dim3A_247 : vector<16xf32> to vector<1x16xf32>
    tpu.vector_store %arg5[%swap3A_249, %swap3A_250], %swap3A_253 {strides = array<i32>} : memref<128x16xf32, #tpu.memory_space<vmem>>, vector<1x16xf32>,
    %broadcast_in_dim3A_254 = arith.constant 1.000000e+00 : f32
    %broadcast_in_dim3A_255 = vector.broadcast %broadcast_in_dim3A_254 : f32 to vector<16xf32>
    %swap3A_256 = arith.constant 16 : i32
    %swap3A_257 = arith.index_cast %swap3A_256 : i32 to index
    %swap3A_258 = arith.constant 0 : index
    %swap3A_259 = tpu.vector_load %arg5[%swap3A_257, %swap3A_258] {strides = array<i32>} : memref<128x16xf32, #tpu.memory_space<vmem>>, vector<1x16xf32>,
    %swap3A_260 = vector.shape_cast %swap3A_259 : vector<1x16xf32> to vector<16xf32>
    %swap3A_261 = vector.shape_cast %broadcast_in_dim3A_255 : vector<16xf32> to vector<1x16xf32>
    tpu.vector_store %arg5[%swap3A_257, %swap3A_258], %swap3A_261 {strides = array<i32>} : memref<128x16xf32, #tpu.memory_space<vmem>>, vector<1x16xf32>,
    %broadcast_in_dim3A_262 = arith.constant 1.000000e+00 : f32
    %broadcast_in_dim3A_263 = vector.broadcast %broadcast_in_dim3A_262 : f32 to vector<16xf32>
    %swap3A_264 = arith.constant 17 : i32
    %swap3A_265 = arith.index_cast %swap3A_264 : i32 to index
    %swap3A_266 = arith.constant 0 : index
    %swap3A_267 = tpu.vector_load %arg5[%swap3A_265, %swap3A_266] {strides = array<i32>} : memref<128x16xf32, #tpu.memory_space<vmem>>, vector<1x16xf32>,
    %swap3A_268 = vector.shape_cast %swap3A_267 : vector<1x16xf32> to vector<16xf32>
    %swap3A_269 = vector.shape_cast %broadcast_in_dim3A_263 : vector<16xf32> to vector<1x16xf32>
    tpu.vector_store %arg5[%swap3A_265, %swap3A_266], %swap3A_269 {strides = array<i32>} : memref<128x16xf32, #tpu.memory_space<vmem>>, vector<1x16xf32>,
    %broadcast_in_dim3A_270 = arith.constant 1.000000e+00 : f32
    %broadcast_in_dim3A_271 = vector.broadcast %broadcast_in_dim3A_270 : f32 to vector<16xf32>
    %swap3A_272 = arith.constant 18 : i32
    %swap3A_273 = arith.index_cast %swap3A_272 : i32 to index
    %swap3A_274 = arith.constant 0 : index
    %swap3A_275 = tpu.vector_load %arg5[%swap3A_273, %swap3A_274] {strides = array<i32>} : memref<128x16xf32, #tpu.memory_space<vmem>>, vector<1x16xf32>,
    %swap3A_276 = vector.shape_cast %swap3A_275 : vector<1x16xf32> to vector<16xf32>
    %swap3A_277 = vector.shape_cast %broadcast_in_dim3A_271 : vector<16xf32> to vector<1x16xf32>
    tpu.vector_store %arg5[%swap3A_273, %swap3A_274], %swap3A_277 {strides = array<i32>} : memref<128x16xf32, #tpu.memory_space<vmem>>, vector<1x16xf32>,
    %broadcast_in_dim3A_278 = arith.constant 1.000000e+00 : f32
    %broadcast_in_dim3A_279 = vector.broadcast %broadcast_in_dim3A_278 : f32 to vector<16xf32>
    %swap3A_280 = arith.constant 19 : i32
    %swap3A_281 = arith.index_cast %swap3A_280 : i32 to index
    %swap3A_282 = arith.constant 0 : index
    %swap3A_283 = tpu.vector_load %arg5[%swap3A_281, %swap3A_282] {strides = array<i32>} : memref<128x16xf32, #tpu.memory_space<vmem>>, vector<1x16xf32>,
    %swap3A_284 = vector.shape_cast %swap3A_283 : vector<1x16xf32> to vector<16xf32>
    %swap3A_285 = vector.shape_cast %broadcast_in_dim3A_279 : vector<16xf32> to vector<1x16xf32>
    tpu.vector_store %arg5[%swap3A_281, %swap3A_282], %swap3A_285 {strides = array<i32>} : memref<128x16xf32, #tpu.memory_space<vmem>>, vector<1x16xf32>,
    %broadcast_in_dim3A_286 = arith.constant 1.000000e+00 : f32
    %broadcast_in_dim3A_287 = vector.broadcast %broadcast_in_dim3A_286 : f32 to vector<16xf32>
    %swap3A_288 = arith.constant 20 : i32
    %swap3A_289 = arith.index_cast %swap3A_288 : i32 to index
    %swap3A_290 = arith.constant 0 : index
    %swap3A_291 = tpu.vector_load %arg5[%swap3A_289, %swap3A_290] {strides = array<i32>} : memref<128x16xf32, #tpu.memory_space<vmem>>, vector<1x16xf32>,
    %swap3A_292 = vector.shape_cast %swap3A_291 : vector<1x16xf32> to vector<16xf32>
    %swap3A_293 = vector.shape_cast %broadcast_in_dim3A_287 : vector<16xf32> to vector<1x16xf32>
    tpu.vector_store %arg5[%swap3A_289, %swap3A_290], %swap3A_293 {strides = array<i32>} : memref<128x16xf32, #tpu.memory_space<vmem>>, vector<1x16xf32>,
    %broadcast_in_dim3A_294 = arith.constant 1.000000e+00 : f32
    %broadcast_in_dim3A_295 = vector.broadcast %broadcast_in_dim3A_294 : f32 to vector<16xf32>
    %swap3A_296 = arith.constant 21 : i32
    %swap3A_297 = arith.index_cast %swap3A_296 : i32 to index
    %swap3A_298 = arith.constant 0 : index
    %swap3A_299 = tpu.vector_load %arg5[%swap3A_297, %swap3A_298] {strides = array<i32>} : memref<128x16xf32, #tpu.memory_space<vmem>>, vector<1x16xf32>,
    %swap3A_300 = vector.shape_cast %swap3A_299 : vector<1x16xf32> to vector<16xf32>
    %swap3A_301 = vector.shape_cast %broadcast_in_dim3A_295 : vector<16xf32> to vector<1x16xf32>
    tpu.vector_store %arg5[%swap3A_297, %swap3A_298], %swap3A_301 {strides = array<i32>} : memref<128x16xf32, #tpu.memory_space<vmem>>, vector<1x16xf32>,
    %broadcast_in_dim3A_302 = arith.constant 1.000000e+00 : f32
    %broadcast_in_dim3A_303 = vector.broadcast %broadcast_in_dim3A_302 : f32 to vector<16xf32>
    %swap3A_304 = arith.constant 22 : i32
    %swap3A_305 = arith.index_cast %swap3A_304 : i32 to index
    %swap3A_306 = arith.constant 0 : index
    %swap3A_307 = tpu.vector_load %arg5[%swap3A_305, %swap3A_306] {strides = array<i32>} : memref<128x16xf32, #tpu.memory_space<vmem>>, vector<1x16xf32>,
    %swap3A_308 = vector.shape_cast %swap3A_307 : vector<1x16xf32> to vector<16xf32>
    %swap3A_309 = vector.shape_cast %broadcast_in_dim3A_303 : vector<16xf32> to vector<1x16xf32>
    tpu.vector_store %arg5[%swap3A_305, %swap3A_306], %swap3A_309 {strides = array<i32>} : memref<128x16xf32, #tpu.memory_space<vmem>>, vector<1x16xf32>,
    %broadcast_in_dim3A_310 = arith.constant 1.000000e+00 : f32
    %broadcast_in_dim3A_311 = vector.broadcast %broadcast_in_dim3A_310 : f32 to vector<16xf32>
    %swap3A_312 = arith.constant 23 : i32
    %swap3A_313 = arith.index_cast %swap3A_312 : i32 to index
    %swap3A_314 = arith.constant 0 : index
    %swap3A_315 = tpu.vector_load %arg5[%swap3A_313, %swap3A_314] {strides = array<i32>} : memref<128x16xf32, #tpu.memory_space<vmem>>, vector<1x16xf32>,
    %swap3A_316 = vector.shape_cast %swap3A_315 : vector<1x16xf32> to vector<16xf32>
    %swap3A_317 = vector.shape_cast %broadcast_in_dim3A_311 : vector<16xf32> to vector<1x16xf32>
    tpu.vector_store %arg5[%swap3A_313, %swap3A_314], %swap3A_317 {strides = array<i32>} : memref<128x16xf32, #tpu.memory_space<vmem>>, vector<1x16xf32>,
    %broadcast_in_dim3A_318 = arith.constant 1.000000e+00 : f32
    %broadcast_in_dim3A_319 = vector.broadcast %broadcast_in_dim3A_318 : f32 to vector<16xf32>
    %swap3A_320 = arith.constant 24 : i32
    %swap3A_321 = arith.index_cast %swap3A_320 : i32 to index
    %swap3A_322 = arith.constant 0 : index
    %swap3A_323 = tpu.vector_load %arg5[%swap3A_321, %swap3A_322] {strides = array<i32>} : memref<128x16xf32, #tpu.memory_space<vmem>>, vector<1x16xf32>,
    %swap3A_324 = vector.shape_cast %swap3A_323 : vector<1x16xf32> to vector<16xf32>
    %swap3A_325 = vector.shape_cast %broadcast_in_dim3A_319 : vector<16xf32> to vector<1x16xf32>
    tpu.vector_store %arg5[%swap3A_321, %swap3A_322], %swap3A_325 {strides = array<i32>} : memref<128x16xf32, #tpu.memory_space<vmem>>, vector<1x16xf32>,
    %broadcast_in_dim3A_326 = arith.constant 1.000000e+00 : f32
    %broadcast_in_dim3A_327 = vector.broadcast %broadcast_in_dim3A_326 : f32 to vector<16xf32>
    %swap3A_328 = arith.constant 25 : i32
    %swap3A_329 = arith.index_cast %swap3A_328 : i32 to index
    %swap3A_330 = arith.constant 0 : index
    %swap3A_331 = tpu.vector_load %arg5[%swap3A_329, %swap3A_330] {strides = array<i32>} : memref<128x16xf32, #tpu.memory_space<vmem>>, vector<1x16xf32>,
    %swap3A_332 = vector.shape_cast %swap3A_331 : vector<1x16xf32> to vector<16xf32>
    %swap3A_333 = vector.shape_cast %broadcast_in_dim3A_327 : vector<16xf32> to vector<1x16xf32>
    tpu.vector_store %arg5[%swap3A_329, %swap3A_330], %swap3A_333 {strides = array<i32>} : memref<128x16xf32, #tpu.memory_space<vmem>>, vector<1x16xf32>,
    %broadcast_in_dim3A_334 = arith.constant 1.000000e+00 : f32
    %broadcast_in_dim3A_335 = vector.broadcast %broadcast_in_dim3A_334 : f32 to vector<16xf32>
    %swap3A_336 = arith.constant 26 : i32
    %swap3A_337 = arith.index_cast %swap3A_336 : i32 to index
    %swap3A_338 = arith.constant 0 : index
    %swap3A_339 = tpu.vector_load %arg5[%swap3A_337, %swap3A_338] {strides = array<i32>} : memref<128x16xf32, #tpu.memory_space<vmem>>, vector<1x16xf32>,
    %swap3A_340 = vector.shape_cast %swap3A_339 : vector<1x16xf32> to vector<16xf32>
    %swap3A_341 = vector.shape_cast %broadcast_in_dim3A_335 : vector<16xf32> to vector<1x16xf32>
    tpu.vector_store %arg5[%swap3A_337, %swap3A_338], %swap3A_341 {strides = array<i32>} : memref<128x16xf32, #tpu.memory_space<vmem>>, vector<1x16xf32>,
    %broadcast_in_dim3A_342 = arith.constant 1.000000e+00 : f32
    %broadcast_in_dim3A_343 = vector.broadcast %broadcast_in_dim3A_342 : f32 to vector<16xf32>
    %swap3A_344 = arith.constant 27 : i32
    %swap3A_345 = arith.index_cast %swap3A_344 : i32 to index
    %swap3A_346 = arith.constant 0 : index
    %swap3A_347 = tpu.vector_load %arg5[%swap3A_345, %swap3A_346] {strides = array<i32>} : memref<128x16xf32, #tpu.memory_space<vmem>>, vector<1x16xf32>,
    %swap3A_348 = vector.shape_cast %swap3A_347 : vector<1x16xf32> to vector<16xf32>
    %swap3A_349 = vector.shape_cast %broadcast_in_dim3A_343 : vector<16xf32> to vector<1x16xf32>
    tpu.vector_store %arg5[%swap3A_345, %swap3A_346], %swap3A_349 {strides = array<i32>} : memref<128x16xf32, #tpu.memory_space<vmem>>, vector<1x16xf32>,
    %broadcast_in_dim3A_350 = arith.constant 1.000000e+00 : f32
    %broadcast_in_dim3A_351 = vector.broadcast %broadcast_in_dim3A_350 : f32 to vector<16xf32>
    %swap3A_352 = arith.constant 28 : i32
    %swap3A_353 = arith.index_cast %swap3A_352 : i32 to index
    %swap3A_354 = arith.constant 0 : index
    %swap3A_355 = tpu.vector_load %arg5[%swap3A_353, %swap3A_354] {strides = array<i32>} : memref<128x16xf32, #tpu.memory_space<vmem>>, vector<1x16xf32>,
    %swap3A_356 = vector.shape_cast %swap3A_355 : vector<1x16xf32> to vector<16xf32>
    %swap3A_357 = vector.shape_cast %broadcast_in_dim3A_351 : vector<16xf32> to vector<1x16xf32>
    tpu.vector_store %arg5[%swap3A_353, %swap3A_354], %swap3A_357 {strides = array<i32>} : memref<128x16xf32, #tpu.memory_space<vmem>>, vector<1x16xf32>,
    %broadcast_in_dim3A_358 = arith.constant 1.000000e+00 : f32
    %broadcast_in_dim3A_359 = vector.broadcast %broadcast_in_dim3A_358 : f32 to vector<16xf32>
    %swap3A_360 = arith.constant 29 : i32
    %swap3A_361 = arith.index_cast %swap3A_360 : i32 to index
    %swap3A_362 = arith.constant 0 : index
    %swap3A_363 = tpu.vector_load %arg5[%swap3A_361, %swap3A_362] {strides = array<i32>} : memref<128x16xf32, #tpu.memory_space<vmem>>, vector<1x16xf32>,
    %swap3A_364 = vector.shape_cast %swap3A_363 : vector<1x16xf32> to vector<16xf32>
    %swap3A_365 = vector.shape_cast %broadcast_in_dim3A_359 : vector<16xf32> to vector<1x16xf32>
    tpu.vector_store %arg5[%swap3A_361, %swap3A_362], %swap3A_365 {strides = array<i32>} : memref<128x16xf32, #tpu.memory_space<vmem>>, vector<1x16xf32>,
    %broadcast_in_dim3A_366 = arith.constant 1.000000e+00 : f32
    %broadcast_in_dim3A_367 = vector.broadcast %broadcast_in_dim3A_366 : f32 to vector<16xf32>
    %swap3A_368 = arith.constant 30 : i32
    %swap3A_369 = arith.index_cast %swap3A_368 : i32 to index
    %swap3A_370 = arith.constant 0 : index
    %swap3A_371 = tpu.vector_load %arg5[%swap3A_369, %swap3A_370] {strides = array<i32>} : memref<128x16xf32, #tpu.memory_space<vmem>>, vector<1x16xf32>,
    %swap3A_372 = vector.shape_cast %swap3A_371 : vector<1x16xf32> to vector<16xf32>
    %swap3A_373 = vector.shape_cast %broadcast_in_dim3A_367 : vector<16xf32> to vector<1x16xf32>
    tpu.vector_store %arg5[%swap3A_369, %swap3A_370], %swap3A_373 {strides = array<i32>} : memref<128x16xf32, #tpu.memory_space<vmem>>, vector<1x16xf32>,
    %broadcast_in_dim3A_374 = arith.constant 1.000000e+00 : f32
    %broadcast_in_dim3A_375 = vector.broadcast %broadcast_in_dim3A_374 : f32 to vector<16xf32>
    %swap3A_376 = arith.constant 31 : i32
    %swap3A_377 = arith.index_cast %swap3A_376 : i32 to index
    %swap3A_378 = arith.constant 0 : index
    %swap3A_379 = tpu.vector_load %arg5[%swap3A_377, %swap3A_378] {strides = array<i32>} : memref<128x16xf32, #tpu.memory_space<vmem>>, vector<1x16xf32>,
    %swap3A_380 = vector.shape_cast %swap3A_379 : vector<1x16xf32> to vector<16xf32>
    %swap3A_381 = vector.shape_cast %broadcast_in_dim3A_375 : vector<16xf32> to vector<1x16xf32>
    tpu.vector_store %arg5[%swap3A_377, %swap3A_378], %swap3A_381 {strides = array<i32>} : memref<128x16xf32, #tpu.memory_space<vmem>>, vector<1x16xf32>,
    %broadcast_in_dim3A_382 = arith.constant 1.000000e+00 : f32
    %broadcast_in_dim3A_383 = vector.broadcast %broadcast_in_dim3A_382 : f32 to vector<16xf32>
    %swap3A_384 = arith.constant 32 : i32
    %swap3A_385 = arith.index_cast %swap3A_384 : i32 to index
    %swap3A_386 = arith.constant 0 : index
    %swap3A_387 = tpu.vector_load %arg5[%swap3A_385, %swap3A_386] {strides = array<i32>} : memref<128x16xf32, #tpu.memory_space<vmem>>, vector<1x16xf32>,
    %swap3A_388 = vector.shape_cast %swap3A_387 : vector<1x16xf32> to vector<16xf32>
    %swap3A_389 = vector.shape_cast %broadcast_in_dim3A_383 : vector<16xf32> to vector<1x16xf32>
    tpu.vector_store %arg5[%swap3A_385, %swap3A_386], %swap3A_389 {strides = array<i32>} : memref<128x16xf32, #tpu.memory_space<vmem>>, vector<1x16xf32>,
    %broadcast_in_dim3A_390 = arith.constant 1.000000e+00 : f32
    %broadcast_in_dim3A_391 = vector.broadcast %broadcast_in_dim3A_390 : f32 to vector<16xf32>
    %swap3A_392 = arith.constant 33 : i32
    %swap3A_393 = arith.index_cast %swap3A_392 : i32 to index
    %swap3A_394 = arith.constant 0 : index
    %swap3A_395 = tpu.vector_load %arg5[%swap3A_393, %swap3A_394] {strides = array<i32>} : memref<128x16xf32, #tpu.memory_space<vmem>>, vector<1x16xf32>,
    %swap3A_396 = vector.shape_cast %swap3A_395 : vector<1x16xf32> to vector<16xf32>
    %swap3A_397 = vector.shape_cast %broadcast_in_dim3A_391 : vector<16xf32> to vector<1x16xf32>
    tpu.vector_store %arg5[%swap3A_393, %swap3A_394], %swap3A_397 {strides = array<i32>} : memref<128x16xf32, #tpu.memory_space<vmem>>, vector<1x16xf32>,
    %broadcast_in_dim3A_398 = arith.constant 1.000000e+00 : f32
    %broadcast_in_dim3A_399 = vector.broadcast %broadcast_in_dim3A_398 : f32 to vector<16xf32>
    %swap3A_400 = arith.constant 34 : i32
    %swap3A_401 = arith.index_cast %swap3A_400 : i32 to index
    %swap3A_402 = arith.constant 0 : index
    %swap3A_403 = tpu.vector_load %arg5[%swap3A_401, %swap3A_402] {strides = array<i32>} : memref<128x16xf32, #tpu.memory_space<vmem>>, vector<1x16xf32>,
    %swap3A_404 = vector.shape_cast %swap3A_403 : vector<1x16xf32> to vector<16xf32>
    %swap3A_405 = vector.shape_cast %broadcast_in_dim3A_399 : vector<16xf32> to vector<1x16xf32>
    tpu.vector_store %arg5[%swap3A_401, %swap3A_402], %swap3A_405 {strides = array<i32>} : memref<128x16xf32, #tpu.memory_space<vmem>>, vector<1x16xf32>,
    %broadcast_in_dim3A_406 = arith.constant 1.000000e+00 : f32
    %broadcast_in_dim3A_407 = vector.broadcast %broadcast_in_dim3A_406 : f32 to vector<16xf32>
    %swap3A_408 = arith.constant 35 : i32
    %swap3A_409 = arith.index_cast %swap3A_408 : i32 to index
    %swap3A_410 = arith.constant 0 : index
    %swap3A_411 = tpu.vector_load %arg5[%swap3A_409, %swap3A_410] {strides = array<i32>} : memref<128x16xf32, #tpu.memory_space<vmem>>, vector<1x16xf32>,
    %swap3A_412 = vector.shape_cast %swap3A_411 : vector<1x16xf32> to vector<16xf32>
    %swap3A_413 = vector.shape_cast %broadcast_in_dim3A_407 : vector<16xf32> to vector<1x16xf32>
    tpu.vector_store %arg5[%swap3A_409, %swap3A_410], %swap3A_413 {strides = array<i32>} : memref<128x16xf32, #tpu.memory_space<vmem>>, vector<1x16xf32>,
    %broadcast_in_dim3A_414 = arith.constant 1.000000e+00 : f32
    %broadcast_in_dim3A_415 = vector.broadcast %broadcast_in_dim3A_414 : f32 to vector<16xf32>
    %swap3A_416 = arith.constant 36 : i32
    %swap3A_417 = arith.index_cast %swap3A_416 : i32 to index
    %swap3A_418 = arith.constant 0 : index
    %swap3A_419 = tpu.vector_load %arg5[%swap3A_417, %swap3A_418] {strides = array<i32>} : memref<128x16xf32, #tpu.memory_space<vmem>>, vector<1x16xf32>,
    %swap3A_420 = vector.shape_cast %swap3A_419 : vector<1x16xf32> to vector<16xf32>
    %swap3A_421 = vector.shape_cast %broadcast_in_dim3A_415 : vector<16xf32> to vector<1x16xf32>
    tpu.vector_store %arg5[%swap3A_417, %swap3A_418], %swap3A_421 {strides = array<i32>} : memref<128x16xf32, #tpu.memory_space<vmem>>, vector<1x16xf32>,
    %broadcast_in_dim3A_422 = arith.constant 1.000000e+00 : f32
    %broadcast_in_dim3A_423 = vector.broadcast %broadcast_in_dim3A_422 : f32 to vector<16xf32>
    %swap3A_424 = arith.constant 37 : i32
    %swap3A_425 = arith.index_cast %swap3A_424 : i32 to index
    %swap3A_426 = arith.constant 0 : index
    %swap3A_427 = tpu.vector_load %arg5[%swap3A_425, %swap3A_426] {strides = array<i32>} : memref<128x16xf32, #tpu.memory_space<vmem>>, vector<1x16xf32>,
    %swap3A_428 = vector.shape_cast %swap3A_427 : vector<1x16xf32> to vector<16xf32>
    %swap3A_429 = vector.shape_cast %broadcast_in_dim3A_423 : vector<16xf32> to vector<1x16xf32>
    tpu.vector_store %arg5[%swap3A_425, %swap3A_426], %swap3A_429 {strides = array<i32>} : memref<128x16xf32, #tpu.memory_space<vmem>>, vector<1x16xf32>,
    %broadcast_in_dim3A_430 = arith.constant 1.000000e+00 : f32
    %broadcast_in_dim3A_431 = vector.broadcast %broadcast_in_dim3A_430 : f32 to vector<16xf32>
    %swap3A_432 = arith.constant 38 : i32
    %swap3A_433 = arith.index_cast %swap3A_432 : i32 to index
    %swap3A_434 = arith.constant 0 : index
    %swap3A_435 = tpu.vector_load %arg5[%swap3A_433, %swap3A_434] {strides = array<i32>} : memref<128x16xf32, #tpu.memory_space<vmem>>, vector<1x16xf32>,
    %swap3A_436 = vector.shape_cast %swap3A_435 : vector<1x16xf32> to vector<16xf32>
    %swap3A_437 = vector.shape_cast %broadcast_in_dim3A_431 : vector<16xf32> to vector<1x16xf32>
    tpu.vector_store %arg5[%swap3A_433, %swap3A_434], %swap3A_437 {strides = array<i32>} : memref<128x16xf32, #tpu.memory_space<vmem>>, vector<1x16xf32>,
    %broadcast_in_dim3A_438 = arith.constant 1.000000e+00 : f32
    %broadcast_in_dim3A_439 = vector.broadcast %broadcast_in_dim3A_438 : f32 to vector<16xf32>
    %swap3A_440 = arith.constant 39 : i32
    %swap3A_441 = arith.index_cast %swap3A_440 : i32 to index
    %swap3A_442 = arith.constant 0 : index
    %swap3A_443 = tpu.vector_load %arg5[%swap3A_441, %swap3A_442] {strides = array<i32>} : memref<128x16xf32, #tpu.memory_space<vmem>>, vector<1x16xf32>,
    %swap3A_444 = vector.shape_cast %swap3A_443 : vector<1x16xf32> to vector<16xf32>
    %swap3A_445 = vector.shape_cast %broadcast_in_dim3A_439 : vector<16xf32> to vector<1x16xf32>
    tpu.vector_store %arg5[%swap3A_441, %swap3A_442], %swap3A_445 {strides = array<i32>} : memref<128x16xf32, #tpu.memory_space<vmem>>, vector<1x16xf32>,
    %broadcast_in_dim3A_446 = arith.constant 1.000000e+00 : f32
    %broadcast_in_dim3A_447 = vector.broadcast %broadcast_in_dim3A_446 : f32 to vector<16xf32>
    %swap3A_448 = arith.constant 40 : i32
    %swap3A_449 = arith.index_cast %swap3A_448 : i32 to index
    %swap3A_450 = arith.constant 0 : index
    %swap3A_451 = tpu.vector_load %arg5[%swap3A_449, %swap3A_450] {strides = array<i32>} : memref<128x16xf32, #tpu.memory_space<vmem>>, vector<1x16xf32>,
    %swap3A_452 = vector.shape_cast %swap3A_451 : vector<1x16xf32> to vector<16xf32>
    %swap3A_453 = vector.shape_cast %broadcast_in_dim3A_447 : vector<16xf32> to vector<1x16xf32>
    tpu.vector_store %arg5[%swap3A_449, %swap3A_450], %swap3A_453 {strides = array<i32>} : memref<128x16xf32, #tpu.memory_space<vmem>>, vector<1x16xf32>,
    %broadcast_in_dim3A_454 = arith.constant 1.000000e+00 : f32
    %broadcast_in_dim3A_455 = vector.broadcast %broadcast_in_dim3A_454 : f32 to vector<16xf32>
    %swap3A_456 = arith.constant 41 : i32
    %swap3A_457 = arith.index_cast %swap3A_456 : i32 to index
    %swap3A_458 = arith.constant 0 : index
    %swap3A_459 = tpu.vector_load %arg5[%swap3A_457, %swap3A_458] {strides = array<i32>} : memref<128x16xf32, #tpu.memory_space<vmem>>, vector<1x16xf32>,
    %swap3A_460 = vector.shape_cast %swap3A_459 : vector<1x16xf32> to vector<16xf32>
    %swap3A_461 = vector.shape_cast %broadcast_in_dim3A_455 : vector<16xf32> to vector<1x16xf32>
    tpu.vector_store %arg5[%swap3A_457, %swap3A_458], %swap3A_461 {strides = array<i32>} : memref<128x16xf32, #tpu.memory_space<vmem>>, vector<1x16xf32>,
    %broadcast_in_dim3A_462 = arith.constant 1.000000e+00 : f32
    %broadcast_in_dim3A_463 = vector.broadcast %broadcast_in_dim3A_462 : f32 to vector<16xf32>
    %swap3A_464 = arith.constant 42 : i32
    %swap3A_465 = arith.index_cast %swap3A_464 : i32 to index
    %swap3A_466 = arith.constant 0 : index
    %swap3A_467 = tpu.vector_load %arg5[%swap3A_465, %swap3A_466] {strides = array<i32>} : memref<128x16xf32, #tpu.memory_space<vmem>>, vector<1x16xf32>,
    %swap3A_468 = vector.shape_cast %swap3A_467 : vector<1x16xf32> to vector<16xf32>
    %swap3A_469 = vector.shape_cast %broadcast_in_dim3A_463 : vector<16xf32> to vector<1x16xf32>
    tpu.vector_store %arg5[%swap3A_465, %swap3A_466], %swap3A_469 {strides = array<i32>} : memref<128x16xf32, #tpu.memory_space<vmem>>, vector<1x16xf32>,
    %broadcast_in_dim3A_470 = arith.constant 1.000000e+00 : f32
    %broadcast_in_dim3A_471 = vector.broadcast %broadcast_in_dim3A_470 : f32 to vector<16xf32>
    %swap3A_472 = arith.constant 43 : i32
    %swap3A_473 = arith.index_cast %swap3A_472 : i32 to index
    %swap3A_474 = arith.constant 0 : index
    %swap3A_475 = tpu.vector_load %arg5[%swap3A_473, %swap3A_474] {strides = array<i32>} : memref<128x16xf32, #tpu.memory_space<vmem>>, vector<1x16xf32>,
    %swap3A_476 = vector.shape_cast %swap3A_475 : vector<1x16xf32> to vector<16xf32>
    %swap3A_477 = vector.shape_cast %broadcast_in_dim3A_471 : vector<16xf32> to vector<1x16xf32>
    tpu.vector_store %arg5[%swap3A_473, %swap3A_474], %swap3A_477 {strides = array<i32>} : memref<128x16xf32, #tpu.memory_space<vmem>>, vector<1x16xf32>,
    %broadcast_in_dim3A_478 = arith.constant 1.000000e+00 : f32
    %broadcast_in_dim3A_479 = vector.broadcast %broadcast_in_dim3A_478 : f32 to vector<16xf32>
    %swap3A_480 = arith.constant 44 : i32
    %swap3A_481 = arith.index_cast %swap3A_480 : i32 to index
    %swap3A_482 = arith.constant 0 : index
    %swap3A_483 = tpu.vector_load %arg5[%swap3A_481, %swap3A_482] {strides = array<i32>} : memref<128x16xf32, #tpu.memory_space<vmem>>, vector<1x16xf32>,
    %swap3A_484 = vector.shape_cast %swap3A_483 : vector<1x16xf32> to vector<16xf32>
    %swap3A_485 = vector.shape_cast %broadcast_in_dim3A_479 : vector<16xf32> to vector<1x16xf32>
    tpu.vector_store %arg5[%swap3A_481, %swap3A_482], %swap3A_485 {strides = array<i32>} : memref<128x16xf32, #tpu.memory_space<vmem>>, vector<1x16xf32>,
    %broadcast_in_dim3A_486 = arith.constant 1.000000e+00 : f32
    %broadcast_in_dim3A_487 = vector.broadcast %broadcast_in_dim3A_486 : f32 to vector<16xf32>
    %swap3A_488 = arith.constant 45 : i32
    %swap3A_489 = arith.index_cast %swap3A_488 : i32 to index
    %swap3A_490 = arith.constant 0 : index
    %swap3A_491 = tpu.vector_load %arg5[%swap3A_489, %swap3A_490] {strides = array<i32>} : memref<128x16xf32, #tpu.memory_space<vmem>>, vector<1x16xf32>,
    %swap3A_492 = vector.shape_cast %swap3A_491 : vector<1x16xf32> to vector<16xf32>
    %swap3A_493 = vector.shape_cast %broadcast_in_dim3A_487 : vector<16xf32> to vector<1x16xf32>
    tpu.vector_store %arg5[%swap3A_489, %swap3A_490], %swap3A_493 {strides = array<i32>} : memref<128x16xf32, #tpu.memory_space<vmem>>, vector<1x16xf32>,
    %broadcast_in_dim3A_494 = arith.constant 1.000000e+00 : f32
    %broadcast_in_dim3A_495 = vector.broadcast %broadcast_in_dim3A_494 : f32 to vector<16xf32>
    %swap3A_496 = arith.constant 46 : i32
    %swap3A_497 = arith.index_cast %swap3A_496 : i32 to index
    %swap3A_498 = arith.constant 0 : index
    %swap3A_499 = tpu.vector_load %arg5[%swap3A_497, %swap3A_498] {strides = array<i32>} : memref<128x16xf32, #tpu.memory_space<vmem>>, vector<1x16xf32>,
    %swap3A_500 = vector.shape_cast %swap3A_499 : vector<1x16xf32> to vector<16xf32>
    %swap3A_501 = vector.shape_cast %broadcast_in_dim3A_495 : vector<16xf32> to vector<1x16xf32>
    tpu.vector_store %arg5[%swap3A_497, %swap3A_498], %swap3A_501 {strides = array<i32>} : memref<128x16xf32, #tpu.memory_space<vmem>>, vector<1x16xf32>,
    %broadcast_in_dim3A_502 = arith.constant 1.000000e+00 : f32
    %broadcast_in_dim3A_503 = vector.broadcast %broadcast_in_dim3A_502 : f32 to vector<16xf32>
    %swap3A_504 = arith.constant 47 : i32
    %swap3A_505 = arith.index_cast %swap3A_504 : i32 to index
    %swap3A_506 = arith.constant 0 : index
    %swap3A_507 = tpu.vector_load %arg5[%swap3A_505, %swap3A_506] {strides = array<i32>} : memref<128x16xf32, #tpu.memory_space<vmem>>, vector<1x16xf32>,
    %swap3A_508 = vector.shape_cast %swap3A_507 : vector<1x16xf32> to vector<16xf32>
    %swap3A_509 = vector.shape_cast %broadcast_in_dim3A_503 : vector<16xf32> to vector<1x16xf32>
    tpu.vector_store %arg5[%swap3A_505, %swap3A_506], %swap3A_509 {strides = array<i32>} : memref<128x16xf32, #tpu.memory_space<vmem>>, vector<1x16xf32>,
    %broadcast_in_dim3A_510 = arith.constant 1.000000e+00 : f32
    %broadcast_in_dim3A_511 = vector.broadcast %broadcast_in_dim3A_510 : f32 to vector<16xf32>
    %swap3A_512 = arith.constant 48 : i32
    %swap3A_513 = arith.index_cast %swap3A_512 : i32 to index
    %swap3A_514 = arith.constant 0 : index
    %swap3A_515 = tpu.vector_load %arg5[%swap3A_513, %swap3A_514] {strides = array<i32>} : memref<128x16xf32, #tpu.memory_space<vmem>>, vector<1x16xf32>,
    %swap3A_516 = vector.shape_cast %swap3A_515 : vector<1x16xf32> to vector<16xf32>
    %swap3A_517 = vector.shape_cast %broadcast_in_dim3A_511 : vector<16xf32> to vector<1x16xf32>
    tpu.vector_store %arg5[%swap3A_513, %swap3A_514], %swap3A_517 {strides = array<i32>} : memref<128x16xf32, #tpu.memory_space<vmem>>, vector<1x16xf32>,
    %broadcast_in_dim3A_518 = arith.constant 1.000000e+00 : f32
    %broadcast_in_dim3A_519 = vector.broadcast %broadcast_in_dim3A_518 : f32 to vector<16xf32>
    %swap3A_520 = arith.constant 49 : i32
    %swap3A_521 = arith.index_cast %swap3A_520 : i32 to index
    %swap3A_522 = arith.constant 0 : index
    %swap3A_523 = tpu.vector_load %arg5[%swap3A_521, %swap3A_522] {strides = array<i32>} : memref<128x16xf32, #tpu.memory_space<vmem>>, vector<1x16xf32>,
    %swap3A_524 = vector.shape_cast %swap3A_523 : vector<1x16xf32> to vector<16xf32>
    %swap3A_525 = vector.shape_cast %broadcast_in_dim3A_519 : vector<16xf32> to vector<1x16xf32>
    tpu.vector_store %arg5[%swap3A_521, %swap3A_522], %swap3A_525 {strides = array<i32>} : memref<128x16xf32, #tpu.memory_space<vmem>>, vector<1x16xf32>,
    %broadcast_in_dim3A_526 = arith.constant 1.000000e+00 : f32
    %broadcast_in_dim3A_527 = vector.broadcast %broadcast_in_dim3A_526 : f32 to vector<16xf32>
    %swap3A_528 = arith.constant 50 : i32
    %swap3A_529 = arith.index_cast %swap3A_528 : i32 to index
    %swap3A_530 = arith.constant 0 : index
    %swap3A_531 = tpu.vector_load %arg5[%swap3A_529, %swap3A_530] {strides = array<i32>} : memref<128x16xf32, #tpu.memory_space<vmem>>, vector<1x16xf32>,
    %swap3A_532 = vector.shape_cast %swap3A_531 : vector<1x16xf32> to vector<16xf32>
    %swap3A_533 = vector.shape_cast %broadcast_in_dim3A_527 : vector<16xf32> to vector<1x16xf32>
    tpu.vector_store %arg5[%swap3A_529, %swap3A_530], %swap3A_533 {strides = array<i32>} : memref<128x16xf32, #tpu.memory_space<vmem>>, vector<1x16xf32>,
    %broadcast_in_dim3A_534 = arith.constant 1.000000e+00 : f32
    %broadcast_in_dim3A_535 = vector.broadcast %broadcast_in_dim3A_534 : f32 to vector<16xf32>
    %swap3A_536 = arith.constant 51 : i32
    %swap3A_537 = arith.index_cast %swap3A_536 : i32 to index
    %swap3A_538 = arith.constant 0 : index
    %swap3A_539 = tpu.vector_load %arg5[%swap3A_537, %swap3A_538] {strides = array<i32>} : memref<128x16xf32, #tpu.memory_space<vmem>>, vector<1x16xf32>,
    %swap3A_540 = vector.shape_cast %swap3A_539 : vector<1x16xf32> to vector<16xf32>
    %swap3A_541 = vector.shape_cast %broadcast_in_dim3A_535 : vector<16xf32> to vector<1x16xf32>
    tpu.vector_store %arg5[%swap3A_537, %swap3A_538], %swap3A_541 {strides = array<i32>} : memref<128x16xf32, #tpu.memory_space<vmem>>, vector<1x16xf32>,
    %broadcast_in_dim3A_542 = arith.constant 1.000000e+00 : f32
    %broadcast_in_dim3A_543 = vector.broadcast %broadcast_in_dim3A_542 : f32 to vector<16xf32>
    %swap3A_544 = arith.constant 52 : i32
    %swap3A_545 = arith.index_cast %swap3A_544 : i32 to index
    %swap3A_546 = arith.constant 0 : index
    %swap3A_547 = tpu.vector_load %arg5[%swap3A_545, %swap3A_546] {strides = array<i32>} : memref<128x16xf32, #tpu.memory_space<vmem>>, vector<1x16xf32>,
    %swap3A_548 = vector.shape_cast %swap3A_547 : vector<1x16xf32> to vector<16xf32>
    %swap3A_549 = vector.shape_cast %broadcast_in_dim3A_543 : vector<16xf32> to vector<1x16xf32>
    tpu.vector_store %arg5[%swap3A_545, %swap3A_546], %swap3A_549 {strides = array<i32>} : memref<128x16xf32, #tpu.memory_space<vmem>>, vector<1x16xf32>,
    %broadcast_in_dim3A_550 = arith.constant 1.000000e+00 : f32
    %broadcast_in_dim3A_551 = vector.broadcast %broadcast_in_dim3A_550 : f32 to vector<16xf32>
    %swap3A_552 = arith.constant 53 : i32
    %swap3A_553 = arith.index_cast %swap3A_552 : i32 to index
    %swap3A_554 = arith.constant 0 : index
    %swap3A_555 = tpu.vector_load %arg5[%swap3A_553, %swap3A_554] {strides = array<i32>} : memref<128x16xf32, #tpu.memory_space<vmem>>, vector<1x16xf32>,
    %swap3A_556 = vector.shape_cast %swap3A_555 : vector<1x16xf32> to vector<16xf32>
    %swap3A_557 = vector.shape_cast %broadcast_in_dim3A_551 : vector<16xf32> to vector<1x16xf32>
    tpu.vector_store %arg5[%swap3A_553, %swap3A_554], %swap3A_557 {strides = array<i32>} : memref<128x16xf32, #tpu.memory_space<vmem>>, vector<1x16xf32>,
    %broadcast_in_dim3A_558 = arith.constant 1.000000e+00 : f32
    %broadcast_in_dim3A_559 = vector.broadcast %broadcast_in_dim3A_558 : f32 to vector<16xf32>
    %swap3A_560 = arith.constant 54 : i32
    %swap3A_561 = arith.index_cast %swap3A_560 : i32 to index
    %swap3A_562 = arith.constant 0 : index
    %swap3A_563 = tpu.vector_load %arg5[%swap3A_561, %swap3A_562] {strides = array<i32>} : memref<128x16xf32, #tpu.memory_space<vmem>>, vector<1x16xf32>,
    %swap3A_564 = vector.shape_cast %swap3A_563 : vector<1x16xf32> to vector<16xf32>
    %swap3A_565 = vector.shape_cast %broadcast_in_dim3A_559 : vector<16xf32> to vector<1x16xf32>
    tpu.vector_store %arg5[%swap3A_561, %swap3A_562], %swap3A_565 {strides = array<i32>} : memref<128x16xf32, #tpu.memory_space<vmem>>, vector<1x16xf32>,
    %broadcast_in_dim3A_566 = arith.constant 1.000000e+00 : f32
    %broadcast_in_dim3A_567 = vector.broadcast %broadcast_in_dim3A_566 : f32 to vector<16xf32>
    %swap3A_568 = arith.constant 55 : i32
    %swap3A_569 = arith.index_cast %swap3A_568 : i32 to index
    %swap3A_570 = arith.constant 0 : index
    %swap3A_571 = tpu.vector_load %arg5[%swap3A_569, %swap3A_570] {strides = array<i32>} : memref<128x16xf32, #tpu.memory_space<vmem>>, vector<1x16xf32>,
    %swap3A_572 = vector.shape_cast %swap3A_571 : vector<1x16xf32> to vector<16xf32>
    %swap3A_573 = vector.shape_cast %broadcast_in_dim3A_567 : vector<16xf32> to vector<1x16xf32>
    tpu.vector_store %arg5[%swap3A_569, %swap3A_570], %swap3A_573 {strides = array<i32>} : memref<128x16xf32, #tpu.memory_space<vmem>>, vector<1x16xf32>,
    %broadcast_in_dim3A_574 = arith.constant 1.000000e+00 : f32
    %broadcast_in_dim3A_575 = vector.broadcast %broadcast_in_dim3A_574 : f32 to vector<16xf32>
    %swap3A_576 = arith.constant 56 : i32
    %swap3A_577 = arith.index_cast %swap3A_576 : i32 to index
    %swap3A_578 = arith.constant 0 : index
    %swap3A_579 = tpu.vector_load %arg5[%swap3A_577, %swap3A_578] {strides = array<i32>} : memref<128x16xf32, #tpu.memory_space<vmem>>, vector<1x16xf32>,
    %swap3A_580 = vector.shape_cast %swap3A_579 : vector<1x16xf32> to vector<16xf32>
    %swap3A_581 = vector.shape_cast %broadcast_in_dim3A_575 : vector<16xf32> to vector<1x16xf32>
    tpu.vector_store %arg5[%swap3A_577, %swap3A_578], %swap3A_581 {strides = array<i32>} : memref<128x16xf32, #tpu.memory_space<vmem>>, vector<1x16xf32>,
    %broadcast_in_dim3A_582 = arith.constant 1.000000e+00 : f32
    %broadcast_in_dim3A_583 = vector.broadcast %broadcast_in_dim3A_582 : f32 to vector<16xf32>
    %swap3A_584 = arith.constant 57 : i32
    %swap3A_585 = arith.index_cast %swap3A_584 : i32 to index
    %swap3A_586 = arith.constant 0 : index
    %swap3A_587 = tpu.vector_load %arg5[%swap3A_585, %swap3A_586] {strides = array<i32>} : memref<128x16xf32, #tpu.memory_space<vmem>>, vector<1x16xf32>,
    %swap3A_588 = vector.shape_cast %swap3A_587 : vector<1x16xf32> to vector<16xf32>
    %swap3A_589 = vector.shape_cast %broadcast_in_dim3A_583 : vector<16xf32> to vector<1x16xf32>
    tpu.vector_store %arg5[%swap3A_585, %swap3A_586], %swap3A_589 {strides = array<i32>} : memref<128x16xf32, #tpu.memory_space<vmem>>, vector<1x16xf32>,
    %broadcast_in_dim3A_590 = arith.constant 1.000000e+00 : f32
    %broadcast_in_dim3A_591 = vector.broadcast %broadcast_in_dim3A_590 : f32 to vector<16xf32>
    %swap3A_592 = arith.constant 58 : i32
    %swap3A_593 = arith.index_cast %swap3A_592 : i32 to index
    %swap3A_594 = arith.constant 0 : index
    %swap3A_595 = tpu.vector_load %arg5[%swap3A_593, %swap3A_594] {strides = array<i32>} : memref<128x16xf32, #tpu.memory_space<vmem>>, vector<1x16xf32>,
    %swap3A_596 = vector.shape_cast %swap3A_595 : vector<1x16xf32> to vector<16xf32>
    %swap3A_597 = vector.shape_cast %broadcast_in_dim3A_591 : vector<16xf32> to vector<1x16xf32>
    tpu.vector_store %arg5[%swap3A_593, %swap3A_594], %swap3A_597 {strides = array<i32>} : memref<128x16xf32, #tpu.memory_space<vmem>>, vector<1x16xf32>,
    %broadcast_in_dim3A_598 = arith.constant 1.000000e+00 : f32
    %broadcast_in_dim3A_599 = vector.broadcast %broadcast_in_dim3A_598 : f32 to vector<16xf32>
    %swap3A_600 = arith.constant 59 : i32
    %swap3A_601 = arith.index_cast %swap3A_600 : i32 to index
    %swap3A_602 = arith.constant 0 : index
    %swap3A_603 = tpu.vector_load %arg5[%swap3A_601, %swap3A_602] {strides = array<i32>} : memref<128x16xf32, #tpu.memory_space<vmem>>, vector<1x16xf32>,
    %swap3A_604 = vector.shape_cast %swap3A_603 : vector<1x16xf32> to vector<16xf32>
    %swap3A_605 = vector.shape_cast %broadcast_in_dim3A_599 : vector<16xf32> to vector<1x16xf32>
    tpu.vector_store %arg5[%swap3A_601, %swap3A_602], %swap3A_605 {strides = array<i32>} : memref<128x16xf32, #tpu.memory_space<vmem>>, vector<1x16xf32>,
    %broadcast_in_dim3A_606 = arith.constant 1.000000e+00 : f32
    %broadcast_in_dim3A_607 = vector.broadcast %broadcast_in_dim3A_606 : f32 to vector<16xf32>
    %swap3A_608 = arith.constant 60 : i32
    %swap3A_609 = arith.index_cast %swap3A_608 : i32 to index
    %swap3A_610 = arith.constant 0 : index
    %swap3A_611 = tpu.vector_load %arg5[%swap3A_609, %swap3A_610] {strides = array<i32>} : memref<128x16xf32, #tpu.memory_space<vmem>>, vector<1x16xf32>,
    %swap3A_612 = vector.shape_cast %swap3A_611 : vector<1x16xf32> to vector<16xf32>
    %swap3A_613 = vector.shape_cast %broadcast_in_dim3A_607 : vector<16xf32> to vector<1x16xf32>
    tpu.vector_store %arg5[%swap3A_609, %swap3A_610], %swap3A_613 {strides = array<i32>} : memref<128x16xf32, #tpu.memory_space<vmem>>, vector<1x16xf32>,
    %broadcast_in_dim3A_614 = arith.constant 1.000000e+00 : f32
    %broadcast_in_dim3A_615 = vector.broadcast %broadcast_in_dim3A_614 : f32 to vector<16xf32>
    %swap3A_616 = arith.constant 61 : i32
    %swap3A_617 = arith.index_cast %swap3A_616 : i32 to index
    %swap3A_618 = arith.constant 0 : index
    %swap3A_619 = tpu.vector_load %arg5[%swap3A_617, %swap3A_618] {strides = array<i32>} : memref<128x16xf32, #tpu.memory_space<vmem>>, vector<1x16xf32>,
    %swap3A_620 = vector.shape_cast %swap3A_619 : vector<1x16xf32> to vector<16xf32>
    %swap3A_621 = vector.shape_cast %broadcast_in_dim3A_615 : vector<16xf32> to vector<1x16xf32>
    tpu.vector_store %arg5[%swap3A_617, %swap3A_618], %swap3A_621 {strides = array<i32>} : memref<128x16xf32, #tpu.memory_space<vmem>>, vector<1x16xf32>,
    %broadcast_in_dim3A_622 = arith.constant 1.000000e+00 : f32
    %broadcast_in_dim3A_623 = vector.broadcast %broadcast_in_dim3A_622 : f32 to vector<16xf32>
    %swap3A_624 = arith.constant 62 : i32
    %swap3A_625 = arith.index_cast %swap3A_624 : i32 to index
    %swap3A_626 = arith.constant 0 : index
    %swap3A_627 = tpu.vector_load %arg5[%swap3A_625, %swap3A_626] {strides = array<i32>} : memref<128x16xf32, #tpu.memory_space<vmem>>, vector<1x16xf32>,
    %swap3A_628 = vector.shape_cast %swap3A_627 : vector<1x16xf32> to vector<16xf32>
    %swap3A_629 = vector.shape_cast %broadcast_in_dim3A_623 : vector<16xf32> to vector<1x16xf32>
    tpu.vector_store %arg5[%swap3A_625, %swap3A_626], %swap3A_629 {strides = array<i32>} : memref<128x16xf32, #tpu.memory_space<vmem>>, vector<1x16xf32>,
    %broadcast_in_dim3A_630 = arith.constant 1.000000e+00 : f32
    %broadcast_in_dim3A_631 = vector.broadcast %broadcast_in_dim3A_630 : f32 to vector<16xf32>
    %swap3A_632 = arith.constant 63 : i32
    %swap3A_633 = arith.index_cast %swap3A_632 : i32 to index
    %swap3A_634 = arith.constant 0 : index
    %swap3A_635 = tpu.vector_load %arg5[%swap3A_633, %swap3A_634] {strides = array<i32>} : memref<128x16xf32, #tpu.memory_space<vmem>>, vector<1x16xf32>,
    %swap3A_636 = vector.shape_cast %swap3A_635 : vector<1x16xf32> to vector<16xf32>
    %swap3A_637 = vector.shape_cast %broadcast_in_dim3A_631 : vector<16xf32> to vector<1x16xf32>
    tpu.vector_store %arg5[%swap3A_633, %swap3A_634], %swap3A_637 {strides = array<i32>} : memref<128x16xf32, #tpu.memory_space<vmem>>, vector<1x16xf32>,
    %broadcast_in_dim3A_638 = arith.constant 1.000000e+00 : f32
    %broadcast_in_dim3A_639 = vector.broadcast %broadcast_in_dim3A_638 : f32 to vector<16xf32>
    %swap3A_640 = arith.constant 64 : i32
    %swap3A_641 = arith.index_cast %swap3A_640 : i32 to index
    %swap3A_642 = arith.constant 0 : index
    %swap3A_643 = tpu.vector_load %arg5[%swap3A_641, %swap3A_642] {strides = array<i32>} : memref<128x16xf32, #tpu.memory_space<vmem>>, vector<1x16xf32>,
    %swap3A_644 = vector.shape_cast %swap3A_643 : vector<1x16xf32> to vector<16xf32>
    %swap3A_645 = vector.shape_cast %broadcast_in_dim3A_639 : vector<16xf32> to vector<1x16xf32>
    tpu.vector_store %arg5[%swap3A_641, %swap3A_642], %swap3A_645 {strides = array<i32>} : memref<128x16xf32, #tpu.memory_space<vmem>>, vector<1x16xf32>,
    %broadcast_in_dim3A_646 = arith.constant 1.000000e+00 : f32
    %broadcast_in_dim3A_647 = vector.broadcast %broadcast_in_dim3A_646 : f32 to vector<16xf32>
    %swap3A_648 = arith.constant 65 : i32
    %swap3A_649 = arith.index_cast %swap3A_648 : i32 to index
    %swap3A_650 = arith.constant 0 : index
    %swap3A_651 = tpu.vector_load %arg5[%swap3A_649, %swap3A_650] {strides = array<i32>} : memref<128x16xf32, #tpu.memory_space<vmem>>, vector<1x16xf32>,
    %swap3A_652 = vector.shape_cast %swap3A_651 : vector<1x16xf32> to vector<16xf32>
    %swap3A_653 = vector.shape_cast %broadcast_in_dim3A_647 : vector<16xf32> to vector<1x16xf32>
    tpu.vector_store %arg5[%swap3A_649, %swap3A_650], %swap3A_653 {strides = array<i32>} : memref<128x16xf32, #tpu.memory_space<vmem>>, vector<1x16xf32>,
    %broadcast_in_dim3A_654 = arith.constant 1.000000e+00 : f32
    %broadcast_in_dim3A_655 = vector.broadcast %broadcast_in_dim3A_654 : f32 to vector<16xf32>
    %swap3A_656 = arith.constant 66 : i32
    %swap3A_657 = arith.index_cast %swap3A_656 : i32 to index
    %swap3A_658 = arith.constant 0 : index
    %swap3A_659 = tpu.vector_load %arg5[%swap3A_657, %swap3A_658] {strides = array<i32>} : memref<128x16xf32, #tpu.memory_space<vmem>>, vector<1x16xf32>,
    %swap3A_660 = vector.shape_cast %swap3A_659 : vector<1x16xf32> to vector<16xf32>
    %swap3A_661 = vector.shape_cast %broadcast_in_dim3A_655 : vector<16xf32> to vector<1x16xf32>
    tpu.vector_store %arg5[%swap3A_657, %swap3A_658], %swap3A_661 {strides = array<i32>} : memref<128x16xf32, #tpu.memory_space<vmem>>, vector<1x16xf32>,
    %broadcast_in_dim3A_662 = arith.constant 1.000000e+00 : f32
    %broadcast_in_dim3A_663 = vector.broadcast %broadcast_in_dim3A_662 : f32 to vector<16xf32>
    %swap3A_664 = arith.constant 67 : i32
    %swap3A_665 = arith.index_cast %swap3A_664 : i32 to index
    %swap3A_666 = arith.constant 0 : index
    %swap3A_667 = tpu.vector_load %arg5[%swap3A_665, %swap3A_666] {strides = array<i32>} : memref<128x16xf32, #tpu.memory_space<vmem>>, vector<1x16xf32>,
    %swap3A_668 = vector.shape_cast %swap3A_667 : vector<1x16xf32> to vector<16xf32>
    %swap3A_669 = vector.shape_cast %broadcast_in_dim3A_663 : vector<16xf32> to vector<1x16xf32>
    tpu.vector_store %arg5[%swap3A_665, %swap3A_666], %swap3A_669 {strides = array<i32>} : memref<128x16xf32, #tpu.memory_space<vmem>>, vector<1x16xf32>,
    %broadcast_in_dim3A_670 = arith.constant 1.000000e+00 : f32
    %broadcast_in_dim3A_671 = vector.broadcast %broadcast_in_dim3A_670 : f32 to vector<16xf32>
    %swap3A_672 = arith.constant 68 : i32
    %swap3A_673 = arith.index_cast %swap3A_672 : i32 to index
    %swap3A_674 = arith.constant 0 : index
    %swap3A_675 = tpu.vector_load %arg5[%swap3A_673, %swap3A_674] {strides = array<i32>} : memref<128x16xf32, #tpu.memory_space<vmem>>, vector<1x16xf32>,
    %swap3A_676 = vector.shape_cast %swap3A_675 : vector<1x16xf32> to vector<16xf32>
    %swap3A_677 = vector.shape_cast %broadcast_in_dim3A_671 : vector<16xf32> to vector<1x16xf32>
    tpu.vector_store %arg5[%swap3A_673, %swap3A_674], %swap3A_677 {strides = array<i32>} : memref<128x16xf32, #tpu.memory_space<vmem>>, vector<1x16xf32>,
    %broadcast_in_dim3A_678 = arith.constant 1.000000e+00 : f32
    %broadcast_in_dim3A_679 = vector.broadcast %broadcast_in_dim3A_678 : f32 to vector<16xf32>
    %swap3A_680 = arith.constant 69 : i32
    %swap3A_681 = arith.index_cast %swap3A_680 : i32 to index
    %swap3A_682 = arith.constant 0 : index
    %swap3A_683 = tpu.vector_load %arg5[%swap3A_681, %swap3A_682] {strides = array<i32>} : memref<128x16xf32, #tpu.memory_space<vmem>>, vector<1x16xf32>,
    %swap3A_684 = vector.shape_cast %swap3A_683 : vector<1x16xf32> to vector<16xf32>
    %swap3A_685 = vector.shape_cast %broadcast_in_dim3A_679 : vector<16xf32> to vector<1x16xf32>
    tpu.vector_store %arg5[%swap3A_681, %swap3A_682], %swap3A_685 {strides = array<i32>} : memref<128x16xf32, #tpu.memory_space<vmem>>, vector<1x16xf32>,
    %broadcast_in_dim3A_686 = arith.constant 1.000000e+00 : f32
    %broadcast_in_dim3A_687 = vector.broadcast %broadcast_in_dim3A_686 : f32 to vector<16xf32>
    %swap3A_688 = arith.constant 70 : i32
    %swap3A_689 = arith.index_cast %swap3A_688 : i32 to index
    %swap3A_690 = arith.constant 0 : index
    %swap3A_691 = tpu.vector_load %arg5[%swap3A_689, %swap3A_690] {strides = array<i32>} : memref<128x16xf32, #tpu.memory_space<vmem>>, vector<1x16xf32>,
    %swap3A_692 = vector.shape_cast %swap3A_691 : vector<1x16xf32> to vector<16xf32>
    %swap3A_693 = vector.shape_cast %broadcast_in_dim3A_687 : vector<16xf32> to vector<1x16xf32>
    tpu.vector_store %arg5[%swap3A_689, %swap3A_690], %swap3A_693 {strides = array<i32>} : memref<128x16xf32, #tpu.memory_space<vmem>>, vector<1x16xf32>,
    %broadcast_in_dim3A_694 = arith.constant 1.000000e+00 : f32
    %broadcast_in_dim3A_695 = vector.broadcast %broadcast_in_dim3A_694 : f32 to vector<16xf32>
    %swap3A_696 = arith.constant 71 : i32
    %swap3A_697 = arith.index_cast %swap3A_696 : i32 to index
    %swap3A_698 = arith.constant 0 : index
    %swap3A_699 = tpu.vector_load %arg5[%swap3A_697, %swap3A_698] {strides = array<i32>} : memref<128x16xf32, #tpu.memory_space<vmem>>, vector<1x16xf32>,
    %swap3A_700 = vector.shape_cast %swap3A_699 : vector<1x16xf32> to vector<16xf32>
    %swap3A_701 = vector.shape_cast %broadcast_in_dim3A_695 : vector<16xf32> to vector<1x16xf32>
    tpu.vector_store %arg5[%swap3A_697, %swap3A_698], %swap3A_701 {strides = array<i32>} : memref<128x16xf32, #tpu.memory_space<vmem>>, vector<1x16xf32>,
    %broadcast_in_dim3A_702 = arith.constant 1.000000e+00 : f32
    %broadcast_in_dim3A_703 = vector.broadcast %broadcast_in_dim3A_702 : f32 to vector<16xf32>
    %swap3A_704 = arith.constant 72 : i32
    %swap3A_705 = arith.index_cast %swap3A_704 : i32 to index
    %swap3A_706 = arith.constant 0 : index
    %swap3A_707 = tpu.vector_load %arg5[%swap3A_705, %swap3A_706] {strides = array<i32>} : memref<128x16xf32, #tpu.memory_space<vmem>>, vector<1x16xf32>,
    %swap3A_708 = vector.shape_cast %swap3A_707 : vector<1x16xf32> to vector<16xf32>
    %swap3A_709 = vector.shape_cast %broadcast_in_dim3A_703 : vector<16xf32> to vector<1x16xf32>
    tpu.vector_store %arg5[%swap3A_705, %swap3A_706], %swap3A_709 {strides = array<i32>} : memref<128x16xf32, #tpu.memory_space<vmem>>, vector<1x16xf32>,
    %broadcast_in_dim3A_710 = arith.constant 1.000000e+00 : f32
    %broadcast_in_dim3A_711 = vector.broadcast %broadcast_in_dim3A_710 : f32 to vector<16xf32>
    %swap3A_712 = arith.constant 73 : i32
    %swap3A_713 = arith.index_cast %swap3A_712 : i32 to index
    %swap3A_714 = arith.constant 0 : index
    %swap3A_715 = tpu.vector_load %arg5[%swap3A_713, %swap3A_714] {strides = array<i32>} : memref<128x16xf32, #tpu.memory_space<vmem>>, vector<1x16xf32>,
    %swap3A_716 = vector.shape_cast %swap3A_715 : vector<1x16xf32> to vector<16xf32>
    %swap3A_717 = vector.shape_cast %broadcast_in_dim3A_711 : vector<16xf32> to vector<1x16xf32>
    tpu.vector_store %arg5[%swap3A_713, %swap3A_714], %swap3A_717 {strides = array<i32>} : memref<128x16xf32, #tpu.memory_space<vmem>>, vector<1x16xf32>,
    %broadcast_in_dim3A_718 = arith.constant 1.000000e+00 : f32
    %broadcast_in_dim3A_719 = vector.broadcast %broadcast_in_dim3A_718 : f32 to vector<16xf32>
    %swap3A_720 = arith.constant 74 : i32
    %swap3A_721 = arith.index_cast %swap3A_720 : i32 to index
    %swap3A_722 = arith.constant 0 : index
    %swap3A_723 = tpu.vector_load %arg5[%swap3A_721, %swap3A_722] {strides = array<i32>} : memref<128x16xf32, #tpu.memory_space<vmem>>, vector<1x16xf32>,
    %swap3A_724 = vector.shape_cast %swap3A_723 : vector<1x16xf32> to vector<16xf32>
    %swap3A_725 = vector.shape_cast %broadcast_in_dim3A_719 : vector<16xf32> to vector<1x16xf32>
    tpu.vector_store %arg5[%swap3A_721, %swap3A_722], %swap3A_725 {strides = array<i32>} : memref<128x16xf32, #tpu.memory_space<vmem>>, vector<1x16xf32>,
    %broadcast_in_dim3A_726 = arith.constant 1.000000e+00 : f32
    %broadcast_in_dim3A_727 = vector.broadcast %broadcast_in_dim3A_726 : f32 to vector<16xf32>
    %swap3A_728 = arith.constant 75 : i32
    %swap3A_729 = arith.index_cast %swap3A_728 : i32 to index
    %swap3A_730 = arith.constant 0 : index
    %swap3A_731 = tpu.vector_load %arg5[%swap3A_729, %swap3A_730] {strides = array<i32>} : memref<128x16xf32, #tpu.memory_space<vmem>>, vector<1x16xf32>,
    %swap3A_732 = vector.shape_cast %swap3A_731 : vector<1x16xf32> to vector<16xf32>
    %swap3A_733 = vector.shape_cast %broadcast_in_dim3A_727 : vector<16xf32> to vector<1x16xf32>
    tpu.vector_store %arg5[%swap3A_729, %swap3A_730], %swap3A_733 {strides = array<i32>} : memref<128x16xf32, #tpu.memory_space<vmem>>, vector<1x16xf32>,
    %broadcast_in_dim3A_734 = arith.constant 1.000000e+00 : f32
    %broadcast_in_dim3A_735 = vector.broadcast %broadcast_in_dim3A_734 : f32 to vector<16xf32>
    %swap3A_736 = arith.constant 76 : i32
    %swap3A_737 = arith.index_cast %swap3A_736 : i32 to index
    %swap3A_738 = arith.constant 0 : index
    %swap3A_739 = tpu.vector_load %arg5[%swap3A_737, %swap3A_738] {strides = array<i32>} : memref<128x16xf32, #tpu.memory_space<vmem>>, vector<1x16xf32>,
    %swap3A_740 = vector.shape_cast %swap3A_739 : vector<1x16xf32> to vector<16xf32>
    %swap3A_741 = vector.shape_cast %broadcast_in_dim3A_735 : vector<16xf32> to vector<1x16xf32>
    tpu.vector_store %arg5[%swap3A_737, %swap3A_738], %swap3A_741 {strides = array<i32>} : memref<128x16xf32, #tpu.memory_space<vmem>>, vector<1x16xf32>,
    %broadcast_in_dim3A_742 = arith.constant 1.000000e+00 : f32
    %broadcast_in_dim3A_743 = vector.broadcast %broadcast_in_dim3A_742 : f32 to vector<16xf32>
    %swap3A_744 = arith.constant 77 : i32
    %swap3A_745 = arith.index_cast %swap3A_744 : i32 to index
    %swap3A_746 = arith.constant 0 : index
    %swap3A_747 = tpu.vector_load %arg5[%swap3A_745, %swap3A_746] {strides = array<i32>} : memref<128x16xf32, #tpu.memory_space<vmem>>, vector<1x16xf32>,
    %swap3A_748 = vector.shape_cast %swap3A_747 : vector<1x16xf32> to vector<16xf32>
    %swap3A_749 = vector.shape_cast %broadcast_in_dim3A_743 : vector<16xf32> to vector<1x16xf32>
    tpu.vector_store %arg5[%swap3A_745, %swap3A_746], %swap3A_749 {strides = array<i32>} : memref<128x16xf32, #tpu.memory_space<vmem>>, vector<1x16xf32>,
    %broadcast_in_dim3A_750 = arith.constant 1.000000e+00 : f32
    %broadcast_in_dim3A_751 = vector.broadcast %broadcast_in_dim3A_750 : f32 to vector<16xf32>
    %swap3A_752 = arith.constant 78 : i32
    %swap3A_753 = arith.index_cast %swap3A_752 : i32 to index
    %swap3A_754 = arith.constant 0 : index
    %swap3A_755 = tpu.vector_load %arg5[%swap3A_753, %swap3A_754] {strides = array<i32>} : memref<128x16xf32, #tpu.memory_space<vmem>>, vector<1x16xf32>,
    %swap3A_756 = vector.shape_cast %swap3A_755 : vector<1x16xf32> to vector<16xf32>
    %swap3A_757 = vector.shape_cast %broadcast_in_dim3A_751 : vector<16xf32> to vector<1x16xf32>
    tpu.vector_store %arg5[%swap3A_753, %swap3A_754], %swap3A_757 {strides = array<i32>} : memref<128x16xf32, #tpu.memory_space<vmem>>, vector<1x16xf32>,
    %broadcast_in_dim3A_758 = arith.constant 1.000000e+00 : f32
    %broadcast_in_dim3A_759 = vector.broadcast %broadcast_in_dim3A_758 : f32 to vector<16xf32>
    %swap3A_760 = arith.constant 79 : i32
    %swap3A_761 = arith.index_cast %swap3A_760 : i32 to index
    %swap3A_762 = arith.constant 0 : index
    %swap3A_763 = tpu.vector_load %arg5[%swap3A_761, %swap3A_762] {strides = array<i32>} : memref<128x16xf32, #tpu.memory_space<vmem>>, vector<1x16xf32>,
    %swap3A_764 = vector.shape_cast %swap3A_763 : vector<1x16xf32> to vector<16xf32>
    %swap3A_765 = vector.shape_cast %broadcast_in_dim3A_759 : vector<16xf32> to vector<1x16xf32>
    tpu.vector_store %arg5[%swap3A_761, %swap3A_762], %swap3A_765 {strides = array<i32>} : memref<128x16xf32, #tpu.memory_space<vmem>>, vector<1x16xf32>,
    %broadcast_in_dim3A_766 = arith.constant 1.000000e+00 : f32
    %broadcast_in_dim3A_767 = vector.broadcast %broadcast_in_dim3A_766 : f32 to vector<16xf32>
    %swap3A_768 = arith.constant 80 : i32
    %swap3A_769 = arith.index_cast %swap3A_768 : i32 to index
    %swap3A_770 = arith.constant 0 : index
    %swap3A_771 = tpu.vector_load %arg5[%swap3A_769, %swap3A_770] {strides = array<i32>} : memref<128x16xf32, #tpu.memory_space<vmem>>, vector<1x16xf32>,
    %swap3A_772 = vector.shape_cast %swap3A_771 : vector<1x16xf32> to vector<16xf32>
    %swap3A_773 = vector.shape_cast %broadcast_in_dim3A_767 : vector<16xf32> to vector<1x16xf32>
    tpu.vector_store %arg5[%swap3A_769, %swap3A_770], %swap3A_773 {strides = array<i32>} : memref<128x16xf32, #tpu.memory_space<vmem>>, vector<1x16xf32>,
    %broadcast_in_dim3A_774 = arith.constant 1.000000e+00 : f32
    %broadcast_in_dim3A_775 = vector.broadcast %broadcast_in_dim3A_774 : f32 to vector<16xf32>
    %swap3A_776 = arith.constant 81 : i32
    %swap3A_777 = arith.index_cast %swap3A_776 : i32 to index
    %swap3A_778 = arith.constant 0 : index
    %swap3A_779 = tpu.vector_load %arg5[%swap3A_777, %swap3A_778] {strides = array<i32>} : memref<128x16xf32, #tpu.memory_space<vmem>>, vector<1x16xf32>,
    %swap3A_780 = vector.shape_cast %swap3A_779 : vector<1x16xf32> to vector<16xf32>
    %swap3A_781 = vector.shape_cast %broadcast_in_dim3A_775 : vector<16xf32> to vector<1x16xf32>
    tpu.vector_store %arg5[%swap3A_777, %swap3A_778], %swap3A_781 {strides = array<i32>} : memref<128x16xf32, #tpu.memory_space<vmem>>, vector<1x16xf32>,
    %broadcast_in_dim3A_782 = arith.constant 1.000000e+00 : f32
    %broadcast_in_dim3A_783 = vector.broadcast %broadcast_in_dim3A_782 : f32 to vector<16xf32>
    %swap3A_784 = arith.constant 82 : i32
    %swap3A_785 = arith.index_cast %swap3A_784 : i32 to index
    %swap3A_786 = arith.constant 0 : index
    %swap3A_787 = tpu.vector_load %arg5[%swap3A_785, %swap3A_786] {strides = array<i32>} : memref<128x16xf32, #tpu.memory_space<vmem>>, vector<1x16xf32>,
    %swap3A_788 = vector.shape_cast %swap3A_787 : vector<1x16xf32> to vector<16xf32>
    %swap3A_789 = vector.shape_cast %broadcast_in_dim3A_783 : vector<16xf32> to vector<1x16xf32>
    tpu.vector_store %arg5[%swap3A_785, %swap3A_786], %swap3A_789 {strides = array<i32>} : memref<128x16xf32, #tpu.memory_space<vmem>>, vector<1x16xf32>,
    %broadcast_in_dim3A_790 = arith.constant 1.000000e+00 : f32
    %broadcast_in_dim3A_791 = vector.broadcast %broadcast_in_dim3A_790 : f32 to vector<16xf32>
    %swap3A_792 = arith.constant 83 : i32
    %swap3A_793 = arith.index_cast %swap3A_792 : i32 to index
    %swap3A_794 = arith.constant 0 : index
    %swap3A_795 = tpu.vector_load %arg5[%swap3A_793, %swap3A_794] {strides = array<i32>} : memref<128x16xf32, #tpu.memory_space<vmem>>, vector<1x16xf32>,
    %swap3A_796 = vector.shape_cast %swap3A_795 : vector<1x16xf32> to vector<16xf32>
    %swap3A_797 = vector.shape_cast %broadcast_in_dim3A_791 : vector<16xf32> to vector<1x16xf32>
    tpu.vector_store %arg5[%swap3A_793, %swap3A_794], %swap3A_797 {strides = array<i32>} : memref<128x16xf32, #tpu.memory_space<vmem>>, vector<1x16xf32>,
    %broadcast_in_dim3A_798 = arith.constant 1.000000e+00 : f32
    %broadcast_in_dim3A_799 = vector.broadcast %broadcast_in_dim3A_798 : f32 to vector<16xf32>
    %swap3A_800 = arith.constant 84 : i32
    %swap3A_801 = arith.index_cast %swap3A_800 : i32 to index
    %swap3A_802 = arith.constant 0 : index
    %swap3A_803 = tpu.vector_load %arg5[%swap3A_801, %swap3A_802] {strides = array<i32>} : memref<128x16xf32, #tpu.memory_space<vmem>>, vector<1x16xf32>,
    %swap3A_804 = vector.shape_cast %swap3A_803 : vector<1x16xf32> to vector<16xf32>
    %swap3A_805 = vector.shape_cast %broadcast_in_dim3A_799 : vector<16xf32> to vector<1x16xf32>
    tpu.vector_store %arg5[%swap3A_801, %swap3A_802], %swap3A_805 {strides = array<i32>} : memref<128x16xf32, #tpu.memory_space<vmem>>, vector<1x16xf32>,
    %broadcast_in_dim3A_806 = arith.constant 1.000000e+00 : f32
    %broadcast_in_dim3A_807 = vector.broadcast %broadcast_in_dim3A_806 : f32 to vector<16xf32>
    %swap3A_808 = arith.constant 85 : i32
    %swap3A_809 = arith.index_cast %swap3A_808 : i32 to index
    %swap3A_810 = arith.constant 0 : index
    %swap3A_811 = tpu.vector_load %arg5[%swap3A_809, %swap3A_810] {strides = array<i32>} : memref<128x16xf32, #tpu.memory_space<vmem>>, vector<1x16xf32>,
    %swap3A_812 = vector.shape_cast %swap3A_811 : vector<1x16xf32> to vector<16xf32>
    %swap3A_813 = vector.shape_cast %broadcast_in_dim3A_807 : vector<16xf32> to vector<1x16xf32>
    tpu.vector_store %arg5[%swap3A_809, %swap3A_810], %swap3A_813 {strides = array<i32>} : memref<128x16xf32, #tpu.memory_space<vmem>>, vector<1x16xf32>,
    %broadcast_in_dim3A_814 = arith.constant 1.000000e+00 : f32
    %broadcast_in_dim3A_815 = vector.broadcast %broadcast_in_dim3A_814 : f32 to vector<16xf32>
    %swap3A_816 = arith.constant 86 : i32
    %swap3A_817 = arith.index_cast %swap3A_816 : i32 to index
    %swap3A_818 = arith.constant 0 : index
    %swap3A_819 = tpu.vector_load %arg5[%swap3A_817, %swap3A_818] {strides = array<i32>} : memref<128x16xf32, #tpu.memory_space<vmem>>, vector<1x16xf32>,
    %swap3A_820 = vector.shape_cast %swap3A_819 : vector<1x16xf32> to vector<16xf32>
    %swap3A_821 = vector.shape_cast %broadcast_in_dim3A_815 : vector<16xf32> to vector<1x16xf32>
    tpu.vector_store %arg5[%swap3A_817, %swap3A_818], %swap3A_821 {strides = array<i32>} : memref<128x16xf32, #tpu.memory_space<vmem>>, vector<1x16xf32>,
    %broadcast_in_dim3A_822 = arith.constant 1.000000e+00 : f32
    %broadcast_in_dim3A_823 = vector.broadcast %broadcast_in_dim3A_822 : f32 to vector<16xf32>
    %swap3A_824 = arith.constant 87 : i32
    %swap3A_825 = arith.index_cast %swap3A_824 : i32 to index
    %swap3A_826 = arith.constant 0 : index
    %swap3A_827 = tpu.vector_load %arg5[%swap3A_825, %swap3A_826] {strides = array<i32>} : memref<128x16xf32, #tpu.memory_space<vmem>>, vector<1x16xf32>,
    %swap3A_828 = vector.shape_cast %swap3A_827 : vector<1x16xf32> to vector<16xf32>
    %swap3A_829 = vector.shape_cast %broadcast_in_dim3A_823 : vector<16xf32> to vector<1x16xf32>
    tpu.vector_store %arg5[%swap3A_825, %swap3A_826], %swap3A_829 {strides = array<i32>} : memref<128x16xf32, #tpu.memory_space<vmem>>, vector<1x16xf32>,
    %broadcast_in_dim3A_830 = arith.constant 1.000000e+00 : f32
    %broadcast_in_dim3A_831 = vector.broadcast %broadcast_in_dim3A_830 : f32 to vector<16xf32>
    %swap3A_832 = arith.constant 88 : i32
    %swap3A_833 = arith.index_cast %swap3A_832 : i32 to index
    %swap3A_834 = arith.constant 0 : index
    %swap3A_835 = tpu.vector_load %arg5[%swap3A_833, %swap3A_834] {strides = array<i32>} : memref<128x16xf32, #tpu.memory_space<vmem>>, vector<1x16xf32>,
    %swap3A_836 = vector.shape_cast %swap3A_835 : vector<1x16xf32> to vector<16xf32>
    %swap3A_837 = vector.shape_cast %broadcast_in_dim3A_831 : vector<16xf32> to vector<1x16xf32>
    tpu.vector_store %arg5[%swap3A_833, %swap3A_834], %swap3A_837 {strides = array<i32>} : memref<128x16xf32, #tpu.memory_space<vmem>>, vector<1x16xf32>,
    %broadcast_in_dim3A_838 = arith.constant 1.000000e+00 : f32
    %broadcast_in_dim3A_839 = vector.broadcast %broadcast_in_dim3A_838 : f32 to vector<16xf32>
    %swap3A_840 = arith.constant 89 : i32
    %swap3A_841 = arith.index_cast %swap3A_840 : i32 to index
    %swap3A_842 = arith.constant 0 : index
    %swap3A_843 = tpu.vector_load %arg5[%swap3A_841, %swap3A_842] {strides = array<i32>} : memref<128x16xf32, #tpu.memory_space<vmem>>, vector<1x16xf32>,
    %swap3A_844 = vector.shape_cast %swap3A_843 : vector<1x16xf32> to vector<16xf32>
    %swap3A_845 = vector.shape_cast %broadcast_in_dim3A_839 : vector<16xf32> to vector<1x16xf32>
    tpu.vector_store %arg5[%swap3A_841, %swap3A_842], %swap3A_845 {strides = array<i32>} : memref<128x16xf32, #tpu.memory_space<vmem>>, vector<1x16xf32>,
    %broadcast_in_dim3A_846 = arith.constant 1.000000e+00 : f32
    %broadcast_in_dim3A_847 = vector.broadcast %broadcast_in_dim3A_846 : f32 to vector<16xf32>
    %swap3A_848 = arith.constant 90 : i32
    %swap3A_849 = arith.index_cast %swap3A_848 : i32 to index
    %swap3A_850 = arith.constant 0 : index
    %swap3A_851 = tpu.vector_load %arg5[%swap3A_849, %swap3A_850] {strides = array<i32>} : memref<128x16xf32, #tpu.memory_space<vmem>>, vector<1x16xf32>,
    %swap3A_852 = vector.shape_cast %swap3A_851 : vector<1x16xf32> to vector<16xf32>
    %swap3A_853 = vector.shape_cast %broadcast_in_dim3A_847 : vector<16xf32> to vector<1x16xf32>
    tpu.vector_store %arg5[%swap3A_849, %swap3A_850], %swap3A_853 {strides = array<i32>} : memref<128x16xf32, #tpu.memory_space<vmem>>, vector<1x16xf32>,
    %broadcast_in_dim3A_854 = arith.constant 1.000000e+00 : f32
    %broadcast_in_dim3A_855 = vector.broadcast %broadcast_in_dim3A_854 : f32 to vector<16xf32>
    %swap3A_856 = arith.constant 91 : i32
    %swap3A_857 = arith.index_cast %swap3A_856 : i32 to index
    %swap3A_858 = arith.constant 0 : index
    %swap3A_859 = tpu.vector_load %arg5[%swap3A_857, %swap3A_858] {strides = array<i32>} : memref<128x16xf32, #tpu.memory_space<vmem>>, vector<1x16xf32>,
    %swap3A_860 = vector.shape_cast %swap3A_859 : vector<1x16xf32> to vector<16xf32>
    %swap3A_861 = vector.shape_cast %broadcast_in_dim3A_855 : vector<16xf32> to vector<1x16xf32>
    tpu.vector_store %arg5[%swap3A_857, %swap3A_858], %swap3A_861 {strides = array<i32>} : memref<128x16xf32, #tpu.memory_space<vmem>>, vector<1x16xf32>,
    %broadcast_in_dim3A_862 = arith.constant 1.000000e+00 : f32
    %broadcast_in_dim3A_863 = vector.broadcast %broadcast_in_dim3A_862 : f32 to vector<16xf32>
    %swap3A_864 = arith.constant 92 : i32
    %swap3A_865 = arith.index_cast %swap3A_864 : i32 to index
    %swap3A_866 = arith.constant 0 : index
    %swap3A_867 = tpu.vector_load %arg5[%swap3A_865, %swap3A_866] {strides = array<i32>} : memref<128x16xf32, #tpu.memory_space<vmem>>, vector<1x16xf32>,
    %swap3A_868 = vector.shape_cast %swap3A_867 : vector<1x16xf32> to vector<16xf32>
    %swap3A_869 = vector.shape_cast %broadcast_in_dim3A_863 : vector<16xf32> to vector<1x16xf32>
    tpu.vector_store %arg5[%swap3A_865, %swap3A_866], %swap3A_869 {strides = array<i32>} : memref<128x16xf32, #tpu.memory_space<vmem>>, vector<1x16xf32>,
    %broadcast_in_dim3A_870 = arith.constant 1.000000e+00 : f32
    %broadcast_in_dim3A_871 = vector.broadcast %broadcast_in_dim3A_870 : f32 to vector<16xf32>
    %swap3A_872 = arith.constant 93 : i32
    %swap3A_873 = arith.index_cast %swap3A_872 : i32 to index
    %swap3A_874 = arith.constant 0 : index
    %swap3A_875 = tpu.vector_load %arg5[%swap3A_873, %swap3A_874] {strides = array<i32>} : memref<128x16xf32, #tpu.memory_space<vmem>>, vector<1x16xf32>,
    %swap3A_876 = vector.shape_cast %swap3A_875 : vector<1x16xf32> to vector<16xf32>
    %swap3A_877 = vector.shape_cast %broadcast_in_dim3A_871 : vector<16xf32> to vector<1x16xf32>
    tpu.vector_store %arg5[%swap3A_873, %swap3A_874], %swap3A_877 {strides = array<i32>} : memref<128x16xf32, #tpu.memory_space<vmem>>, vector<1x16xf32>,
    %broadcast_in_dim3A_878 = arith.constant 1.000000e+00 : f32
    %broadcast_in_dim3A_879 = vector.broadcast %broadcast_in_dim3A_878 : f32 to vector<16xf32>
    %swap3A_880 = arith.constant 94 : i32
    %swap3A_881 = arith.index_cast %swap3A_880 : i32 to index
    %swap3A_882 = arith.constant 0 : index
    %swap3A_883 = tpu.vector_load %arg5[%swap3A_881, %swap3A_882] {strides = array<i32>} : memref<128x16xf32, #tpu.memory_space<vmem>>, vector<1x16xf32>,
    %swap3A_884 = vector.shape_cast %swap3A_883 : vector<1x16xf32> to vector<16xf32>
    %swap3A_885 = vector.shape_cast %broadcast_in_dim3A_879 : vector<16xf32> to vector<1x16xf32>
    tpu.vector_store %arg5[%swap3A_881, %swap3A_882], %swap3A_885 {strides = array<i32>} : memref<128x16xf32, #tpu.memory_space<vmem>>, vector<1x16xf32>,
    %broadcast_in_dim3A_886 = arith.constant 1.000000e+00 : f32
    %broadcast_in_dim3A_887 = vector.broadcast %broadcast_in_dim3A_886 : f32 to vector<16xf32>
    %swap3A_888 = arith.constant 95 : i32
    %swap3A_889 = arith.index_cast %swap3A_888 : i32 to index
    %swap3A_890 = arith.constant 0 : index
    %swap3A_891 = tpu.vector_load %arg5[%swap3A_889, %swap3A_890] {strides = array<i32>} : memref<128x16xf32, #tpu.memory_space<vmem>>, vector<1x16xf32>,
    %swap3A_892 = vector.shape_cast %swap3A_891 : vector<1x16xf32> to vector<16xf32>
    %swap3A_893 = vector.shape_cast %broadcast_in_dim3A_887 : vector<16xf32> to vector<1x16xf32>
    tpu.vector_store %arg5[%swap3A_889, %swap3A_890], %swap3A_893 {strides = array<i32>} : memref<128x16xf32, #tpu.memory_space<vmem>>, vector<1x16xf32>,
    %broadcast_in_dim3A_894 = arith.constant 1.000000e+00 : f32
    %broadcast_in_dim3A_895 = vector.broadcast %broadcast_in_dim3A_894 : f32 to vector<16xf32>
    %swap3A_896 = arith.constant 96 : i32
    %swap3A_897 = arith.index_cast %swap3A_896 : i32 to index
    %swap3A_898 = arith.constant 0 : index
    %swap3A_899 = tpu.vector_load %arg5[%swap3A_897, %swap3A_898] {strides = array<i32>} : memref<128x16xf32, #tpu.memory_space<vmem>>, vector<1x16xf32>,
    %swap3A_900 = vector.shape_cast %swap3A_899 : vector<1x16xf32> to vector<16xf32>
    %swap3A_901 = vector.shape_cast %broadcast_in_dim3A_895 : vector<16xf32> to vector<1x16xf32>
    tpu.vector_store %arg5[%swap3A_897, %swap3A_898], %swap3A_901 {strides = array<i32>} : memref<128x16xf32, #tpu.memory_space<vmem>>, vector<1x16xf32>,
    %broadcast_in_dim3A_902 = arith.constant 1.000000e+00 : f32
    %broadcast_in_dim3A_903 = vector.broadcast %broadcast_in_dim3A_902 : f32 to vector<16xf32>
    %swap3A_904 = arith.constant 97 : i32
    %swap3A_905 = arith.index_cast %swap3A_904 : i32 to index
    %swap3A_906 = arith.constant 0 : index
    %swap3A_907 = tpu.vector_load %arg5[%swap3A_905, %swap3A_906] {strides = array<i32>} : memref<128x16xf32, #tpu.memory_space<vmem>>, vector<1x16xf32>,
    %swap3A_908 = vector.shape_cast %swap3A_907 : vector<1x16xf32> to vector<16xf32>
    %swap3A_909 = vector.shape_cast %broadcast_in_dim3A_903 : vector<16xf32> to vector<1x16xf32>
    tpu.vector_store %arg5[%swap3A_905, %swap3A_906], %swap3A_909 {strides = array<i32>} : memref<128x16xf32, #tpu.memory_space<vmem>>, vector<1x16xf32>,
    %broadcast_in_dim3A_910 = arith.constant 1.000000e+00 : f32
    %broadcast_in_dim3A_911 = vector.broadcast %broadcast_in_dim3A_910 : f32 to vector<16xf32>
    %swap3A_912 = arith.constant 98 : i32
    %swap3A_913 = arith.index_cast %swap3A_912 : i32 to index
    %swap3A_914 = arith.constant 0 : index
    %swap3A_915 = tpu.vector_load %arg5[%swap3A_913, %swap3A_914] {strides = array<i32>} : memref<128x16xf32, #tpu.memory_space<vmem>>, vector<1x16xf32>,
    %swap3A_916 = vector.shape_cast %swap3A_915 : vector<1x16xf32> to vector<16xf32>
    %swap3A_917 = vector.shape_cast %broadcast_in_dim3A_911 : vector<16xf32> to vector<1x16xf32>
    tpu.vector_store %arg5[%swap3A_913, %swap3A_914], %swap3A_917 {strides = array<i32>} : memref<128x16xf32, #tpu.memory_space<vmem>>, vector<1x16xf32>,
    %broadcast_in_dim3A_918 = arith.constant 1.000000e+00 : f32
    %broadcast_in_dim3A_919 = vector.broadcast %broadcast_in_dim3A_918 : f32 to vector<16xf32>
    %swap3A_920 = arith.constant 99 : i32
    %swap3A_921 = arith.index_cast %swap3A_920 : i32 to index
    %swap3A_922 = arith.constant 0 : index
    %swap3A_923 = tpu.vector_load %arg5[%swap3A_921, %swap3A_922] {strides = array<i32>} : memref<128x16xf32, #tpu.memory_space<vmem>>, vector<1x16xf32>,
    %swap3A_924 = vector.shape_cast %swap3A_923 : vector<1x16xf32> to vector<16xf32>
    %swap3A_925 = vector.shape_cast %broadcast_in_dim3A_919 : vector<16xf32> to vector<1x16xf32>
    tpu.vector_store %arg5[%swap3A_921, %swap3A_922], %swap3A_925 {strides = array<i32>} : memref<128x16xf32, #tpu.memory_space<vmem>>, vector<1x16xf32>,
    %broadcast_in_dim3A_926 = arith.constant 1.000000e+00 : f32
    %broadcast_in_dim3A_927 = vector.broadcast %broadcast_in_dim3A_926 : f32 to vector<16xf32>
    %swap3A_928 = arith.constant 100 : i32
    %swap3A_929 = arith.index_cast %swap3A_928 : i32 to index
    %swap3A_930 = arith.constant 0 : index
    %swap3A_931 = tpu.vector_load %arg5[%swap3A_929, %swap3A_930] {strides = array<i32>} : memref<128x16xf32, #tpu.memory_space<vmem>>, vector<1x16xf32>,
    %swap3A_932 = vector.shape_cast %swap3A_931 : vector<1x16xf32> to vector<16xf32>
    %swap3A_933 = vector.shape_cast %broadcast_in_dim3A_927 : vector<16xf32> to vector<1x16xf32>
    tpu.vector_store %arg5[%swap3A_929, %swap3A_930], %swap3A_933 {strides = array<i32>} : memref<128x16xf32, #tpu.memory_space<vmem>>, vector<1x16xf32>,
    %broadcast_in_dim3A_934 = arith.constant 1.000000e+00 : f32
    %broadcast_in_dim3A_935 = vector.broadcast %broadcast_in_dim3A_934 : f32 to vector<16xf32>
    %swap3A_936 = arith.constant 101 : i32
    %swap3A_937 = arith.index_cast %swap3A_936 : i32 to index
    %swap3A_938 = arith.constant 0 : index
    %swap3A_939 = tpu.vector_load %arg5[%swap3A_937, %swap3A_938] {strides = array<i32>} : memref<128x16xf32, #tpu.memory_space<vmem>>, vector<1x16xf32>,
    %swap3A_940 = vector.shape_cast %swap3A_939 : vector<1x16xf32> to vector<16xf32>
    %swap3A_941 = vector.shape_cast %broadcast_in_dim3A_935 : vector<16xf32> to vector<1x16xf32>
    tpu.vector_store %arg5[%swap3A_937, %swap3A_938], %swap3A_941 {strides = array<i32>} : memref<128x16xf32, #tpu.memory_space<vmem>>, vector<1x16xf32>,
    %broadcast_in_dim3A_942 = arith.constant 1.000000e+00 : f32
    %broadcast_in_dim3A_943 = vector.broadcast %broadcast_in_dim3A_942 : f32 to vector<16xf32>
    %swap3A_944 = arith.constant 102 : i32
    %swap3A_945 = arith.index_cast %swap3A_944 : i32 to index
    %swap3A_946 = arith.constant 0 : index
    %swap3A_947 = tpu.vector_load %arg5[%swap3A_945, %swap3A_946] {strides = array<i32>} : memref<128x16xf32, #tpu.memory_space<vmem>>, vector<1x16xf32>,
    %swap3A_948 = vector.shape_cast %swap3A_947 : vector<1x16xf32> to vector<16xf32>
    %swap3A_949 = vector.shape_cast %broadcast_in_dim3A_943 : vector<16xf32> to vector<1x16xf32>
    tpu.vector_store %arg5[%swap3A_945, %swap3A_946], %swap3A_949 {strides = array<i32>} : memref<128x16xf32, #tpu.memory_space<vmem>>, vector<1x16xf32>,
    %broadcast_in_dim3A_950 = arith.constant 1.000000e+00 : f32
    %broadcast_in_dim3A_951 = vector.broadcast %broadcast_in_dim3A_950 : f32 to vector<16xf32>
    %swap3A_952 = arith.constant 103 : i32
    %swap3A_953 = arith.index_cast %swap3A_952 : i32 to index
    %swap3A_954 = arith.constant 0 : index
    %swap3A_955 = tpu.vector_load %arg5[%swap3A_953, %swap3A_954] {strides = array<i32>} : memref<128x16xf32, #tpu.memory_space<vmem>>, vector<1x16xf32>,
    %swap3A_956 = vector.shape_cast %swap3A_955 : vector<1x16xf32> to vector<16xf32>
    %swap3A_957 = vector.shape_cast %broadcast_in_dim3A_951 : vector<16xf32> to vector<1x16xf32>
    tpu.vector_store %arg5[%swap3A_953, %swap3A_954], %swap3A_957 {strides = array<i32>} : memref<128x16xf32, #tpu.memory_space<vmem>>, vector<1x16xf32>,
    %broadcast_in_dim3A_958 = arith.constant 1.000000e+00 : f32
    %broadcast_in_dim3A_959 = vector.broadcast %broadcast_in_dim3A_958 : f32 to vector<16xf32>
    %swap3A_960 = arith.constant 104 : i32
    %swap3A_961 = arith.index_cast %swap3A_960 : i32 to index
    %swap3A_962 = arith.constant 0 : index
    %swap3A_963 = tpu.vector_load %arg5[%swap3A_961, %swap3A_962] {strides = array<i32>} : memref<128x16xf32, #tpu.memory_space<vmem>>, vector<1x16xf32>,
    %swap3A_964 = vector.shape_cast %swap3A_963 : vector<1x16xf32> to vector<16xf32>
    %swap3A_965 = vector.shape_cast %broadcast_in_dim3A_959 : vector<16xf32> to vector<1x16xf32>
    tpu.vector_store %arg5[%swap3A_961, %swap3A_962], %swap3A_965 {strides = array<i32>} : memref<128x16xf32, #tpu.memory_space<vmem>>, vector<1x16xf32>,
    %broadcast_in_dim3A_966 = arith.constant 1.000000e+00 : f32
    %broadcast_in_dim3A_967 = vector.broadcast %broadcast_in_dim3A_966 : f32 to vector<16xf32>
    %swap3A_968 = arith.constant 105 : i32
    %swap3A_969 = arith.index_cast %swap3A_968 : i32 to index
    %swap3A_970 = arith.constant 0 : index
    %swap3A_971 = tpu.vector_load %arg5[%swap3A_969, %swap3A_970] {strides = array<i32>} : memref<128x16xf32, #tpu.memory_space<vmem>>, vector<1x16xf32>,
    %swap3A_972 = vector.shape_cast %swap3A_971 : vector<1x16xf32> to vector<16xf32>
    %swap3A_973 = vector.shape_cast %broadcast_in_dim3A_967 : vector<16xf32> to vector<1x16xf32>
    tpu.vector_store %arg5[%swap3A_969, %swap3A_970], %swap3A_973 {strides = array<i32>} : memref<128x16xf32, #tpu.memory_space<vmem>>, vector<1x16xf32>,
    %broadcast_in_dim3A_974 = arith.constant 1.000000e+00 : f32
    %broadcast_in_dim3A_975 = vector.broadcast %broadcast_in_dim3A_974 : f32 to vector<16xf32>
    %swap3A_976 = arith.constant 106 : i32
    %swap3A_977 = arith.index_cast %swap3A_976 : i32 to index
    %swap3A_978 = arith.constant 0 : index
    %swap3A_979 = tpu.vector_load %arg5[%swap3A_977, %swap3A_978] {strides = array<i32>} : memref<128x16xf32, #tpu.memory_space<vmem>>, vector<1x16xf32>,
    %swap3A_980 = vector.shape_cast %swap3A_979 : vector<1x16xf32> to vector<16xf32>
    %swap3A_981 = vector.shape_cast %broadcast_in_dim3A_975 : vector<16xf32> to vector<1x16xf32>
    tpu.vector_store %arg5[%swap3A_977, %swap3A_978], %swap3A_981 {strides = array<i32>} : memref<128x16xf32, #tpu.memory_space<vmem>>, vector<1x16xf32>,
    %broadcast_in_dim3A_982 = arith.constant 1.000000e+00 : f32
    %broadcast_in_dim3A_983 = vector.broadcast %broadcast_in_dim3A_982 : f32 to vector<16xf32>
    %swap3A_984 = arith.constant 107 : i32
    %swap3A_985 = arith.index_cast %swap3A_984 : i32 to index
    %swap3A_986 = arith.constant 0 : index
    %swap3A_987 = tpu.vector_load %arg5[%swap3A_985, %swap3A_986] {strides = array<i32>} : memref<128x16xf32, #tpu.memory_space<vmem>>, vector<1x16xf32>,
    %swap3A_988 = vector.shape_cast %swap3A_987 : vector<1x16xf32> to vector<16xf32>
    %swap3A_989 = vector.shape_cast %broadcast_in_dim3A_983 : vector<16xf32> to vector<1x16xf32>
    tpu.vector_store %arg5[%swap3A_985, %swap3A_986], %swap3A_989 {strides = array<i32>} : memref<128x16xf32, #tpu.memory_space<vmem>>, vector<1x16xf32>,
    %broadcast_in_dim3A_990 = arith.constant 1.000000e+00 : f32
    %broadcast_in_dim3A_991 = vector.broadcast %broadcast_in_dim3A_990 : f32 to vector<16xf32>
    %swap3A_992 = arith.constant 108 : i32
    %swap3A_993 = arith.index_cast %swap3A_992 : i32 to index
    %swap3A_994 = arith.constant 0 : index
    %swap3A_995 = tpu.vector_load %arg5[%swap3A_993, %swap3A_994] {strides = array<i32>} : memref<128x16xf32, #tpu.memory_space<vmem>>, vector<1x16xf32>,
    %swap3A_996 = vector.shape_cast %swap3A_995 : vector<1x16xf32> to vector<16xf32>
    %swap3A_997 = vector.shape_cast %broadcast_in_dim3A_991 : vector<16xf32> to vector<1x16xf32>
    tpu.vector_store %arg5[%swap3A_993, %swap3A_994], %swap3A_997 {strides = array<i32>} : memref<128x16xf32, #tpu.memory_space<vmem>>, vector<1x16xf32>,
    %broadcast_in_dim3A_998 = arith.constant 1.000000e+00 : f32
    %broadcast_in_dim3A_999 = vector.broadcast %broadcast_in_dim3A_998 : f32 to vector<16xf32>
    %swap3A_1000 = arith.constant 109 : i32
    %swap3A_1001 = arith.index_cast %swap3A_1000 : i32 to index
    %swap3A_1002 = arith.constant 0 : index
    %swap3A_1003 = tpu.vector_load %arg5[%swap3A_1001, %swap3A_1002] {strides = array<i32>} : memref<128x16xf32, #tpu.memory_space<vmem>>, vector<1x16xf32>,
    %swap3A_1004 = vector.shape_cast %swap3A_1003 : vector<1x16xf32> to vector<16xf32>
    %swap3A_1005 = vector.shape_cast %broadcast_in_dim3A_999 : vector<16xf32> to vector<1x16xf32>
    tpu.vector_store %arg5[%swap3A_1001, %swap3A_1002], %swap3A_1005 {strides = array<i32>} : memref<128x16xf32, #tpu.memory_space<vmem>>, vector<1x16xf32>,
    %broadcast_in_dim3A_1006 = arith.constant 1.000000e+00 : f32
    %broadcast_in_dim3A_1007 = vector.broadcast %broadcast_in_dim3A_1006 : f32 to vector<16xf32>
    %swap3A_1008 = arith.constant 110 : i32
    %swap3A_1009 = arith.index_cast %swap3A_1008 : i32 to index
    %swap3A_1010 = arith.constant 0 : index
    %swap3A_1011 = tpu.vector_load %arg5[%swap3A_1009, %swap3A_1010] {strides = array<i32>} : memref<128x16xf32, #tpu.memory_space<vmem>>, vector<1x16xf32>,
    %swap3A_1012 = vector.shape_cast %swap3A_1011 : vector<1x16xf32> to vector<16xf32>
    %swap3A_1013 = vector.shape_cast %broadcast_in_dim3A_1007 : vector<16xf32> to vector<1x16xf32>
    tpu.vector_store %arg5[%swap3A_1009, %swap3A_1010], %swap3A_1013 {strides = array<i32>} : memref<128x16xf32, #tpu.memory_space<vmem>>, vector<1x16xf32>,
    %broadcast_in_dim3A_1014 = arith.constant 1.000000e+00 : f32
    %broadcast_in_dim3A_1015 = vector.broadcast %broadcast_in_dim3A_1014 : f32 to vector<16xf32>
    %swap3A_1016 = arith.constant 111 : i32
    %swap3A_1017 = arith.index_cast %swap3A_1016 : i32 to index
    %swap3A_1018 = arith.constant 0 : index
    %swap3A_1019 = tpu.vector_load %arg5[%swap3A_1017, %swap3A_1018] {strides = array<i32>} : memref<128x16xf32, #tpu.memory_space<vmem>>, vector<1x16xf32>,
    %swap3A_1020 = vector.shape_cast %swap3A_1019 : vector<1x16xf32> to vector<16xf32>
    %swap3A_1021 = vector.shape_cast %broadcast_in_dim3A_1015 : vector<16xf32> to vector<1x16xf32>
    tpu.vector_store %arg5[%swap3A_1017, %swap3A_1018], %swap3A_1021 {strides = array<i32>} : memref<128x16xf32, #tpu.memory_space<vmem>>, vector<1x16xf32>,
    %broadcast_in_dim3A_1022 = arith.constant 1.000000e+00 : f32
    %broadcast_in_dim3A_1023 = vector.broadcast %broadcast_in_dim3A_1022 : f32 to vector<16xf32>
    %swap3A_1024 = arith.constant 112 : i32
    %swap3A_1025 = arith.index_cast %swap3A_1024 : i32 to index
    %swap3A_1026 = arith.constant 0 : index
    %swap3A_1027 = tpu.vector_load %arg5[%swap3A_1025, %swap3A_1026] {strides = array<i32>} : memref<128x16xf32, #tpu.memory_space<vmem>>, vector<1x16xf32>,
    %swap3A_1028 = vector.shape_cast %swap3A_1027 : vector<1x16xf32> to vector<16xf32>
    %swap3A_1029 = vector.shape_cast %broadcast_in_dim3A_1023 : vector<16xf32> to vector<1x16xf32>
    tpu.vector_store %arg5[%swap3A_1025, %swap3A_1026], %swap3A_1029 {strides = array<i32>} : memref<128x16xf32, #tpu.memory_space<vmem>>, vector<1x16xf32>,
    %broadcast_in_dim3A_1030 = arith.constant 1.000000e+00 : f32
    %broadcast_in_dim3A_1031 = vector.broadcast %broadcast_in_dim3A_1030 : f32 to vector<16xf32>
    %swap3A_1032 = arith.constant 113 : i32
    %swap3A_1033 = arith.index_cast %swap3A_1032 : i32 to index
    %swap3A_1034 = arith.constant 0 : index
    %swap3A_1035 = tpu.vector_load %arg5[%swap3A_1033, %swap3A_1034] {strides = array<i32>} : memref<128x16xf32, #tpu.memory_space<vmem>>, vector<1x16xf32>,
    %swap3A_1036 = vector.shape_cast %swap3A_1035 : vector<1x16xf32> to vector<16xf32>
    %swap3A_1037 = vector.shape_cast %broadcast_in_dim3A_1031 : vector<16xf32> to vector<1x16xf32>
    tpu.vector_store %arg5[%swap3A_1033, %swap3A_1034], %swap3A_1037 {strides = array<i32>} : memref<128x16xf32, #tpu.memory_space<vmem>>, vector<1x16xf32>,
    %broadcast_in_dim3A_1038 = arith.constant 1.000000e+00 : f32
    %broadcast_in_dim3A_1039 = vector.broadcast %broadcast_in_dim3A_1038 : f32 to vector<16xf32>
    %swap3A_1040 = arith.constant 114 : i32
    %swap3A_1041 = arith.index_cast %swap3A_1040 : i32 to index
    %swap3A_1042 = arith.constant 0 : index
    %swap3A_1043 = tpu.vector_load %arg5[%swap3A_1041, %swap3A_1042] {strides = array<i32>} : memref<128x16xf32, #tpu.memory_space<vmem>>, vector<1x16xf32>,
    %swap3A_1044 = vector.shape_cast %swap3A_1043 : vector<1x16xf32> to vector<16xf32>
    %swap3A_1045 = vector.shape_cast %broadcast_in_dim3A_1039 : vector<16xf32> to vector<1x16xf32>
    tpu.vector_store %arg5[%swap3A_1041, %swap3A_1042], %swap3A_1045 {strides = array<i32>} : memref<128x16xf32, #tpu.memory_space<vmem>>, vector<1x16xf32>,
    %broadcast_in_dim3A_1046 = arith.constant 1.000000e+00 : f32
    %broadcast_in_dim3A_1047 = vector.broadcast %broadcast_in_dim3A_1046 : f32 to vector<16xf32>
    %swap3A_1048 = arith.constant 115 : i32
    %swap3A_1049 = arith.index_cast %swap3A_1048 : i32 to index
    %swap3A_1050 = arith.constant 0 : index
    %swap3A_1051 = tpu.vector_load %arg5[%swap3A_1049, %swap3A_1050] {strides = array<i32>} : memref<128x16xf32, #tpu.memory_space<vmem>>, vector<1x16xf32>,
    %swap3A_1052 = vector.shape_cast %swap3A_1051 : vector<1x16xf32> to vector<16xf32>
    %swap3A_1053 = vector.shape_cast %broadcast_in_dim3A_1047 : vector<16xf32> to vector<1x16xf32>
    tpu.vector_store %arg5[%swap3A_1049, %swap3A_1050], %swap3A_1053 {strides = array<i32>} : memref<128x16xf32, #tpu.memory_space<vmem>>, vector<1x16xf32>,
    %broadcast_in_dim3A_1054 = arith.constant 1.000000e+00 : f32
    %broadcast_in_dim3A_1055 = vector.broadcast %broadcast_in_dim3A_1054 : f32 to vector<16xf32>
    %swap3A_1056 = arith.constant 116 : i32
    %swap3A_1057 = arith.index_cast %swap3A_1056 : i32 to index
    %swap3A_1058 = arith.constant 0 : index
    %swap3A_1059 = tpu.vector_load %arg5[%swap3A_1057, %swap3A_1058] {strides = array<i32>} : memref<128x16xf32, #tpu.memory_space<vmem>>, vector<1x16xf32>,
    %swap3A_1060 = vector.shape_cast %swap3A_1059 : vector<1x16xf32> to vector<16xf32>
    %swap3A_1061 = vector.shape_cast %broadcast_in_dim3A_1055 : vector<16xf32> to vector<1x16xf32>
    tpu.vector_store %arg5[%swap3A_1057, %swap3A_1058], %swap3A_1061 {strides = array<i32>} : memref<128x16xf32, #tpu.memory_space<vmem>>, vector<1x16xf32>,
    %broadcast_in_dim3A_1062 = arith.constant 1.000000e+00 : f32
    %broadcast_in_dim3A_1063 = vector.broadcast %broadcast_in_dim3A_1062 : f32 to vector<16xf32>
    %swap3A_1064 = arith.constant 117 : i32
    %swap3A_1065 = arith.index_cast %swap3A_1064 : i32 to index
    %swap3A_1066 = arith.constant 0 : index
    %swap3A_1067 = tpu.vector_load %arg5[%swap3A_1065, %swap3A_1066] {strides = array<i32>} : memref<128x16xf32, #tpu.memory_space<vmem>>, vector<1x16xf32>,
    %swap3A_1068 = vector.shape_cast %swap3A_1067 : vector<1x16xf32> to vector<16xf32>
    %swap3A_1069 = vector.shape_cast %broadcast_in_dim3A_1063 : vector<16xf32> to vector<1x16xf32>
    tpu.vector_store %arg5[%swap3A_1065, %swap3A_1066], %swap3A_1069 {strides = array<i32>} : memref<128x16xf32, #tpu.memory_space<vmem>>, vector<1x16xf32>,
    %broadcast_in_dim3A_1070 = arith.constant 1.000000e+00 : f32
    %broadcast_in_dim3A_1071 = vector.broadcast %broadcast_in_dim3A_1070 : f32 to vector<16xf32>
    %swap3A_1072 = arith.constant 118 : i32
    %swap3A_1073 = arith.index_cast %swap3A_1072 : i32 to index
    %swap3A_1074 = arith.constant 0 : index
    %swap3A_1075 = tpu.vector_load %arg5[%swap3A_1073, %swap3A_1074] {strides = array<i32>} : memref<128x16xf32, #tpu.memory_space<vmem>>, vector<1x16xf32>,
    %swap3A_1076 = vector.shape_cast %swap3A_1075 : vector<1x16xf32> to vector<16xf32>
    %swap3A_1077 = vector.shape_cast %broadcast_in_dim3A_1071 : vector<16xf32> to vector<1x16xf32>
    tpu.vector_store %arg5[%swap3A_1073, %swap3A_1074], %swap3A_1077 {strides = array<i32>} : memref<128x16xf32, #tpu.memory_space<vmem>>, vector<1x16xf32>,
    %broadcast_in_dim3A_1078 = arith.constant 1.000000e+00 : f32
    %broadcast_in_dim3A_1079 = vector.broadcast %broadcast_in_dim3A_1078 : f32 to vector<16xf32>
    %swap3A_1080 = arith.constant 119 : i32
    %swap3A_1081 = arith.index_cast %swap3A_1080 : i32 to index
    %swap3A_1082 = arith.constant 0 : index
    %swap3A_1083 = tpu.vector_load %arg5[%swap3A_1081, %swap3A_1082] {strides = array<i32>} : memref<128x16xf32, #tpu.memory_space<vmem>>, vector<1x16xf32>,
    %swap3A_1084 = vector.shape_cast %swap3A_1083 : vector<1x16xf32> to vector<16xf32>
    %swap3A_1085 = vector.shape_cast %broadcast_in_dim3A_1079 : vector<16xf32> to vector<1x16xf32>
    tpu.vector_store %arg5[%swap3A_1081, %swap3A_1082], %swap3A_1085 {strides = array<i32>} : memref<128x16xf32, #tpu.memory_space<vmem>>, vector<1x16xf32>,
    %broadcast_in_dim3A_1086 = arith.constant 1.000000e+00 : f32
    %broadcast_in_dim3A_1087 = vector.broadcast %broadcast_in_dim3A_1086 : f32 to vector<16xf32>
    %swap3A_1088 = arith.constant 120 : i32
    %swap3A_1089 = arith.index_cast %swap3A_1088 : i32 to index
    %swap3A_1090 = arith.constant 0 : index
    %swap3A_1091 = tpu.vector_load %arg5[%swap3A_1089, %swap3A_1090] {strides = array<i32>} : memref<128x16xf32, #tpu.memory_space<vmem>>, vector<1x16xf32>,
    %swap3A_1092 = vector.shape_cast %swap3A_1091 : vector<1x16xf32> to vector<16xf32>
    %swap3A_1093 = vector.shape_cast %broadcast_in_dim3A_1087 : vector<16xf32> to vector<1x16xf32>
    tpu.vector_store %arg5[%swap3A_1089, %swap3A_1090], %swap3A_1093 {strides = array<i32>} : memref<128x16xf32, #tpu.memory_space<vmem>>, vector<1x16xf32>,
    %broadcast_in_dim3A_1094 = arith.constant 1.000000e+00 : f32
    %broadcast_in_dim3A_1095 = vector.broadcast %broadcast_in_dim3A_1094 : f32 to vector<16xf32>
    %swap3A_1096 = arith.constant 121 : i32
    %swap3A_1097 = arith.index_cast %swap3A_1096 : i32 to index
    %swap3A_1098 = arith.constant 0 : index
    %swap3A_1099 = tpu.vector_load %arg5[%swap3A_1097, %swap3A_1098] {strides = array<i32>} : memref<128x16xf32, #tpu.memory_space<vmem>>, vector<1x16xf32>,
    %swap3A_1100 = vector.shape_cast %swap3A_1099 : vector<1x16xf32> to vector<16xf32>
    %swap3A_1101 = vector.shape_cast %broadcast_in_dim3A_1095 : vector<16xf32> to vector<1x16xf32>
    tpu.vector_store %arg5[%swap3A_1097, %swap3A_1098], %swap3A_1101 {strides = array<i32>} : memref<128x16xf32, #tpu.memory_space<vmem>>, vector<1x16xf32>,
    %broadcast_in_dim3A_1102 = arith.constant 1.000000e+00 : f32
    %broadcast_in_dim3A_1103 = vector.broadcast %broadcast_in_dim3A_1102 : f32 to vector<16xf32>
    %swap3A_1104 = arith.constant 122 : i32
    %swap3A_1105 = arith.index_cast %swap3A_1104 : i32 to index
    %swap3A_1106 = arith.constant 0 : index
    %swap3A_1107 = tpu.vector_load %arg5[%swap3A_1105, %swap3A_1106] {strides = array<i32>} : memref<128x16xf32, #tpu.memory_space<vmem>>, vector<1x16xf32>,
    %swap3A_1108 = vector.shape_cast %swap3A_1107 : vector<1x16xf32> to vector<16xf32>
    %swap3A_1109 = vector.shape_cast %broadcast_in_dim3A_1103 : vector<16xf32> to vector<1x16xf32>
    tpu.vector_store %arg5[%swap3A_1105, %swap3A_1106], %swap3A_1109 {strides = array<i32>} : memref<128x16xf32, #tpu.memory_space<vmem>>, vector<1x16xf32>,
    %broadcast_in_dim3A_1110 = arith.constant 1.000000e+00 : f32
    %broadcast_in_dim3A_1111 = vector.broadcast %broadcast_in_dim3A_1110 : f32 to vector<16xf32>
    %swap3A_1112 = arith.constant 123 : i32
    %swap3A_1113 = arith.index_cast %swap3A_1112 : i32 to index
    %swap3A_1114 = arith.constant 0 : index
    %swap3A_1115 = tpu.vector_load %arg5[%swap3A_1113, %swap3A_1114] {strides = array<i32>} : memref<128x16xf32, #tpu.memory_space<vmem>>, vector<1x16xf32>,
    %swap3A_1116 = vector.shape_cast %swap3A_1115 : vector<1x16xf32> to vector<16xf32>
    %swap3A_1117 = vector.shape_cast %broadcast_in_dim3A_1111 : vector<16xf32> to vector<1x16xf32>
    tpu.vector_store %arg5[%swap3A_1113, %swap3A_1114], %swap3A_1117 {strides = array<i32>} : memref<128x16xf32, #tpu.memory_space<vmem>>, vector<1x16xf32>,
    %broadcast_in_dim3A_1118 = arith.constant 1.000000e+00 : f32
    %broadcast_in_dim3A_1119 = vector.broadcast %broadcast_in_dim3A_1118 : f32 to vector<16xf32>
    %swap3A_1120 = arith.constant 124 : i32
    %swap3A_1121 = arith.index_cast %swap3A_1120 : i32 to index
    %swap3A_1122 = arith.constant 0 : index
    %swap3A_1123 = tpu.vector_load %arg5[%swap3A_1121, %swap3A_1122] {strides = array<i32>} : memref<128x16xf32, #tpu.memory_space<vmem>>, vector<1x16xf32>,
    %swap3A_1124 = vector.shape_cast %swap3A_1123 : vector<1x16xf32> to vector<16xf32>
    %swap3A_1125 = vector.shape_cast %broadcast_in_dim3A_1119 : vector<16xf32> to vector<1x16xf32>
    tpu.vector_store %arg5[%swap3A_1121, %swap3A_1122], %swap3A_1125 {strides = array<i32>} : memref<128x16xf32, #tpu.memory_space<vmem>>, vector<1x16xf32>,
    %broadcast_in_dim3A_1126 = arith.constant 1.000000e+00 : f32
    %broadcast_in_dim3A_1127 = vector.broadcast %broadcast_in_dim3A_1126 : f32 to vector<16xf32>
    %swap3A_1128 = arith.constant 125 : i32
    %swap3A_1129 = arith.index_cast %swap3A_1128 : i32 to index
    %swap3A_1130 = arith.constant 0 : index
    %swap3A_1131 = tpu.vector_load %arg5[%swap3A_1129, %swap3A_1130] {strides = array<i32>} : memref<128x16xf32, #tpu.memory_space<vmem>>, vector<1x16xf32>,
    %swap3A_1132 = vector.shape_cast %swap3A_1131 : vector<1x16xf32> to vector<16xf32>
    %swap3A_1133 = vector.shape_cast %broadcast_in_dim3A_1127 : vector<16xf32> to vector<1x16xf32>
    tpu.vector_store %arg5[%swap3A_1129, %swap3A_1130], %swap3A_1133 {strides = array<i32>} : memref<128x16xf32, #tpu.memory_space<vmem>>, vector<1x16xf32>,
    %broadcast_in_dim3A_1134 = arith.constant 1.000000e+00 : f32
    %broadcast_in_dim3A_1135 = vector.broadcast %broadcast_in_dim3A_1134 : f32 to vector<16xf32>
    %swap3A_1136 = arith.constant 126 : i32
    %swap3A_1137 = arith.index_cast %swap3A_1136 : i32 to index
    %swap3A_1138 = arith.constant 0 : index
    %swap3A_1139 = tpu.vector_load %arg5[%swap3A_1137, %swap3A_1138] {strides = array<i32>} : memref<128x16xf32, #tpu.memory_space<vmem>>, vector<1x16xf32>,
    %swap3A_1140 = vector.shape_cast %swap3A_1139 : vector<1x16xf32> to vector<16xf32>
    %swap3A_1141 = vector.shape_cast %broadcast_in_dim3A_1135 : vector<16xf32> to vector<1x16xf32>
    tpu.vector_store %arg5[%swap3A_1137, %swap3A_1138], %swap3A_1141 {strides = array<i32>} : memref<128x16xf32, #tpu.memory_space<vmem>>, vector<1x16xf32>,
    %broadcast_in_dim3A_1142 = arith.constant 1.000000e+00 : f32
    %broadcast_in_dim3A_1143 = vector.broadcast %broadcast_in_dim3A_1142 : f32 to vector<16xf32>
    %swap3A_1144 = arith.constant 127 : i32
    %swap3A_1145 = arith.index_cast %swap3A_1144 : i32 to index
    %swap3A_1146 = arith.constant 0 : index
    %swap3A_1147 = tpu.vector_load %arg5[%swap3A_1145, %swap3A_1146] {strides = array<i32>} : memref<128x16xf32, #tpu.memory_space<vmem>>, vector<1x16xf32>,
    %swap3A_1148 = vector.shape_cast %swap3A_1147 : vector<1x16xf32> to vector<16xf32>
    %swap3A_1149 = vector.shape_cast %broadcast_in_dim3A_1143 : vector<16xf32> to vector<1x16xf32>
    tpu.vector_store %arg5[%swap3A_1145, %swap3A_1146], %swap3A_1149 {strides = array<i32>} : memref<128x16xf32, #tpu.memory_space<vmem>>, vector<1x16xf32>,
    %mul3A = arith.constant 640 : i32
    %mul3A_1150 = arith.muli %arg1, %mul3A : i32
    %scan3A = arith.constant 0 : i32
    %scan3A_1151 = arith.constant 40 : i32
    %scan3A_1152 = arith.addi %scan3A, %scan3A_1151 : i32
    %scan3A_1153 = arith.constant 1 : i32
    scf.for %scan3A_1161 = %scan3A to %scan3A_1152 step %scan3A_1153  : i32 {
      %mul3A_1162 = arith.constant 1 : i32
      %mul3A_1163 = arith.muli %scan3A_1161, %mul3A_1162 : i32
      %add3A = arith.constant 0 : i32
      %add3A_1164 = arith.addi %add3A, %mul3A_1163 : i32
      %mul3A_1165 = arith.constant 16 : i32
      %mul3A_1166 = arith.muli %add3A_1164, %mul3A_1165 : i32
      %add3A_1167 = arith.addi %mul3A_1150, %mul3A_1166 : i32
      "tpu.region"() ({
        %run_scoped3A = tpu.sem_alloc : memref<!tpu.dma_semaphore, #tpu.memory_space<semaphore_mem>>
        %dma_start3A = arith.constant 0 : i32
        %dma_start3A_1168 = tpu.memref_slice %arg7[%add3A_1167, %dma_start3A] : memref<10240x16xf32, #tpu.memory_space<vmem_shared>> -> memref<16x16xf32, #tpu.memory_space<vmem_shared>>
        %dma_start3A_1169 = arith.constant 0 : i32
        %dma_start3A_1170 = tpu.memref_slice %arg7[%add3A_1167, %dma_start3A_1169] : memref<10240x16xf32, #tpu.memory_space<vmem_shared>> -> memref<16x16xf32, #tpu.memory_space<vmem_shared>>
        tpu.enqueue_dma source(%arg6 : memref<16x16xf32, #tpu.memory_space<vmem>>) target(%dma_start3A_1170 : memref<16x16xf32, #tpu.memory_space<vmem_shared>>) target_semaphore(%run_scoped3A : memref<!tpu.dma_semaphore, #tpu.memory_space<semaphore_mem>>)
        %dma_wait3A = arith.constant 0 : i32
        %dma_wait3A_1171 = tpu.memref_slice %arg7[%add3A_1167, %dma_wait3A] : memref<10240x16xf32, #tpu.memory_space<vmem_shared>> -> memref<16x16xf32, #tpu.memory_space<vmem_shared>>
        %dma_wait3A_1172 = arith.constant 0 : i32
        %dma_wait3A_1173 = tpu.memref_slice %arg7[%add3A_1167, %dma_wait3A_1172] : memref<10240x16xf32, #tpu.memory_space<vmem_shared>> -> memref<16x16xf32, #tpu.memory_space<vmem_shared>>
        tpu.wait_dma2 semaphore(%run_scoped3A : memref<!tpu.dma_semaphore, #tpu.memory_space<semaphore_mem>>) src(%arg6 : memref<16x16xf32, #tpu.memory_space<vmem>>) dst(%dma_wait3A_1173 : memref<16x16xf32, #tpu.memory_space<vmem_shared>>)
        tpu.yield
      }) : () -> ()
    }
    %scan3A_1154 = arith.constant 40 : i32
    %barrier3A = arith.constant 0 : index
    tpu.barrier barrier_id(%barrier3A)
    %scan3A_1155 = arith.constant 0 : i32
    %scan3A_1156 = arith.constant 160 : i32
    %scan3A_1157 = arith.addi %scan3A_1155, %scan3A_1156 : i32
    %scan3A_1158 = arith.constant 1 : i32
    scf.for %scan3A_1161 = %scan3A_1155 to %scan3A_1157 step %scan3A_1158  : i32 {
      %mul3A_1162 = arith.constant 1 : i32
      %mul3A_1163 = arith.muli %scan3A_1161, %mul3A_1162 : i32
      %add3A = arith.constant 0 : i32
      %add3A_1164 = arith.addi %add3A, %mul3A_1163 : i32
      "tpu.region"() ({
        %run_scoped3A = tpu.sem_alloc : memref<!tpu.dma_semaphore, #tpu.memory_space<semaphore_mem>>
        %dma_start3A = arith.constant 0 : i32
        %dma_start3A_1165 = tpu.memref_slice %arg4[%add3A_1164, %dma_start3A] : memref<160x128xi32, #tpu.memory_space<vmem>> -> memref<1x128xi32, #tpu.memory_space<vmem>>
        %dma_start3A_1166 = tpu.memref_squeeze %dma_start3A_1165 : memref<1x128xi32, #tpu.memory_space<vmem>> -> memref<128xi32, #tpu.memory_space<vmem>>
        %dma_start3A_1167 = arith.constant 0 : i32
        %dma_start3A_1168 = arith.constant 0 : i32
        %dma_start3A_1169 = tpu.memref_slice %arg7[%dma_start3A_1167, %dma_start3A_1168] : memref<10240x16xf32, #tpu.memory_space<vmem_shared>> -> memref<10240x16xf32, #tpu.memory_space<vmem_shared>>
        tpu.enqueue_indirect_dma source(%arg5 : memref<128x16xf32, #tpu.memory_space<vmem>>) target(%dma_start3A_1169 : memref<10240x16xf32, #tpu.memory_space<vmem_shared>>) offsets(%dma_start3A_1166 : memref<128xi32, #tpu.memory_space<vmem>>) semaphore(%run_scoped3A : memref<!tpu.dma_semaphore, #tpu.memory_space<semaphore_mem>>) {add = true}
        %dma_wait3A = arith.constant 0 : i32
        %dma_wait3A_1170 = tpu.memref_slice %arg4[%add3A_1164, %dma_wait3A] : memref<160x128xi32, #tpu.memory_space<vmem>> -> memref<1x128xi32, #tpu.memory_space<vmem>>
        %dma_wait3A_1171 = tpu.memref_squeeze %dma_wait3A_1170 : memref<1x128xi32, #tpu.memory_space<vmem>> -> memref<128xi32, #tpu.memory_space<vmem>>
        %dma_wait3A_1172 = arith.constant 0 : i32
        %dma_wait3A_1173 = arith.constant 0 : i32
        %dma_wait3A_1174 = tpu.memref_slice %arg7[%dma_wait3A_1172, %dma_wait3A_1173] : memref<10240x16xf32, #tpu.memory_space<vmem_shared>> -> memref<10240x16xf32, #tpu.memory_space<vmem_shared>>
        tpu.wait_indirect_dma semaphore(%run_scoped3A : memref<!tpu.dma_semaphore, #tpu.memory_space<semaphore_mem>>) src(%arg5 : memref<128x16xf32, #tpu.memory_space<vmem>>) dst(%dma_wait3A_1174 : memref<10240x16xf32, #tpu.memory_space<vmem_shared>>)
        tpu.yield
      }) : () -> ()
    }
    %scan3A_1159 = arith.constant 160 : i32
    %barrier3A_1160 = arith.constant 0 : index
    tpu.barrier barrier_id(%barrier3A_1160)
    "tpu.region"() ({
      %run_scoped3A = tpu.sem_alloc : memref<!tpu.dma_semaphore, #tpu.memory_space<semaphore_mem>>
      %dma_start3A = arith.constant 0 : i32
      %dma_start3A_1161 = arith.constant 0 : i32
      %dma_start3A_1162 = tpu.memref_slice %arg3[%arg0, %dma_start3A, %dma_start3A_1161] : memref<2x10240x16xf32, #tpu.memory_space<hbm>> -> memref<1x10240x16xf32, #tpu.memory_space<hbm>>
      %dma_start3A_1163 = tpu.memref_squeeze %dma_start3A_1162 : memref<1x10240x16xf32, #tpu.memory_space<hbm>> -> memref<10240x16xf32, #tpu.memory_space<hbm>>
      %dma_start3A_1164 = arith.constant 0 : i32
      %dma_start3A_1165 = tpu.memref_slice %dma_start3A_1163[%mul3A_1150, %dma_start3A_1164] : memref<10240x16xf32, #tpu.memory_space<hbm>> -> memref<640x16xf32, #tpu.memory_space<hbm>>
      %dma_start3A_1166 = arith.constant 0 : i32
      %dma_start3A_1167 = tpu.memref_slice %arg7[%mul3A_1150, %dma_start3A_1166] : memref<10240x16xf32, #tpu.memory_space<vmem_shared>> -> memref<640x16xf32, #tpu.memory_space<vmem_shared>>
      tpu.enqueue_dma source(%dma_start3A_1167 : memref<640x16xf32, #tpu.memory_space<vmem_shared>>) target(%dma_start3A_1165 : memref<640x16xf32, #tpu.memory_space<hbm>>) target_semaphore(%run_scoped3A : memref<!tpu.dma_semaphore, #tpu.memory_space<semaphore_mem>>)
      %dma_wait3A = arith.constant 0 : i32
      %dma_wait3A_1168 = arith.constant 0 : i32
      %dma_wait3A_1169 = tpu.memref_slice %arg3[%arg0, %dma_wait3A, %dma_wait3A_1168] : memref<2x10240x16xf32, #tpu.memory_space<hbm>> -> memref<1x10240x16xf32, #tpu.memory_space<hbm>>
      %dma_wait3A_1170 = tpu.memref_squeeze %dma_wait3A_1169 : memref<1x10240x16xf32, #tpu.memory_space<hbm>> -> memref<10240x16xf32, #tpu.memory_space<hbm>>
      %dma_wait3A_1171 = arith.constant 0 : i32
      %dma_wait3A_1172 = tpu.memref_slice %dma_wait3A_1170[%mul3A_1150, %dma_wait3A_1171] : memref<10240x16xf32, #tpu.memory_space<hbm>> -> memref<640x16xf32, #tpu.memory_space<hbm>>
      %dma_wait3A_1173 = arith.constant 0 : i32
      %dma_wait3A_1174 = tpu.memref_slice %arg7[%mul3A_1150, %dma_wait3A_1173] : memref<10240x16xf32, #tpu.memory_space<vmem_shared>> -> memref<640x16xf32, #tpu.memory_space<vmem_shared>>
      tpu.wait_dma2 semaphore(%run_scoped3A : memref<!tpu.dma_semaphore, #tpu.memory_space<semaphore_mem>>) src(%dma_wait3A_1174 : memref<640x16xf32, #tpu.memory_space<vmem_shared>>) dst(%dma_wait3A_1172 : memref<640x16xf32, #tpu.memory_space<hbm>>)
      tpu.yield
    }) : () -> ()
    return
  }
}

#map = affine_map<(d0, d1) -> (0, 0)>
#map1 = affine_map<(d0, d1) -> (0, 0, 0)>
module attributes {stable_mosaic.version = 14 : i64} {
  func.func @_agg_body(%arg0: i32, %arg1: i32, %arg2: memref<10000x128xf32, #tpu.memory_space<hbm>>, %arg3: memref<16x160x128xi32, #tpu.memory_space<hbm>>, %arg4: memref<16x160x128xi32, #tpu.memory_space<hbm>>, %arg5: memref<2x5120x128xf32, #tpu.memory_space<hbm>>, %arg6: memref<160x128xi32, #tpu.memory_space<vmem>>, %arg7: memref<160x128xi32, #tpu.memory_space<vmem>>, %arg8: memref<128x128xf32, #tpu.memory_space<vmem>>, %arg9: memref<128x128xf32, #tpu.memory_space<vmem>>, %arg10: memref<16x128xf32, #tpu.memory_space<vmem>>, %arg11: memref<5120x128xf32, #tpu.memory_space<vmem_shared>>, %arg12: memref<!tpu.dma_semaphore, #tpu.memory_space<semaphore_mem>>, %arg13: memref<!tpu.dma_semaphore, #tpu.memory_space<semaphore_mem>>) attributes {dimension_semantics = [#tpu.dimension_semantics<core_parallel>, #tpu.dimension_semantics<subcore_parallel>], iteration_bounds = array<i64: 2, 16>, scalar_prefetch = 0 : i64, scratch_operands = 8 : i64, tpu.core_type = #tpu.core_type<sc_vector_subcore>, window_params = [{transform_indices = #map}, {transform_indices = #map1}, {transform_indices = #map1}, {transform_indices = #map1}]} {
    "tpu.region"() ({
      %run_scoped3A = tpu.sem_alloc : memref<!tpu.dma_semaphore, #tpu.memory_space<semaphore_mem>>
      %dma_start3A_1053 = arith.constant 0 : i32
      %dma_start3A_1054 = arith.constant 0 : i32
      %dma_start3A_1055 = tpu.memref_slice %arg3[%arg1, %dma_start3A_1053, %dma_start3A_1054] : memref<16x160x128xi32, #tpu.memory_space<hbm>> -> memref<1x160x128xi32, #tpu.memory_space<hbm>>
      %dma_start3A_1056 = tpu.memref_squeeze %dma_start3A_1055 : memref<1x160x128xi32, #tpu.memory_space<hbm>> -> memref<160x128xi32, #tpu.memory_space<hbm>>
      %dma_start3A_1057 = arith.constant 0 : i32
      %dma_start3A_1058 = arith.constant 0 : i32
      %dma_start3A_1059 = tpu.memref_slice %arg3[%arg1, %dma_start3A_1057, %dma_start3A_1058] : memref<16x160x128xi32, #tpu.memory_space<hbm>> -> memref<1x160x128xi32, #tpu.memory_space<hbm>>
      %dma_start3A_1060 = tpu.memref_squeeze %dma_start3A_1059 : memref<1x160x128xi32, #tpu.memory_space<hbm>> -> memref<160x128xi32, #tpu.memory_space<hbm>>
      tpu.enqueue_dma source(%dma_start3A_1060 : memref<160x128xi32, #tpu.memory_space<hbm>>) target(%arg6 : memref<160x128xi32, #tpu.memory_space<vmem>>) target_semaphore(%run_scoped3A : memref<!tpu.dma_semaphore, #tpu.memory_space<semaphore_mem>>)
      %dma_wait3A = arith.constant 0 : i32
      %dma_wait3A_1061 = arith.constant 0 : i32
      %dma_wait3A_1062 = tpu.memref_slice %arg3[%arg1, %dma_wait3A, %dma_wait3A_1061] : memref<16x160x128xi32, #tpu.memory_space<hbm>> -> memref<1x160x128xi32, #tpu.memory_space<hbm>>
      %dma_wait3A_1063 = tpu.memref_squeeze %dma_wait3A_1062 : memref<1x160x128xi32, #tpu.memory_space<hbm>> -> memref<160x128xi32, #tpu.memory_space<hbm>>
      %dma_wait3A_1064 = arith.constant 0 : i32
      %dma_wait3A_1065 = arith.constant 0 : i32
      %dma_wait3A_1066 = tpu.memref_slice %arg3[%arg1, %dma_wait3A_1064, %dma_wait3A_1065] : memref<16x160x128xi32, #tpu.memory_space<hbm>> -> memref<1x160x128xi32, #tpu.memory_space<hbm>>
      %dma_wait3A_1067 = tpu.memref_squeeze %dma_wait3A_1066 : memref<1x160x128xi32, #tpu.memory_space<hbm>> -> memref<160x128xi32, #tpu.memory_space<hbm>>
      tpu.wait_dma2 semaphore(%run_scoped3A : memref<!tpu.dma_semaphore, #tpu.memory_space<semaphore_mem>>) src(%dma_wait3A_1067 : memref<160x128xi32, #tpu.memory_space<hbm>>) dst(%arg6 : memref<160x128xi32, #tpu.memory_space<vmem>>)
      tpu.yield
    }) : () -> ()
    "tpu.region"() ({
      %run_scoped3A = tpu.sem_alloc : memref<!tpu.dma_semaphore, #tpu.memory_space<semaphore_mem>>
      %dma_start3A_1053 = arith.constant 0 : i32
      %dma_start3A_1054 = arith.constant 0 : i32
      %dma_start3A_1055 = tpu.memref_slice %arg4[%arg1, %dma_start3A_1053, %dma_start3A_1054] : memref<16x160x128xi32, #tpu.memory_space<hbm>> -> memref<1x160x128xi32, #tpu.memory_space<hbm>>
      %dma_start3A_1056 = tpu.memref_squeeze %dma_start3A_1055 : memref<1x160x128xi32, #tpu.memory_space<hbm>> -> memref<160x128xi32, #tpu.memory_space<hbm>>
      %dma_start3A_1057 = arith.constant 0 : i32
      %dma_start3A_1058 = arith.constant 0 : i32
      %dma_start3A_1059 = tpu.memref_slice %arg4[%arg1, %dma_start3A_1057, %dma_start3A_1058] : memref<16x160x128xi32, #tpu.memory_space<hbm>> -> memref<1x160x128xi32, #tpu.memory_space<hbm>>
      %dma_start3A_1060 = tpu.memref_squeeze %dma_start3A_1059 : memref<1x160x128xi32, #tpu.memory_space<hbm>> -> memref<160x128xi32, #tpu.memory_space<hbm>>
      tpu.enqueue_dma source(%dma_start3A_1060 : memref<160x128xi32, #tpu.memory_space<hbm>>) target(%arg7 : memref<160x128xi32, #tpu.memory_space<vmem>>) target_semaphore(%run_scoped3A : memref<!tpu.dma_semaphore, #tpu.memory_space<semaphore_mem>>)
      %dma_wait3A = arith.constant 0 : i32
      %dma_wait3A_1061 = arith.constant 0 : i32
      %dma_wait3A_1062 = tpu.memref_slice %arg4[%arg1, %dma_wait3A, %dma_wait3A_1061] : memref<16x160x128xi32, #tpu.memory_space<hbm>> -> memref<1x160x128xi32, #tpu.memory_space<hbm>>
      %dma_wait3A_1063 = tpu.memref_squeeze %dma_wait3A_1062 : memref<1x160x128xi32, #tpu.memory_space<hbm>> -> memref<160x128xi32, #tpu.memory_space<hbm>>
      %dma_wait3A_1064 = arith.constant 0 : i32
      %dma_wait3A_1065 = arith.constant 0 : i32
      %dma_wait3A_1066 = tpu.memref_slice %arg4[%arg1, %dma_wait3A_1064, %dma_wait3A_1065] : memref<16x160x128xi32, #tpu.memory_space<hbm>> -> memref<1x160x128xi32, #tpu.memory_space<hbm>>
      %dma_wait3A_1067 = tpu.memref_squeeze %dma_wait3A_1066 : memref<1x160x128xi32, #tpu.memory_space<hbm>> -> memref<160x128xi32, #tpu.memory_space<hbm>>
      tpu.wait_dma2 semaphore(%run_scoped3A : memref<!tpu.dma_semaphore, #tpu.memory_space<semaphore_mem>>) src(%dma_wait3A_1067 : memref<160x128xi32, #tpu.memory_space<hbm>>) dst(%arg7 : memref<160x128xi32, #tpu.memory_space<vmem>>)
      tpu.yield
    }) : () -> ()
    %mul3A = arith.constant 5000 : i32
    %mul3A_0 = arith.muli %arg0, %mul3A : i32
    %scan3A = arith.constant 0 : i32
    %scan3A_1 = arith.constant 160 : i32
    %scan3A_2 = arith.addi %scan3A, %scan3A_1 : i32
    %scan3A_3 = arith.constant 1 : i32
    scf.for %scan3A_1053 = %scan3A to %scan3A_2 step %scan3A_3  : i32 {
      %mul3A_1054 = arith.constant 1 : i32
      %mul3A_1055 = arith.muli %scan3A_1053, %mul3A_1054 : i32
      %add3A = arith.constant 0 : i32
      %add3A_1056 = arith.addi %add3A, %mul3A_1055 : i32
      %get3A = arith.index_cast %add3A_1056 : i32 to index
      %get3A_1057 = arith.constant 0 : index
      %get3A_1058 = tpu.vector_load %arg7[%get3A, %get3A_1057] {strides = array<i32>} : memref<160x128xi32, #tpu.memory_space<vmem>>, vector<1x16xi32>,
      %get3A_1059 = vector.shape_cast %get3A_1058 : vector<1x16xi32> to vector<16xi32>
      %sub3A = vector.broadcast %mul3A_0 : i32 to vector<16xi32>
      %sub3A_1060 = arith.subi %get3A_1059, %sub3A : vector<16xi32>
      %ge3A = arith.constant 0 : i32
      %ge3A_1061 = vector.broadcast %ge3A : i32 to vector<16xi32>
      %ge3A_1062 = arith.cmpi sge, %sub3A_1060, %ge3A_1061 : vector<16xi32>
      %lt3A = arith.constant 5000 : i32
      %lt3A_1063 = vector.broadcast %lt3A : i32 to vector<16xi32>
      %lt3A_1064 = arith.cmpi slt, %sub3A_1060, %lt3A_1063 : vector<16xi32>
      %and3A = arith.andi %ge3A_1062, %lt3A_1064 : vector<16xi1>
      %jit3A = arith.constant 5000 : i32
      %broadcast_in_dim3A_1065 = vector.broadcast %jit3A : i32 to vector<16xi32>
      %select_n3A = arith.select %and3A, %sub3A_1060, %broadcast_in_dim3A_1065 : vector<16xi1>, vector<16xi32>
      %swap3A_1066 = arith.index_cast %add3A_1056 : i32 to index
      %swap3A_1067 = arith.constant 0 : index
      %swap3A_1068 = tpu.vector_load %arg7[%swap3A_1066, %swap3A_1067] {strides = array<i32>} : memref<160x128xi32, #tpu.memory_space<vmem>>, vector<1x16xi32>,
      %swap3A_1069 = vector.shape_cast %swap3A_1068 : vector<1x16xi32> to vector<16xi32>
      %swap3A_1070 = vector.shape_cast %select_n3A : vector<16xi32> to vector<1x16xi32>
      tpu.vector_store %arg7[%swap3A_1066, %swap3A_1067], %swap3A_1070 {strides = array<i32>} : memref<160x128xi32, #tpu.memory_space<vmem>>, vector<1x16xi32>,
      %get3A_1071 = arith.index_cast %add3A_1056 : i32 to index
      %get3A_1072 = arith.constant 16 : index
      %get3A_1073 = tpu.vector_load %arg7[%get3A_1071, %get3A_1072] {strides = array<i32>} : memref<160x128xi32, #tpu.memory_space<vmem>>, vector<1x16xi32>,
      %get3A_1074 = vector.shape_cast %get3A_1073 : vector<1x16xi32> to vector<16xi32>
      %sub3A_1075 = vector.broadcast %mul3A_0 : i32 to vector<16xi32>
      %sub3A_1076 = arith.subi %get3A_1074, %sub3A_1075 : vector<16xi32>
      %ge3A_1077 = arith.constant 0 : i32
      %ge3A_1078 = vector.broadcast %ge3A_1077 : i32 to vector<16xi32>
      %ge3A_1079 = arith.cmpi sge, %sub3A_1076, %ge3A_1078 : vector<16xi32>
      %lt3A_1080 = arith.constant 5000 : i32
      %lt3A_1081 = vector.broadcast %lt3A_1080 : i32 to vector<16xi32>
      %lt3A_1082 = arith.cmpi slt, %sub3A_1076, %lt3A_1081 : vector<16xi32>
      %and3A_1083 = arith.andi %ge3A_1079, %lt3A_1082 : vector<16xi1>
      %jit3A_1084 = arith.constant 5000 : i32
      %broadcast_in_dim3A_1085 = vector.broadcast %jit3A_1084 : i32 to vector<16xi32>
      %select_n3A_1086 = arith.select %and3A_1083, %sub3A_1076, %broadcast_in_dim3A_1085 : vector<16xi1>, vector<16xi32>
      %swap3A_1087 = arith.index_cast %add3A_1056 : i32 to index
      %swap3A_1088 = arith.constant 16 : index
      %swap3A_1089 = tpu.vector_load %arg7[%swap3A_1087, %swap3A_1088] {strides = array<i32>} : memref<160x128xi32, #tpu.memory_space<vmem>>, vector<1x16xi32>,
      %swap3A_1090 = vector.shape_cast %swap3A_1089 : vector<1x16xi32> to vector<16xi32>
      %swap3A_1091 = vector.shape_cast %select_n3A_1086 : vector<16xi32> to vector<1x16xi32>
      tpu.vector_store %arg7[%swap3A_1087, %swap3A_1088], %swap3A_1091 {strides = array<i32>} : memref<160x128xi32, #tpu.memory_space<vmem>>, vector<1x16xi32>,
      %get3A_1092 = arith.index_cast %add3A_1056 : i32 to index
      %get3A_1093 = arith.constant 32 : index
      %get3A_1094 = tpu.vector_load %arg7[%get3A_1092, %get3A_1093] {strides = array<i32>} : memref<160x128xi32, #tpu.memory_space<vmem>>, vector<1x16xi32>,
      %get3A_1095 = vector.shape_cast %get3A_1094 : vector<1x16xi32> to vector<16xi32>
      %sub3A_1096 = vector.broadcast %mul3A_0 : i32 to vector<16xi32>
      %sub3A_1097 = arith.subi %get3A_1095, %sub3A_1096 : vector<16xi32>
      %ge3A_1098 = arith.constant 0 : i32
      %ge3A_1099 = vector.broadcast %ge3A_1098 : i32 to vector<16xi32>
      %ge3A_1100 = arith.cmpi sge, %sub3A_1097, %ge3A_1099 : vector<16xi32>
      %lt3A_1101 = arith.constant 5000 : i32
      %lt3A_1102 = vector.broadcast %lt3A_1101 : i32 to vector<16xi32>
      %lt3A_1103 = arith.cmpi slt, %sub3A_1097, %lt3A_1102 : vector<16xi32>
      %and3A_1104 = arith.andi %ge3A_1100, %lt3A_1103 : vector<16xi1>
      %jit3A_1105 = arith.constant 5000 : i32
      %broadcast_in_dim3A_1106 = vector.broadcast %jit3A_1105 : i32 to vector<16xi32>
      %select_n3A_1107 = arith.select %and3A_1104, %sub3A_1097, %broadcast_in_dim3A_1106 : vector<16xi1>, vector<16xi32>
      %swap3A_1108 = arith.index_cast %add3A_1056 : i32 to index
      %swap3A_1109 = arith.constant 32 : index
      %swap3A_1110 = tpu.vector_load %arg7[%swap3A_1108, %swap3A_1109] {strides = array<i32>} : memref<160x128xi32, #tpu.memory_space<vmem>>, vector<1x16xi32>,
      %swap3A_1111 = vector.shape_cast %swap3A_1110 : vector<1x16xi32> to vector<16xi32>
      %swap3A_1112 = vector.shape_cast %select_n3A_1107 : vector<16xi32> to vector<1x16xi32>
      tpu.vector_store %arg7[%swap3A_1108, %swap3A_1109], %swap3A_1112 {strides = array<i32>} : memref<160x128xi32, #tpu.memory_space<vmem>>, vector<1x16xi32>,
      %get3A_1113 = arith.index_cast %add3A_1056 : i32 to index
      %get3A_1114 = arith.constant 48 : index
      %get3A_1115 = tpu.vector_load %arg7[%get3A_1113, %get3A_1114] {strides = array<i32>} : memref<160x128xi32, #tpu.memory_space<vmem>>, vector<1x16xi32>,
      %get3A_1116 = vector.shape_cast %get3A_1115 : vector<1x16xi32> to vector<16xi32>
      %sub3A_1117 = vector.broadcast %mul3A_0 : i32 to vector<16xi32>
      %sub3A_1118 = arith.subi %get3A_1116, %sub3A_1117 : vector<16xi32>
      %ge3A_1119 = arith.constant 0 : i32
      %ge3A_1120 = vector.broadcast %ge3A_1119 : i32 to vector<16xi32>
      %ge3A_1121 = arith.cmpi sge, %sub3A_1118, %ge3A_1120 : vector<16xi32>
      %lt3A_1122 = arith.constant 5000 : i32
      %lt3A_1123 = vector.broadcast %lt3A_1122 : i32 to vector<16xi32>
      %lt3A_1124 = arith.cmpi slt, %sub3A_1118, %lt3A_1123 : vector<16xi32>
      %and3A_1125 = arith.andi %ge3A_1121, %lt3A_1124 : vector<16xi1>
      %jit3A_1126 = arith.constant 5000 : i32
      %broadcast_in_dim3A_1127 = vector.broadcast %jit3A_1126 : i32 to vector<16xi32>
      %select_n3A_1128 = arith.select %and3A_1125, %sub3A_1118, %broadcast_in_dim3A_1127 : vector<16xi1>, vector<16xi32>
      %swap3A_1129 = arith.index_cast %add3A_1056 : i32 to index
      %swap3A_1130 = arith.constant 48 : index
      %swap3A_1131 = tpu.vector_load %arg7[%swap3A_1129, %swap3A_1130] {strides = array<i32>} : memref<160x128xi32, #tpu.memory_space<vmem>>, vector<1x16xi32>,
      %swap3A_1132 = vector.shape_cast %swap3A_1131 : vector<1x16xi32> to vector<16xi32>
      %swap3A_1133 = vector.shape_cast %select_n3A_1128 : vector<16xi32> to vector<1x16xi32>
      tpu.vector_store %arg7[%swap3A_1129, %swap3A_1130], %swap3A_1133 {strides = array<i32>} : memref<160x128xi32, #tpu.memory_space<vmem>>, vector<1x16xi32>,
      %get3A_1134 = arith.index_cast %add3A_1056 : i32 to index
      %get3A_1135 = arith.constant 64 : index
      %get3A_1136 = tpu.vector_load %arg7[%get3A_1134, %get3A_1135] {strides = array<i32>} : memref<160x128xi32, #tpu.memory_space<vmem>>, vector<1x16xi32>,
      %get3A_1137 = vector.shape_cast %get3A_1136 : vector<1x16xi32> to vector<16xi32>
      %sub3A_1138 = vector.broadcast %mul3A_0 : i32 to vector<16xi32>
      %sub3A_1139 = arith.subi %get3A_1137, %sub3A_1138 : vector<16xi32>
      %ge3A_1140 = arith.constant 0 : i32
      %ge3A_1141 = vector.broadcast %ge3A_1140 : i32 to vector<16xi32>
      %ge3A_1142 = arith.cmpi sge, %sub3A_1139, %ge3A_1141 : vector<16xi32>
      %lt3A_1143 = arith.constant 5000 : i32
      %lt3A_1144 = vector.broadcast %lt3A_1143 : i32 to vector<16xi32>
      %lt3A_1145 = arith.cmpi slt, %sub3A_1139, %lt3A_1144 : vector<16xi32>
      %and3A_1146 = arith.andi %ge3A_1142, %lt3A_1145 : vector<16xi1>
      %jit3A_1147 = arith.constant 5000 : i32
      %broadcast_in_dim3A_1148 = vector.broadcast %jit3A_1147 : i32 to vector<16xi32>
      %select_n3A_1149 = arith.select %and3A_1146, %sub3A_1139, %broadcast_in_dim3A_1148 : vector<16xi1>, vector<16xi32>
      %swap3A_1150 = arith.index_cast %add3A_1056 : i32 to index
      %swap3A_1151 = arith.constant 64 : index
      %swap3A_1152 = tpu.vector_load %arg7[%swap3A_1150, %swap3A_1151] {strides = array<i32>} : memref<160x128xi32, #tpu.memory_space<vmem>>, vector<1x16xi32>,
      %swap3A_1153 = vector.shape_cast %swap3A_1152 : vector<1x16xi32> to vector<16xi32>
      %swap3A_1154 = vector.shape_cast %select_n3A_1149 : vector<16xi32> to vector<1x16xi32>
      tpu.vector_store %arg7[%swap3A_1150, %swap3A_1151], %swap3A_1154 {strides = array<i32>} : memref<160x128xi32, #tpu.memory_space<vmem>>, vector<1x16xi32>,
      %get3A_1155 = arith.index_cast %add3A_1056 : i32 to index
      %get3A_1156 = arith.constant 80 : index
      %get3A_1157 = tpu.vector_load %arg7[%get3A_1155, %get3A_1156] {strides = array<i32>} : memref<160x128xi32, #tpu.memory_space<vmem>>, vector<1x16xi32>,
      %get3A_1158 = vector.shape_cast %get3A_1157 : vector<1x16xi32> to vector<16xi32>
      %sub3A_1159 = vector.broadcast %mul3A_0 : i32 to vector<16xi32>
      %sub3A_1160 = arith.subi %get3A_1158, %sub3A_1159 : vector<16xi32>
      %ge3A_1161 = arith.constant 0 : i32
      %ge3A_1162 = vector.broadcast %ge3A_1161 : i32 to vector<16xi32>
      %ge3A_1163 = arith.cmpi sge, %sub3A_1160, %ge3A_1162 : vector<16xi32>
      %lt3A_1164 = arith.constant 5000 : i32
      %lt3A_1165 = vector.broadcast %lt3A_1164 : i32 to vector<16xi32>
      %lt3A_1166 = arith.cmpi slt, %sub3A_1160, %lt3A_1165 : vector<16xi32>
      %and3A_1167 = arith.andi %ge3A_1163, %lt3A_1166 : vector<16xi1>
      %jit3A_1168 = arith.constant 5000 : i32
      %broadcast_in_dim3A_1169 = vector.broadcast %jit3A_1168 : i32 to vector<16xi32>
      %select_n3A_1170 = arith.select %and3A_1167, %sub3A_1160, %broadcast_in_dim3A_1169 : vector<16xi1>, vector<16xi32>
      %swap3A_1171 = arith.index_cast %add3A_1056 : i32 to index
      %swap3A_1172 = arith.constant 80 : index
      %swap3A_1173 = tpu.vector_load %arg7[%swap3A_1171, %swap3A_1172] {strides = array<i32>} : memref<160x128xi32, #tpu.memory_space<vmem>>, vector<1x16xi32>,
      %swap3A_1174 = vector.shape_cast %swap3A_1173 : vector<1x16xi32> to vector<16xi32>
      %swap3A_1175 = vector.shape_cast %select_n3A_1170 : vector<16xi32> to vector<1x16xi32>
      tpu.vector_store %arg7[%swap3A_1171, %swap3A_1172], %swap3A_1175 {strides = array<i32>} : memref<160x128xi32, #tpu.memory_space<vmem>>, vector<1x16xi32>,
      %get3A_1176 = arith.index_cast %add3A_1056 : i32 to index
      %get3A_1177 = arith.constant 96 : index
      %get3A_1178 = tpu.vector_load %arg7[%get3A_1176, %get3A_1177] {strides = array<i32>} : memref<160x128xi32, #tpu.memory_space<vmem>>, vector<1x16xi32>,
      %get3A_1179 = vector.shape_cast %get3A_1178 : vector<1x16xi32> to vector<16xi32>
      %sub3A_1180 = vector.broadcast %mul3A_0 : i32 to vector<16xi32>
      %sub3A_1181 = arith.subi %get3A_1179, %sub3A_1180 : vector<16xi32>
      %ge3A_1182 = arith.constant 0 : i32
      %ge3A_1183 = vector.broadcast %ge3A_1182 : i32 to vector<16xi32>
      %ge3A_1184 = arith.cmpi sge, %sub3A_1181, %ge3A_1183 : vector<16xi32>
      %lt3A_1185 = arith.constant 5000 : i32
      %lt3A_1186 = vector.broadcast %lt3A_1185 : i32 to vector<16xi32>
      %lt3A_1187 = arith.cmpi slt, %sub3A_1181, %lt3A_1186 : vector<16xi32>
      %and3A_1188 = arith.andi %ge3A_1184, %lt3A_1187 : vector<16xi1>
      %jit3A_1189 = arith.constant 5000 : i32
      %broadcast_in_dim3A_1190 = vector.broadcast %jit3A_1189 : i32 to vector<16xi32>
      %select_n3A_1191 = arith.select %and3A_1188, %sub3A_1181, %broadcast_in_dim3A_1190 : vector<16xi1>, vector<16xi32>
      %swap3A_1192 = arith.index_cast %add3A_1056 : i32 to index
      %swap3A_1193 = arith.constant 96 : index
      %swap3A_1194 = tpu.vector_load %arg7[%swap3A_1192, %swap3A_1193] {strides = array<i32>} : memref<160x128xi32, #tpu.memory_space<vmem>>, vector<1x16xi32>,
      %swap3A_1195 = vector.shape_cast %swap3A_1194 : vector<1x16xi32> to vector<16xi32>
      %swap3A_1196 = vector.shape_cast %select_n3A_1191 : vector<16xi32> to vector<1x16xi32>
      tpu.vector_store %arg7[%swap3A_1192, %swap3A_1193], %swap3A_1196 {strides = array<i32>} : memref<160x128xi32, #tpu.memory_space<vmem>>, vector<1x16xi32>,
      %get3A_1197 = arith.index_cast %add3A_1056 : i32 to index
      %get3A_1198 = arith.constant 112 : index
      %get3A_1199 = tpu.vector_load %arg7[%get3A_1197, %get3A_1198] {strides = array<i32>} : memref<160x128xi32, #tpu.memory_space<vmem>>, vector<1x16xi32>,
      %get3A_1200 = vector.shape_cast %get3A_1199 : vector<1x16xi32> to vector<16xi32>
      %sub3A_1201 = vector.broadcast %mul3A_0 : i32 to vector<16xi32>
      %sub3A_1202 = arith.subi %get3A_1200, %sub3A_1201 : vector<16xi32>
      %ge3A_1203 = arith.constant 0 : i32
      %ge3A_1204 = vector.broadcast %ge3A_1203 : i32 to vector<16xi32>
      %ge3A_1205 = arith.cmpi sge, %sub3A_1202, %ge3A_1204 : vector<16xi32>
      %lt3A_1206 = arith.constant 5000 : i32
      %lt3A_1207 = vector.broadcast %lt3A_1206 : i32 to vector<16xi32>
      %lt3A_1208 = arith.cmpi slt, %sub3A_1202, %lt3A_1207 : vector<16xi32>
      %and3A_1209 = arith.andi %ge3A_1205, %lt3A_1208 : vector<16xi1>
      %jit3A_1210 = arith.constant 5000 : i32
      %broadcast_in_dim3A_1211 = vector.broadcast %jit3A_1210 : i32 to vector<16xi32>
      %select_n3A_1212 = arith.select %and3A_1209, %sub3A_1202, %broadcast_in_dim3A_1211 : vector<16xi1>, vector<16xi32>
      %swap3A_1213 = arith.index_cast %add3A_1056 : i32 to index
      %swap3A_1214 = arith.constant 112 : index
      %swap3A_1215 = tpu.vector_load %arg7[%swap3A_1213, %swap3A_1214] {strides = array<i32>} : memref<160x128xi32, #tpu.memory_space<vmem>>, vector<1x16xi32>,
      %swap3A_1216 = vector.shape_cast %swap3A_1215 : vector<1x16xi32> to vector<16xi32>
      %swap3A_1217 = vector.shape_cast %select_n3A_1212 : vector<16xi32> to vector<1x16xi32>
      tpu.vector_store %arg7[%swap3A_1213, %swap3A_1214], %swap3A_1217 {strides = array<i32>} : memref<160x128xi32, #tpu.memory_space<vmem>>, vector<1x16xi32>,
    }
    %scan3A_4 = arith.constant 160 : i32
    %broadcast_in_dim3A = arith.constant 0.000000e+00 : f32
    %broadcast_in_dim3A_5 = vector.broadcast %broadcast_in_dim3A : f32 to vector<16xf32>
    %swap3A = arith.constant 0 : i32
    %swap3A_6 = arith.index_cast %swap3A : i32 to index
    %swap3A_7 = arith.constant 0 : index
    %swap3A_8 = tpu.vector_load %arg10[%swap3A_6, %swap3A_7] {strides = array<i32>} : memref<16x128xf32, #tpu.memory_space<vmem>>, vector<1x16xf32>,
    %swap3A_9 = vector.shape_cast %swap3A_8 : vector<1x16xf32> to vector<16xf32>
    %swap3A_10 = vector.shape_cast %broadcast_in_dim3A_5 : vector<16xf32> to vector<1x16xf32>
    tpu.vector_store %arg10[%swap3A_6, %swap3A_7], %swap3A_10 {strides = array<i32>} : memref<16x128xf32, #tpu.memory_space<vmem>>, vector<1x16xf32>,
    %broadcast_in_dim3A_11 = arith.constant 0.000000e+00 : f32
    %broadcast_in_dim3A_12 = vector.broadcast %broadcast_in_dim3A_11 : f32 to vector<16xf32>
    %swap3A_13 = arith.constant 0 : i32
    %swap3A_14 = arith.index_cast %swap3A_13 : i32 to index
    %swap3A_15 = arith.constant 16 : index
    %swap3A_16 = tpu.vector_load %arg10[%swap3A_14, %swap3A_15] {strides = array<i32>} : memref<16x128xf32, #tpu.memory_space<vmem>>, vector<1x16xf32>,
    %swap3A_17 = vector.shape_cast %swap3A_16 : vector<1x16xf32> to vector<16xf32>
    %swap3A_18 = vector.shape_cast %broadcast_in_dim3A_12 : vector<16xf32> to vector<1x16xf32>
    tpu.vector_store %arg10[%swap3A_14, %swap3A_15], %swap3A_18 {strides = array<i32>} : memref<16x128xf32, #tpu.memory_space<vmem>>, vector<1x16xf32>,
    %broadcast_in_dim3A_19 = arith.constant 0.000000e+00 : f32
    %broadcast_in_dim3A_20 = vector.broadcast %broadcast_in_dim3A_19 : f32 to vector<16xf32>
    %swap3A_21 = arith.constant 0 : i32
    %swap3A_22 = arith.index_cast %swap3A_21 : i32 to index
    %swap3A_23 = arith.constant 32 : index
    %swap3A_24 = tpu.vector_load %arg10[%swap3A_22, %swap3A_23] {strides = array<i32>} : memref<16x128xf32, #tpu.memory_space<vmem>>, vector<1x16xf32>,
    %swap3A_25 = vector.shape_cast %swap3A_24 : vector<1x16xf32> to vector<16xf32>
    %swap3A_26 = vector.shape_cast %broadcast_in_dim3A_20 : vector<16xf32> to vector<1x16xf32>
    tpu.vector_store %arg10[%swap3A_22, %swap3A_23], %swap3A_26 {strides = array<i32>} : memref<16x128xf32, #tpu.memory_space<vmem>>, vector<1x16xf32>,
    %broadcast_in_dim3A_27 = arith.constant 0.000000e+00 : f32
    %broadcast_in_dim3A_28 = vector.broadcast %broadcast_in_dim3A_27 : f32 to vector<16xf32>
    %swap3A_29 = arith.constant 0 : i32
    %swap3A_30 = arith.index_cast %swap3A_29 : i32 to index
    %swap3A_31 = arith.constant 48 : index
    %swap3A_32 = tpu.vector_load %arg10[%swap3A_30, %swap3A_31] {strides = array<i32>} : memref<16x128xf32, #tpu.memory_space<vmem>>, vector<1x16xf32>,
    %swap3A_33 = vector.shape_cast %swap3A_32 : vector<1x16xf32> to vector<16xf32>
    %swap3A_34 = vector.shape_cast %broadcast_in_dim3A_28 : vector<16xf32> to vector<1x16xf32>
    tpu.vector_store %arg10[%swap3A_30, %swap3A_31], %swap3A_34 {strides = array<i32>} : memref<16x128xf32, #tpu.memory_space<vmem>>, vector<1x16xf32>,
    %broadcast_in_dim3A_35 = arith.constant 0.000000e+00 : f32
    %broadcast_in_dim3A_36 = vector.broadcast %broadcast_in_dim3A_35 : f32 to vector<16xf32>
    %swap3A_37 = arith.constant 0 : i32
    %swap3A_38 = arith.index_cast %swap3A_37 : i32 to index
    %swap3A_39 = arith.constant 64 : index
    %swap3A_40 = tpu.vector_load %arg10[%swap3A_38, %swap3A_39] {strides = array<i32>} : memref<16x128xf32, #tpu.memory_space<vmem>>, vector<1x16xf32>,
    %swap3A_41 = vector.shape_cast %swap3A_40 : vector<1x16xf32> to vector<16xf32>
    %swap3A_42 = vector.shape_cast %broadcast_in_dim3A_36 : vector<16xf32> to vector<1x16xf32>
    tpu.vector_store %arg10[%swap3A_38, %swap3A_39], %swap3A_42 {strides = array<i32>} : memref<16x128xf32, #tpu.memory_space<vmem>>, vector<1x16xf32>,
    %broadcast_in_dim3A_43 = arith.constant 0.000000e+00 : f32
    %broadcast_in_dim3A_44 = vector.broadcast %broadcast_in_dim3A_43 : f32 to vector<16xf32>
    %swap3A_45 = arith.constant 0 : i32
    %swap3A_46 = arith.index_cast %swap3A_45 : i32 to index
    %swap3A_47 = arith.constant 80 : index
    %swap3A_48 = tpu.vector_load %arg10[%swap3A_46, %swap3A_47] {strides = array<i32>} : memref<16x128xf32, #tpu.memory_space<vmem>>, vector<1x16xf32>,
    %swap3A_49 = vector.shape_cast %swap3A_48 : vector<1x16xf32> to vector<16xf32>
    %swap3A_50 = vector.shape_cast %broadcast_in_dim3A_44 : vector<16xf32> to vector<1x16xf32>
    tpu.vector_store %arg10[%swap3A_46, %swap3A_47], %swap3A_50 {strides = array<i32>} : memref<16x128xf32, #tpu.memory_space<vmem>>, vector<1x16xf32>,
    %broadcast_in_dim3A_51 = arith.constant 0.000000e+00 : f32
    %broadcast_in_dim3A_52 = vector.broadcast %broadcast_in_dim3A_51 : f32 to vector<16xf32>
    %swap3A_53 = arith.constant 0 : i32
    %swap3A_54 = arith.index_cast %swap3A_53 : i32 to index
    %swap3A_55 = arith.constant 96 : index
    %swap3A_56 = tpu.vector_load %arg10[%swap3A_54, %swap3A_55] {strides = array<i32>} : memref<16x128xf32, #tpu.memory_space<vmem>>, vector<1x16xf32>,
    %swap3A_57 = vector.shape_cast %swap3A_56 : vector<1x16xf32> to vector<16xf32>
    %swap3A_58 = vector.shape_cast %broadcast_in_dim3A_52 : vector<16xf32> to vector<1x16xf32>
    tpu.vector_store %arg10[%swap3A_54, %swap3A_55], %swap3A_58 {strides = array<i32>} : memref<16x128xf32, #tpu.memory_space<vmem>>, vector<1x16xf32>,
    %broadcast_in_dim3A_59 = arith.constant 0.000000e+00 : f32
    %broadcast_in_dim3A_60 = vector.broadcast %broadcast_in_dim3A_59 : f32 to vector<16xf32>
    %swap3A_61 = arith.constant 0 : i32
    %swap3A_62 = arith.index_cast %swap3A_61 : i32 to index
    %swap3A_63 = arith.constant 112 : index
    %swap3A_64 = tpu.vector_load %arg10[%swap3A_62, %swap3A_63] {strides = array<i32>} : memref<16x128xf32, #tpu.memory_space<vmem>>, vector<1x16xf32>,
    %swap3A_65 = vector.shape_cast %swap3A_64 : vector<1x16xf32> to vector<16xf32>
    %swap3A_66 = vector.shape_cast %broadcast_in_dim3A_60 : vector<16xf32> to vector<1x16xf32>
    tpu.vector_store %arg10[%swap3A_62, %swap3A_63], %swap3A_66 {strides = array<i32>} : memref<16x128xf32, #tpu.memory_space<vmem>>, vector<1x16xf32>,
    %broadcast_in_dim3A_67 = arith.constant 0.000000e+00 : f32
    %broadcast_in_dim3A_68 = vector.broadcast %broadcast_in_dim3A_67 : f32 to vector<16xf32>
    %swap3A_69 = arith.constant 1 : i32
    %swap3A_70 = arith.index_cast %swap3A_69 : i32 to index
    %swap3A_71 = arith.constant 0 : index
    %swap3A_72 = tpu.vector_load %arg10[%swap3A_70, %swap3A_71] {strides = array<i32>} : memref<16x128xf32, #tpu.memory_space<vmem>>, vector<1x16xf32>,
    %swap3A_73 = vector.shape_cast %swap3A_72 : vector<1x16xf32> to vector<16xf32>
    %swap3A_74 = vector.shape_cast %broadcast_in_dim3A_68 : vector<16xf32> to vector<1x16xf32>
    tpu.vector_store %arg10[%swap3A_70, %swap3A_71], %swap3A_74 {strides = array<i32>} : memref<16x128xf32, #tpu.memory_space<vmem>>, vector<1x16xf32>,
    %broadcast_in_dim3A_75 = arith.constant 0.000000e+00 : f32
    %broadcast_in_dim3A_76 = vector.broadcast %broadcast_in_dim3A_75 : f32 to vector<16xf32>
    %swap3A_77 = arith.constant 1 : i32
    %swap3A_78 = arith.index_cast %swap3A_77 : i32 to index
    %swap3A_79 = arith.constant 16 : index
    %swap3A_80 = tpu.vector_load %arg10[%swap3A_78, %swap3A_79] {strides = array<i32>} : memref<16x128xf32, #tpu.memory_space<vmem>>, vector<1x16xf32>,
    %swap3A_81 = vector.shape_cast %swap3A_80 : vector<1x16xf32> to vector<16xf32>
    %swap3A_82 = vector.shape_cast %broadcast_in_dim3A_76 : vector<16xf32> to vector<1x16xf32>
    tpu.vector_store %arg10[%swap3A_78, %swap3A_79], %swap3A_82 {strides = array<i32>} : memref<16x128xf32, #tpu.memory_space<vmem>>, vector<1x16xf32>,
    %broadcast_in_dim3A_83 = arith.constant 0.000000e+00 : f32
    %broadcast_in_dim3A_84 = vector.broadcast %broadcast_in_dim3A_83 : f32 to vector<16xf32>
    %swap3A_85 = arith.constant 1 : i32
    %swap3A_86 = arith.index_cast %swap3A_85 : i32 to index
    %swap3A_87 = arith.constant 32 : index
    %swap3A_88 = tpu.vector_load %arg10[%swap3A_86, %swap3A_87] {strides = array<i32>} : memref<16x128xf32, #tpu.memory_space<vmem>>, vector<1x16xf32>,
    %swap3A_89 = vector.shape_cast %swap3A_88 : vector<1x16xf32> to vector<16xf32>
    %swap3A_90 = vector.shape_cast %broadcast_in_dim3A_84 : vector<16xf32> to vector<1x16xf32>
    tpu.vector_store %arg10[%swap3A_86, %swap3A_87], %swap3A_90 {strides = array<i32>} : memref<16x128xf32, #tpu.memory_space<vmem>>, vector<1x16xf32>,
    %broadcast_in_dim3A_91 = arith.constant 0.000000e+00 : f32
    %broadcast_in_dim3A_92 = vector.broadcast %broadcast_in_dim3A_91 : f32 to vector<16xf32>
    %swap3A_93 = arith.constant 1 : i32
    %swap3A_94 = arith.index_cast %swap3A_93 : i32 to index
    %swap3A_95 = arith.constant 48 : index
    %swap3A_96 = tpu.vector_load %arg10[%swap3A_94, %swap3A_95] {strides = array<i32>} : memref<16x128xf32, #tpu.memory_space<vmem>>, vector<1x16xf32>,
    %swap3A_97 = vector.shape_cast %swap3A_96 : vector<1x16xf32> to vector<16xf32>
    %swap3A_98 = vector.shape_cast %broadcast_in_dim3A_92 : vector<16xf32> to vector<1x16xf32>
    tpu.vector_store %arg10[%swap3A_94, %swap3A_95], %swap3A_98 {strides = array<i32>} : memref<16x128xf32, #tpu.memory_space<vmem>>, vector<1x16xf32>,
    %broadcast_in_dim3A_99 = arith.constant 0.000000e+00 : f32
    %broadcast_in_dim3A_100 = vector.broadcast %broadcast_in_dim3A_99 : f32 to vector<16xf32>
    %swap3A_101 = arith.constant 1 : i32
    %swap3A_102 = arith.index_cast %swap3A_101 : i32 to index
    %swap3A_103 = arith.constant 64 : index
    %swap3A_104 = tpu.vector_load %arg10[%swap3A_102, %swap3A_103] {strides = array<i32>} : memref<16x128xf32, #tpu.memory_space<vmem>>, vector<1x16xf32>,
    %swap3A_105 = vector.shape_cast %swap3A_104 : vector<1x16xf32> to vector<16xf32>
    %swap3A_106 = vector.shape_cast %broadcast_in_dim3A_100 : vector<16xf32> to vector<1x16xf32>
    tpu.vector_store %arg10[%swap3A_102, %swap3A_103], %swap3A_106 {strides = array<i32>} : memref<16x128xf32, #tpu.memory_space<vmem>>, vector<1x16xf32>,
    %broadcast_in_dim3A_107 = arith.constant 0.000000e+00 : f32
    %broadcast_in_dim3A_108 = vector.broadcast %broadcast_in_dim3A_107 : f32 to vector<16xf32>
    %swap3A_109 = arith.constant 1 : i32
    %swap3A_110 = arith.index_cast %swap3A_109 : i32 to index
    %swap3A_111 = arith.constant 80 : index
    %swap3A_112 = tpu.vector_load %arg10[%swap3A_110, %swap3A_111] {strides = array<i32>} : memref<16x128xf32, #tpu.memory_space<vmem>>, vector<1x16xf32>,
    %swap3A_113 = vector.shape_cast %swap3A_112 : vector<1x16xf32> to vector<16xf32>
    %swap3A_114 = vector.shape_cast %broadcast_in_dim3A_108 : vector<16xf32> to vector<1x16xf32>
    tpu.vector_store %arg10[%swap3A_110, %swap3A_111], %swap3A_114 {strides = array<i32>} : memref<16x128xf32, #tpu.memory_space<vmem>>, vector<1x16xf32>,
    %broadcast_in_dim3A_115 = arith.constant 0.000000e+00 : f32
    %broadcast_in_dim3A_116 = vector.broadcast %broadcast_in_dim3A_115 : f32 to vector<16xf32>
    %swap3A_117 = arith.constant 1 : i32
    %swap3A_118 = arith.index_cast %swap3A_117 : i32 to index
    %swap3A_119 = arith.constant 96 : index
    %swap3A_120 = tpu.vector_load %arg10[%swap3A_118, %swap3A_119] {strides = array<i32>} : memref<16x128xf32, #tpu.memory_space<vmem>>, vector<1x16xf32>,
    %swap3A_121 = vector.shape_cast %swap3A_120 : vector<1x16xf32> to vector<16xf32>
    %swap3A_122 = vector.shape_cast %broadcast_in_dim3A_116 : vector<16xf32> to vector<1x16xf32>
    tpu.vector_store %arg10[%swap3A_118, %swap3A_119], %swap3A_122 {strides = array<i32>} : memref<16x128xf32, #tpu.memory_space<vmem>>, vector<1x16xf32>,
    %broadcast_in_dim3A_123 = arith.constant 0.000000e+00 : f32
    %broadcast_in_dim3A_124 = vector.broadcast %broadcast_in_dim3A_123 : f32 to vector<16xf32>
    %swap3A_125 = arith.constant 1 : i32
    %swap3A_126 = arith.index_cast %swap3A_125 : i32 to index
    %swap3A_127 = arith.constant 112 : index
    %swap3A_128 = tpu.vector_load %arg10[%swap3A_126, %swap3A_127] {strides = array<i32>} : memref<16x128xf32, #tpu.memory_space<vmem>>, vector<1x16xf32>,
    %swap3A_129 = vector.shape_cast %swap3A_128 : vector<1x16xf32> to vector<16xf32>
    %swap3A_130 = vector.shape_cast %broadcast_in_dim3A_124 : vector<16xf32> to vector<1x16xf32>
    tpu.vector_store %arg10[%swap3A_126, %swap3A_127], %swap3A_130 {strides = array<i32>} : memref<16x128xf32, #tpu.memory_space<vmem>>, vector<1x16xf32>,
    %broadcast_in_dim3A_131 = arith.constant 0.000000e+00 : f32
    %broadcast_in_dim3A_132 = vector.broadcast %broadcast_in_dim3A_131 : f32 to vector<16xf32>
    %swap3A_133 = arith.constant 2 : i32
    %swap3A_134 = arith.index_cast %swap3A_133 : i32 to index
    %swap3A_135 = arith.constant 0 : index
    %swap3A_136 = tpu.vector_load %arg10[%swap3A_134, %swap3A_135] {strides = array<i32>} : memref<16x128xf32, #tpu.memory_space<vmem>>, vector<1x16xf32>,
    %swap3A_137 = vector.shape_cast %swap3A_136 : vector<1x16xf32> to vector<16xf32>
    %swap3A_138 = vector.shape_cast %broadcast_in_dim3A_132 : vector<16xf32> to vector<1x16xf32>
    tpu.vector_store %arg10[%swap3A_134, %swap3A_135], %swap3A_138 {strides = array<i32>} : memref<16x128xf32, #tpu.memory_space<vmem>>, vector<1x16xf32>,
    %broadcast_in_dim3A_139 = arith.constant 0.000000e+00 : f32
    %broadcast_in_dim3A_140 = vector.broadcast %broadcast_in_dim3A_139 : f32 to vector<16xf32>
    %swap3A_141 = arith.constant 2 : i32
    %swap3A_142 = arith.index_cast %swap3A_141 : i32 to index
    %swap3A_143 = arith.constant 16 : index
    %swap3A_144 = tpu.vector_load %arg10[%swap3A_142, %swap3A_143] {strides = array<i32>} : memref<16x128xf32, #tpu.memory_space<vmem>>, vector<1x16xf32>,
    %swap3A_145 = vector.shape_cast %swap3A_144 : vector<1x16xf32> to vector<16xf32>
    %swap3A_146 = vector.shape_cast %broadcast_in_dim3A_140 : vector<16xf32> to vector<1x16xf32>
    tpu.vector_store %arg10[%swap3A_142, %swap3A_143], %swap3A_146 {strides = array<i32>} : memref<16x128xf32, #tpu.memory_space<vmem>>, vector<1x16xf32>,
    %broadcast_in_dim3A_147 = arith.constant 0.000000e+00 : f32
    %broadcast_in_dim3A_148 = vector.broadcast %broadcast_in_dim3A_147 : f32 to vector<16xf32>
    %swap3A_149 = arith.constant 2 : i32
    %swap3A_150 = arith.index_cast %swap3A_149 : i32 to index
    %swap3A_151 = arith.constant 32 : index
    %swap3A_152 = tpu.vector_load %arg10[%swap3A_150, %swap3A_151] {strides = array<i32>} : memref<16x128xf32, #tpu.memory_space<vmem>>, vector<1x16xf32>,
    %swap3A_153 = vector.shape_cast %swap3A_152 : vector<1x16xf32> to vector<16xf32>
    %swap3A_154 = vector.shape_cast %broadcast_in_dim3A_148 : vector<16xf32> to vector<1x16xf32>
    tpu.vector_store %arg10[%swap3A_150, %swap3A_151], %swap3A_154 {strides = array<i32>} : memref<16x128xf32, #tpu.memory_space<vmem>>, vector<1x16xf32>,
    %broadcast_in_dim3A_155 = arith.constant 0.000000e+00 : f32
    %broadcast_in_dim3A_156 = vector.broadcast %broadcast_in_dim3A_155 : f32 to vector<16xf32>
    %swap3A_157 = arith.constant 2 : i32
    %swap3A_158 = arith.index_cast %swap3A_157 : i32 to index
    %swap3A_159 = arith.constant 48 : index
    %swap3A_160 = tpu.vector_load %arg10[%swap3A_158, %swap3A_159] {strides = array<i32>} : memref<16x128xf32, #tpu.memory_space<vmem>>, vector<1x16xf32>,
    %swap3A_161 = vector.shape_cast %swap3A_160 : vector<1x16xf32> to vector<16xf32>
    %swap3A_162 = vector.shape_cast %broadcast_in_dim3A_156 : vector<16xf32> to vector<1x16xf32>
    tpu.vector_store %arg10[%swap3A_158, %swap3A_159], %swap3A_162 {strides = array<i32>} : memref<16x128xf32, #tpu.memory_space<vmem>>, vector<1x16xf32>,
    %broadcast_in_dim3A_163 = arith.constant 0.000000e+00 : f32
    %broadcast_in_dim3A_164 = vector.broadcast %broadcast_in_dim3A_163 : f32 to vector<16xf32>
    %swap3A_165 = arith.constant 2 : i32
    %swap3A_166 = arith.index_cast %swap3A_165 : i32 to index
    %swap3A_167 = arith.constant 64 : index
    %swap3A_168 = tpu.vector_load %arg10[%swap3A_166, %swap3A_167] {strides = array<i32>} : memref<16x128xf32, #tpu.memory_space<vmem>>, vector<1x16xf32>,
    %swap3A_169 = vector.shape_cast %swap3A_168 : vector<1x16xf32> to vector<16xf32>
    %swap3A_170 = vector.shape_cast %broadcast_in_dim3A_164 : vector<16xf32> to vector<1x16xf32>
    tpu.vector_store %arg10[%swap3A_166, %swap3A_167], %swap3A_170 {strides = array<i32>} : memref<16x128xf32, #tpu.memory_space<vmem>>, vector<1x16xf32>,
    %broadcast_in_dim3A_171 = arith.constant 0.000000e+00 : f32
    %broadcast_in_dim3A_172 = vector.broadcast %broadcast_in_dim3A_171 : f32 to vector<16xf32>
    %swap3A_173 = arith.constant 2 : i32
    %swap3A_174 = arith.index_cast %swap3A_173 : i32 to index
    %swap3A_175 = arith.constant 80 : index
    %swap3A_176 = tpu.vector_load %arg10[%swap3A_174, %swap3A_175] {strides = array<i32>} : memref<16x128xf32, #tpu.memory_space<vmem>>, vector<1x16xf32>,
    %swap3A_177 = vector.shape_cast %swap3A_176 : vector<1x16xf32> to vector<16xf32>
    %swap3A_178 = vector.shape_cast %broadcast_in_dim3A_172 : vector<16xf32> to vector<1x16xf32>
    tpu.vector_store %arg10[%swap3A_174, %swap3A_175], %swap3A_178 {strides = array<i32>} : memref<16x128xf32, #tpu.memory_space<vmem>>, vector<1x16xf32>,
    %broadcast_in_dim3A_179 = arith.constant 0.000000e+00 : f32
    %broadcast_in_dim3A_180 = vector.broadcast %broadcast_in_dim3A_179 : f32 to vector<16xf32>
    %swap3A_181 = arith.constant 2 : i32
    %swap3A_182 = arith.index_cast %swap3A_181 : i32 to index
    %swap3A_183 = arith.constant 96 : index
    %swap3A_184 = tpu.vector_load %arg10[%swap3A_182, %swap3A_183] {strides = array<i32>} : memref<16x128xf32, #tpu.memory_space<vmem>>, vector<1x16xf32>,
    %swap3A_185 = vector.shape_cast %swap3A_184 : vector<1x16xf32> to vector<16xf32>
    %swap3A_186 = vector.shape_cast %broadcast_in_dim3A_180 : vector<16xf32> to vector<1x16xf32>
    tpu.vector_store %arg10[%swap3A_182, %swap3A_183], %swap3A_186 {strides = array<i32>} : memref<16x128xf32, #tpu.memory_space<vmem>>, vector<1x16xf32>,
    %broadcast_in_dim3A_187 = arith.constant 0.000000e+00 : f32
    %broadcast_in_dim3A_188 = vector.broadcast %broadcast_in_dim3A_187 : f32 to vector<16xf32>
    %swap3A_189 = arith.constant 2 : i32
    %swap3A_190 = arith.index_cast %swap3A_189 : i32 to index
    %swap3A_191 = arith.constant 112 : index
    %swap3A_192 = tpu.vector_load %arg10[%swap3A_190, %swap3A_191] {strides = array<i32>} : memref<16x128xf32, #tpu.memory_space<vmem>>, vector<1x16xf32>,
    %swap3A_193 = vector.shape_cast %swap3A_192 : vector<1x16xf32> to vector<16xf32>
    %swap3A_194 = vector.shape_cast %broadcast_in_dim3A_188 : vector<16xf32> to vector<1x16xf32>
    tpu.vector_store %arg10[%swap3A_190, %swap3A_191], %swap3A_194 {strides = array<i32>} : memref<16x128xf32, #tpu.memory_space<vmem>>, vector<1x16xf32>,
    %broadcast_in_dim3A_195 = arith.constant 0.000000e+00 : f32
    %broadcast_in_dim3A_196 = vector.broadcast %broadcast_in_dim3A_195 : f32 to vector<16xf32>
    %swap3A_197 = arith.constant 3 : i32
    %swap3A_198 = arith.index_cast %swap3A_197 : i32 to index
    %swap3A_199 = arith.constant 0 : index
    %swap3A_200 = tpu.vector_load %arg10[%swap3A_198, %swap3A_199] {strides = array<i32>} : memref<16x128xf32, #tpu.memory_space<vmem>>, vector<1x16xf32>,
    %swap3A_201 = vector.shape_cast %swap3A_200 : vector<1x16xf32> to vector<16xf32>
    %swap3A_202 = vector.shape_cast %broadcast_in_dim3A_196 : vector<16xf32> to vector<1x16xf32>
    tpu.vector_store %arg10[%swap3A_198, %swap3A_199], %swap3A_202 {strides = array<i32>} : memref<16x128xf32, #tpu.memory_space<vmem>>, vector<1x16xf32>,
    %broadcast_in_dim3A_203 = arith.constant 0.000000e+00 : f32
    %broadcast_in_dim3A_204 = vector.broadcast %broadcast_in_dim3A_203 : f32 to vector<16xf32>
    %swap3A_205 = arith.constant 3 : i32
    %swap3A_206 = arith.index_cast %swap3A_205 : i32 to index
    %swap3A_207 = arith.constant 16 : index
    %swap3A_208 = tpu.vector_load %arg10[%swap3A_206, %swap3A_207] {strides = array<i32>} : memref<16x128xf32, #tpu.memory_space<vmem>>, vector<1x16xf32>,
    %swap3A_209 = vector.shape_cast %swap3A_208 : vector<1x16xf32> to vector<16xf32>
    %swap3A_210 = vector.shape_cast %broadcast_in_dim3A_204 : vector<16xf32> to vector<1x16xf32>
    tpu.vector_store %arg10[%swap3A_206, %swap3A_207], %swap3A_210 {strides = array<i32>} : memref<16x128xf32, #tpu.memory_space<vmem>>, vector<1x16xf32>,
    %broadcast_in_dim3A_211 = arith.constant 0.000000e+00 : f32
    %broadcast_in_dim3A_212 = vector.broadcast %broadcast_in_dim3A_211 : f32 to vector<16xf32>
    %swap3A_213 = arith.constant 3 : i32
    %swap3A_214 = arith.index_cast %swap3A_213 : i32 to index
    %swap3A_215 = arith.constant 32 : index
    %swap3A_216 = tpu.vector_load %arg10[%swap3A_214, %swap3A_215] {strides = array<i32>} : memref<16x128xf32, #tpu.memory_space<vmem>>, vector<1x16xf32>,
    %swap3A_217 = vector.shape_cast %swap3A_216 : vector<1x16xf32> to vector<16xf32>
    %swap3A_218 = vector.shape_cast %broadcast_in_dim3A_212 : vector<16xf32> to vector<1x16xf32>
    tpu.vector_store %arg10[%swap3A_214, %swap3A_215], %swap3A_218 {strides = array<i32>} : memref<16x128xf32, #tpu.memory_space<vmem>>, vector<1x16xf32>,
    %broadcast_in_dim3A_219 = arith.constant 0.000000e+00 : f32
    %broadcast_in_dim3A_220 = vector.broadcast %broadcast_in_dim3A_219 : f32 to vector<16xf32>
    %swap3A_221 = arith.constant 3 : i32
    %swap3A_222 = arith.index_cast %swap3A_221 : i32 to index
    %swap3A_223 = arith.constant 48 : index
    %swap3A_224 = tpu.vector_load %arg10[%swap3A_222, %swap3A_223] {strides = array<i32>} : memref<16x128xf32, #tpu.memory_space<vmem>>, vector<1x16xf32>,
    %swap3A_225 = vector.shape_cast %swap3A_224 : vector<1x16xf32> to vector<16xf32>
    %swap3A_226 = vector.shape_cast %broadcast_in_dim3A_220 : vector<16xf32> to vector<1x16xf32>
    tpu.vector_store %arg10[%swap3A_222, %swap3A_223], %swap3A_226 {strides = array<i32>} : memref<16x128xf32, #tpu.memory_space<vmem>>, vector<1x16xf32>,
    %broadcast_in_dim3A_227 = arith.constant 0.000000e+00 : f32
    %broadcast_in_dim3A_228 = vector.broadcast %broadcast_in_dim3A_227 : f32 to vector<16xf32>
    %swap3A_229 = arith.constant 3 : i32
    %swap3A_230 = arith.index_cast %swap3A_229 : i32 to index
    %swap3A_231 = arith.constant 64 : index
    %swap3A_232 = tpu.vector_load %arg10[%swap3A_230, %swap3A_231] {strides = array<i32>} : memref<16x128xf32, #tpu.memory_space<vmem>>, vector<1x16xf32>,
    %swap3A_233 = vector.shape_cast %swap3A_232 : vector<1x16xf32> to vector<16xf32>
    %swap3A_234 = vector.shape_cast %broadcast_in_dim3A_228 : vector<16xf32> to vector<1x16xf32>
    tpu.vector_store %arg10[%swap3A_230, %swap3A_231], %swap3A_234 {strides = array<i32>} : memref<16x128xf32, #tpu.memory_space<vmem>>, vector<1x16xf32>,
    %broadcast_in_dim3A_235 = arith.constant 0.000000e+00 : f32
    %broadcast_in_dim3A_236 = vector.broadcast %broadcast_in_dim3A_235 : f32 to vector<16xf32>
    %swap3A_237 = arith.constant 3 : i32
    %swap3A_238 = arith.index_cast %swap3A_237 : i32 to index
    %swap3A_239 = arith.constant 80 : index
    %swap3A_240 = tpu.vector_load %arg10[%swap3A_238, %swap3A_239] {strides = array<i32>} : memref<16x128xf32, #tpu.memory_space<vmem>>, vector<1x16xf32>,
    %swap3A_241 = vector.shape_cast %swap3A_240 : vector<1x16xf32> to vector<16xf32>
    %swap3A_242 = vector.shape_cast %broadcast_in_dim3A_236 : vector<16xf32> to vector<1x16xf32>
    tpu.vector_store %arg10[%swap3A_238, %swap3A_239], %swap3A_242 {strides = array<i32>} : memref<16x128xf32, #tpu.memory_space<vmem>>, vector<1x16xf32>,
    %broadcast_in_dim3A_243 = arith.constant 0.000000e+00 : f32
    %broadcast_in_dim3A_244 = vector.broadcast %broadcast_in_dim3A_243 : f32 to vector<16xf32>
    %swap3A_245 = arith.constant 3 : i32
    %swap3A_246 = arith.index_cast %swap3A_245 : i32 to index
    %swap3A_247 = arith.constant 96 : index
    %swap3A_248 = tpu.vector_load %arg10[%swap3A_246, %swap3A_247] {strides = array<i32>} : memref<16x128xf32, #tpu.memory_space<vmem>>, vector<1x16xf32>,
    %swap3A_249 = vector.shape_cast %swap3A_248 : vector<1x16xf32> to vector<16xf32>
    %swap3A_250 = vector.shape_cast %broadcast_in_dim3A_244 : vector<16xf32> to vector<1x16xf32>
    tpu.vector_store %arg10[%swap3A_246, %swap3A_247], %swap3A_250 {strides = array<i32>} : memref<16x128xf32, #tpu.memory_space<vmem>>, vector<1x16xf32>,
    %broadcast_in_dim3A_251 = arith.constant 0.000000e+00 : f32
    %broadcast_in_dim3A_252 = vector.broadcast %broadcast_in_dim3A_251 : f32 to vector<16xf32>
    %swap3A_253 = arith.constant 3 : i32
    %swap3A_254 = arith.index_cast %swap3A_253 : i32 to index
    %swap3A_255 = arith.constant 112 : index
    %swap3A_256 = tpu.vector_load %arg10[%swap3A_254, %swap3A_255] {strides = array<i32>} : memref<16x128xf32, #tpu.memory_space<vmem>>, vector<1x16xf32>,
    %swap3A_257 = vector.shape_cast %swap3A_256 : vector<1x16xf32> to vector<16xf32>
    %swap3A_258 = vector.shape_cast %broadcast_in_dim3A_252 : vector<16xf32> to vector<1x16xf32>
    tpu.vector_store %arg10[%swap3A_254, %swap3A_255], %swap3A_258 {strides = array<i32>} : memref<16x128xf32, #tpu.memory_space<vmem>>, vector<1x16xf32>,
    %broadcast_in_dim3A_259 = arith.constant 0.000000e+00 : f32
    %broadcast_in_dim3A_260 = vector.broadcast %broadcast_in_dim3A_259 : f32 to vector<16xf32>
    %swap3A_261 = arith.constant 4 : i32
    %swap3A_262 = arith.index_cast %swap3A_261 : i32 to index
    %swap3A_263 = arith.constant 0 : index
    %swap3A_264 = tpu.vector_load %arg10[%swap3A_262, %swap3A_263] {strides = array<i32>} : memref<16x128xf32, #tpu.memory_space<vmem>>, vector<1x16xf32>,
    %swap3A_265 = vector.shape_cast %swap3A_264 : vector<1x16xf32> to vector<16xf32>
    %swap3A_266 = vector.shape_cast %broadcast_in_dim3A_260 : vector<16xf32> to vector<1x16xf32>
    tpu.vector_store %arg10[%swap3A_262, %swap3A_263], %swap3A_266 {strides = array<i32>} : memref<16x128xf32, #tpu.memory_space<vmem>>, vector<1x16xf32>,
    %broadcast_in_dim3A_267 = arith.constant 0.000000e+00 : f32
    %broadcast_in_dim3A_268 = vector.broadcast %broadcast_in_dim3A_267 : f32 to vector<16xf32>
    %swap3A_269 = arith.constant 4 : i32
    %swap3A_270 = arith.index_cast %swap3A_269 : i32 to index
    %swap3A_271 = arith.constant 16 : index
    %swap3A_272 = tpu.vector_load %arg10[%swap3A_270, %swap3A_271] {strides = array<i32>} : memref<16x128xf32, #tpu.memory_space<vmem>>, vector<1x16xf32>,
    %swap3A_273 = vector.shape_cast %swap3A_272 : vector<1x16xf32> to vector<16xf32>
    %swap3A_274 = vector.shape_cast %broadcast_in_dim3A_268 : vector<16xf32> to vector<1x16xf32>
    tpu.vector_store %arg10[%swap3A_270, %swap3A_271], %swap3A_274 {strides = array<i32>} : memref<16x128xf32, #tpu.memory_space<vmem>>, vector<1x16xf32>,
    %broadcast_in_dim3A_275 = arith.constant 0.000000e+00 : f32
    %broadcast_in_dim3A_276 = vector.broadcast %broadcast_in_dim3A_275 : f32 to vector<16xf32>
    %swap3A_277 = arith.constant 4 : i32
    %swap3A_278 = arith.index_cast %swap3A_277 : i32 to index
    %swap3A_279 = arith.constant 32 : index
    %swap3A_280 = tpu.vector_load %arg10[%swap3A_278, %swap3A_279] {strides = array<i32>} : memref<16x128xf32, #tpu.memory_space<vmem>>, vector<1x16xf32>,
    %swap3A_281 = vector.shape_cast %swap3A_280 : vector<1x16xf32> to vector<16xf32>
    %swap3A_282 = vector.shape_cast %broadcast_in_dim3A_276 : vector<16xf32> to vector<1x16xf32>
    tpu.vector_store %arg10[%swap3A_278, %swap3A_279], %swap3A_282 {strides = array<i32>} : memref<16x128xf32, #tpu.memory_space<vmem>>, vector<1x16xf32>,
    %broadcast_in_dim3A_283 = arith.constant 0.000000e+00 : f32
    %broadcast_in_dim3A_284 = vector.broadcast %broadcast_in_dim3A_283 : f32 to vector<16xf32>
    %swap3A_285 = arith.constant 4 : i32
    %swap3A_286 = arith.index_cast %swap3A_285 : i32 to index
    %swap3A_287 = arith.constant 48 : index
    %swap3A_288 = tpu.vector_load %arg10[%swap3A_286, %swap3A_287] {strides = array<i32>} : memref<16x128xf32, #tpu.memory_space<vmem>>, vector<1x16xf32>,
    %swap3A_289 = vector.shape_cast %swap3A_288 : vector<1x16xf32> to vector<16xf32>
    %swap3A_290 = vector.shape_cast %broadcast_in_dim3A_284 : vector<16xf32> to vector<1x16xf32>
    tpu.vector_store %arg10[%swap3A_286, %swap3A_287], %swap3A_290 {strides = array<i32>} : memref<16x128xf32, #tpu.memory_space<vmem>>, vector<1x16xf32>,
    %broadcast_in_dim3A_291 = arith.constant 0.000000e+00 : f32
    %broadcast_in_dim3A_292 = vector.broadcast %broadcast_in_dim3A_291 : f32 to vector<16xf32>
    %swap3A_293 = arith.constant 4 : i32
    %swap3A_294 = arith.index_cast %swap3A_293 : i32 to index
    %swap3A_295 = arith.constant 64 : index
    %swap3A_296 = tpu.vector_load %arg10[%swap3A_294, %swap3A_295] {strides = array<i32>} : memref<16x128xf32, #tpu.memory_space<vmem>>, vector<1x16xf32>,
    %swap3A_297 = vector.shape_cast %swap3A_296 : vector<1x16xf32> to vector<16xf32>
    %swap3A_298 = vector.shape_cast %broadcast_in_dim3A_292 : vector<16xf32> to vector<1x16xf32>
    tpu.vector_store %arg10[%swap3A_294, %swap3A_295], %swap3A_298 {strides = array<i32>} : memref<16x128xf32, #tpu.memory_space<vmem>>, vector<1x16xf32>,
    %broadcast_in_dim3A_299 = arith.constant 0.000000e+00 : f32
    %broadcast_in_dim3A_300 = vector.broadcast %broadcast_in_dim3A_299 : f32 to vector<16xf32>
    %swap3A_301 = arith.constant 4 : i32
    %swap3A_302 = arith.index_cast %swap3A_301 : i32 to index
    %swap3A_303 = arith.constant 80 : index
    %swap3A_304 = tpu.vector_load %arg10[%swap3A_302, %swap3A_303] {strides = array<i32>} : memref<16x128xf32, #tpu.memory_space<vmem>>, vector<1x16xf32>,
    %swap3A_305 = vector.shape_cast %swap3A_304 : vector<1x16xf32> to vector<16xf32>
    %swap3A_306 = vector.shape_cast %broadcast_in_dim3A_300 : vector<16xf32> to vector<1x16xf32>
    tpu.vector_store %arg10[%swap3A_302, %swap3A_303], %swap3A_306 {strides = array<i32>} : memref<16x128xf32, #tpu.memory_space<vmem>>, vector<1x16xf32>,
    %broadcast_in_dim3A_307 = arith.constant 0.000000e+00 : f32
    %broadcast_in_dim3A_308 = vector.broadcast %broadcast_in_dim3A_307 : f32 to vector<16xf32>
    %swap3A_309 = arith.constant 4 : i32
    %swap3A_310 = arith.index_cast %swap3A_309 : i32 to index
    %swap3A_311 = arith.constant 96 : index
    %swap3A_312 = tpu.vector_load %arg10[%swap3A_310, %swap3A_311] {strides = array<i32>} : memref<16x128xf32, #tpu.memory_space<vmem>>, vector<1x16xf32>,
    %swap3A_313 = vector.shape_cast %swap3A_312 : vector<1x16xf32> to vector<16xf32>
    %swap3A_314 = vector.shape_cast %broadcast_in_dim3A_308 : vector<16xf32> to vector<1x16xf32>
    tpu.vector_store %arg10[%swap3A_310, %swap3A_311], %swap3A_314 {strides = array<i32>} : memref<16x128xf32, #tpu.memory_space<vmem>>, vector<1x16xf32>,
    %broadcast_in_dim3A_315 = arith.constant 0.000000e+00 : f32
    %broadcast_in_dim3A_316 = vector.broadcast %broadcast_in_dim3A_315 : f32 to vector<16xf32>
    %swap3A_317 = arith.constant 4 : i32
    %swap3A_318 = arith.index_cast %swap3A_317 : i32 to index
    %swap3A_319 = arith.constant 112 : index
    %swap3A_320 = tpu.vector_load %arg10[%swap3A_318, %swap3A_319] {strides = array<i32>} : memref<16x128xf32, #tpu.memory_space<vmem>>, vector<1x16xf32>,
    %swap3A_321 = vector.shape_cast %swap3A_320 : vector<1x16xf32> to vector<16xf32>
    %swap3A_322 = vector.shape_cast %broadcast_in_dim3A_316 : vector<16xf32> to vector<1x16xf32>
    tpu.vector_store %arg10[%swap3A_318, %swap3A_319], %swap3A_322 {strides = array<i32>} : memref<16x128xf32, #tpu.memory_space<vmem>>, vector<1x16xf32>,
    %broadcast_in_dim3A_323 = arith.constant 0.000000e+00 : f32
    %broadcast_in_dim3A_324 = vector.broadcast %broadcast_in_dim3A_323 : f32 to vector<16xf32>
    %swap3A_325 = arith.constant 5 : i32
    %swap3A_326 = arith.index_cast %swap3A_325 : i32 to index
    %swap3A_327 = arith.constant 0 : index
    %swap3A_328 = tpu.vector_load %arg10[%swap3A_326, %swap3A_327] {strides = array<i32>} : memref<16x128xf32, #tpu.memory_space<vmem>>, vector<1x16xf32>,
    %swap3A_329 = vector.shape_cast %swap3A_328 : vector<1x16xf32> to vector<16xf32>
    %swap3A_330 = vector.shape_cast %broadcast_in_dim3A_324 : vector<16xf32> to vector<1x16xf32>
    tpu.vector_store %arg10[%swap3A_326, %swap3A_327], %swap3A_330 {strides = array<i32>} : memref<16x128xf32, #tpu.memory_space<vmem>>, vector<1x16xf32>,
    %broadcast_in_dim3A_331 = arith.constant 0.000000e+00 : f32
    %broadcast_in_dim3A_332 = vector.broadcast %broadcast_in_dim3A_331 : f32 to vector<16xf32>
    %swap3A_333 = arith.constant 5 : i32
    %swap3A_334 = arith.index_cast %swap3A_333 : i32 to index
    %swap3A_335 = arith.constant 16 : index
    %swap3A_336 = tpu.vector_load %arg10[%swap3A_334, %swap3A_335] {strides = array<i32>} : memref<16x128xf32, #tpu.memory_space<vmem>>, vector<1x16xf32>,
    %swap3A_337 = vector.shape_cast %swap3A_336 : vector<1x16xf32> to vector<16xf32>
    %swap3A_338 = vector.shape_cast %broadcast_in_dim3A_332 : vector<16xf32> to vector<1x16xf32>
    tpu.vector_store %arg10[%swap3A_334, %swap3A_335], %swap3A_338 {strides = array<i32>} : memref<16x128xf32, #tpu.memory_space<vmem>>, vector<1x16xf32>,
    %broadcast_in_dim3A_339 = arith.constant 0.000000e+00 : f32
    %broadcast_in_dim3A_340 = vector.broadcast %broadcast_in_dim3A_339 : f32 to vector<16xf32>
    %swap3A_341 = arith.constant 5 : i32
    %swap3A_342 = arith.index_cast %swap3A_341 : i32 to index
    %swap3A_343 = arith.constant 32 : index
    %swap3A_344 = tpu.vector_load %arg10[%swap3A_342, %swap3A_343] {strides = array<i32>} : memref<16x128xf32, #tpu.memory_space<vmem>>, vector<1x16xf32>,
    %swap3A_345 = vector.shape_cast %swap3A_344 : vector<1x16xf32> to vector<16xf32>
    %swap3A_346 = vector.shape_cast %broadcast_in_dim3A_340 : vector<16xf32> to vector<1x16xf32>
    tpu.vector_store %arg10[%swap3A_342, %swap3A_343], %swap3A_346 {strides = array<i32>} : memref<16x128xf32, #tpu.memory_space<vmem>>, vector<1x16xf32>,
    %broadcast_in_dim3A_347 = arith.constant 0.000000e+00 : f32
    %broadcast_in_dim3A_348 = vector.broadcast %broadcast_in_dim3A_347 : f32 to vector<16xf32>
    %swap3A_349 = arith.constant 5 : i32
    %swap3A_350 = arith.index_cast %swap3A_349 : i32 to index
    %swap3A_351 = arith.constant 48 : index
    %swap3A_352 = tpu.vector_load %arg10[%swap3A_350, %swap3A_351] {strides = array<i32>} : memref<16x128xf32, #tpu.memory_space<vmem>>, vector<1x16xf32>,
    %swap3A_353 = vector.shape_cast %swap3A_352 : vector<1x16xf32> to vector<16xf32>
    %swap3A_354 = vector.shape_cast %broadcast_in_dim3A_348 : vector<16xf32> to vector<1x16xf32>
    tpu.vector_store %arg10[%swap3A_350, %swap3A_351], %swap3A_354 {strides = array<i32>} : memref<16x128xf32, #tpu.memory_space<vmem>>, vector<1x16xf32>,
    %broadcast_in_dim3A_355 = arith.constant 0.000000e+00 : f32
    %broadcast_in_dim3A_356 = vector.broadcast %broadcast_in_dim3A_355 : f32 to vector<16xf32>
    %swap3A_357 = arith.constant 5 : i32
    %swap3A_358 = arith.index_cast %swap3A_357 : i32 to index
    %swap3A_359 = arith.constant 64 : index
    %swap3A_360 = tpu.vector_load %arg10[%swap3A_358, %swap3A_359] {strides = array<i32>} : memref<16x128xf32, #tpu.memory_space<vmem>>, vector<1x16xf32>,
    %swap3A_361 = vector.shape_cast %swap3A_360 : vector<1x16xf32> to vector<16xf32>
    %swap3A_362 = vector.shape_cast %broadcast_in_dim3A_356 : vector<16xf32> to vector<1x16xf32>
    tpu.vector_store %arg10[%swap3A_358, %swap3A_359], %swap3A_362 {strides = array<i32>} : memref<16x128xf32, #tpu.memory_space<vmem>>, vector<1x16xf32>,
    %broadcast_in_dim3A_363 = arith.constant 0.000000e+00 : f32
    %broadcast_in_dim3A_364 = vector.broadcast %broadcast_in_dim3A_363 : f32 to vector<16xf32>
    %swap3A_365 = arith.constant 5 : i32
    %swap3A_366 = arith.index_cast %swap3A_365 : i32 to index
    %swap3A_367 = arith.constant 80 : index
    %swap3A_368 = tpu.vector_load %arg10[%swap3A_366, %swap3A_367] {strides = array<i32>} : memref<16x128xf32, #tpu.memory_space<vmem>>, vector<1x16xf32>,
    %swap3A_369 = vector.shape_cast %swap3A_368 : vector<1x16xf32> to vector<16xf32>
    %swap3A_370 = vector.shape_cast %broadcast_in_dim3A_364 : vector<16xf32> to vector<1x16xf32>
    tpu.vector_store %arg10[%swap3A_366, %swap3A_367], %swap3A_370 {strides = array<i32>} : memref<16x128xf32, #tpu.memory_space<vmem>>, vector<1x16xf32>,
    %broadcast_in_dim3A_371 = arith.constant 0.000000e+00 : f32
    %broadcast_in_dim3A_372 = vector.broadcast %broadcast_in_dim3A_371 : f32 to vector<16xf32>
    %swap3A_373 = arith.constant 5 : i32
    %swap3A_374 = arith.index_cast %swap3A_373 : i32 to index
    %swap3A_375 = arith.constant 96 : index
    %swap3A_376 = tpu.vector_load %arg10[%swap3A_374, %swap3A_375] {strides = array<i32>} : memref<16x128xf32, #tpu.memory_space<vmem>>, vector<1x16xf32>,
    %swap3A_377 = vector.shape_cast %swap3A_376 : vector<1x16xf32> to vector<16xf32>
    %swap3A_378 = vector.shape_cast %broadcast_in_dim3A_372 : vector<16xf32> to vector<1x16xf32>
    tpu.vector_store %arg10[%swap3A_374, %swap3A_375], %swap3A_378 {strides = array<i32>} : memref<16x128xf32, #tpu.memory_space<vmem>>, vector<1x16xf32>,
    %broadcast_in_dim3A_379 = arith.constant 0.000000e+00 : f32
    %broadcast_in_dim3A_380 = vector.broadcast %broadcast_in_dim3A_379 : f32 to vector<16xf32>
    %swap3A_381 = arith.constant 5 : i32
    %swap3A_382 = arith.index_cast %swap3A_381 : i32 to index
    %swap3A_383 = arith.constant 112 : index
    %swap3A_384 = tpu.vector_load %arg10[%swap3A_382, %swap3A_383] {strides = array<i32>} : memref<16x128xf32, #tpu.memory_space<vmem>>, vector<1x16xf32>,
    %swap3A_385 = vector.shape_cast %swap3A_384 : vector<1x16xf32> to vector<16xf32>
    %swap3A_386 = vector.shape_cast %broadcast_in_dim3A_380 : vector<16xf32> to vector<1x16xf32>
    tpu.vector_store %arg10[%swap3A_382, %swap3A_383], %swap3A_386 {strides = array<i32>} : memref<16x128xf32, #tpu.memory_space<vmem>>, vector<1x16xf32>,
    %broadcast_in_dim3A_387 = arith.constant 0.000000e+00 : f32
    %broadcast_in_dim3A_388 = vector.broadcast %broadcast_in_dim3A_387 : f32 to vector<16xf32>
    %swap3A_389 = arith.constant 6 : i32
    %swap3A_390 = arith.index_cast %swap3A_389 : i32 to index
    %swap3A_391 = arith.constant 0 : index
    %swap3A_392 = tpu.vector_load %arg10[%swap3A_390, %swap3A_391] {strides = array<i32>} : memref<16x128xf32, #tpu.memory_space<vmem>>, vector<1x16xf32>,
    %swap3A_393 = vector.shape_cast %swap3A_392 : vector<1x16xf32> to vector<16xf32>
    %swap3A_394 = vector.shape_cast %broadcast_in_dim3A_388 : vector<16xf32> to vector<1x16xf32>
    tpu.vector_store %arg10[%swap3A_390, %swap3A_391], %swap3A_394 {strides = array<i32>} : memref<16x128xf32, #tpu.memory_space<vmem>>, vector<1x16xf32>,
    %broadcast_in_dim3A_395 = arith.constant 0.000000e+00 : f32
    %broadcast_in_dim3A_396 = vector.broadcast %broadcast_in_dim3A_395 : f32 to vector<16xf32>
    %swap3A_397 = arith.constant 6 : i32
    %swap3A_398 = arith.index_cast %swap3A_397 : i32 to index
    %swap3A_399 = arith.constant 16 : index
    %swap3A_400 = tpu.vector_load %arg10[%swap3A_398, %swap3A_399] {strides = array<i32>} : memref<16x128xf32, #tpu.memory_space<vmem>>, vector<1x16xf32>,
    %swap3A_401 = vector.shape_cast %swap3A_400 : vector<1x16xf32> to vector<16xf32>
    %swap3A_402 = vector.shape_cast %broadcast_in_dim3A_396 : vector<16xf32> to vector<1x16xf32>
    tpu.vector_store %arg10[%swap3A_398, %swap3A_399], %swap3A_402 {strides = array<i32>} : memref<16x128xf32, #tpu.memory_space<vmem>>, vector<1x16xf32>,
    %broadcast_in_dim3A_403 = arith.constant 0.000000e+00 : f32
    %broadcast_in_dim3A_404 = vector.broadcast %broadcast_in_dim3A_403 : f32 to vector<16xf32>
    %swap3A_405 = arith.constant 6 : i32
    %swap3A_406 = arith.index_cast %swap3A_405 : i32 to index
    %swap3A_407 = arith.constant 32 : index
    %swap3A_408 = tpu.vector_load %arg10[%swap3A_406, %swap3A_407] {strides = array<i32>} : memref<16x128xf32, #tpu.memory_space<vmem>>, vector<1x16xf32>,
    %swap3A_409 = vector.shape_cast %swap3A_408 : vector<1x16xf32> to vector<16xf32>
    %swap3A_410 = vector.shape_cast %broadcast_in_dim3A_404 : vector<16xf32> to vector<1x16xf32>
    tpu.vector_store %arg10[%swap3A_406, %swap3A_407], %swap3A_410 {strides = array<i32>} : memref<16x128xf32, #tpu.memory_space<vmem>>, vector<1x16xf32>,
    %broadcast_in_dim3A_411 = arith.constant 0.000000e+00 : f32
    %broadcast_in_dim3A_412 = vector.broadcast %broadcast_in_dim3A_411 : f32 to vector<16xf32>
    %swap3A_413 = arith.constant 6 : i32
    %swap3A_414 = arith.index_cast %swap3A_413 : i32 to index
    %swap3A_415 = arith.constant 48 : index
    %swap3A_416 = tpu.vector_load %arg10[%swap3A_414, %swap3A_415] {strides = array<i32>} : memref<16x128xf32, #tpu.memory_space<vmem>>, vector<1x16xf32>,
    %swap3A_417 = vector.shape_cast %swap3A_416 : vector<1x16xf32> to vector<16xf32>
    %swap3A_418 = vector.shape_cast %broadcast_in_dim3A_412 : vector<16xf32> to vector<1x16xf32>
    tpu.vector_store %arg10[%swap3A_414, %swap3A_415], %swap3A_418 {strides = array<i32>} : memref<16x128xf32, #tpu.memory_space<vmem>>, vector<1x16xf32>,
    %broadcast_in_dim3A_419 = arith.constant 0.000000e+00 : f32
    %broadcast_in_dim3A_420 = vector.broadcast %broadcast_in_dim3A_419 : f32 to vector<16xf32>
    %swap3A_421 = arith.constant 6 : i32
    %swap3A_422 = arith.index_cast %swap3A_421 : i32 to index
    %swap3A_423 = arith.constant 64 : index
    %swap3A_424 = tpu.vector_load %arg10[%swap3A_422, %swap3A_423] {strides = array<i32>} : memref<16x128xf32, #tpu.memory_space<vmem>>, vector<1x16xf32>,
    %swap3A_425 = vector.shape_cast %swap3A_424 : vector<1x16xf32> to vector<16xf32>
    %swap3A_426 = vector.shape_cast %broadcast_in_dim3A_420 : vector<16xf32> to vector<1x16xf32>
    tpu.vector_store %arg10[%swap3A_422, %swap3A_423], %swap3A_426 {strides = array<i32>} : memref<16x128xf32, #tpu.memory_space<vmem>>, vector<1x16xf32>,
    %broadcast_in_dim3A_427 = arith.constant 0.000000e+00 : f32
    %broadcast_in_dim3A_428 = vector.broadcast %broadcast_in_dim3A_427 : f32 to vector<16xf32>
    %swap3A_429 = arith.constant 6 : i32
    %swap3A_430 = arith.index_cast %swap3A_429 : i32 to index
    %swap3A_431 = arith.constant 80 : index
    %swap3A_432 = tpu.vector_load %arg10[%swap3A_430, %swap3A_431] {strides = array<i32>} : memref<16x128xf32, #tpu.memory_space<vmem>>, vector<1x16xf32>,
    %swap3A_433 = vector.shape_cast %swap3A_432 : vector<1x16xf32> to vector<16xf32>
    %swap3A_434 = vector.shape_cast %broadcast_in_dim3A_428 : vector<16xf32> to vector<1x16xf32>
    tpu.vector_store %arg10[%swap3A_430, %swap3A_431], %swap3A_434 {strides = array<i32>} : memref<16x128xf32, #tpu.memory_space<vmem>>, vector<1x16xf32>,
    %broadcast_in_dim3A_435 = arith.constant 0.000000e+00 : f32
    %broadcast_in_dim3A_436 = vector.broadcast %broadcast_in_dim3A_435 : f32 to vector<16xf32>
    %swap3A_437 = arith.constant 6 : i32
    %swap3A_438 = arith.index_cast %swap3A_437 : i32 to index
    %swap3A_439 = arith.constant 96 : index
    %swap3A_440 = tpu.vector_load %arg10[%swap3A_438, %swap3A_439] {strides = array<i32>} : memref<16x128xf32, #tpu.memory_space<vmem>>, vector<1x16xf32>,
    %swap3A_441 = vector.shape_cast %swap3A_440 : vector<1x16xf32> to vector<16xf32>
    %swap3A_442 = vector.shape_cast %broadcast_in_dim3A_436 : vector<16xf32> to vector<1x16xf32>
    tpu.vector_store %arg10[%swap3A_438, %swap3A_439], %swap3A_442 {strides = array<i32>} : memref<16x128xf32, #tpu.memory_space<vmem>>, vector<1x16xf32>,
    %broadcast_in_dim3A_443 = arith.constant 0.000000e+00 : f32
    %broadcast_in_dim3A_444 = vector.broadcast %broadcast_in_dim3A_443 : f32 to vector<16xf32>
    %swap3A_445 = arith.constant 6 : i32
    %swap3A_446 = arith.index_cast %swap3A_445 : i32 to index
    %swap3A_447 = arith.constant 112 : index
    %swap3A_448 = tpu.vector_load %arg10[%swap3A_446, %swap3A_447] {strides = array<i32>} : memref<16x128xf32, #tpu.memory_space<vmem>>, vector<1x16xf32>,
    %swap3A_449 = vector.shape_cast %swap3A_448 : vector<1x16xf32> to vector<16xf32>
    %swap3A_450 = vector.shape_cast %broadcast_in_dim3A_444 : vector<16xf32> to vector<1x16xf32>
    tpu.vector_store %arg10[%swap3A_446, %swap3A_447], %swap3A_450 {strides = array<i32>} : memref<16x128xf32, #tpu.memory_space<vmem>>, vector<1x16xf32>,
    %broadcast_in_dim3A_451 = arith.constant 0.000000e+00 : f32
    %broadcast_in_dim3A_452 = vector.broadcast %broadcast_in_dim3A_451 : f32 to vector<16xf32>
    %swap3A_453 = arith.constant 7 : i32
    %swap3A_454 = arith.index_cast %swap3A_453 : i32 to index
    %swap3A_455 = arith.constant 0 : index
    %swap3A_456 = tpu.vector_load %arg10[%swap3A_454, %swap3A_455] {strides = array<i32>} : memref<16x128xf32, #tpu.memory_space<vmem>>, vector<1x16xf32>,
    %swap3A_457 = vector.shape_cast %swap3A_456 : vector<1x16xf32> to vector<16xf32>
    %swap3A_458 = vector.shape_cast %broadcast_in_dim3A_452 : vector<16xf32> to vector<1x16xf32>
    tpu.vector_store %arg10[%swap3A_454, %swap3A_455], %swap3A_458 {strides = array<i32>} : memref<16x128xf32, #tpu.memory_space<vmem>>, vector<1x16xf32>,
    %broadcast_in_dim3A_459 = arith.constant 0.000000e+00 : f32
    %broadcast_in_dim3A_460 = vector.broadcast %broadcast_in_dim3A_459 : f32 to vector<16xf32>
    %swap3A_461 = arith.constant 7 : i32
    %swap3A_462 = arith.index_cast %swap3A_461 : i32 to index
    %swap3A_463 = arith.constant 16 : index
    %swap3A_464 = tpu.vector_load %arg10[%swap3A_462, %swap3A_463] {strides = array<i32>} : memref<16x128xf32, #tpu.memory_space<vmem>>, vector<1x16xf32>,
    %swap3A_465 = vector.shape_cast %swap3A_464 : vector<1x16xf32> to vector<16xf32>
    %swap3A_466 = vector.shape_cast %broadcast_in_dim3A_460 : vector<16xf32> to vector<1x16xf32>
    tpu.vector_store %arg10[%swap3A_462, %swap3A_463], %swap3A_466 {strides = array<i32>} : memref<16x128xf32, #tpu.memory_space<vmem>>, vector<1x16xf32>,
    %broadcast_in_dim3A_467 = arith.constant 0.000000e+00 : f32
    %broadcast_in_dim3A_468 = vector.broadcast %broadcast_in_dim3A_467 : f32 to vector<16xf32>
    %swap3A_469 = arith.constant 7 : i32
    %swap3A_470 = arith.index_cast %swap3A_469 : i32 to index
    %swap3A_471 = arith.constant 32 : index
    %swap3A_472 = tpu.vector_load %arg10[%swap3A_470, %swap3A_471] {strides = array<i32>} : memref<16x128xf32, #tpu.memory_space<vmem>>, vector<1x16xf32>,
    %swap3A_473 = vector.shape_cast %swap3A_472 : vector<1x16xf32> to vector<16xf32>
    %swap3A_474 = vector.shape_cast %broadcast_in_dim3A_468 : vector<16xf32> to vector<1x16xf32>
    tpu.vector_store %arg10[%swap3A_470, %swap3A_471], %swap3A_474 {strides = array<i32>} : memref<16x128xf32, #tpu.memory_space<vmem>>, vector<1x16xf32>,
    %broadcast_in_dim3A_475 = arith.constant 0.000000e+00 : f32
    %broadcast_in_dim3A_476 = vector.broadcast %broadcast_in_dim3A_475 : f32 to vector<16xf32>
    %swap3A_477 = arith.constant 7 : i32
    %swap3A_478 = arith.index_cast %swap3A_477 : i32 to index
    %swap3A_479 = arith.constant 48 : index
    %swap3A_480 = tpu.vector_load %arg10[%swap3A_478, %swap3A_479] {strides = array<i32>} : memref<16x128xf32, #tpu.memory_space<vmem>>, vector<1x16xf32>,
    %swap3A_481 = vector.shape_cast %swap3A_480 : vector<1x16xf32> to vector<16xf32>
    %swap3A_482 = vector.shape_cast %broadcast_in_dim3A_476 : vector<16xf32> to vector<1x16xf32>
    tpu.vector_store %arg10[%swap3A_478, %swap3A_479], %swap3A_482 {strides = array<i32>} : memref<16x128xf32, #tpu.memory_space<vmem>>, vector<1x16xf32>,
    %broadcast_in_dim3A_483 = arith.constant 0.000000e+00 : f32
    %broadcast_in_dim3A_484 = vector.broadcast %broadcast_in_dim3A_483 : f32 to vector<16xf32>
    %swap3A_485 = arith.constant 7 : i32
    %swap3A_486 = arith.index_cast %swap3A_485 : i32 to index
    %swap3A_487 = arith.constant 64 : index
    %swap3A_488 = tpu.vector_load %arg10[%swap3A_486, %swap3A_487] {strides = array<i32>} : memref<16x128xf32, #tpu.memory_space<vmem>>, vector<1x16xf32>,
    %swap3A_489 = vector.shape_cast %swap3A_488 : vector<1x16xf32> to vector<16xf32>
    %swap3A_490 = vector.shape_cast %broadcast_in_dim3A_484 : vector<16xf32> to vector<1x16xf32>
    tpu.vector_store %arg10[%swap3A_486, %swap3A_487], %swap3A_490 {strides = array<i32>} : memref<16x128xf32, #tpu.memory_space<vmem>>, vector<1x16xf32>,
    %broadcast_in_dim3A_491 = arith.constant 0.000000e+00 : f32
    %broadcast_in_dim3A_492 = vector.broadcast %broadcast_in_dim3A_491 : f32 to vector<16xf32>
    %swap3A_493 = arith.constant 7 : i32
    %swap3A_494 = arith.index_cast %swap3A_493 : i32 to index
    %swap3A_495 = arith.constant 80 : index
    %swap3A_496 = tpu.vector_load %arg10[%swap3A_494, %swap3A_495] {strides = array<i32>} : memref<16x128xf32, #tpu.memory_space<vmem>>, vector<1x16xf32>,
    %swap3A_497 = vector.shape_cast %swap3A_496 : vector<1x16xf32> to vector<16xf32>
    %swap3A_498 = vector.shape_cast %broadcast_in_dim3A_492 : vector<16xf32> to vector<1x16xf32>
    tpu.vector_store %arg10[%swap3A_494, %swap3A_495], %swap3A_498 {strides = array<i32>} : memref<16x128xf32, #tpu.memory_space<vmem>>, vector<1x16xf32>,
    %broadcast_in_dim3A_499 = arith.constant 0.000000e+00 : f32
    %broadcast_in_dim3A_500 = vector.broadcast %broadcast_in_dim3A_499 : f32 to vector<16xf32>
    %swap3A_501 = arith.constant 7 : i32
    %swap3A_502 = arith.index_cast %swap3A_501 : i32 to index
    %swap3A_503 = arith.constant 96 : index
    %swap3A_504 = tpu.vector_load %arg10[%swap3A_502, %swap3A_503] {strides = array<i32>} : memref<16x128xf32, #tpu.memory_space<vmem>>, vector<1x16xf32>,
    %swap3A_505 = vector.shape_cast %swap3A_504 : vector<1x16xf32> to vector<16xf32>
    %swap3A_506 = vector.shape_cast %broadcast_in_dim3A_500 : vector<16xf32> to vector<1x16xf32>
    tpu.vector_store %arg10[%swap3A_502, %swap3A_503], %swap3A_506 {strides = array<i32>} : memref<16x128xf32, #tpu.memory_space<vmem>>, vector<1x16xf32>,
    %broadcast_in_dim3A_507 = arith.constant 0.000000e+00 : f32
    %broadcast_in_dim3A_508 = vector.broadcast %broadcast_in_dim3A_507 : f32 to vector<16xf32>
    %swap3A_509 = arith.constant 7 : i32
    %swap3A_510 = arith.index_cast %swap3A_509 : i32 to index
    %swap3A_511 = arith.constant 112 : index
    %swap3A_512 = tpu.vector_load %arg10[%swap3A_510, %swap3A_511] {strides = array<i32>} : memref<16x128xf32, #tpu.memory_space<vmem>>, vector<1x16xf32>,
    %swap3A_513 = vector.shape_cast %swap3A_512 : vector<1x16xf32> to vector<16xf32>
    %swap3A_514 = vector.shape_cast %broadcast_in_dim3A_508 : vector<16xf32> to vector<1x16xf32>
    tpu.vector_store %arg10[%swap3A_510, %swap3A_511], %swap3A_514 {strides = array<i32>} : memref<16x128xf32, #tpu.memory_space<vmem>>, vector<1x16xf32>,
    %broadcast_in_dim3A_515 = arith.constant 0.000000e+00 : f32
    %broadcast_in_dim3A_516 = vector.broadcast %broadcast_in_dim3A_515 : f32 to vector<16xf32>
    %swap3A_517 = arith.constant 8 : i32
    %swap3A_518 = arith.index_cast %swap3A_517 : i32 to index
    %swap3A_519 = arith.constant 0 : index
    %swap3A_520 = tpu.vector_load %arg10[%swap3A_518, %swap3A_519] {strides = array<i32>} : memref<16x128xf32, #tpu.memory_space<vmem>>, vector<1x16xf32>,
    %swap3A_521 = vector.shape_cast %swap3A_520 : vector<1x16xf32> to vector<16xf32>
    %swap3A_522 = vector.shape_cast %broadcast_in_dim3A_516 : vector<16xf32> to vector<1x16xf32>
    tpu.vector_store %arg10[%swap3A_518, %swap3A_519], %swap3A_522 {strides = array<i32>} : memref<16x128xf32, #tpu.memory_space<vmem>>, vector<1x16xf32>,
    %broadcast_in_dim3A_523 = arith.constant 0.000000e+00 : f32
    %broadcast_in_dim3A_524 = vector.broadcast %broadcast_in_dim3A_523 : f32 to vector<16xf32>
    %swap3A_525 = arith.constant 8 : i32
    %swap3A_526 = arith.index_cast %swap3A_525 : i32 to index
    %swap3A_527 = arith.constant 16 : index
    %swap3A_528 = tpu.vector_load %arg10[%swap3A_526, %swap3A_527] {strides = array<i32>} : memref<16x128xf32, #tpu.memory_space<vmem>>, vector<1x16xf32>,
    %swap3A_529 = vector.shape_cast %swap3A_528 : vector<1x16xf32> to vector<16xf32>
    %swap3A_530 = vector.shape_cast %broadcast_in_dim3A_524 : vector<16xf32> to vector<1x16xf32>
    tpu.vector_store %arg10[%swap3A_526, %swap3A_527], %swap3A_530 {strides = array<i32>} : memref<16x128xf32, #tpu.memory_space<vmem>>, vector<1x16xf32>,
    %broadcast_in_dim3A_531 = arith.constant 0.000000e+00 : f32
    %broadcast_in_dim3A_532 = vector.broadcast %broadcast_in_dim3A_531 : f32 to vector<16xf32>
    %swap3A_533 = arith.constant 8 : i32
    %swap3A_534 = arith.index_cast %swap3A_533 : i32 to index
    %swap3A_535 = arith.constant 32 : index
    %swap3A_536 = tpu.vector_load %arg10[%swap3A_534, %swap3A_535] {strides = array<i32>} : memref<16x128xf32, #tpu.memory_space<vmem>>, vector<1x16xf32>,
    %swap3A_537 = vector.shape_cast %swap3A_536 : vector<1x16xf32> to vector<16xf32>
    %swap3A_538 = vector.shape_cast %broadcast_in_dim3A_532 : vector<16xf32> to vector<1x16xf32>
    tpu.vector_store %arg10[%swap3A_534, %swap3A_535], %swap3A_538 {strides = array<i32>} : memref<16x128xf32, #tpu.memory_space<vmem>>, vector<1x16xf32>,
    %broadcast_in_dim3A_539 = arith.constant 0.000000e+00 : f32
    %broadcast_in_dim3A_540 = vector.broadcast %broadcast_in_dim3A_539 : f32 to vector<16xf32>
    %swap3A_541 = arith.constant 8 : i32
    %swap3A_542 = arith.index_cast %swap3A_541 : i32 to index
    %swap3A_543 = arith.constant 48 : index
    %swap3A_544 = tpu.vector_load %arg10[%swap3A_542, %swap3A_543] {strides = array<i32>} : memref<16x128xf32, #tpu.memory_space<vmem>>, vector<1x16xf32>,
    %swap3A_545 = vector.shape_cast %swap3A_544 : vector<1x16xf32> to vector<16xf32>
    %swap3A_546 = vector.shape_cast %broadcast_in_dim3A_540 : vector<16xf32> to vector<1x16xf32>
    tpu.vector_store %arg10[%swap3A_542, %swap3A_543], %swap3A_546 {strides = array<i32>} : memref<16x128xf32, #tpu.memory_space<vmem>>, vector<1x16xf32>,
    %broadcast_in_dim3A_547 = arith.constant 0.000000e+00 : f32
    %broadcast_in_dim3A_548 = vector.broadcast %broadcast_in_dim3A_547 : f32 to vector<16xf32>
    %swap3A_549 = arith.constant 8 : i32
    %swap3A_550 = arith.index_cast %swap3A_549 : i32 to index
    %swap3A_551 = arith.constant 64 : index
    %swap3A_552 = tpu.vector_load %arg10[%swap3A_550, %swap3A_551] {strides = array<i32>} : memref<16x128xf32, #tpu.memory_space<vmem>>, vector<1x16xf32>,
    %swap3A_553 = vector.shape_cast %swap3A_552 : vector<1x16xf32> to vector<16xf32>
    %swap3A_554 = vector.shape_cast %broadcast_in_dim3A_548 : vector<16xf32> to vector<1x16xf32>
    tpu.vector_store %arg10[%swap3A_550, %swap3A_551], %swap3A_554 {strides = array<i32>} : memref<16x128xf32, #tpu.memory_space<vmem>>, vector<1x16xf32>,
    %broadcast_in_dim3A_555 = arith.constant 0.000000e+00 : f32
    %broadcast_in_dim3A_556 = vector.broadcast %broadcast_in_dim3A_555 : f32 to vector<16xf32>
    %swap3A_557 = arith.constant 8 : i32
    %swap3A_558 = arith.index_cast %swap3A_557 : i32 to index
    %swap3A_559 = arith.constant 80 : index
    %swap3A_560 = tpu.vector_load %arg10[%swap3A_558, %swap3A_559] {strides = array<i32>} : memref<16x128xf32, #tpu.memory_space<vmem>>, vector<1x16xf32>,
    %swap3A_561 = vector.shape_cast %swap3A_560 : vector<1x16xf32> to vector<16xf32>
    %swap3A_562 = vector.shape_cast %broadcast_in_dim3A_556 : vector<16xf32> to vector<1x16xf32>
    tpu.vector_store %arg10[%swap3A_558, %swap3A_559], %swap3A_562 {strides = array<i32>} : memref<16x128xf32, #tpu.memory_space<vmem>>, vector<1x16xf32>,
    %broadcast_in_dim3A_563 = arith.constant 0.000000e+00 : f32
    %broadcast_in_dim3A_564 = vector.broadcast %broadcast_in_dim3A_563 : f32 to vector<16xf32>
    %swap3A_565 = arith.constant 8 : i32
    %swap3A_566 = arith.index_cast %swap3A_565 : i32 to index
    %swap3A_567 = arith.constant 96 : index
    %swap3A_568 = tpu.vector_load %arg10[%swap3A_566, %swap3A_567] {strides = array<i32>} : memref<16x128xf32, #tpu.memory_space<vmem>>, vector<1x16xf32>,
    %swap3A_569 = vector.shape_cast %swap3A_568 : vector<1x16xf32> to vector<16xf32>
    %swap3A_570 = vector.shape_cast %broadcast_in_dim3A_564 : vector<16xf32> to vector<1x16xf32>
    tpu.vector_store %arg10[%swap3A_566, %swap3A_567], %swap3A_570 {strides = array<i32>} : memref<16x128xf32, #tpu.memory_space<vmem>>, vector<1x16xf32>,
    %broadcast_in_dim3A_571 = arith.constant 0.000000e+00 : f32
    %broadcast_in_dim3A_572 = vector.broadcast %broadcast_in_dim3A_571 : f32 to vector<16xf32>
    %swap3A_573 = arith.constant 8 : i32
    %swap3A_574 = arith.index_cast %swap3A_573 : i32 to index
    %swap3A_575 = arith.constant 112 : index
    %swap3A_576 = tpu.vector_load %arg10[%swap3A_574, %swap3A_575] {strides = array<i32>} : memref<16x128xf32, #tpu.memory_space<vmem>>, vector<1x16xf32>,
    %swap3A_577 = vector.shape_cast %swap3A_576 : vector<1x16xf32> to vector<16xf32>
    %swap3A_578 = vector.shape_cast %broadcast_in_dim3A_572 : vector<16xf32> to vector<1x16xf32>
    tpu.vector_store %arg10[%swap3A_574, %swap3A_575], %swap3A_578 {strides = array<i32>} : memref<16x128xf32, #tpu.memory_space<vmem>>, vector<1x16xf32>,
    %broadcast_in_dim3A_579 = arith.constant 0.000000e+00 : f32
    %broadcast_in_dim3A_580 = vector.broadcast %broadcast_in_dim3A_579 : f32 to vector<16xf32>
    %swap3A_581 = arith.constant 9 : i32
    %swap3A_582 = arith.index_cast %swap3A_581 : i32 to index
    %swap3A_583 = arith.constant 0 : index
    %swap3A_584 = tpu.vector_load %arg10[%swap3A_582, %swap3A_583] {strides = array<i32>} : memref<16x128xf32, #tpu.memory_space<vmem>>, vector<1x16xf32>,
    %swap3A_585 = vector.shape_cast %swap3A_584 : vector<1x16xf32> to vector<16xf32>
    %swap3A_586 = vector.shape_cast %broadcast_in_dim3A_580 : vector<16xf32> to vector<1x16xf32>
    tpu.vector_store %arg10[%swap3A_582, %swap3A_583], %swap3A_586 {strides = array<i32>} : memref<16x128xf32, #tpu.memory_space<vmem>>, vector<1x16xf32>,
    %broadcast_in_dim3A_587 = arith.constant 0.000000e+00 : f32
    %broadcast_in_dim3A_588 = vector.broadcast %broadcast_in_dim3A_587 : f32 to vector<16xf32>
    %swap3A_589 = arith.constant 9 : i32
    %swap3A_590 = arith.index_cast %swap3A_589 : i32 to index
    %swap3A_591 = arith.constant 16 : index
    %swap3A_592 = tpu.vector_load %arg10[%swap3A_590, %swap3A_591] {strides = array<i32>} : memref<16x128xf32, #tpu.memory_space<vmem>>, vector<1x16xf32>,
    %swap3A_593 = vector.shape_cast %swap3A_592 : vector<1x16xf32> to vector<16xf32>
    %swap3A_594 = vector.shape_cast %broadcast_in_dim3A_588 : vector<16xf32> to vector<1x16xf32>
    tpu.vector_store %arg10[%swap3A_590, %swap3A_591], %swap3A_594 {strides = array<i32>} : memref<16x128xf32, #tpu.memory_space<vmem>>, vector<1x16xf32>,
    %broadcast_in_dim3A_595 = arith.constant 0.000000e+00 : f32
    %broadcast_in_dim3A_596 = vector.broadcast %broadcast_in_dim3A_595 : f32 to vector<16xf32>
    %swap3A_597 = arith.constant 9 : i32
    %swap3A_598 = arith.index_cast %swap3A_597 : i32 to index
    %swap3A_599 = arith.constant 32 : index
    %swap3A_600 = tpu.vector_load %arg10[%swap3A_598, %swap3A_599] {strides = array<i32>} : memref<16x128xf32, #tpu.memory_space<vmem>>, vector<1x16xf32>,
    %swap3A_601 = vector.shape_cast %swap3A_600 : vector<1x16xf32> to vector<16xf32>
    %swap3A_602 = vector.shape_cast %broadcast_in_dim3A_596 : vector<16xf32> to vector<1x16xf32>
    tpu.vector_store %arg10[%swap3A_598, %swap3A_599], %swap3A_602 {strides = array<i32>} : memref<16x128xf32, #tpu.memory_space<vmem>>, vector<1x16xf32>,
    %broadcast_in_dim3A_603 = arith.constant 0.000000e+00 : f32
    %broadcast_in_dim3A_604 = vector.broadcast %broadcast_in_dim3A_603 : f32 to vector<16xf32>
    %swap3A_605 = arith.constant 9 : i32
    %swap3A_606 = arith.index_cast %swap3A_605 : i32 to index
    %swap3A_607 = arith.constant 48 : index
    %swap3A_608 = tpu.vector_load %arg10[%swap3A_606, %swap3A_607] {strides = array<i32>} : memref<16x128xf32, #tpu.memory_space<vmem>>, vector<1x16xf32>,
    %swap3A_609 = vector.shape_cast %swap3A_608 : vector<1x16xf32> to vector<16xf32>
    %swap3A_610 = vector.shape_cast %broadcast_in_dim3A_604 : vector<16xf32> to vector<1x16xf32>
    tpu.vector_store %arg10[%swap3A_606, %swap3A_607], %swap3A_610 {strides = array<i32>} : memref<16x128xf32, #tpu.memory_space<vmem>>, vector<1x16xf32>,
    %broadcast_in_dim3A_611 = arith.constant 0.000000e+00 : f32
    %broadcast_in_dim3A_612 = vector.broadcast %broadcast_in_dim3A_611 : f32 to vector<16xf32>
    %swap3A_613 = arith.constant 9 : i32
    %swap3A_614 = arith.index_cast %swap3A_613 : i32 to index
    %swap3A_615 = arith.constant 64 : index
    %swap3A_616 = tpu.vector_load %arg10[%swap3A_614, %swap3A_615] {strides = array<i32>} : memref<16x128xf32, #tpu.memory_space<vmem>>, vector<1x16xf32>,
    %swap3A_617 = vector.shape_cast %swap3A_616 : vector<1x16xf32> to vector<16xf32>
    %swap3A_618 = vector.shape_cast %broadcast_in_dim3A_612 : vector<16xf32> to vector<1x16xf32>
    tpu.vector_store %arg10[%swap3A_614, %swap3A_615], %swap3A_618 {strides = array<i32>} : memref<16x128xf32, #tpu.memory_space<vmem>>, vector<1x16xf32>,
    %broadcast_in_dim3A_619 = arith.constant 0.000000e+00 : f32
    %broadcast_in_dim3A_620 = vector.broadcast %broadcast_in_dim3A_619 : f32 to vector<16xf32>
    %swap3A_621 = arith.constant 9 : i32
    %swap3A_622 = arith.index_cast %swap3A_621 : i32 to index
    %swap3A_623 = arith.constant 80 : index
    %swap3A_624 = tpu.vector_load %arg10[%swap3A_622, %swap3A_623] {strides = array<i32>} : memref<16x128xf32, #tpu.memory_space<vmem>>, vector<1x16xf32>,
    %swap3A_625 = vector.shape_cast %swap3A_624 : vector<1x16xf32> to vector<16xf32>
    %swap3A_626 = vector.shape_cast %broadcast_in_dim3A_620 : vector<16xf32> to vector<1x16xf32>
    tpu.vector_store %arg10[%swap3A_622, %swap3A_623], %swap3A_626 {strides = array<i32>} : memref<16x128xf32, #tpu.memory_space<vmem>>, vector<1x16xf32>,
    %broadcast_in_dim3A_627 = arith.constant 0.000000e+00 : f32
    %broadcast_in_dim3A_628 = vector.broadcast %broadcast_in_dim3A_627 : f32 to vector<16xf32>
    %swap3A_629 = arith.constant 9 : i32
    %swap3A_630 = arith.index_cast %swap3A_629 : i32 to index
    %swap3A_631 = arith.constant 96 : index
    %swap3A_632 = tpu.vector_load %arg10[%swap3A_630, %swap3A_631] {strides = array<i32>} : memref<16x128xf32, #tpu.memory_space<vmem>>, vector<1x16xf32>,
    %swap3A_633 = vector.shape_cast %swap3A_632 : vector<1x16xf32> to vector<16xf32>
    %swap3A_634 = vector.shape_cast %broadcast_in_dim3A_628 : vector<16xf32> to vector<1x16xf32>
    tpu.vector_store %arg10[%swap3A_630, %swap3A_631], %swap3A_634 {strides = array<i32>} : memref<16x128xf32, #tpu.memory_space<vmem>>, vector<1x16xf32>,
    %broadcast_in_dim3A_635 = arith.constant 0.000000e+00 : f32
    %broadcast_in_dim3A_636 = vector.broadcast %broadcast_in_dim3A_635 : f32 to vector<16xf32>
    %swap3A_637 = arith.constant 9 : i32
    %swap3A_638 = arith.index_cast %swap3A_637 : i32 to index
    %swap3A_639 = arith.constant 112 : index
    %swap3A_640 = tpu.vector_load %arg10[%swap3A_638, %swap3A_639] {strides = array<i32>} : memref<16x128xf32, #tpu.memory_space<vmem>>, vector<1x16xf32>,
    %swap3A_641 = vector.shape_cast %swap3A_640 : vector<1x16xf32> to vector<16xf32>
    %swap3A_642 = vector.shape_cast %broadcast_in_dim3A_636 : vector<16xf32> to vector<1x16xf32>
    tpu.vector_store %arg10[%swap3A_638, %swap3A_639], %swap3A_642 {strides = array<i32>} : memref<16x128xf32, #tpu.memory_space<vmem>>, vector<1x16xf32>,
    %broadcast_in_dim3A_643 = arith.constant 0.000000e+00 : f32
    %broadcast_in_dim3A_644 = vector.broadcast %broadcast_in_dim3A_643 : f32 to vector<16xf32>
    %swap3A_645 = arith.constant 10 : i32
    %swap3A_646 = arith.index_cast %swap3A_645 : i32 to index
    %swap3A_647 = arith.constant 0 : index
    %swap3A_648 = tpu.vector_load %arg10[%swap3A_646, %swap3A_647] {strides = array<i32>} : memref<16x128xf32, #tpu.memory_space<vmem>>, vector<1x16xf32>,
    %swap3A_649 = vector.shape_cast %swap3A_648 : vector<1x16xf32> to vector<16xf32>
    %swap3A_650 = vector.shape_cast %broadcast_in_dim3A_644 : vector<16xf32> to vector<1x16xf32>
    tpu.vector_store %arg10[%swap3A_646, %swap3A_647], %swap3A_650 {strides = array<i32>} : memref<16x128xf32, #tpu.memory_space<vmem>>, vector<1x16xf32>,
    %broadcast_in_dim3A_651 = arith.constant 0.000000e+00 : f32
    %broadcast_in_dim3A_652 = vector.broadcast %broadcast_in_dim3A_651 : f32 to vector<16xf32>
    %swap3A_653 = arith.constant 10 : i32
    %swap3A_654 = arith.index_cast %swap3A_653 : i32 to index
    %swap3A_655 = arith.constant 16 : index
    %swap3A_656 = tpu.vector_load %arg10[%swap3A_654, %swap3A_655] {strides = array<i32>} : memref<16x128xf32, #tpu.memory_space<vmem>>, vector<1x16xf32>,
    %swap3A_657 = vector.shape_cast %swap3A_656 : vector<1x16xf32> to vector<16xf32>
    %swap3A_658 = vector.shape_cast %broadcast_in_dim3A_652 : vector<16xf32> to vector<1x16xf32>
    tpu.vector_store %arg10[%swap3A_654, %swap3A_655], %swap3A_658 {strides = array<i32>} : memref<16x128xf32, #tpu.memory_space<vmem>>, vector<1x16xf32>,
    %broadcast_in_dim3A_659 = arith.constant 0.000000e+00 : f32
    %broadcast_in_dim3A_660 = vector.broadcast %broadcast_in_dim3A_659 : f32 to vector<16xf32>
    %swap3A_661 = arith.constant 10 : i32
    %swap3A_662 = arith.index_cast %swap3A_661 : i32 to index
    %swap3A_663 = arith.constant 32 : index
    %swap3A_664 = tpu.vector_load %arg10[%swap3A_662, %swap3A_663] {strides = array<i32>} : memref<16x128xf32, #tpu.memory_space<vmem>>, vector<1x16xf32>,
    %swap3A_665 = vector.shape_cast %swap3A_664 : vector<1x16xf32> to vector<16xf32>
    %swap3A_666 = vector.shape_cast %broadcast_in_dim3A_660 : vector<16xf32> to vector<1x16xf32>
    tpu.vector_store %arg10[%swap3A_662, %swap3A_663], %swap3A_666 {strides = array<i32>} : memref<16x128xf32, #tpu.memory_space<vmem>>, vector<1x16xf32>,
    %broadcast_in_dim3A_667 = arith.constant 0.000000e+00 : f32
    %broadcast_in_dim3A_668 = vector.broadcast %broadcast_in_dim3A_667 : f32 to vector<16xf32>
    %swap3A_669 = arith.constant 10 : i32
    %swap3A_670 = arith.index_cast %swap3A_669 : i32 to index
    %swap3A_671 = arith.constant 48 : index
    %swap3A_672 = tpu.vector_load %arg10[%swap3A_670, %swap3A_671] {strides = array<i32>} : memref<16x128xf32, #tpu.memory_space<vmem>>, vector<1x16xf32>,
    %swap3A_673 = vector.shape_cast %swap3A_672 : vector<1x16xf32> to vector<16xf32>
    %swap3A_674 = vector.shape_cast %broadcast_in_dim3A_668 : vector<16xf32> to vector<1x16xf32>
    tpu.vector_store %arg10[%swap3A_670, %swap3A_671], %swap3A_674 {strides = array<i32>} : memref<16x128xf32, #tpu.memory_space<vmem>>, vector<1x16xf32>,
    %broadcast_in_dim3A_675 = arith.constant 0.000000e+00 : f32
    %broadcast_in_dim3A_676 = vector.broadcast %broadcast_in_dim3A_675 : f32 to vector<16xf32>
    %swap3A_677 = arith.constant 10 : i32
    %swap3A_678 = arith.index_cast %swap3A_677 : i32 to index
    %swap3A_679 = arith.constant 64 : index
    %swap3A_680 = tpu.vector_load %arg10[%swap3A_678, %swap3A_679] {strides = array<i32>} : memref<16x128xf32, #tpu.memory_space<vmem>>, vector<1x16xf32>,
    %swap3A_681 = vector.shape_cast %swap3A_680 : vector<1x16xf32> to vector<16xf32>
    %swap3A_682 = vector.shape_cast %broadcast_in_dim3A_676 : vector<16xf32> to vector<1x16xf32>
    tpu.vector_store %arg10[%swap3A_678, %swap3A_679], %swap3A_682 {strides = array<i32>} : memref<16x128xf32, #tpu.memory_space<vmem>>, vector<1x16xf32>,
    %broadcast_in_dim3A_683 = arith.constant 0.000000e+00 : f32
    %broadcast_in_dim3A_684 = vector.broadcast %broadcast_in_dim3A_683 : f32 to vector<16xf32>
    %swap3A_685 = arith.constant 10 : i32
    %swap3A_686 = arith.index_cast %swap3A_685 : i32 to index
    %swap3A_687 = arith.constant 80 : index
    %swap3A_688 = tpu.vector_load %arg10[%swap3A_686, %swap3A_687] {strides = array<i32>} : memref<16x128xf32, #tpu.memory_space<vmem>>, vector<1x16xf32>,
    %swap3A_689 = vector.shape_cast %swap3A_688 : vector<1x16xf32> to vector<16xf32>
    %swap3A_690 = vector.shape_cast %broadcast_in_dim3A_684 : vector<16xf32> to vector<1x16xf32>
    tpu.vector_store %arg10[%swap3A_686, %swap3A_687], %swap3A_690 {strides = array<i32>} : memref<16x128xf32, #tpu.memory_space<vmem>>, vector<1x16xf32>,
    %broadcast_in_dim3A_691 = arith.constant 0.000000e+00 : f32
    %broadcast_in_dim3A_692 = vector.broadcast %broadcast_in_dim3A_691 : f32 to vector<16xf32>
    %swap3A_693 = arith.constant 10 : i32
    %swap3A_694 = arith.index_cast %swap3A_693 : i32 to index
    %swap3A_695 = arith.constant 96 : index
    %swap3A_696 = tpu.vector_load %arg10[%swap3A_694, %swap3A_695] {strides = array<i32>} : memref<16x128xf32, #tpu.memory_space<vmem>>, vector<1x16xf32>,
    %swap3A_697 = vector.shape_cast %swap3A_696 : vector<1x16xf32> to vector<16xf32>
    %swap3A_698 = vector.shape_cast %broadcast_in_dim3A_692 : vector<16xf32> to vector<1x16xf32>
    tpu.vector_store %arg10[%swap3A_694, %swap3A_695], %swap3A_698 {strides = array<i32>} : memref<16x128xf32, #tpu.memory_space<vmem>>, vector<1x16xf32>,
    %broadcast_in_dim3A_699 = arith.constant 0.000000e+00 : f32
    %broadcast_in_dim3A_700 = vector.broadcast %broadcast_in_dim3A_699 : f32 to vector<16xf32>
    %swap3A_701 = arith.constant 10 : i32
    %swap3A_702 = arith.index_cast %swap3A_701 : i32 to index
    %swap3A_703 = arith.constant 112 : index
    %swap3A_704 = tpu.vector_load %arg10[%swap3A_702, %swap3A_703] {strides = array<i32>} : memref<16x128xf32, #tpu.memory_space<vmem>>, vector<1x16xf32>,
    %swap3A_705 = vector.shape_cast %swap3A_704 : vector<1x16xf32> to vector<16xf32>
    %swap3A_706 = vector.shape_cast %broadcast_in_dim3A_700 : vector<16xf32> to vector<1x16xf32>
    tpu.vector_store %arg10[%swap3A_702, %swap3A_703], %swap3A_706 {strides = array<i32>} : memref<16x128xf32, #tpu.memory_space<vmem>>, vector<1x16xf32>,
    %broadcast_in_dim3A_707 = arith.constant 0.000000e+00 : f32
    %broadcast_in_dim3A_708 = vector.broadcast %broadcast_in_dim3A_707 : f32 to vector<16xf32>
    %swap3A_709 = arith.constant 11 : i32
    %swap3A_710 = arith.index_cast %swap3A_709 : i32 to index
    %swap3A_711 = arith.constant 0 : index
    %swap3A_712 = tpu.vector_load %arg10[%swap3A_710, %swap3A_711] {strides = array<i32>} : memref<16x128xf32, #tpu.memory_space<vmem>>, vector<1x16xf32>,
    %swap3A_713 = vector.shape_cast %swap3A_712 : vector<1x16xf32> to vector<16xf32>
    %swap3A_714 = vector.shape_cast %broadcast_in_dim3A_708 : vector<16xf32> to vector<1x16xf32>
    tpu.vector_store %arg10[%swap3A_710, %swap3A_711], %swap3A_714 {strides = array<i32>} : memref<16x128xf32, #tpu.memory_space<vmem>>, vector<1x16xf32>,
    %broadcast_in_dim3A_715 = arith.constant 0.000000e+00 : f32
    %broadcast_in_dim3A_716 = vector.broadcast %broadcast_in_dim3A_715 : f32 to vector<16xf32>
    %swap3A_717 = arith.constant 11 : i32
    %swap3A_718 = arith.index_cast %swap3A_717 : i32 to index
    %swap3A_719 = arith.constant 16 : index
    %swap3A_720 = tpu.vector_load %arg10[%swap3A_718, %swap3A_719] {strides = array<i32>} : memref<16x128xf32, #tpu.memory_space<vmem>>, vector<1x16xf32>,
    %swap3A_721 = vector.shape_cast %swap3A_720 : vector<1x16xf32> to vector<16xf32>
    %swap3A_722 = vector.shape_cast %broadcast_in_dim3A_716 : vector<16xf32> to vector<1x16xf32>
    tpu.vector_store %arg10[%swap3A_718, %swap3A_719], %swap3A_722 {strides = array<i32>} : memref<16x128xf32, #tpu.memory_space<vmem>>, vector<1x16xf32>,
    %broadcast_in_dim3A_723 = arith.constant 0.000000e+00 : f32
    %broadcast_in_dim3A_724 = vector.broadcast %broadcast_in_dim3A_723 : f32 to vector<16xf32>
    %swap3A_725 = arith.constant 11 : i32
    %swap3A_726 = arith.index_cast %swap3A_725 : i32 to index
    %swap3A_727 = arith.constant 32 : index
    %swap3A_728 = tpu.vector_load %arg10[%swap3A_726, %swap3A_727] {strides = array<i32>} : memref<16x128xf32, #tpu.memory_space<vmem>>, vector<1x16xf32>,
    %swap3A_729 = vector.shape_cast %swap3A_728 : vector<1x16xf32> to vector<16xf32>
    %swap3A_730 = vector.shape_cast %broadcast_in_dim3A_724 : vector<16xf32> to vector<1x16xf32>
    tpu.vector_store %arg10[%swap3A_726, %swap3A_727], %swap3A_730 {strides = array<i32>} : memref<16x128xf32, #tpu.memory_space<vmem>>, vector<1x16xf32>,
    %broadcast_in_dim3A_731 = arith.constant 0.000000e+00 : f32
    %broadcast_in_dim3A_732 = vector.broadcast %broadcast_in_dim3A_731 : f32 to vector<16xf32>
    %swap3A_733 = arith.constant 11 : i32
    %swap3A_734 = arith.index_cast %swap3A_733 : i32 to index
    %swap3A_735 = arith.constant 48 : index
    %swap3A_736 = tpu.vector_load %arg10[%swap3A_734, %swap3A_735] {strides = array<i32>} : memref<16x128xf32, #tpu.memory_space<vmem>>, vector<1x16xf32>,
    %swap3A_737 = vector.shape_cast %swap3A_736 : vector<1x16xf32> to vector<16xf32>
    %swap3A_738 = vector.shape_cast %broadcast_in_dim3A_732 : vector<16xf32> to vector<1x16xf32>
    tpu.vector_store %arg10[%swap3A_734, %swap3A_735], %swap3A_738 {strides = array<i32>} : memref<16x128xf32, #tpu.memory_space<vmem>>, vector<1x16xf32>,
    %broadcast_in_dim3A_739 = arith.constant 0.000000e+00 : f32
    %broadcast_in_dim3A_740 = vector.broadcast %broadcast_in_dim3A_739 : f32 to vector<16xf32>
    %swap3A_741 = arith.constant 11 : i32
    %swap3A_742 = arith.index_cast %swap3A_741 : i32 to index
    %swap3A_743 = arith.constant 64 : index
    %swap3A_744 = tpu.vector_load %arg10[%swap3A_742, %swap3A_743] {strides = array<i32>} : memref<16x128xf32, #tpu.memory_space<vmem>>, vector<1x16xf32>,
    %swap3A_745 = vector.shape_cast %swap3A_744 : vector<1x16xf32> to vector<16xf32>
    %swap3A_746 = vector.shape_cast %broadcast_in_dim3A_740 : vector<16xf32> to vector<1x16xf32>
    tpu.vector_store %arg10[%swap3A_742, %swap3A_743], %swap3A_746 {strides = array<i32>} : memref<16x128xf32, #tpu.memory_space<vmem>>, vector<1x16xf32>,
    %broadcast_in_dim3A_747 = arith.constant 0.000000e+00 : f32
    %broadcast_in_dim3A_748 = vector.broadcast %broadcast_in_dim3A_747 : f32 to vector<16xf32>
    %swap3A_749 = arith.constant 11 : i32
    %swap3A_750 = arith.index_cast %swap3A_749 : i32 to index
    %swap3A_751 = arith.constant 80 : index
    %swap3A_752 = tpu.vector_load %arg10[%swap3A_750, %swap3A_751] {strides = array<i32>} : memref<16x128xf32, #tpu.memory_space<vmem>>, vector<1x16xf32>,
    %swap3A_753 = vector.shape_cast %swap3A_752 : vector<1x16xf32> to vector<16xf32>
    %swap3A_754 = vector.shape_cast %broadcast_in_dim3A_748 : vector<16xf32> to vector<1x16xf32>
    tpu.vector_store %arg10[%swap3A_750, %swap3A_751], %swap3A_754 {strides = array<i32>} : memref<16x128xf32, #tpu.memory_space<vmem>>, vector<1x16xf32>,
    %broadcast_in_dim3A_755 = arith.constant 0.000000e+00 : f32
    %broadcast_in_dim3A_756 = vector.broadcast %broadcast_in_dim3A_755 : f32 to vector<16xf32>
    %swap3A_757 = arith.constant 11 : i32
    %swap3A_758 = arith.index_cast %swap3A_757 : i32 to index
    %swap3A_759 = arith.constant 96 : index
    %swap3A_760 = tpu.vector_load %arg10[%swap3A_758, %swap3A_759] {strides = array<i32>} : memref<16x128xf32, #tpu.memory_space<vmem>>, vector<1x16xf32>,
    %swap3A_761 = vector.shape_cast %swap3A_760 : vector<1x16xf32> to vector<16xf32>
    %swap3A_762 = vector.shape_cast %broadcast_in_dim3A_756 : vector<16xf32> to vector<1x16xf32>
    tpu.vector_store %arg10[%swap3A_758, %swap3A_759], %swap3A_762 {strides = array<i32>} : memref<16x128xf32, #tpu.memory_space<vmem>>, vector<1x16xf32>,
    %broadcast_in_dim3A_763 = arith.constant 0.000000e+00 : f32
    %broadcast_in_dim3A_764 = vector.broadcast %broadcast_in_dim3A_763 : f32 to vector<16xf32>
    %swap3A_765 = arith.constant 11 : i32
    %swap3A_766 = arith.index_cast %swap3A_765 : i32 to index
    %swap3A_767 = arith.constant 112 : index
    %swap3A_768 = tpu.vector_load %arg10[%swap3A_766, %swap3A_767] {strides = array<i32>} : memref<16x128xf32, #tpu.memory_space<vmem>>, vector<1x16xf32>,
    %swap3A_769 = vector.shape_cast %swap3A_768 : vector<1x16xf32> to vector<16xf32>
    %swap3A_770 = vector.shape_cast %broadcast_in_dim3A_764 : vector<16xf32> to vector<1x16xf32>
    tpu.vector_store %arg10[%swap3A_766, %swap3A_767], %swap3A_770 {strides = array<i32>} : memref<16x128xf32, #tpu.memory_space<vmem>>, vector<1x16xf32>,
    %broadcast_in_dim3A_771 = arith.constant 0.000000e+00 : f32
    %broadcast_in_dim3A_772 = vector.broadcast %broadcast_in_dim3A_771 : f32 to vector<16xf32>
    %swap3A_773 = arith.constant 12 : i32
    %swap3A_774 = arith.index_cast %swap3A_773 : i32 to index
    %swap3A_775 = arith.constant 0 : index
    %swap3A_776 = tpu.vector_load %arg10[%swap3A_774, %swap3A_775] {strides = array<i32>} : memref<16x128xf32, #tpu.memory_space<vmem>>, vector<1x16xf32>,
    %swap3A_777 = vector.shape_cast %swap3A_776 : vector<1x16xf32> to vector<16xf32>
    %swap3A_778 = vector.shape_cast %broadcast_in_dim3A_772 : vector<16xf32> to vector<1x16xf32>
    tpu.vector_store %arg10[%swap3A_774, %swap3A_775], %swap3A_778 {strides = array<i32>} : memref<16x128xf32, #tpu.memory_space<vmem>>, vector<1x16xf32>,
    %broadcast_in_dim3A_779 = arith.constant 0.000000e+00 : f32
    %broadcast_in_dim3A_780 = vector.broadcast %broadcast_in_dim3A_779 : f32 to vector<16xf32>
    %swap3A_781 = arith.constant 12 : i32
    %swap3A_782 = arith.index_cast %swap3A_781 : i32 to index
    %swap3A_783 = arith.constant 16 : index
    %swap3A_784 = tpu.vector_load %arg10[%swap3A_782, %swap3A_783] {strides = array<i32>} : memref<16x128xf32, #tpu.memory_space<vmem>>, vector<1x16xf32>,
    %swap3A_785 = vector.shape_cast %swap3A_784 : vector<1x16xf32> to vector<16xf32>
    %swap3A_786 = vector.shape_cast %broadcast_in_dim3A_780 : vector<16xf32> to vector<1x16xf32>
    tpu.vector_store %arg10[%swap3A_782, %swap3A_783], %swap3A_786 {strides = array<i32>} : memref<16x128xf32, #tpu.memory_space<vmem>>, vector<1x16xf32>,
    %broadcast_in_dim3A_787 = arith.constant 0.000000e+00 : f32
    %broadcast_in_dim3A_788 = vector.broadcast %broadcast_in_dim3A_787 : f32 to vector<16xf32>
    %swap3A_789 = arith.constant 12 : i32
    %swap3A_790 = arith.index_cast %swap3A_789 : i32 to index
    %swap3A_791 = arith.constant 32 : index
    %swap3A_792 = tpu.vector_load %arg10[%swap3A_790, %swap3A_791] {strides = array<i32>} : memref<16x128xf32, #tpu.memory_space<vmem>>, vector<1x16xf32>,
    %swap3A_793 = vector.shape_cast %swap3A_792 : vector<1x16xf32> to vector<16xf32>
    %swap3A_794 = vector.shape_cast %broadcast_in_dim3A_788 : vector<16xf32> to vector<1x16xf32>
    tpu.vector_store %arg10[%swap3A_790, %swap3A_791], %swap3A_794 {strides = array<i32>} : memref<16x128xf32, #tpu.memory_space<vmem>>, vector<1x16xf32>,
    %broadcast_in_dim3A_795 = arith.constant 0.000000e+00 : f32
    %broadcast_in_dim3A_796 = vector.broadcast %broadcast_in_dim3A_795 : f32 to vector<16xf32>
    %swap3A_797 = arith.constant 12 : i32
    %swap3A_798 = arith.index_cast %swap3A_797 : i32 to index
    %swap3A_799 = arith.constant 48 : index
    %swap3A_800 = tpu.vector_load %arg10[%swap3A_798, %swap3A_799] {strides = array<i32>} : memref<16x128xf32, #tpu.memory_space<vmem>>, vector<1x16xf32>,
    %swap3A_801 = vector.shape_cast %swap3A_800 : vector<1x16xf32> to vector<16xf32>
    %swap3A_802 = vector.shape_cast %broadcast_in_dim3A_796 : vector<16xf32> to vector<1x16xf32>
    tpu.vector_store %arg10[%swap3A_798, %swap3A_799], %swap3A_802 {strides = array<i32>} : memref<16x128xf32, #tpu.memory_space<vmem>>, vector<1x16xf32>,
    %broadcast_in_dim3A_803 = arith.constant 0.000000e+00 : f32
    %broadcast_in_dim3A_804 = vector.broadcast %broadcast_in_dim3A_803 : f32 to vector<16xf32>
    %swap3A_805 = arith.constant 12 : i32
    %swap3A_806 = arith.index_cast %swap3A_805 : i32 to index
    %swap3A_807 = arith.constant 64 : index
    %swap3A_808 = tpu.vector_load %arg10[%swap3A_806, %swap3A_807] {strides = array<i32>} : memref<16x128xf32, #tpu.memory_space<vmem>>, vector<1x16xf32>,
    %swap3A_809 = vector.shape_cast %swap3A_808 : vector<1x16xf32> to vector<16xf32>
    %swap3A_810 = vector.shape_cast %broadcast_in_dim3A_804 : vector<16xf32> to vector<1x16xf32>
    tpu.vector_store %arg10[%swap3A_806, %swap3A_807], %swap3A_810 {strides = array<i32>} : memref<16x128xf32, #tpu.memory_space<vmem>>, vector<1x16xf32>,
    %broadcast_in_dim3A_811 = arith.constant 0.000000e+00 : f32
    %broadcast_in_dim3A_812 = vector.broadcast %broadcast_in_dim3A_811 : f32 to vector<16xf32>
    %swap3A_813 = arith.constant 12 : i32
    %swap3A_814 = arith.index_cast %swap3A_813 : i32 to index
    %swap3A_815 = arith.constant 80 : index
    %swap3A_816 = tpu.vector_load %arg10[%swap3A_814, %swap3A_815] {strides = array<i32>} : memref<16x128xf32, #tpu.memory_space<vmem>>, vector<1x16xf32>,
    %swap3A_817 = vector.shape_cast %swap3A_816 : vector<1x16xf32> to vector<16xf32>
    %swap3A_818 = vector.shape_cast %broadcast_in_dim3A_812 : vector<16xf32> to vector<1x16xf32>
    tpu.vector_store %arg10[%swap3A_814, %swap3A_815], %swap3A_818 {strides = array<i32>} : memref<16x128xf32, #tpu.memory_space<vmem>>, vector<1x16xf32>,
    %broadcast_in_dim3A_819 = arith.constant 0.000000e+00 : f32
    %broadcast_in_dim3A_820 = vector.broadcast %broadcast_in_dim3A_819 : f32 to vector<16xf32>
    %swap3A_821 = arith.constant 12 : i32
    %swap3A_822 = arith.index_cast %swap3A_821 : i32 to index
    %swap3A_823 = arith.constant 96 : index
    %swap3A_824 = tpu.vector_load %arg10[%swap3A_822, %swap3A_823] {strides = array<i32>} : memref<16x128xf32, #tpu.memory_space<vmem>>, vector<1x16xf32>,
    %swap3A_825 = vector.shape_cast %swap3A_824 : vector<1x16xf32> to vector<16xf32>
    %swap3A_826 = vector.shape_cast %broadcast_in_dim3A_820 : vector<16xf32> to vector<1x16xf32>
    tpu.vector_store %arg10[%swap3A_822, %swap3A_823], %swap3A_826 {strides = array<i32>} : memref<16x128xf32, #tpu.memory_space<vmem>>, vector<1x16xf32>,
    %broadcast_in_dim3A_827 = arith.constant 0.000000e+00 : f32
    %broadcast_in_dim3A_828 = vector.broadcast %broadcast_in_dim3A_827 : f32 to vector<16xf32>
    %swap3A_829 = arith.constant 12 : i32
    %swap3A_830 = arith.index_cast %swap3A_829 : i32 to index
    %swap3A_831 = arith.constant 112 : index
    %swap3A_832 = tpu.vector_load %arg10[%swap3A_830, %swap3A_831] {strides = array<i32>} : memref<16x128xf32, #tpu.memory_space<vmem>>, vector<1x16xf32>,
    %swap3A_833 = vector.shape_cast %swap3A_832 : vector<1x16xf32> to vector<16xf32>
    %swap3A_834 = vector.shape_cast %broadcast_in_dim3A_828 : vector<16xf32> to vector<1x16xf32>
    tpu.vector_store %arg10[%swap3A_830, %swap3A_831], %swap3A_834 {strides = array<i32>} : memref<16x128xf32, #tpu.memory_space<vmem>>, vector<1x16xf32>,
    %broadcast_in_dim3A_835 = arith.constant 0.000000e+00 : f32
    %broadcast_in_dim3A_836 = vector.broadcast %broadcast_in_dim3A_835 : f32 to vector<16xf32>
    %swap3A_837 = arith.constant 13 : i32
    %swap3A_838 = arith.index_cast %swap3A_837 : i32 to index
    %swap3A_839 = arith.constant 0 : index
    %swap3A_840 = tpu.vector_load %arg10[%swap3A_838, %swap3A_839] {strides = array<i32>} : memref<16x128xf32, #tpu.memory_space<vmem>>, vector<1x16xf32>,
    %swap3A_841 = vector.shape_cast %swap3A_840 : vector<1x16xf32> to vector<16xf32>
    %swap3A_842 = vector.shape_cast %broadcast_in_dim3A_836 : vector<16xf32> to vector<1x16xf32>
    tpu.vector_store %arg10[%swap3A_838, %swap3A_839], %swap3A_842 {strides = array<i32>} : memref<16x128xf32, #tpu.memory_space<vmem>>, vector<1x16xf32>,
    %broadcast_in_dim3A_843 = arith.constant 0.000000e+00 : f32
    %broadcast_in_dim3A_844 = vector.broadcast %broadcast_in_dim3A_843 : f32 to vector<16xf32>
    %swap3A_845 = arith.constant 13 : i32
    %swap3A_846 = arith.index_cast %swap3A_845 : i32 to index
    %swap3A_847 = arith.constant 16 : index
    %swap3A_848 = tpu.vector_load %arg10[%swap3A_846, %swap3A_847] {strides = array<i32>} : memref<16x128xf32, #tpu.memory_space<vmem>>, vector<1x16xf32>,
    %swap3A_849 = vector.shape_cast %swap3A_848 : vector<1x16xf32> to vector<16xf32>
    %swap3A_850 = vector.shape_cast %broadcast_in_dim3A_844 : vector<16xf32> to vector<1x16xf32>
    tpu.vector_store %arg10[%swap3A_846, %swap3A_847], %swap3A_850 {strides = array<i32>} : memref<16x128xf32, #tpu.memory_space<vmem>>, vector<1x16xf32>,
    %broadcast_in_dim3A_851 = arith.constant 0.000000e+00 : f32
    %broadcast_in_dim3A_852 = vector.broadcast %broadcast_in_dim3A_851 : f32 to vector<16xf32>
    %swap3A_853 = arith.constant 13 : i32
    %swap3A_854 = arith.index_cast %swap3A_853 : i32 to index
    %swap3A_855 = arith.constant 32 : index
    %swap3A_856 = tpu.vector_load %arg10[%swap3A_854, %swap3A_855] {strides = array<i32>} : memref<16x128xf32, #tpu.memory_space<vmem>>, vector<1x16xf32>,
    %swap3A_857 = vector.shape_cast %swap3A_856 : vector<1x16xf32> to vector<16xf32>
    %swap3A_858 = vector.shape_cast %broadcast_in_dim3A_852 : vector<16xf32> to vector<1x16xf32>
    tpu.vector_store %arg10[%swap3A_854, %swap3A_855], %swap3A_858 {strides = array<i32>} : memref<16x128xf32, #tpu.memory_space<vmem>>, vector<1x16xf32>,
    %broadcast_in_dim3A_859 = arith.constant 0.000000e+00 : f32
    %broadcast_in_dim3A_860 = vector.broadcast %broadcast_in_dim3A_859 : f32 to vector<16xf32>
    %swap3A_861 = arith.constant 13 : i32
    %swap3A_862 = arith.index_cast %swap3A_861 : i32 to index
    %swap3A_863 = arith.constant 48 : index
    %swap3A_864 = tpu.vector_load %arg10[%swap3A_862, %swap3A_863] {strides = array<i32>} : memref<16x128xf32, #tpu.memory_space<vmem>>, vector<1x16xf32>,
    %swap3A_865 = vector.shape_cast %swap3A_864 : vector<1x16xf32> to vector<16xf32>
    %swap3A_866 = vector.shape_cast %broadcast_in_dim3A_860 : vector<16xf32> to vector<1x16xf32>
    tpu.vector_store %arg10[%swap3A_862, %swap3A_863], %swap3A_866 {strides = array<i32>} : memref<16x128xf32, #tpu.memory_space<vmem>>, vector<1x16xf32>,
    %broadcast_in_dim3A_867 = arith.constant 0.000000e+00 : f32
    %broadcast_in_dim3A_868 = vector.broadcast %broadcast_in_dim3A_867 : f32 to vector<16xf32>
    %swap3A_869 = arith.constant 13 : i32
    %swap3A_870 = arith.index_cast %swap3A_869 : i32 to index
    %swap3A_871 = arith.constant 64 : index
    %swap3A_872 = tpu.vector_load %arg10[%swap3A_870, %swap3A_871] {strides = array<i32>} : memref<16x128xf32, #tpu.memory_space<vmem>>, vector<1x16xf32>,
    %swap3A_873 = vector.shape_cast %swap3A_872 : vector<1x16xf32> to vector<16xf32>
    %swap3A_874 = vector.shape_cast %broadcast_in_dim3A_868 : vector<16xf32> to vector<1x16xf32>
    tpu.vector_store %arg10[%swap3A_870, %swap3A_871], %swap3A_874 {strides = array<i32>} : memref<16x128xf32, #tpu.memory_space<vmem>>, vector<1x16xf32>,
    %broadcast_in_dim3A_875 = arith.constant 0.000000e+00 : f32
    %broadcast_in_dim3A_876 = vector.broadcast %broadcast_in_dim3A_875 : f32 to vector<16xf32>
    %swap3A_877 = arith.constant 13 : i32
    %swap3A_878 = arith.index_cast %swap3A_877 : i32 to index
    %swap3A_879 = arith.constant 80 : index
    %swap3A_880 = tpu.vector_load %arg10[%swap3A_878, %swap3A_879] {strides = array<i32>} : memref<16x128xf32, #tpu.memory_space<vmem>>, vector<1x16xf32>,
    %swap3A_881 = vector.shape_cast %swap3A_880 : vector<1x16xf32> to vector<16xf32>
    %swap3A_882 = vector.shape_cast %broadcast_in_dim3A_876 : vector<16xf32> to vector<1x16xf32>
    tpu.vector_store %arg10[%swap3A_878, %swap3A_879], %swap3A_882 {strides = array<i32>} : memref<16x128xf32, #tpu.memory_space<vmem>>, vector<1x16xf32>,
    %broadcast_in_dim3A_883 = arith.constant 0.000000e+00 : f32
    %broadcast_in_dim3A_884 = vector.broadcast %broadcast_in_dim3A_883 : f32 to vector<16xf32>
    %swap3A_885 = arith.constant 13 : i32
    %swap3A_886 = arith.index_cast %swap3A_885 : i32 to index
    %swap3A_887 = arith.constant 96 : index
    %swap3A_888 = tpu.vector_load %arg10[%swap3A_886, %swap3A_887] {strides = array<i32>} : memref<16x128xf32, #tpu.memory_space<vmem>>, vector<1x16xf32>,
    %swap3A_889 = vector.shape_cast %swap3A_888 : vector<1x16xf32> to vector<16xf32>
    %swap3A_890 = vector.shape_cast %broadcast_in_dim3A_884 : vector<16xf32> to vector<1x16xf32>
    tpu.vector_store %arg10[%swap3A_886, %swap3A_887], %swap3A_890 {strides = array<i32>} : memref<16x128xf32, #tpu.memory_space<vmem>>, vector<1x16xf32>,
    %broadcast_in_dim3A_891 = arith.constant 0.000000e+00 : f32
    %broadcast_in_dim3A_892 = vector.broadcast %broadcast_in_dim3A_891 : f32 to vector<16xf32>
    %swap3A_893 = arith.constant 13 : i32
    %swap3A_894 = arith.index_cast %swap3A_893 : i32 to index
    %swap3A_895 = arith.constant 112 : index
    %swap3A_896 = tpu.vector_load %arg10[%swap3A_894, %swap3A_895] {strides = array<i32>} : memref<16x128xf32, #tpu.memory_space<vmem>>, vector<1x16xf32>,
    %swap3A_897 = vector.shape_cast %swap3A_896 : vector<1x16xf32> to vector<16xf32>
    %swap3A_898 = vector.shape_cast %broadcast_in_dim3A_892 : vector<16xf32> to vector<1x16xf32>
    tpu.vector_store %arg10[%swap3A_894, %swap3A_895], %swap3A_898 {strides = array<i32>} : memref<16x128xf32, #tpu.memory_space<vmem>>, vector<1x16xf32>,
    %broadcast_in_dim3A_899 = arith.constant 0.000000e+00 : f32
    %broadcast_in_dim3A_900 = vector.broadcast %broadcast_in_dim3A_899 : f32 to vector<16xf32>
    %swap3A_901 = arith.constant 14 : i32
    %swap3A_902 = arith.index_cast %swap3A_901 : i32 to index
    %swap3A_903 = arith.constant 0 : index
    %swap3A_904 = tpu.vector_load %arg10[%swap3A_902, %swap3A_903] {strides = array<i32>} : memref<16x128xf32, #tpu.memory_space<vmem>>, vector<1x16xf32>,
    %swap3A_905 = vector.shape_cast %swap3A_904 : vector<1x16xf32> to vector<16xf32>
    %swap3A_906 = vector.shape_cast %broadcast_in_dim3A_900 : vector<16xf32> to vector<1x16xf32>
    tpu.vector_store %arg10[%swap3A_902, %swap3A_903], %swap3A_906 {strides = array<i32>} : memref<16x128xf32, #tpu.memory_space<vmem>>, vector<1x16xf32>,
    %broadcast_in_dim3A_907 = arith.constant 0.000000e+00 : f32
    %broadcast_in_dim3A_908 = vector.broadcast %broadcast_in_dim3A_907 : f32 to vector<16xf32>
    %swap3A_909 = arith.constant 14 : i32
    %swap3A_910 = arith.index_cast %swap3A_909 : i32 to index
    %swap3A_911 = arith.constant 16 : index
    %swap3A_912 = tpu.vector_load %arg10[%swap3A_910, %swap3A_911] {strides = array<i32>} : memref<16x128xf32, #tpu.memory_space<vmem>>, vector<1x16xf32>,
    %swap3A_913 = vector.shape_cast %swap3A_912 : vector<1x16xf32> to vector<16xf32>
    %swap3A_914 = vector.shape_cast %broadcast_in_dim3A_908 : vector<16xf32> to vector<1x16xf32>
    tpu.vector_store %arg10[%swap3A_910, %swap3A_911], %swap3A_914 {strides = array<i32>} : memref<16x128xf32, #tpu.memory_space<vmem>>, vector<1x16xf32>,
    %broadcast_in_dim3A_915 = arith.constant 0.000000e+00 : f32
    %broadcast_in_dim3A_916 = vector.broadcast %broadcast_in_dim3A_915 : f32 to vector<16xf32>
    %swap3A_917 = arith.constant 14 : i32
    %swap3A_918 = arith.index_cast %swap3A_917 : i32 to index
    %swap3A_919 = arith.constant 32 : index
    %swap3A_920 = tpu.vector_load %arg10[%swap3A_918, %swap3A_919] {strides = array<i32>} : memref<16x128xf32, #tpu.memory_space<vmem>>, vector<1x16xf32>,
    %swap3A_921 = vector.shape_cast %swap3A_920 : vector<1x16xf32> to vector<16xf32>
    %swap3A_922 = vector.shape_cast %broadcast_in_dim3A_916 : vector<16xf32> to vector<1x16xf32>
    tpu.vector_store %arg10[%swap3A_918, %swap3A_919], %swap3A_922 {strides = array<i32>} : memref<16x128xf32, #tpu.memory_space<vmem>>, vector<1x16xf32>,
    %broadcast_in_dim3A_923 = arith.constant 0.000000e+00 : f32
    %broadcast_in_dim3A_924 = vector.broadcast %broadcast_in_dim3A_923 : f32 to vector<16xf32>
    %swap3A_925 = arith.constant 14 : i32
    %swap3A_926 = arith.index_cast %swap3A_925 : i32 to index
    %swap3A_927 = arith.constant 48 : index
    %swap3A_928 = tpu.vector_load %arg10[%swap3A_926, %swap3A_927] {strides = array<i32>} : memref<16x128xf32, #tpu.memory_space<vmem>>, vector<1x16xf32>,
    %swap3A_929 = vector.shape_cast %swap3A_928 : vector<1x16xf32> to vector<16xf32>
    %swap3A_930 = vector.shape_cast %broadcast_in_dim3A_924 : vector<16xf32> to vector<1x16xf32>
    tpu.vector_store %arg10[%swap3A_926, %swap3A_927], %swap3A_930 {strides = array<i32>} : memref<16x128xf32, #tpu.memory_space<vmem>>, vector<1x16xf32>,
    %broadcast_in_dim3A_931 = arith.constant 0.000000e+00 : f32
    %broadcast_in_dim3A_932 = vector.broadcast %broadcast_in_dim3A_931 : f32 to vector<16xf32>
    %swap3A_933 = arith.constant 14 : i32
    %swap3A_934 = arith.index_cast %swap3A_933 : i32 to index
    %swap3A_935 = arith.constant 64 : index
    %swap3A_936 = tpu.vector_load %arg10[%swap3A_934, %swap3A_935] {strides = array<i32>} : memref<16x128xf32, #tpu.memory_space<vmem>>, vector<1x16xf32>,
    %swap3A_937 = vector.shape_cast %swap3A_936 : vector<1x16xf32> to vector<16xf32>
    %swap3A_938 = vector.shape_cast %broadcast_in_dim3A_932 : vector<16xf32> to vector<1x16xf32>
    tpu.vector_store %arg10[%swap3A_934, %swap3A_935], %swap3A_938 {strides = array<i32>} : memref<16x128xf32, #tpu.memory_space<vmem>>, vector<1x16xf32>,
    %broadcast_in_dim3A_939 = arith.constant 0.000000e+00 : f32
    %broadcast_in_dim3A_940 = vector.broadcast %broadcast_in_dim3A_939 : f32 to vector<16xf32>
    %swap3A_941 = arith.constant 14 : i32
    %swap3A_942 = arith.index_cast %swap3A_941 : i32 to index
    %swap3A_943 = arith.constant 80 : index
    %swap3A_944 = tpu.vector_load %arg10[%swap3A_942, %swap3A_943] {strides = array<i32>} : memref<16x128xf32, #tpu.memory_space<vmem>>, vector<1x16xf32>,
    %swap3A_945 = vector.shape_cast %swap3A_944 : vector<1x16xf32> to vector<16xf32>
    %swap3A_946 = vector.shape_cast %broadcast_in_dim3A_940 : vector<16xf32> to vector<1x16xf32>
    tpu.vector_store %arg10[%swap3A_942, %swap3A_943], %swap3A_946 {strides = array<i32>} : memref<16x128xf32, #tpu.memory_space<vmem>>, vector<1x16xf32>,
    %broadcast_in_dim3A_947 = arith.constant 0.000000e+00 : f32
    %broadcast_in_dim3A_948 = vector.broadcast %broadcast_in_dim3A_947 : f32 to vector<16xf32>
    %swap3A_949 = arith.constant 14 : i32
    %swap3A_950 = arith.index_cast %swap3A_949 : i32 to index
    %swap3A_951 = arith.constant 96 : index
    %swap3A_952 = tpu.vector_load %arg10[%swap3A_950, %swap3A_951] {strides = array<i32>} : memref<16x128xf32, #tpu.memory_space<vmem>>, vector<1x16xf32>,
    %swap3A_953 = vector.shape_cast %swap3A_952 : vector<1x16xf32> to vector<16xf32>
    %swap3A_954 = vector.shape_cast %broadcast_in_dim3A_948 : vector<16xf32> to vector<1x16xf32>
    tpu.vector_store %arg10[%swap3A_950, %swap3A_951], %swap3A_954 {strides = array<i32>} : memref<16x128xf32, #tpu.memory_space<vmem>>, vector<1x16xf32>,
    %broadcast_in_dim3A_955 = arith.constant 0.000000e+00 : f32
    %broadcast_in_dim3A_956 = vector.broadcast %broadcast_in_dim3A_955 : f32 to vector<16xf32>
    %swap3A_957 = arith.constant 14 : i32
    %swap3A_958 = arith.index_cast %swap3A_957 : i32 to index
    %swap3A_959 = arith.constant 112 : index
    %swap3A_960 = tpu.vector_load %arg10[%swap3A_958, %swap3A_959] {strides = array<i32>} : memref<16x128xf32, #tpu.memory_space<vmem>>, vector<1x16xf32>,
    %swap3A_961 = vector.shape_cast %swap3A_960 : vector<1x16xf32> to vector<16xf32>
    %swap3A_962 = vector.shape_cast %broadcast_in_dim3A_956 : vector<16xf32> to vector<1x16xf32>
    tpu.vector_store %arg10[%swap3A_958, %swap3A_959], %swap3A_962 {strides = array<i32>} : memref<16x128xf32, #tpu.memory_space<vmem>>, vector<1x16xf32>,
    %broadcast_in_dim3A_963 = arith.constant 0.000000e+00 : f32
    %broadcast_in_dim3A_964 = vector.broadcast %broadcast_in_dim3A_963 : f32 to vector<16xf32>
    %swap3A_965 = arith.constant 15 : i32
    %swap3A_966 = arith.index_cast %swap3A_965 : i32 to index
    %swap3A_967 = arith.constant 0 : index
    %swap3A_968 = tpu.vector_load %arg10[%swap3A_966, %swap3A_967] {strides = array<i32>} : memref<16x128xf32, #tpu.memory_space<vmem>>, vector<1x16xf32>,
    %swap3A_969 = vector.shape_cast %swap3A_968 : vector<1x16xf32> to vector<16xf32>
    %swap3A_970 = vector.shape_cast %broadcast_in_dim3A_964 : vector<16xf32> to vector<1x16xf32>
    tpu.vector_store %arg10[%swap3A_966, %swap3A_967], %swap3A_970 {strides = array<i32>} : memref<16x128xf32, #tpu.memory_space<vmem>>, vector<1x16xf32>,
    %broadcast_in_dim3A_971 = arith.constant 0.000000e+00 : f32
    %broadcast_in_dim3A_972 = vector.broadcast %broadcast_in_dim3A_971 : f32 to vector<16xf32>
    %swap3A_973 = arith.constant 15 : i32
    %swap3A_974 = arith.index_cast %swap3A_973 : i32 to index
    %swap3A_975 = arith.constant 16 : index
    %swap3A_976 = tpu.vector_load %arg10[%swap3A_974, %swap3A_975] {strides = array<i32>} : memref<16x128xf32, #tpu.memory_space<vmem>>, vector<1x16xf32>,
    %swap3A_977 = vector.shape_cast %swap3A_976 : vector<1x16xf32> to vector<16xf32>
    %swap3A_978 = vector.shape_cast %broadcast_in_dim3A_972 : vector<16xf32> to vector<1x16xf32>
    tpu.vector_store %arg10[%swap3A_974, %swap3A_975], %swap3A_978 {strides = array<i32>} : memref<16x128xf32, #tpu.memory_space<vmem>>, vector<1x16xf32>,
    %broadcast_in_dim3A_979 = arith.constant 0.000000e+00 : f32
    %broadcast_in_dim3A_980 = vector.broadcast %broadcast_in_dim3A_979 : f32 to vector<16xf32>
    %swap3A_981 = arith.constant 15 : i32
    %swap3A_982 = arith.index_cast %swap3A_981 : i32 to index
    %swap3A_983 = arith.constant 32 : index
    %swap3A_984 = tpu.vector_load %arg10[%swap3A_982, %swap3A_983] {strides = array<i32>} : memref<16x128xf32, #tpu.memory_space<vmem>>, vector<1x16xf32>,
    %swap3A_985 = vector.shape_cast %swap3A_984 : vector<1x16xf32> to vector<16xf32>
    %swap3A_986 = vector.shape_cast %broadcast_in_dim3A_980 : vector<16xf32> to vector<1x16xf32>
    tpu.vector_store %arg10[%swap3A_982, %swap3A_983], %swap3A_986 {strides = array<i32>} : memref<16x128xf32, #tpu.memory_space<vmem>>, vector<1x16xf32>,
    %broadcast_in_dim3A_987 = arith.constant 0.000000e+00 : f32
    %broadcast_in_dim3A_988 = vector.broadcast %broadcast_in_dim3A_987 : f32 to vector<16xf32>
    %swap3A_989 = arith.constant 15 : i32
    %swap3A_990 = arith.index_cast %swap3A_989 : i32 to index
    %swap3A_991 = arith.constant 48 : index
    %swap3A_992 = tpu.vector_load %arg10[%swap3A_990, %swap3A_991] {strides = array<i32>} : memref<16x128xf32, #tpu.memory_space<vmem>>, vector<1x16xf32>,
    %swap3A_993 = vector.shape_cast %swap3A_992 : vector<1x16xf32> to vector<16xf32>
    %swap3A_994 = vector.shape_cast %broadcast_in_dim3A_988 : vector<16xf32> to vector<1x16xf32>
    tpu.vector_store %arg10[%swap3A_990, %swap3A_991], %swap3A_994 {strides = array<i32>} : memref<16x128xf32, #tpu.memory_space<vmem>>, vector<1x16xf32>,
    %broadcast_in_dim3A_995 = arith.constant 0.000000e+00 : f32
    %broadcast_in_dim3A_996 = vector.broadcast %broadcast_in_dim3A_995 : f32 to vector<16xf32>
    %swap3A_997 = arith.constant 15 : i32
    %swap3A_998 = arith.index_cast %swap3A_997 : i32 to index
    %swap3A_999 = arith.constant 64 : index
    %swap3A_1000 = tpu.vector_load %arg10[%swap3A_998, %swap3A_999] {strides = array<i32>} : memref<16x128xf32, #tpu.memory_space<vmem>>, vector<1x16xf32>,
    %swap3A_1001 = vector.shape_cast %swap3A_1000 : vector<1x16xf32> to vector<16xf32>
    %swap3A_1002 = vector.shape_cast %broadcast_in_dim3A_996 : vector<16xf32> to vector<1x16xf32>
    tpu.vector_store %arg10[%swap3A_998, %swap3A_999], %swap3A_1002 {strides = array<i32>} : memref<16x128xf32, #tpu.memory_space<vmem>>, vector<1x16xf32>,
    %broadcast_in_dim3A_1003 = arith.constant 0.000000e+00 : f32
    %broadcast_in_dim3A_1004 = vector.broadcast %broadcast_in_dim3A_1003 : f32 to vector<16xf32>
    %swap3A_1005 = arith.constant 15 : i32
    %swap3A_1006 = arith.index_cast %swap3A_1005 : i32 to index
    %swap3A_1007 = arith.constant 80 : index
    %swap3A_1008 = tpu.vector_load %arg10[%swap3A_1006, %swap3A_1007] {strides = array<i32>} : memref<16x128xf32, #tpu.memory_space<vmem>>, vector<1x16xf32>,
    %swap3A_1009 = vector.shape_cast %swap3A_1008 : vector<1x16xf32> to vector<16xf32>
    %swap3A_1010 = vector.shape_cast %broadcast_in_dim3A_1004 : vector<16xf32> to vector<1x16xf32>
    tpu.vector_store %arg10[%swap3A_1006, %swap3A_1007], %swap3A_1010 {strides = array<i32>} : memref<16x128xf32, #tpu.memory_space<vmem>>, vector<1x16xf32>,
    %broadcast_in_dim3A_1011 = arith.constant 0.000000e+00 : f32
    %broadcast_in_dim3A_1012 = vector.broadcast %broadcast_in_dim3A_1011 : f32 to vector<16xf32>
    %swap3A_1013 = arith.constant 15 : i32
    %swap3A_1014 = arith.index_cast %swap3A_1013 : i32 to index
    %swap3A_1015 = arith.constant 96 : index
    %swap3A_1016 = tpu.vector_load %arg10[%swap3A_1014, %swap3A_1015] {strides = array<i32>} : memref<16x128xf32, #tpu.memory_space<vmem>>, vector<1x16xf32>,
    %swap3A_1017 = vector.shape_cast %swap3A_1016 : vector<1x16xf32> to vector<16xf32>
    %swap3A_1018 = vector.shape_cast %broadcast_in_dim3A_1012 : vector<16xf32> to vector<1x16xf32>
    tpu.vector_store %arg10[%swap3A_1014, %swap3A_1015], %swap3A_1018 {strides = array<i32>} : memref<16x128xf32, #tpu.memory_space<vmem>>, vector<1x16xf32>,
    %broadcast_in_dim3A_1019 = arith.constant 0.000000e+00 : f32
    %broadcast_in_dim3A_1020 = vector.broadcast %broadcast_in_dim3A_1019 : f32 to vector<16xf32>
    %swap3A_1021 = arith.constant 15 : i32
    %swap3A_1022 = arith.index_cast %swap3A_1021 : i32 to index
    %swap3A_1023 = arith.constant 112 : index
    %swap3A_1024 = tpu.vector_load %arg10[%swap3A_1022, %swap3A_1023] {strides = array<i32>} : memref<16x128xf32, #tpu.memory_space<vmem>>, vector<1x16xf32>,
    %swap3A_1025 = vector.shape_cast %swap3A_1024 : vector<1x16xf32> to vector<16xf32>
    %swap3A_1026 = vector.shape_cast %broadcast_in_dim3A_1020 : vector<16xf32> to vector<1x16xf32>
    tpu.vector_store %arg10[%swap3A_1022, %swap3A_1023], %swap3A_1026 {strides = array<i32>} : memref<16x128xf32, #tpu.memory_space<vmem>>, vector<1x16xf32>,
    %mul3A_1027 = arith.constant 320 : i32
    %mul3A_1028 = arith.muli %arg1, %mul3A_1027 : i32
    %scan3A_1029 = arith.constant 0 : i32
    %scan3A_1030 = arith.constant 20 : i32
    %scan3A_1031 = arith.addi %scan3A_1029, %scan3A_1030 : i32
    %scan3A_1032 = arith.constant 1 : i32
    scf.for %scan3A_1053 = %scan3A_1029 to %scan3A_1031 step %scan3A_1032  : i32 {
      %mul3A_1054 = arith.constant 1 : i32
      %mul3A_1055 = arith.muli %scan3A_1053, %mul3A_1054 : i32
      %add3A = arith.constant 0 : i32
      %add3A_1056 = arith.addi %add3A, %mul3A_1055 : i32
      %mul3A_1057 = arith.constant 16 : i32
      %mul3A_1058 = arith.muli %add3A_1056, %mul3A_1057 : i32
      %add3A_1059 = arith.addi %mul3A_1028, %mul3A_1058 : i32
      "tpu.region"() ({
        %run_scoped3A = tpu.sem_alloc : memref<!tpu.dma_semaphore, #tpu.memory_space<semaphore_mem>>
        %dma_start3A_1060 = arith.constant 0 : i32
        %dma_start3A_1061 = tpu.memref_slice %arg11[%add3A_1059, %dma_start3A_1060] : memref<5120x128xf32, #tpu.memory_space<vmem_shared>> -> memref<16x128xf32, #tpu.memory_space<vmem_shared>>
        %dma_start3A_1062 = arith.constant 0 : i32
        %dma_start3A_1063 = tpu.memref_slice %arg11[%add3A_1059, %dma_start3A_1062] : memref<5120x128xf32, #tpu.memory_space<vmem_shared>> -> memref<16x128xf32, #tpu.memory_space<vmem_shared>>
        tpu.enqueue_dma source(%arg10 : memref<16x128xf32, #tpu.memory_space<vmem>>) target(%dma_start3A_1063 : memref<16x128xf32, #tpu.memory_space<vmem_shared>>) target_semaphore(%run_scoped3A : memref<!tpu.dma_semaphore, #tpu.memory_space<semaphore_mem>>)
        %dma_wait3A = arith.constant 0 : i32
        %dma_wait3A_1064 = tpu.memref_slice %arg11[%add3A_1059, %dma_wait3A] : memref<5120x128xf32, #tpu.memory_space<vmem_shared>> -> memref<16x128xf32, #tpu.memory_space<vmem_shared>>
        %dma_wait3A_1065 = arith.constant 0 : i32
        %dma_wait3A_1066 = tpu.memref_slice %arg11[%add3A_1059, %dma_wait3A_1065] : memref<5120x128xf32, #tpu.memory_space<vmem_shared>> -> memref<16x128xf32, #tpu.memory_space<vmem_shared>>
        tpu.wait_dma2 semaphore(%run_scoped3A : memref<!tpu.dma_semaphore, #tpu.memory_space<semaphore_mem>>) src(%arg10 : memref<16x128xf32, #tpu.memory_space<vmem>>) dst(%dma_wait3A_1066 : memref<16x128xf32, #tpu.memory_space<vmem_shared>>)
        tpu.yield
      }) : () -> ()
    }
    %scan3A_1033 = arith.constant 20 : i32
    %barrier3A = arith.constant 0 : index
    tpu.barrier barrier_id(%barrier3A)
    %dma_start3A = arith.constant 0 : i32
    %dma_start3A_1034 = arith.constant 0 : i32
    %dma_start3A_1035 = tpu.memref_slice %arg6[%dma_start3A, %dma_start3A_1034] : memref<160x128xi32, #tpu.memory_space<vmem>> -> memref<1x128xi32, #tpu.memory_space<vmem>>
    %dma_start3A_1036 = tpu.memref_squeeze %dma_start3A_1035 : memref<1x128xi32, #tpu.memory_space<vmem>> -> memref<128xi32, #tpu.memory_space<vmem>>
    %dma_start3A_1037 = arith.constant 0 : i32
    %dma_start3A_1038 = arith.constant 0 : i32
    %dma_start3A_1039 = tpu.memref_slice %arg2[%dma_start3A_1037, %dma_start3A_1038] : memref<10000x128xf32, #tpu.memory_space<hbm>> -> memref<10000x128xf32, #tpu.memory_space<hbm>>
    tpu.enqueue_indirect_dma source(%dma_start3A_1039 : memref<10000x128xf32, #tpu.memory_space<hbm>>) target(%arg8 : memref<128x128xf32, #tpu.memory_space<vmem>>) offsets(%dma_start3A_1036 : memref<128xi32, #tpu.memory_space<vmem>>) semaphore(%arg12 : memref<!tpu.dma_semaphore, #tpu.memory_space<semaphore_mem>>)
    %dma_start3A_1040 = arith.constant 1 : i32
    %dma_start3A_1041 = arith.constant 0 : i32
    %dma_start3A_1042 = tpu.memref_slice %arg6[%dma_start3A_1040, %dma_start3A_1041] : memref<160x128xi32, #tpu.memory_space<vmem>> -> memref<1x128xi32, #tpu.memory_space<vmem>>
    %dma_start3A_1043 = tpu.memref_squeeze %dma_start3A_1042 : memref<1x128xi32, #tpu.memory_space<vmem>> -> memref<128xi32, #tpu.memory_space<vmem>>
    %dma_start3A_1044 = arith.constant 0 : i32
    %dma_start3A_1045 = arith.constant 0 : i32
    %dma_start3A_1046 = tpu.memref_slice %arg2[%dma_start3A_1044, %dma_start3A_1045] : memref<10000x128xf32, #tpu.memory_space<hbm>> -> memref<10000x128xf32, #tpu.memory_space<hbm>>
    tpu.enqueue_indirect_dma source(%dma_start3A_1046 : memref<10000x128xf32, #tpu.memory_space<hbm>>) target(%arg9 : memref<128x128xf32, #tpu.memory_space<vmem>>) offsets(%dma_start3A_1043 : memref<128xi32, #tpu.memory_space<vmem>>) semaphore(%arg13 : memref<!tpu.dma_semaphore, #tpu.memory_space<semaphore_mem>>)
    %scan3A_1047 = arith.constant 0 : i32
    %scan3A_1048 = arith.constant 80 : i32
    %scan3A_1049 = arith.addi %scan3A_1047, %scan3A_1048 : i32
    %scan3A_1050 = arith.constant 1 : i32
    scf.for %scan3A_1053 = %scan3A_1047 to %scan3A_1049 step %scan3A_1050  : i32 {
      %mul3A_1054 = arith.constant 2 : i32
      %mul3A_1055 = arith.muli %scan3A_1053, %mul3A_1054 : i32
      %add3A = arith.constant 0 : i32
      %add3A_1056 = arith.addi %add3A, %mul3A_1055 : i32
      %add3A_1057 = arith.constant 0 : i32
      %add3A_1058 = arith.addi %add3A_1056, %add3A_1057 : i32
      %dma_wait3A = arith.constant 0 : i32
      %dma_wait3A_1059 = tpu.memref_slice %arg6[%add3A_1058, %dma_wait3A] : memref<160x128xi32, #tpu.memory_space<vmem>> -> memref<1x128xi32, #tpu.memory_space<vmem>>
      %dma_wait3A_1060 = tpu.memref_squeeze %dma_wait3A_1059 : memref<1x128xi32, #tpu.memory_space<vmem>> -> memref<128xi32, #tpu.memory_space<vmem>>
      %dma_wait3A_1061 = arith.constant 0 : i32
      %dma_wait3A_1062 = arith.constant 0 : i32
      %dma_wait3A_1063 = tpu.memref_slice %arg2[%dma_wait3A_1061, %dma_wait3A_1062] : memref<10000x128xf32, #tpu.memory_space<hbm>> -> memref<10000x128xf32, #tpu.memory_space<hbm>>
      tpu.wait_indirect_dma semaphore(%arg12 : memref<!tpu.dma_semaphore, #tpu.memory_space<semaphore_mem>>) src(%dma_wait3A_1063 : memref<10000x128xf32, #tpu.memory_space<hbm>>) dst(%arg8 : memref<128x128xf32, #tpu.memory_space<vmem>>)
      "tpu.region"() ({
        %run_scoped3A = tpu.sem_alloc : memref<!tpu.dma_semaphore, #tpu.memory_space<semaphore_mem>>
        %dma_start3A_1083 = arith.constant 0 : i32
        %dma_start3A_1084 = tpu.memref_slice %arg7[%add3A_1058, %dma_start3A_1083] : memref<160x128xi32, #tpu.memory_space<vmem>> -> memref<1x128xi32, #tpu.memory_space<vmem>>
        %dma_start3A_1085 = tpu.memref_squeeze %dma_start3A_1084 : memref<1x128xi32, #tpu.memory_space<vmem>> -> memref<128xi32, #tpu.memory_space<vmem>>
        %dma_start3A_1086 = arith.constant 0 : i32
        %dma_start3A_1087 = arith.constant 0 : i32
        %dma_start3A_1088 = tpu.memref_slice %arg11[%dma_start3A_1086, %dma_start3A_1087] : memref<5120x128xf32, #tpu.memory_space<vmem_shared>> -> memref<5120x128xf32, #tpu.memory_space<vmem_shared>>
        tpu.enqueue_indirect_dma source(%arg8 : memref<128x128xf32, #tpu.memory_space<vmem>>) target(%dma_start3A_1088 : memref<5120x128xf32, #tpu.memory_space<vmem_shared>>) offsets(%dma_start3A_1085 : memref<128xi32, #tpu.memory_space<vmem>>) semaphore(%run_scoped3A : memref<!tpu.dma_semaphore, #tpu.memory_space<semaphore_mem>>) {add = true}
        %dma_wait3A_1089 = arith.constant 0 : i32
        %dma_wait3A_1090 = tpu.memref_slice %arg7[%add3A_1058, %dma_wait3A_1089] : memref<160x128xi32, #tpu.memory_space<vmem>> -> memref<1x128xi32, #tpu.memory_space<vmem>>
        %dma_wait3A_1091 = tpu.memref_squeeze %dma_wait3A_1090 : memref<1x128xi32, #tpu.memory_space<vmem>> -> memref<128xi32, #tpu.memory_space<vmem>>
        %dma_wait3A_1092 = arith.constant 0 : i32
        %dma_wait3A_1093 = arith.constant 0 : i32
        %dma_wait3A_1094 = tpu.memref_slice %arg11[%dma_wait3A_1092, %dma_wait3A_1093] : memref<5120x128xf32, #tpu.memory_space<vmem_shared>> -> memref<5120x128xf32, #tpu.memory_space<vmem_shared>>
        tpu.wait_indirect_dma semaphore(%run_scoped3A : memref<!tpu.dma_semaphore, #tpu.memory_space<semaphore_mem>>) src(%arg8 : memref<128x128xf32, #tpu.memory_space<vmem>>) dst(%dma_wait3A_1094 : memref<5120x128xf32, #tpu.memory_space<vmem_shared>>)
        tpu.yield
      }) : () -> ()
      %add3A_1064 = arith.constant 2 : i32
      %add3A_1065 = arith.addi %add3A_1058, %add3A_1064 : i32
      %lt3A = arith.constant 160 : i32
      %lt3A_1066 = arith.cmpi slt, %add3A_1065, %lt3A : i32
      %convert_element_type3A = arith.extui %lt3A_1066 : i1 to i32
      %cond3A = arith.constant 0 : i32
      %cond3A_1067 = arith.cmpi ne, %convert_element_type3A, %cond3A : i32
      scf.if %cond3A_1067 {
        %add3A_1083 = arith.constant 2 : i32
        %add3A_1084 = arith.addi %add3A_1058, %add3A_1083 : i32
        %dma_start3A_1085 = arith.constant 0 : i32
        %dma_start3A_1086 = tpu.memref_slice %arg6[%add3A_1084, %dma_start3A_1085] : memref<160x128xi32, #tpu.memory_space<vmem>> -> memref<1x128xi32, #tpu.memory_space<vmem>>
        %dma_start3A_1087 = tpu.memref_squeeze %dma_start3A_1086 : memref<1x128xi32, #tpu.memory_space<vmem>> -> memref<128xi32, #tpu.memory_space<vmem>>
        %dma_start3A_1088 = arith.constant 0 : i32
        %dma_start3A_1089 = arith.constant 0 : i32
        %dma_start3A_1090 = tpu.memref_slice %arg2[%dma_start3A_1088, %dma_start3A_1089] : memref<10000x128xf32, #tpu.memory_space<hbm>> -> memref<10000x128xf32, #tpu.memory_space<hbm>>
        tpu.enqueue_indirect_dma source(%dma_start3A_1090 : memref<10000x128xf32, #tpu.memory_space<hbm>>) target(%arg8 : memref<128x128xf32, #tpu.memory_space<vmem>>) offsets(%dma_start3A_1087 : memref<128xi32, #tpu.memory_space<vmem>>) semaphore(%arg12 : memref<!tpu.dma_semaphore, #tpu.memory_space<semaphore_mem>>)
      } else {
      }
      %add3A_1068 = arith.constant 1 : i32
      %add3A_1069 = arith.addi %add3A_1056, %add3A_1068 : i32
      %dma_wait3A_1070 = arith.constant 0 : i32
      %dma_wait3A_1071 = tpu.memref_slice %arg6[%add3A_1069, %dma_wait3A_1070] : memref<160x128xi32, #tpu.memory_space<vmem>> -> memref<1x128xi32, #tpu.memory_space<vmem>>
      %dma_wait3A_1072 = tpu.memref_squeeze %dma_wait3A_1071 : memref<1x128xi32, #tpu.memory_space<vmem>> -> memref<128xi32, #tpu.memory_space<vmem>>
      %dma_wait3A_1073 = arith.constant 0 : i32
      %dma_wait3A_1074 = arith.constant 0 : i32
      %dma_wait3A_1075 = tpu.memref_slice %arg2[%dma_wait3A_1073, %dma_wait3A_1074] : memref<10000x128xf32, #tpu.memory_space<hbm>> -> memref<10000x128xf32, #tpu.memory_space<hbm>>
      tpu.wait_indirect_dma semaphore(%arg13 : memref<!tpu.dma_semaphore, #tpu.memory_space<semaphore_mem>>) src(%dma_wait3A_1075 : memref<10000x128xf32, #tpu.memory_space<hbm>>) dst(%arg9 : memref<128x128xf32, #tpu.memory_space<vmem>>)
      "tpu.region"() ({
        %run_scoped3A = tpu.sem_alloc : memref<!tpu.dma_semaphore, #tpu.memory_space<semaphore_mem>>
        %dma_start3A_1083 = arith.constant 0 : i32
        %dma_start3A_1084 = tpu.memref_slice %arg7[%add3A_1069, %dma_start3A_1083] : memref<160x128xi32, #tpu.memory_space<vmem>> -> memref<1x128xi32, #tpu.memory_space<vmem>>
        %dma_start3A_1085 = tpu.memref_squeeze %dma_start3A_1084 : memref<1x128xi32, #tpu.memory_space<vmem>> -> memref<128xi32, #tpu.memory_space<vmem>>
        %dma_start3A_1086 = arith.constant 0 : i32
        %dma_start3A_1087 = arith.constant 0 : i32
        %dma_start3A_1088 = tpu.memref_slice %arg11[%dma_start3A_1086, %dma_start3A_1087] : memref<5120x128xf32, #tpu.memory_space<vmem_shared>> -> memref<5120x128xf32, #tpu.memory_space<vmem_shared>>
        tpu.enqueue_indirect_dma source(%arg9 : memref<128x128xf32, #tpu.memory_space<vmem>>) target(%dma_start3A_1088 : memref<5120x128xf32, #tpu.memory_space<vmem_shared>>) offsets(%dma_start3A_1085 : memref<128xi32, #tpu.memory_space<vmem>>) semaphore(%run_scoped3A : memref<!tpu.dma_semaphore, #tpu.memory_space<semaphore_mem>>) {add = true}
        %dma_wait3A_1089 = arith.constant 0 : i32
        %dma_wait3A_1090 = tpu.memref_slice %arg7[%add3A_1069, %dma_wait3A_1089] : memref<160x128xi32, #tpu.memory_space<vmem>> -> memref<1x128xi32, #tpu.memory_space<vmem>>
        %dma_wait3A_1091 = tpu.memref_squeeze %dma_wait3A_1090 : memref<1x128xi32, #tpu.memory_space<vmem>> -> memref<128xi32, #tpu.memory_space<vmem>>
        %dma_wait3A_1092 = arith.constant 0 : i32
        %dma_wait3A_1093 = arith.constant 0 : i32
        %dma_wait3A_1094 = tpu.memref_slice %arg11[%dma_wait3A_1092, %dma_wait3A_1093] : memref<5120x128xf32, #tpu.memory_space<vmem_shared>> -> memref<5120x128xf32, #tpu.memory_space<vmem_shared>>
        tpu.wait_indirect_dma semaphore(%run_scoped3A : memref<!tpu.dma_semaphore, #tpu.memory_space<semaphore_mem>>) src(%arg9 : memref<128x128xf32, #tpu.memory_space<vmem>>) dst(%dma_wait3A_1094 : memref<5120x128xf32, #tpu.memory_space<vmem_shared>>)
        tpu.yield
      }) : () -> ()
      %add3A_1076 = arith.constant 2 : i32
      %add3A_1077 = arith.addi %add3A_1069, %add3A_1076 : i32
      %lt3A_1078 = arith.constant 160 : i32
      %lt3A_1079 = arith.cmpi slt, %add3A_1077, %lt3A_1078 : i32
      %convert_element_type3A_1080 = arith.extui %lt3A_1079 : i1 to i32
      %cond3A_1081 = arith.constant 0 : i32
      %cond3A_1082 = arith.cmpi ne, %convert_element_type3A_1080, %cond3A_1081 : i32
      scf.if %cond3A_1082 {
        %add3A_1083 = arith.constant 2 : i32
        %add3A_1084 = arith.addi %add3A_1069, %add3A_1083 : i32
        %dma_start3A_1085 = arith.constant 0 : i32
        %dma_start3A_1086 = tpu.memref_slice %arg6[%add3A_1084, %dma_start3A_1085] : memref<160x128xi32, #tpu.memory_space<vmem>> -> memref<1x128xi32, #tpu.memory_space<vmem>>
        %dma_start3A_1087 = tpu.memref_squeeze %dma_start3A_1086 : memref<1x128xi32, #tpu.memory_space<vmem>> -> memref<128xi32, #tpu.memory_space<vmem>>
        %dma_start3A_1088 = arith.constant 0 : i32
        %dma_start3A_1089 = arith.constant 0 : i32
        %dma_start3A_1090 = tpu.memref_slice %arg2[%dma_start3A_1088, %dma_start3A_1089] : memref<10000x128xf32, #tpu.memory_space<hbm>> -> memref<10000x128xf32, #tpu.memory_space<hbm>>
        tpu.enqueue_indirect_dma source(%dma_start3A_1090 : memref<10000x128xf32, #tpu.memory_space<hbm>>) target(%arg9 : memref<128x128xf32, #tpu.memory_space<vmem>>) offsets(%dma_start3A_1087 : memref<128xi32, #tpu.memory_space<vmem>>) semaphore(%arg13 : memref<!tpu.dma_semaphore, #tpu.memory_space<semaphore_mem>>)
      } else {
      }
    }
    %scan3A_1051 = arith.constant 80 : i32
    %barrier3A_1052 = arith.constant 0 : index
    tpu.barrier barrier_id(%barrier3A_1052)
    "tpu.region"() ({
      %run_scoped3A = tpu.sem_alloc : memref<!tpu.dma_semaphore, #tpu.memory_space<semaphore_mem>>
      %dma_start3A_1053 = arith.constant 0 : i32
      %dma_start3A_1054 = arith.constant 0 : i32
      %dma_start3A_1055 = tpu.memref_slice %arg5[%arg0, %dma_start3A_1053, %dma_start3A_1054] : memref<2x5120x128xf32, #tpu.memory_space<hbm>> -> memref<1x5120x128xf32, #tpu.memory_space<hbm>>
      %dma_start3A_1056 = tpu.memref_squeeze %dma_start3A_1055 : memref<1x5120x128xf32, #tpu.memory_space<hbm>> -> memref<5120x128xf32, #tpu.memory_space<hbm>>
      %dma_start3A_1057 = arith.constant 0 : i32
      %dma_start3A_1058 = tpu.memref_slice %dma_start3A_1056[%mul3A_1028, %dma_start3A_1057] : memref<5120x128xf32, #tpu.memory_space<hbm>> -> memref<320x128xf32, #tpu.memory_space<hbm>>
      %dma_start3A_1059 = arith.constant 0 : i32
      %dma_start3A_1060 = tpu.memref_slice %arg11[%mul3A_1028, %dma_start3A_1059] : memref<5120x128xf32, #tpu.memory_space<vmem_shared>> -> memref<320x128xf32, #tpu.memory_space<vmem_shared>>
      tpu.enqueue_dma source(%dma_start3A_1060 : memref<320x128xf32, #tpu.memory_space<vmem_shared>>) target(%dma_start3A_1058 : memref<320x128xf32, #tpu.memory_space<hbm>>) target_semaphore(%run_scoped3A : memref<!tpu.dma_semaphore, #tpu.memory_space<semaphore_mem>>)
      %dma_wait3A = arith.constant 0 : i32
      %dma_wait3A_1061 = arith.constant 0 : i32
      %dma_wait3A_1062 = tpu.memref_slice %arg5[%arg0, %dma_wait3A, %dma_wait3A_1061] : memref<2x5120x128xf32, #tpu.memory_space<hbm>> -> memref<1x5120x128xf32, #tpu.memory_space<hbm>>
      %dma_wait3A_1063 = tpu.memref_squeeze %dma_wait3A_1062 : memref<1x5120x128xf32, #tpu.memory_space<hbm>> -> memref<5120x128xf32, #tpu.memory_space<hbm>>
      %dma_wait3A_1064 = arith.constant 0 : i32
      %dma_wait3A_1065 = tpu.memref_slice %dma_wait3A_1063[%mul3A_1028, %dma_wait3A_1064] : memref<5120x128xf32, #tpu.memory_space<hbm>> -> memref<320x128xf32, #tpu.memory_space<hbm>>
      %dma_wait3A_1066 = arith.constant 0 : i32
      %dma_wait3A_1067 = tpu.memref_slice %arg11[%mul3A_1028, %dma_wait3A_1066] : memref<5120x128xf32, #tpu.memory_space<vmem_shared>> -> memref<320x128xf32, #tpu.memory_space<vmem_shared>>
      tpu.wait_dma2 semaphore(%run_scoped3A : memref<!tpu.dma_semaphore, #tpu.memory_space<semaphore_mem>>) src(%dma_wait3A_1067 : memref<320x128xf32, #tpu.memory_space<vmem_shared>>) dst(%dma_wait3A_1065 : memref<320x128xf32, #tpu.memory_space<hbm>>)
      tpu.yield
    }) : () -> ()
    return
  }
}

#map = affine_map<(d0, d1) -> (0, 0)>
#map1 = affine_map<(d0, d1) -> (0, 0, 0)>
module attributes {stable_mosaic.version = 14 : i64} {
  func.func @_agg_body(%arg0: i32, %arg1: i32, %arg2: memref<10000x128xf32, #tpu.memory_space<hbm>>, %arg3: memref<16x160x128xi32, #tpu.memory_space<hbm>>, %arg4: memref<16x160x128xi32, #tpu.memory_space<hbm>>, %arg5: memref<2x5120x128xf32, #tpu.memory_space<hbm>>, %arg6: memref<160x128xi32, #tpu.memory_space<vmem>>, %arg7: memref<160x128xi32, #tpu.memory_space<vmem>>, %arg8: memref<128x128xf32, #tpu.memory_space<vmem>>, %arg9: memref<128x128xf32, #tpu.memory_space<vmem>>, %arg10: memref<16x128xf32, #tpu.memory_space<vmem>>, %arg11: memref<5120x128xf32, #tpu.memory_space<vmem_shared>>, %arg12: memref<!tpu.dma_semaphore, #tpu.memory_space<semaphore_mem>>, %arg13: memref<!tpu.dma_semaphore, #tpu.memory_space<semaphore_mem>>) attributes {dimension_semantics = [#tpu.dimension_semantics<core_parallel>, #tpu.dimension_semantics<subcore_parallel>], iteration_bounds = array<i64: 2, 16>, scalar_prefetch = 0 : i64, scratch_operands = 8 : i64, tpu.core_type = #tpu.core_type<sc_vector_subcore>, window_params = [{transform_indices = #map}, {transform_indices = #map1}, {transform_indices = #map1}, {transform_indices = #map1}]} {
    "tpu.region"() ({
      %run_scoped3A = tpu.sem_alloc : memref<!tpu.dma_semaphore, #tpu.memory_space<semaphore_mem>>
      %dma_start3A_1053 = arith.constant 0 : i32
      %dma_start3A_1054 = arith.constant 0 : i32
      %dma_start3A_1055 = tpu.memref_slice %arg3[%arg1, %dma_start3A_1053, %dma_start3A_1054] : memref<16x160x128xi32, #tpu.memory_space<hbm>> -> memref<1x160x128xi32, #tpu.memory_space<hbm>>
      %dma_start3A_1056 = tpu.memref_squeeze %dma_start3A_1055 : memref<1x160x128xi32, #tpu.memory_space<hbm>> -> memref<160x128xi32, #tpu.memory_space<hbm>>
      %dma_start3A_1057 = arith.constant 0 : i32
      %dma_start3A_1058 = arith.constant 0 : i32
      %dma_start3A_1059 = tpu.memref_slice %arg3[%arg1, %dma_start3A_1057, %dma_start3A_1058] : memref<16x160x128xi32, #tpu.memory_space<hbm>> -> memref<1x160x128xi32, #tpu.memory_space<hbm>>
      %dma_start3A_1060 = tpu.memref_squeeze %dma_start3A_1059 : memref<1x160x128xi32, #tpu.memory_space<hbm>> -> memref<160x128xi32, #tpu.memory_space<hbm>>
      tpu.enqueue_dma source(%dma_start3A_1060 : memref<160x128xi32, #tpu.memory_space<hbm>>) target(%arg6 : memref<160x128xi32, #tpu.memory_space<vmem>>) target_semaphore(%run_scoped3A : memref<!tpu.dma_semaphore, #tpu.memory_space<semaphore_mem>>)
      %dma_wait3A = arith.constant 0 : i32
      %dma_wait3A_1061 = arith.constant 0 : i32
      %dma_wait3A_1062 = tpu.memref_slice %arg3[%arg1, %dma_wait3A, %dma_wait3A_1061] : memref<16x160x128xi32, #tpu.memory_space<hbm>> -> memref<1x160x128xi32, #tpu.memory_space<hbm>>
      %dma_wait3A_1063 = tpu.memref_squeeze %dma_wait3A_1062 : memref<1x160x128xi32, #tpu.memory_space<hbm>> -> memref<160x128xi32, #tpu.memory_space<hbm>>
      %dma_wait3A_1064 = arith.constant 0 : i32
      %dma_wait3A_1065 = arith.constant 0 : i32
      %dma_wait3A_1066 = tpu.memref_slice %arg3[%arg1, %dma_wait3A_1064, %dma_wait3A_1065] : memref<16x160x128xi32, #tpu.memory_space<hbm>> -> memref<1x160x128xi32, #tpu.memory_space<hbm>>
      %dma_wait3A_1067 = tpu.memref_squeeze %dma_wait3A_1066 : memref<1x160x128xi32, #tpu.memory_space<hbm>> -> memref<160x128xi32, #tpu.memory_space<hbm>>
      tpu.wait_dma2 semaphore(%run_scoped3A : memref<!tpu.dma_semaphore, #tpu.memory_space<semaphore_mem>>) src(%dma_wait3A_1067 : memref<160x128xi32, #tpu.memory_space<hbm>>) dst(%arg6 : memref<160x128xi32, #tpu.memory_space<vmem>>)
      tpu.yield
    }) : () -> ()
    "tpu.region"() ({
      %run_scoped3A = tpu.sem_alloc : memref<!tpu.dma_semaphore, #tpu.memory_space<semaphore_mem>>
      %dma_start3A_1053 = arith.constant 0 : i32
      %dma_start3A_1054 = arith.constant 0 : i32
      %dma_start3A_1055 = tpu.memref_slice %arg4[%arg1, %dma_start3A_1053, %dma_start3A_1054] : memref<16x160x128xi32, #tpu.memory_space<hbm>> -> memref<1x160x128xi32, #tpu.memory_space<hbm>>
      %dma_start3A_1056 = tpu.memref_squeeze %dma_start3A_1055 : memref<1x160x128xi32, #tpu.memory_space<hbm>> -> memref<160x128xi32, #tpu.memory_space<hbm>>
      %dma_start3A_1057 = arith.constant 0 : i32
      %dma_start3A_1058 = arith.constant 0 : i32
      %dma_start3A_1059 = tpu.memref_slice %arg4[%arg1, %dma_start3A_1057, %dma_start3A_1058] : memref<16x160x128xi32, #tpu.memory_space<hbm>> -> memref<1x160x128xi32, #tpu.memory_space<hbm>>
      %dma_start3A_1060 = tpu.memref_squeeze %dma_start3A_1059 : memref<1x160x128xi32, #tpu.memory_space<hbm>> -> memref<160x128xi32, #tpu.memory_space<hbm>>
      tpu.enqueue_dma source(%dma_start3A_1060 : memref<160x128xi32, #tpu.memory_space<hbm>>) target(%arg7 : memref<160x128xi32, #tpu.memory_space<vmem>>) target_semaphore(%run_scoped3A : memref<!tpu.dma_semaphore, #tpu.memory_space<semaphore_mem>>)
      %dma_wait3A = arith.constant 0 : i32
      %dma_wait3A_1061 = arith.constant 0 : i32
      %dma_wait3A_1062 = tpu.memref_slice %arg4[%arg1, %dma_wait3A, %dma_wait3A_1061] : memref<16x160x128xi32, #tpu.memory_space<hbm>> -> memref<1x160x128xi32, #tpu.memory_space<hbm>>
      %dma_wait3A_1063 = tpu.memref_squeeze %dma_wait3A_1062 : memref<1x160x128xi32, #tpu.memory_space<hbm>> -> memref<160x128xi32, #tpu.memory_space<hbm>>
      %dma_wait3A_1064 = arith.constant 0 : i32
      %dma_wait3A_1065 = arith.constant 0 : i32
      %dma_wait3A_1066 = tpu.memref_slice %arg4[%arg1, %dma_wait3A_1064, %dma_wait3A_1065] : memref<16x160x128xi32, #tpu.memory_space<hbm>> -> memref<1x160x128xi32, #tpu.memory_space<hbm>>
      %dma_wait3A_1067 = tpu.memref_squeeze %dma_wait3A_1066 : memref<1x160x128xi32, #tpu.memory_space<hbm>> -> memref<160x128xi32, #tpu.memory_space<hbm>>
      tpu.wait_dma2 semaphore(%run_scoped3A : memref<!tpu.dma_semaphore, #tpu.memory_space<semaphore_mem>>) src(%dma_wait3A_1067 : memref<160x128xi32, #tpu.memory_space<hbm>>) dst(%arg7 : memref<160x128xi32, #tpu.memory_space<vmem>>)
      tpu.yield
    }) : () -> ()
    %mul3A = arith.constant 5000 : i32
    %mul3A_0 = arith.muli %arg0, %mul3A : i32
    %scan3A = arith.constant 0 : i32
    %scan3A_1 = arith.constant 160 : i32
    %scan3A_2 = arith.addi %scan3A, %scan3A_1 : i32
    %scan3A_3 = arith.constant 1 : i32
    scf.for %scan3A_1053 = %scan3A to %scan3A_2 step %scan3A_3  : i32 {
      %mul3A_1054 = arith.constant 1 : i32
      %mul3A_1055 = arith.muli %scan3A_1053, %mul3A_1054 : i32
      %add3A = arith.constant 0 : i32
      %add3A_1056 = arith.addi %add3A, %mul3A_1055 : i32
      %get3A = arith.index_cast %add3A_1056 : i32 to index
      %get3A_1057 = arith.constant 0 : index
      %get3A_1058 = tpu.vector_load %arg7[%get3A, %get3A_1057] {strides = array<i32>} : memref<160x128xi32, #tpu.memory_space<vmem>>, vector<1x16xi32>,
      %get3A_1059 = vector.shape_cast %get3A_1058 : vector<1x16xi32> to vector<16xi32>
      %sub3A = vector.broadcast %mul3A_0 : i32 to vector<16xi32>
      %sub3A_1060 = arith.subi %get3A_1059, %sub3A : vector<16xi32>
      %ge3A = arith.constant 0 : i32
      %ge3A_1061 = vector.broadcast %ge3A : i32 to vector<16xi32>
      %ge3A_1062 = arith.cmpi sge, %sub3A_1060, %ge3A_1061 : vector<16xi32>
      %lt3A = arith.constant 5000 : i32
      %lt3A_1063 = vector.broadcast %lt3A : i32 to vector<16xi32>
      %lt3A_1064 = arith.cmpi slt, %sub3A_1060, %lt3A_1063 : vector<16xi32>
      %and3A = arith.andi %ge3A_1062, %lt3A_1064 : vector<16xi1>
      %jit3A = arith.constant 5000 : i32
      %broadcast_in_dim3A_1065 = vector.broadcast %jit3A : i32 to vector<16xi32>
      %select_n3A = arith.select %and3A, %sub3A_1060, %broadcast_in_dim3A_1065 : vector<16xi1>, vector<16xi32>
      %swap3A_1066 = arith.index_cast %add3A_1056 : i32 to index
      %swap3A_1067 = arith.constant 0 : index
      %swap3A_1068 = tpu.vector_load %arg7[%swap3A_1066, %swap3A_1067] {strides = array<i32>} : memref<160x128xi32, #tpu.memory_space<vmem>>, vector<1x16xi32>,
      %swap3A_1069 = vector.shape_cast %swap3A_1068 : vector<1x16xi32> to vector<16xi32>
      %swap3A_1070 = vector.shape_cast %select_n3A : vector<16xi32> to vector<1x16xi32>
      tpu.vector_store %arg7[%swap3A_1066, %swap3A_1067], %swap3A_1070 {strides = array<i32>} : memref<160x128xi32, #tpu.memory_space<vmem>>, vector<1x16xi32>,
      %get3A_1071 = arith.index_cast %add3A_1056 : i32 to index
      %get3A_1072 = arith.constant 16 : index
      %get3A_1073 = tpu.vector_load %arg7[%get3A_1071, %get3A_1072] {strides = array<i32>} : memref<160x128xi32, #tpu.memory_space<vmem>>, vector<1x16xi32>,
      %get3A_1074 = vector.shape_cast %get3A_1073 : vector<1x16xi32> to vector<16xi32>
      %sub3A_1075 = vector.broadcast %mul3A_0 : i32 to vector<16xi32>
      %sub3A_1076 = arith.subi %get3A_1074, %sub3A_1075 : vector<16xi32>
      %ge3A_1077 = arith.constant 0 : i32
      %ge3A_1078 = vector.broadcast %ge3A_1077 : i32 to vector<16xi32>
      %ge3A_1079 = arith.cmpi sge, %sub3A_1076, %ge3A_1078 : vector<16xi32>
      %lt3A_1080 = arith.constant 5000 : i32
      %lt3A_1081 = vector.broadcast %lt3A_1080 : i32 to vector<16xi32>
      %lt3A_1082 = arith.cmpi slt, %sub3A_1076, %lt3A_1081 : vector<16xi32>
      %and3A_1083 = arith.andi %ge3A_1079, %lt3A_1082 : vector<16xi1>
      %jit3A_1084 = arith.constant 5000 : i32
      %broadcast_in_dim3A_1085 = vector.broadcast %jit3A_1084 : i32 to vector<16xi32>
      %select_n3A_1086 = arith.select %and3A_1083, %sub3A_1076, %broadcast_in_dim3A_1085 : vector<16xi1>, vector<16xi32>
      %swap3A_1087 = arith.index_cast %add3A_1056 : i32 to index
      %swap3A_1088 = arith.constant 16 : index
      %swap3A_1089 = tpu.vector_load %arg7[%swap3A_1087, %swap3A_1088] {strides = array<i32>} : memref<160x128xi32, #tpu.memory_space<vmem>>, vector<1x16xi32>,
      %swap3A_1090 = vector.shape_cast %swap3A_1089 : vector<1x16xi32> to vector<16xi32>
      %swap3A_1091 = vector.shape_cast %select_n3A_1086 : vector<16xi32> to vector<1x16xi32>
      tpu.vector_store %arg7[%swap3A_1087, %swap3A_1088], %swap3A_1091 {strides = array<i32>} : memref<160x128xi32, #tpu.memory_space<vmem>>, vector<1x16xi32>,
      %get3A_1092 = arith.index_cast %add3A_1056 : i32 to index
      %get3A_1093 = arith.constant 32 : index
      %get3A_1094 = tpu.vector_load %arg7[%get3A_1092, %get3A_1093] {strides = array<i32>} : memref<160x128xi32, #tpu.memory_space<vmem>>, vector<1x16xi32>,
      %get3A_1095 = vector.shape_cast %get3A_1094 : vector<1x16xi32> to vector<16xi32>
      %sub3A_1096 = vector.broadcast %mul3A_0 : i32 to vector<16xi32>
      %sub3A_1097 = arith.subi %get3A_1095, %sub3A_1096 : vector<16xi32>
      %ge3A_1098 = arith.constant 0 : i32
      %ge3A_1099 = vector.broadcast %ge3A_1098 : i32 to vector<16xi32>
      %ge3A_1100 = arith.cmpi sge, %sub3A_1097, %ge3A_1099 : vector<16xi32>
      %lt3A_1101 = arith.constant 5000 : i32
      %lt3A_1102 = vector.broadcast %lt3A_1101 : i32 to vector<16xi32>
      %lt3A_1103 = arith.cmpi slt, %sub3A_1097, %lt3A_1102 : vector<16xi32>
      %and3A_1104 = arith.andi %ge3A_1100, %lt3A_1103 : vector<16xi1>
      %jit3A_1105 = arith.constant 5000 : i32
      %broadcast_in_dim3A_1106 = vector.broadcast %jit3A_1105 : i32 to vector<16xi32>
      %select_n3A_1107 = arith.select %and3A_1104, %sub3A_1097, %broadcast_in_dim3A_1106 : vector<16xi1>, vector<16xi32>
      %swap3A_1108 = arith.index_cast %add3A_1056 : i32 to index
      %swap3A_1109 = arith.constant 32 : index
      %swap3A_1110 = tpu.vector_load %arg7[%swap3A_1108, %swap3A_1109] {strides = array<i32>} : memref<160x128xi32, #tpu.memory_space<vmem>>, vector<1x16xi32>,
      %swap3A_1111 = vector.shape_cast %swap3A_1110 : vector<1x16xi32> to vector<16xi32>
      %swap3A_1112 = vector.shape_cast %select_n3A_1107 : vector<16xi32> to vector<1x16xi32>
      tpu.vector_store %arg7[%swap3A_1108, %swap3A_1109], %swap3A_1112 {strides = array<i32>} : memref<160x128xi32, #tpu.memory_space<vmem>>, vector<1x16xi32>,
      %get3A_1113 = arith.index_cast %add3A_1056 : i32 to index
      %get3A_1114 = arith.constant 48 : index
      %get3A_1115 = tpu.vector_load %arg7[%get3A_1113, %get3A_1114] {strides = array<i32>} : memref<160x128xi32, #tpu.memory_space<vmem>>, vector<1x16xi32>,
      %get3A_1116 = vector.shape_cast %get3A_1115 : vector<1x16xi32> to vector<16xi32>
      %sub3A_1117 = vector.broadcast %mul3A_0 : i32 to vector<16xi32>
      %sub3A_1118 = arith.subi %get3A_1116, %sub3A_1117 : vector<16xi32>
      %ge3A_1119 = arith.constant 0 : i32
      %ge3A_1120 = vector.broadcast %ge3A_1119 : i32 to vector<16xi32>
      %ge3A_1121 = arith.cmpi sge, %sub3A_1118, %ge3A_1120 : vector<16xi32>
      %lt3A_1122 = arith.constant 5000 : i32
      %lt3A_1123 = vector.broadcast %lt3A_1122 : i32 to vector<16xi32>
      %lt3A_1124 = arith.cmpi slt, %sub3A_1118, %lt3A_1123 : vector<16xi32>
      %and3A_1125 = arith.andi %ge3A_1121, %lt3A_1124 : vector<16xi1>
      %jit3A_1126 = arith.constant 5000 : i32
      %broadcast_in_dim3A_1127 = vector.broadcast %jit3A_1126 : i32 to vector<16xi32>
      %select_n3A_1128 = arith.select %and3A_1125, %sub3A_1118, %broadcast_in_dim3A_1127 : vector<16xi1>, vector<16xi32>
      %swap3A_1129 = arith.index_cast %add3A_1056 : i32 to index
      %swap3A_1130 = arith.constant 48 : index
      %swap3A_1131 = tpu.vector_load %arg7[%swap3A_1129, %swap3A_1130] {strides = array<i32>} : memref<160x128xi32, #tpu.memory_space<vmem>>, vector<1x16xi32>,
      %swap3A_1132 = vector.shape_cast %swap3A_1131 : vector<1x16xi32> to vector<16xi32>
      %swap3A_1133 = vector.shape_cast %select_n3A_1128 : vector<16xi32> to vector<1x16xi32>
      tpu.vector_store %arg7[%swap3A_1129, %swap3A_1130], %swap3A_1133 {strides = array<i32>} : memref<160x128xi32, #tpu.memory_space<vmem>>, vector<1x16xi32>,
      %get3A_1134 = arith.index_cast %add3A_1056 : i32 to index
      %get3A_1135 = arith.constant 64 : index
      %get3A_1136 = tpu.vector_load %arg7[%get3A_1134, %get3A_1135] {strides = array<i32>} : memref<160x128xi32, #tpu.memory_space<vmem>>, vector<1x16xi32>,
      %get3A_1137 = vector.shape_cast %get3A_1136 : vector<1x16xi32> to vector<16xi32>
      %sub3A_1138 = vector.broadcast %mul3A_0 : i32 to vector<16xi32>
      %sub3A_1139 = arith.subi %get3A_1137, %sub3A_1138 : vector<16xi32>
      %ge3A_1140 = arith.constant 0 : i32
      %ge3A_1141 = vector.broadcast %ge3A_1140 : i32 to vector<16xi32>
      %ge3A_1142 = arith.cmpi sge, %sub3A_1139, %ge3A_1141 : vector<16xi32>
      %lt3A_1143 = arith.constant 5000 : i32
      %lt3A_1144 = vector.broadcast %lt3A_1143 : i32 to vector<16xi32>
      %lt3A_1145 = arith.cmpi slt, %sub3A_1139, %lt3A_1144 : vector<16xi32>
      %and3A_1146 = arith.andi %ge3A_1142, %lt3A_1145 : vector<16xi1>
      %jit3A_1147 = arith.constant 5000 : i32
      %broadcast_in_dim3A_1148 = vector.broadcast %jit3A_1147 : i32 to vector<16xi32>
      %select_n3A_1149 = arith.select %and3A_1146, %sub3A_1139, %broadcast_in_dim3A_1148 : vector<16xi1>, vector<16xi32>
      %swap3A_1150 = arith.index_cast %add3A_1056 : i32 to index
      %swap3A_1151 = arith.constant 64 : index
      %swap3A_1152 = tpu.vector_load %arg7[%swap3A_1150, %swap3A_1151] {strides = array<i32>} : memref<160x128xi32, #tpu.memory_space<vmem>>, vector<1x16xi32>,
      %swap3A_1153 = vector.shape_cast %swap3A_1152 : vector<1x16xi32> to vector<16xi32>
      %swap3A_1154 = vector.shape_cast %select_n3A_1149 : vector<16xi32> to vector<1x16xi32>
      tpu.vector_store %arg7[%swap3A_1150, %swap3A_1151], %swap3A_1154 {strides = array<i32>} : memref<160x128xi32, #tpu.memory_space<vmem>>, vector<1x16xi32>,
      %get3A_1155 = arith.index_cast %add3A_1056 : i32 to index
      %get3A_1156 = arith.constant 80 : index
      %get3A_1157 = tpu.vector_load %arg7[%get3A_1155, %get3A_1156] {strides = array<i32>} : memref<160x128xi32, #tpu.memory_space<vmem>>, vector<1x16xi32>,
      %get3A_1158 = vector.shape_cast %get3A_1157 : vector<1x16xi32> to vector<16xi32>
      %sub3A_1159 = vector.broadcast %mul3A_0 : i32 to vector<16xi32>
      %sub3A_1160 = arith.subi %get3A_1158, %sub3A_1159 : vector<16xi32>
      %ge3A_1161 = arith.constant 0 : i32
      %ge3A_1162 = vector.broadcast %ge3A_1161 : i32 to vector<16xi32>
      %ge3A_1163 = arith.cmpi sge, %sub3A_1160, %ge3A_1162 : vector<16xi32>
      %lt3A_1164 = arith.constant 5000 : i32
      %lt3A_1165 = vector.broadcast %lt3A_1164 : i32 to vector<16xi32>
      %lt3A_1166 = arith.cmpi slt, %sub3A_1160, %lt3A_1165 : vector<16xi32>
      %and3A_1167 = arith.andi %ge3A_1163, %lt3A_1166 : vector<16xi1>
      %jit3A_1168 = arith.constant 5000 : i32
      %broadcast_in_dim3A_1169 = vector.broadcast %jit3A_1168 : i32 to vector<16xi32>
      %select_n3A_1170 = arith.select %and3A_1167, %sub3A_1160, %broadcast_in_dim3A_1169 : vector<16xi1>, vector<16xi32>
      %swap3A_1171 = arith.index_cast %add3A_1056 : i32 to index
      %swap3A_1172 = arith.constant 80 : index
      %swap3A_1173 = tpu.vector_load %arg7[%swap3A_1171, %swap3A_1172] {strides = array<i32>} : memref<160x128xi32, #tpu.memory_space<vmem>>, vector<1x16xi32>,
      %swap3A_1174 = vector.shape_cast %swap3A_1173 : vector<1x16xi32> to vector<16xi32>
      %swap3A_1175 = vector.shape_cast %select_n3A_1170 : vector<16xi32> to vector<1x16xi32>
      tpu.vector_store %arg7[%swap3A_1171, %swap3A_1172], %swap3A_1175 {strides = array<i32>} : memref<160x128xi32, #tpu.memory_space<vmem>>, vector<1x16xi32>,
      %get3A_1176 = arith.index_cast %add3A_1056 : i32 to index
      %get3A_1177 = arith.constant 96 : index
      %get3A_1178 = tpu.vector_load %arg7[%get3A_1176, %get3A_1177] {strides = array<i32>} : memref<160x128xi32, #tpu.memory_space<vmem>>, vector<1x16xi32>,
      %get3A_1179 = vector.shape_cast %get3A_1178 : vector<1x16xi32> to vector<16xi32>
      %sub3A_1180 = vector.broadcast %mul3A_0 : i32 to vector<16xi32>
      %sub3A_1181 = arith.subi %get3A_1179, %sub3A_1180 : vector<16xi32>
      %ge3A_1182 = arith.constant 0 : i32
      %ge3A_1183 = vector.broadcast %ge3A_1182 : i32 to vector<16xi32>
      %ge3A_1184 = arith.cmpi sge, %sub3A_1181, %ge3A_1183 : vector<16xi32>
      %lt3A_1185 = arith.constant 5000 : i32
      %lt3A_1186 = vector.broadcast %lt3A_1185 : i32 to vector<16xi32>
      %lt3A_1187 = arith.cmpi slt, %sub3A_1181, %lt3A_1186 : vector<16xi32>
      %and3A_1188 = arith.andi %ge3A_1184, %lt3A_1187 : vector<16xi1>
      %jit3A_1189 = arith.constant 5000 : i32
      %broadcast_in_dim3A_1190 = vector.broadcast %jit3A_1189 : i32 to vector<16xi32>
      %select_n3A_1191 = arith.select %and3A_1188, %sub3A_1181, %broadcast_in_dim3A_1190 : vector<16xi1>, vector<16xi32>
      %swap3A_1192 = arith.index_cast %add3A_1056 : i32 to index
      %swap3A_1193 = arith.constant 96 : index
      %swap3A_1194 = tpu.vector_load %arg7[%swap3A_1192, %swap3A_1193] {strides = array<i32>} : memref<160x128xi32, #tpu.memory_space<vmem>>, vector<1x16xi32>,
      %swap3A_1195 = vector.shape_cast %swap3A_1194 : vector<1x16xi32> to vector<16xi32>
      %swap3A_1196 = vector.shape_cast %select_n3A_1191 : vector<16xi32> to vector<1x16xi32>
      tpu.vector_store %arg7[%swap3A_1192, %swap3A_1193], %swap3A_1196 {strides = array<i32>} : memref<160x128xi32, #tpu.memory_space<vmem>>, vector<1x16xi32>,
      %get3A_1197 = arith.index_cast %add3A_1056 : i32 to index
      %get3A_1198 = arith.constant 112 : index
      %get3A_1199 = tpu.vector_load %arg7[%get3A_1197, %get3A_1198] {strides = array<i32>} : memref<160x128xi32, #tpu.memory_space<vmem>>, vector<1x16xi32>,
      %get3A_1200 = vector.shape_cast %get3A_1199 : vector<1x16xi32> to vector<16xi32>
      %sub3A_1201 = vector.broadcast %mul3A_0 : i32 to vector<16xi32>
      %sub3A_1202 = arith.subi %get3A_1200, %sub3A_1201 : vector<16xi32>
      %ge3A_1203 = arith.constant 0 : i32
      %ge3A_1204 = vector.broadcast %ge3A_1203 : i32 to vector<16xi32>
      %ge3A_1205 = arith.cmpi sge, %sub3A_1202, %ge3A_1204 : vector<16xi32>
      %lt3A_1206 = arith.constant 5000 : i32
      %lt3A_1207 = vector.broadcast %lt3A_1206 : i32 to vector<16xi32>
      %lt3A_1208 = arith.cmpi slt, %sub3A_1202, %lt3A_1207 : vector<16xi32>
      %and3A_1209 = arith.andi %ge3A_1205, %lt3A_1208 : vector<16xi1>
      %jit3A_1210 = arith.constant 5000 : i32
      %broadcast_in_dim3A_1211 = vector.broadcast %jit3A_1210 : i32 to vector<16xi32>
      %select_n3A_1212 = arith.select %and3A_1209, %sub3A_1202, %broadcast_in_dim3A_1211 : vector<16xi1>, vector<16xi32>
      %swap3A_1213 = arith.index_cast %add3A_1056 : i32 to index
      %swap3A_1214 = arith.constant 112 : index
      %swap3A_1215 = tpu.vector_load %arg7[%swap3A_1213, %swap3A_1214] {strides = array<i32>} : memref<160x128xi32, #tpu.memory_space<vmem>>, vector<1x16xi32>,
      %swap3A_1216 = vector.shape_cast %swap3A_1215 : vector<1x16xi32> to vector<16xi32>
      %swap3A_1217 = vector.shape_cast %select_n3A_1212 : vector<16xi32> to vector<1x16xi32>
      tpu.vector_store %arg7[%swap3A_1213, %swap3A_1214], %swap3A_1217 {strides = array<i32>} : memref<160x128xi32, #tpu.memory_space<vmem>>, vector<1x16xi32>,
    }
    %scan3A_4 = arith.constant 160 : i32
    %broadcast_in_dim3A = arith.constant 0.000000e+00 : f32
    %broadcast_in_dim3A_5 = vector.broadcast %broadcast_in_dim3A : f32 to vector<16xf32>
    %swap3A = arith.constant 0 : i32
    %swap3A_6 = arith.index_cast %swap3A : i32 to index
    %swap3A_7 = arith.constant 0 : index
    %swap3A_8 = tpu.vector_load %arg10[%swap3A_6, %swap3A_7] {strides = array<i32>} : memref<16x128xf32, #tpu.memory_space<vmem>>, vector<1x16xf32>,
    %swap3A_9 = vector.shape_cast %swap3A_8 : vector<1x16xf32> to vector<16xf32>
    %swap3A_10 = vector.shape_cast %broadcast_in_dim3A_5 : vector<16xf32> to vector<1x16xf32>
    tpu.vector_store %arg10[%swap3A_6, %swap3A_7], %swap3A_10 {strides = array<i32>} : memref<16x128xf32, #tpu.memory_space<vmem>>, vector<1x16xf32>,
    %broadcast_in_dim3A_11 = arith.constant 0.000000e+00 : f32
    %broadcast_in_dim3A_12 = vector.broadcast %broadcast_in_dim3A_11 : f32 to vector<16xf32>
    %swap3A_13 = arith.constant 0 : i32
    %swap3A_14 = arith.index_cast %swap3A_13 : i32 to index
    %swap3A_15 = arith.constant 16 : index
    %swap3A_16 = tpu.vector_load %arg10[%swap3A_14, %swap3A_15] {strides = array<i32>} : memref<16x128xf32, #tpu.memory_space<vmem>>, vector<1x16xf32>,
    %swap3A_17 = vector.shape_cast %swap3A_16 : vector<1x16xf32> to vector<16xf32>
    %swap3A_18 = vector.shape_cast %broadcast_in_dim3A_12 : vector<16xf32> to vector<1x16xf32>
    tpu.vector_store %arg10[%swap3A_14, %swap3A_15], %swap3A_18 {strides = array<i32>} : memref<16x128xf32, #tpu.memory_space<vmem>>, vector<1x16xf32>,
    %broadcast_in_dim3A_19 = arith.constant 0.000000e+00 : f32
    %broadcast_in_dim3A_20 = vector.broadcast %broadcast_in_dim3A_19 : f32 to vector<16xf32>
    %swap3A_21 = arith.constant 0 : i32
    %swap3A_22 = arith.index_cast %swap3A_21 : i32 to index
    %swap3A_23 = arith.constant 32 : index
    %swap3A_24 = tpu.vector_load %arg10[%swap3A_22, %swap3A_23] {strides = array<i32>} : memref<16x128xf32, #tpu.memory_space<vmem>>, vector<1x16xf32>,
    %swap3A_25 = vector.shape_cast %swap3A_24 : vector<1x16xf32> to vector<16xf32>
    %swap3A_26 = vector.shape_cast %broadcast_in_dim3A_20 : vector<16xf32> to vector<1x16xf32>
    tpu.vector_store %arg10[%swap3A_22, %swap3A_23], %swap3A_26 {strides = array<i32>} : memref<16x128xf32, #tpu.memory_space<vmem>>, vector<1x16xf32>,
    %broadcast_in_dim3A_27 = arith.constant 0.000000e+00 : f32
    %broadcast_in_dim3A_28 = vector.broadcast %broadcast_in_dim3A_27 : f32 to vector<16xf32>
    %swap3A_29 = arith.constant 0 : i32
    %swap3A_30 = arith.index_cast %swap3A_29 : i32 to index
    %swap3A_31 = arith.constant 48 : index
    %swap3A_32 = tpu.vector_load %arg10[%swap3A_30, %swap3A_31] {strides = array<i32>} : memref<16x128xf32, #tpu.memory_space<vmem>>, vector<1x16xf32>,
    %swap3A_33 = vector.shape_cast %swap3A_32 : vector<1x16xf32> to vector<16xf32>
    %swap3A_34 = vector.shape_cast %broadcast_in_dim3A_28 : vector<16xf32> to vector<1x16xf32>
    tpu.vector_store %arg10[%swap3A_30, %swap3A_31], %swap3A_34 {strides = array<i32>} : memref<16x128xf32, #tpu.memory_space<vmem>>, vector<1x16xf32>,
    %broadcast_in_dim3A_35 = arith.constant 0.000000e+00 : f32
    %broadcast_in_dim3A_36 = vector.broadcast %broadcast_in_dim3A_35 : f32 to vector<16xf32>
    %swap3A_37 = arith.constant 0 : i32
    %swap3A_38 = arith.index_cast %swap3A_37 : i32 to index
    %swap3A_39 = arith.constant 64 : index
    %swap3A_40 = tpu.vector_load %arg10[%swap3A_38, %swap3A_39] {strides = array<i32>} : memref<16x128xf32, #tpu.memory_space<vmem>>, vector<1x16xf32>,
    %swap3A_41 = vector.shape_cast %swap3A_40 : vector<1x16xf32> to vector<16xf32>
    %swap3A_42 = vector.shape_cast %broadcast_in_dim3A_36 : vector<16xf32> to vector<1x16xf32>
    tpu.vector_store %arg10[%swap3A_38, %swap3A_39], %swap3A_42 {strides = array<i32>} : memref<16x128xf32, #tpu.memory_space<vmem>>, vector<1x16xf32>,
    %broadcast_in_dim3A_43 = arith.constant 0.000000e+00 : f32
    %broadcast_in_dim3A_44 = vector.broadcast %broadcast_in_dim3A_43 : f32 to vector<16xf32>
    %swap3A_45 = arith.constant 0 : i32
    %swap3A_46 = arith.index_cast %swap3A_45 : i32 to index
    %swap3A_47 = arith.constant 80 : index
    %swap3A_48 = tpu.vector_load %arg10[%swap3A_46, %swap3A_47] {strides = array<i32>} : memref<16x128xf32, #tpu.memory_space<vmem>>, vector<1x16xf32>,
    %swap3A_49 = vector.shape_cast %swap3A_48 : vector<1x16xf32> to vector<16xf32>
    %swap3A_50 = vector.shape_cast %broadcast_in_dim3A_44 : vector<16xf32> to vector<1x16xf32>
    tpu.vector_store %arg10[%swap3A_46, %swap3A_47], %swap3A_50 {strides = array<i32>} : memref<16x128xf32, #tpu.memory_space<vmem>>, vector<1x16xf32>,
    %broadcast_in_dim3A_51 = arith.constant 0.000000e+00 : f32
    %broadcast_in_dim3A_52 = vector.broadcast %broadcast_in_dim3A_51 : f32 to vector<16xf32>
    %swap3A_53 = arith.constant 0 : i32
    %swap3A_54 = arith.index_cast %swap3A_53 : i32 to index
    %swap3A_55 = arith.constant 96 : index
    %swap3A_56 = tpu.vector_load %arg10[%swap3A_54, %swap3A_55] {strides = array<i32>} : memref<16x128xf32, #tpu.memory_space<vmem>>, vector<1x16xf32>,
    %swap3A_57 = vector.shape_cast %swap3A_56 : vector<1x16xf32> to vector<16xf32>
    %swap3A_58 = vector.shape_cast %broadcast_in_dim3A_52 : vector<16xf32> to vector<1x16xf32>
    tpu.vector_store %arg10[%swap3A_54, %swap3A_55], %swap3A_58 {strides = array<i32>} : memref<16x128xf32, #tpu.memory_space<vmem>>, vector<1x16xf32>,
    %broadcast_in_dim3A_59 = arith.constant 0.000000e+00 : f32
    %broadcast_in_dim3A_60 = vector.broadcast %broadcast_in_dim3A_59 : f32 to vector<16xf32>
    %swap3A_61 = arith.constant 0 : i32
    %swap3A_62 = arith.index_cast %swap3A_61 : i32 to index
    %swap3A_63 = arith.constant 112 : index
    %swap3A_64 = tpu.vector_load %arg10[%swap3A_62, %swap3A_63] {strides = array<i32>} : memref<16x128xf32, #tpu.memory_space<vmem>>, vector<1x16xf32>,
    %swap3A_65 = vector.shape_cast %swap3A_64 : vector<1x16xf32> to vector<16xf32>
    %swap3A_66 = vector.shape_cast %broadcast_in_dim3A_60 : vector<16xf32> to vector<1x16xf32>
    tpu.vector_store %arg10[%swap3A_62, %swap3A_63], %swap3A_66 {strides = array<i32>} : memref<16x128xf32, #tpu.memory_space<vmem>>, vector<1x16xf32>,
    %broadcast_in_dim3A_67 = arith.constant 0.000000e+00 : f32
    %broadcast_in_dim3A_68 = vector.broadcast %broadcast_in_dim3A_67 : f32 to vector<16xf32>
    %swap3A_69 = arith.constant 1 : i32
    %swap3A_70 = arith.index_cast %swap3A_69 : i32 to index
    %swap3A_71 = arith.constant 0 : index
    %swap3A_72 = tpu.vector_load %arg10[%swap3A_70, %swap3A_71] {strides = array<i32>} : memref<16x128xf32, #tpu.memory_space<vmem>>, vector<1x16xf32>,
    %swap3A_73 = vector.shape_cast %swap3A_72 : vector<1x16xf32> to vector<16xf32>
    %swap3A_74 = vector.shape_cast %broadcast_in_dim3A_68 : vector<16xf32> to vector<1x16xf32>
    tpu.vector_store %arg10[%swap3A_70, %swap3A_71], %swap3A_74 {strides = array<i32>} : memref<16x128xf32, #tpu.memory_space<vmem>>, vector<1x16xf32>,
    %broadcast_in_dim3A_75 = arith.constant 0.000000e+00 : f32
    %broadcast_in_dim3A_76 = vector.broadcast %broadcast_in_dim3A_75 : f32 to vector<16xf32>
    %swap3A_77 = arith.constant 1 : i32
    %swap3A_78 = arith.index_cast %swap3A_77 : i32 to index
    %swap3A_79 = arith.constant 16 : index
    %swap3A_80 = tpu.vector_load %arg10[%swap3A_78, %swap3A_79] {strides = array<i32>} : memref<16x128xf32, #tpu.memory_space<vmem>>, vector<1x16xf32>,
    %swap3A_81 = vector.shape_cast %swap3A_80 : vector<1x16xf32> to vector<16xf32>
    %swap3A_82 = vector.shape_cast %broadcast_in_dim3A_76 : vector<16xf32> to vector<1x16xf32>
    tpu.vector_store %arg10[%swap3A_78, %swap3A_79], %swap3A_82 {strides = array<i32>} : memref<16x128xf32, #tpu.memory_space<vmem>>, vector<1x16xf32>,
    %broadcast_in_dim3A_83 = arith.constant 0.000000e+00 : f32
    %broadcast_in_dim3A_84 = vector.broadcast %broadcast_in_dim3A_83 : f32 to vector<16xf32>
    %swap3A_85 = arith.constant 1 : i32
    %swap3A_86 = arith.index_cast %swap3A_85 : i32 to index
    %swap3A_87 = arith.constant 32 : index
    %swap3A_88 = tpu.vector_load %arg10[%swap3A_86, %swap3A_87] {strides = array<i32>} : memref<16x128xf32, #tpu.memory_space<vmem>>, vector<1x16xf32>,
    %swap3A_89 = vector.shape_cast %swap3A_88 : vector<1x16xf32> to vector<16xf32>
    %swap3A_90 = vector.shape_cast %broadcast_in_dim3A_84 : vector<16xf32> to vector<1x16xf32>
    tpu.vector_store %arg10[%swap3A_86, %swap3A_87], %swap3A_90 {strides = array<i32>} : memref<16x128xf32, #tpu.memory_space<vmem>>, vector<1x16xf32>,
    %broadcast_in_dim3A_91 = arith.constant 0.000000e+00 : f32
    %broadcast_in_dim3A_92 = vector.broadcast %broadcast_in_dim3A_91 : f32 to vector<16xf32>
    %swap3A_93 = arith.constant 1 : i32
    %swap3A_94 = arith.index_cast %swap3A_93 : i32 to index
    %swap3A_95 = arith.constant 48 : index
    %swap3A_96 = tpu.vector_load %arg10[%swap3A_94, %swap3A_95] {strides = array<i32>} : memref<16x128xf32, #tpu.memory_space<vmem>>, vector<1x16xf32>,
    %swap3A_97 = vector.shape_cast %swap3A_96 : vector<1x16xf32> to vector<16xf32>
    %swap3A_98 = vector.shape_cast %broadcast_in_dim3A_92 : vector<16xf32> to vector<1x16xf32>
    tpu.vector_store %arg10[%swap3A_94, %swap3A_95], %swap3A_98 {strides = array<i32>} : memref<16x128xf32, #tpu.memory_space<vmem>>, vector<1x16xf32>,
    %broadcast_in_dim3A_99 = arith.constant 0.000000e+00 : f32
    %broadcast_in_dim3A_100 = vector.broadcast %broadcast_in_dim3A_99 : f32 to vector<16xf32>
    %swap3A_101 = arith.constant 1 : i32
    %swap3A_102 = arith.index_cast %swap3A_101 : i32 to index
    %swap3A_103 = arith.constant 64 : index
    %swap3A_104 = tpu.vector_load %arg10[%swap3A_102, %swap3A_103] {strides = array<i32>} : memref<16x128xf32, #tpu.memory_space<vmem>>, vector<1x16xf32>,
    %swap3A_105 = vector.shape_cast %swap3A_104 : vector<1x16xf32> to vector<16xf32>
    %swap3A_106 = vector.shape_cast %broadcast_in_dim3A_100 : vector<16xf32> to vector<1x16xf32>
    tpu.vector_store %arg10[%swap3A_102, %swap3A_103], %swap3A_106 {strides = array<i32>} : memref<16x128xf32, #tpu.memory_space<vmem>>, vector<1x16xf32>,
    %broadcast_in_dim3A_107 = arith.constant 0.000000e+00 : f32
    %broadcast_in_dim3A_108 = vector.broadcast %broadcast_in_dim3A_107 : f32 to vector<16xf32>
    %swap3A_109 = arith.constant 1 : i32
    %swap3A_110 = arith.index_cast %swap3A_109 : i32 to index
    %swap3A_111 = arith.constant 80 : index
    %swap3A_112 = tpu.vector_load %arg10[%swap3A_110, %swap3A_111] {strides = array<i32>} : memref<16x128xf32, #tpu.memory_space<vmem>>, vector<1x16xf32>,
    %swap3A_113 = vector.shape_cast %swap3A_112 : vector<1x16xf32> to vector<16xf32>
    %swap3A_114 = vector.shape_cast %broadcast_in_dim3A_108 : vector<16xf32> to vector<1x16xf32>
    tpu.vector_store %arg10[%swap3A_110, %swap3A_111], %swap3A_114 {strides = array<i32>} : memref<16x128xf32, #tpu.memory_space<vmem>>, vector<1x16xf32>,
    %broadcast_in_dim3A_115 = arith.constant 0.000000e+00 : f32
    %broadcast_in_dim3A_116 = vector.broadcast %broadcast_in_dim3A_115 : f32 to vector<16xf32>
    %swap3A_117 = arith.constant 1 : i32
    %swap3A_118 = arith.index_cast %swap3A_117 : i32 to index
    %swap3A_119 = arith.constant 96 : index
    %swap3A_120 = tpu.vector_load %arg10[%swap3A_118, %swap3A_119] {strides = array<i32>} : memref<16x128xf32, #tpu.memory_space<vmem>>, vector<1x16xf32>,
    %swap3A_121 = vector.shape_cast %swap3A_120 : vector<1x16xf32> to vector<16xf32>
    %swap3A_122 = vector.shape_cast %broadcast_in_dim3A_116 : vector<16xf32> to vector<1x16xf32>
    tpu.vector_store %arg10[%swap3A_118, %swap3A_119], %swap3A_122 {strides = array<i32>} : memref<16x128xf32, #tpu.memory_space<vmem>>, vector<1x16xf32>,
    %broadcast_in_dim3A_123 = arith.constant 0.000000e+00 : f32
    %broadcast_in_dim3A_124 = vector.broadcast %broadcast_in_dim3A_123 : f32 to vector<16xf32>
    %swap3A_125 = arith.constant 1 : i32
    %swap3A_126 = arith.index_cast %swap3A_125 : i32 to index
    %swap3A_127 = arith.constant 112 : index
    %swap3A_128 = tpu.vector_load %arg10[%swap3A_126, %swap3A_127] {strides = array<i32>} : memref<16x128xf32, #tpu.memory_space<vmem>>, vector<1x16xf32>,
    %swap3A_129 = vector.shape_cast %swap3A_128 : vector<1x16xf32> to vector<16xf32>
    %swap3A_130 = vector.shape_cast %broadcast_in_dim3A_124 : vector<16xf32> to vector<1x16xf32>
    tpu.vector_store %arg10[%swap3A_126, %swap3A_127], %swap3A_130 {strides = array<i32>} : memref<16x128xf32, #tpu.memory_space<vmem>>, vector<1x16xf32>,
    %broadcast_in_dim3A_131 = arith.constant 0.000000e+00 : f32
    %broadcast_in_dim3A_132 = vector.broadcast %broadcast_in_dim3A_131 : f32 to vector<16xf32>
    %swap3A_133 = arith.constant 2 : i32
    %swap3A_134 = arith.index_cast %swap3A_133 : i32 to index
    %swap3A_135 = arith.constant 0 : index
    %swap3A_136 = tpu.vector_load %arg10[%swap3A_134, %swap3A_135] {strides = array<i32>} : memref<16x128xf32, #tpu.memory_space<vmem>>, vector<1x16xf32>,
    %swap3A_137 = vector.shape_cast %swap3A_136 : vector<1x16xf32> to vector<16xf32>
    %swap3A_138 = vector.shape_cast %broadcast_in_dim3A_132 : vector<16xf32> to vector<1x16xf32>
    tpu.vector_store %arg10[%swap3A_134, %swap3A_135], %swap3A_138 {strides = array<i32>} : memref<16x128xf32, #tpu.memory_space<vmem>>, vector<1x16xf32>,
    %broadcast_in_dim3A_139 = arith.constant 0.000000e+00 : f32
    %broadcast_in_dim3A_140 = vector.broadcast %broadcast_in_dim3A_139 : f32 to vector<16xf32>
    %swap3A_141 = arith.constant 2 : i32
    %swap3A_142 = arith.index_cast %swap3A_141 : i32 to index
    %swap3A_143 = arith.constant 16 : index
    %swap3A_144 = tpu.vector_load %arg10[%swap3A_142, %swap3A_143] {strides = array<i32>} : memref<16x128xf32, #tpu.memory_space<vmem>>, vector<1x16xf32>,
    %swap3A_145 = vector.shape_cast %swap3A_144 : vector<1x16xf32> to vector<16xf32>
    %swap3A_146 = vector.shape_cast %broadcast_in_dim3A_140 : vector<16xf32> to vector<1x16xf32>
    tpu.vector_store %arg10[%swap3A_142, %swap3A_143], %swap3A_146 {strides = array<i32>} : memref<16x128xf32, #tpu.memory_space<vmem>>, vector<1x16xf32>,
    %broadcast_in_dim3A_147 = arith.constant 0.000000e+00 : f32
    %broadcast_in_dim3A_148 = vector.broadcast %broadcast_in_dim3A_147 : f32 to vector<16xf32>
    %swap3A_149 = arith.constant 2 : i32
    %swap3A_150 = arith.index_cast %swap3A_149 : i32 to index
    %swap3A_151 = arith.constant 32 : index
    %swap3A_152 = tpu.vector_load %arg10[%swap3A_150, %swap3A_151] {strides = array<i32>} : memref<16x128xf32, #tpu.memory_space<vmem>>, vector<1x16xf32>,
    %swap3A_153 = vector.shape_cast %swap3A_152 : vector<1x16xf32> to vector<16xf32>
    %swap3A_154 = vector.shape_cast %broadcast_in_dim3A_148 : vector<16xf32> to vector<1x16xf32>
    tpu.vector_store %arg10[%swap3A_150, %swap3A_151], %swap3A_154 {strides = array<i32>} : memref<16x128xf32, #tpu.memory_space<vmem>>, vector<1x16xf32>,
    %broadcast_in_dim3A_155 = arith.constant 0.000000e+00 : f32
    %broadcast_in_dim3A_156 = vector.broadcast %broadcast_in_dim3A_155 : f32 to vector<16xf32>
    %swap3A_157 = arith.constant 2 : i32
    %swap3A_158 = arith.index_cast %swap3A_157 : i32 to index
    %swap3A_159 = arith.constant 48 : index
    %swap3A_160 = tpu.vector_load %arg10[%swap3A_158, %swap3A_159] {strides = array<i32>} : memref<16x128xf32, #tpu.memory_space<vmem>>, vector<1x16xf32>,
    %swap3A_161 = vector.shape_cast %swap3A_160 : vector<1x16xf32> to vector<16xf32>
    %swap3A_162 = vector.shape_cast %broadcast_in_dim3A_156 : vector<16xf32> to vector<1x16xf32>
    tpu.vector_store %arg10[%swap3A_158, %swap3A_159], %swap3A_162 {strides = array<i32>} : memref<16x128xf32, #tpu.memory_space<vmem>>, vector<1x16xf32>,
    %broadcast_in_dim3A_163 = arith.constant 0.000000e+00 : f32
    %broadcast_in_dim3A_164 = vector.broadcast %broadcast_in_dim3A_163 : f32 to vector<16xf32>
    %swap3A_165 = arith.constant 2 : i32
    %swap3A_166 = arith.index_cast %swap3A_165 : i32 to index
    %swap3A_167 = arith.constant 64 : index
    %swap3A_168 = tpu.vector_load %arg10[%swap3A_166, %swap3A_167] {strides = array<i32>} : memref<16x128xf32, #tpu.memory_space<vmem>>, vector<1x16xf32>,
    %swap3A_169 = vector.shape_cast %swap3A_168 : vector<1x16xf32> to vector<16xf32>
    %swap3A_170 = vector.shape_cast %broadcast_in_dim3A_164 : vector<16xf32> to vector<1x16xf32>
    tpu.vector_store %arg10[%swap3A_166, %swap3A_167], %swap3A_170 {strides = array<i32>} : memref<16x128xf32, #tpu.memory_space<vmem>>, vector<1x16xf32>,
    %broadcast_in_dim3A_171 = arith.constant 0.000000e+00 : f32
    %broadcast_in_dim3A_172 = vector.broadcast %broadcast_in_dim3A_171 : f32 to vector<16xf32>
    %swap3A_173 = arith.constant 2 : i32
    %swap3A_174 = arith.index_cast %swap3A_173 : i32 to index
    %swap3A_175 = arith.constant 80 : index
    %swap3A_176 = tpu.vector_load %arg10[%swap3A_174, %swap3A_175] {strides = array<i32>} : memref<16x128xf32, #tpu.memory_space<vmem>>, vector<1x16xf32>,
    %swap3A_177 = vector.shape_cast %swap3A_176 : vector<1x16xf32> to vector<16xf32>
    %swap3A_178 = vector.shape_cast %broadcast_in_dim3A_172 : vector<16xf32> to vector<1x16xf32>
    tpu.vector_store %arg10[%swap3A_174, %swap3A_175], %swap3A_178 {strides = array<i32>} : memref<16x128xf32, #tpu.memory_space<vmem>>, vector<1x16xf32>,
    %broadcast_in_dim3A_179 = arith.constant 0.000000e+00 : f32
    %broadcast_in_dim3A_180 = vector.broadcast %broadcast_in_dim3A_179 : f32 to vector<16xf32>
    %swap3A_181 = arith.constant 2 : i32
    %swap3A_182 = arith.index_cast %swap3A_181 : i32 to index
    %swap3A_183 = arith.constant 96 : index
    %swap3A_184 = tpu.vector_load %arg10[%swap3A_182, %swap3A_183] {strides = array<i32>} : memref<16x128xf32, #tpu.memory_space<vmem>>, vector<1x16xf32>,
    %swap3A_185 = vector.shape_cast %swap3A_184 : vector<1x16xf32> to vector<16xf32>
    %swap3A_186 = vector.shape_cast %broadcast_in_dim3A_180 : vector<16xf32> to vector<1x16xf32>
    tpu.vector_store %arg10[%swap3A_182, %swap3A_183], %swap3A_186 {strides = array<i32>} : memref<16x128xf32, #tpu.memory_space<vmem>>, vector<1x16xf32>,
    %broadcast_in_dim3A_187 = arith.constant 0.000000e+00 : f32
    %broadcast_in_dim3A_188 = vector.broadcast %broadcast_in_dim3A_187 : f32 to vector<16xf32>
    %swap3A_189 = arith.constant 2 : i32
    %swap3A_190 = arith.index_cast %swap3A_189 : i32 to index
    %swap3A_191 = arith.constant 112 : index
    %swap3A_192 = tpu.vector_load %arg10[%swap3A_190, %swap3A_191] {strides = array<i32>} : memref<16x128xf32, #tpu.memory_space<vmem>>, vector<1x16xf32>,
    %swap3A_193 = vector.shape_cast %swap3A_192 : vector<1x16xf32> to vector<16xf32>
    %swap3A_194 = vector.shape_cast %broadcast_in_dim3A_188 : vector<16xf32> to vector<1x16xf32>
    tpu.vector_store %arg10[%swap3A_190, %swap3A_191], %swap3A_194 {strides = array<i32>} : memref<16x128xf32, #tpu.memory_space<vmem>>, vector<1x16xf32>,
    %broadcast_in_dim3A_195 = arith.constant 0.000000e+00 : f32
    %broadcast_in_dim3A_196 = vector.broadcast %broadcast_in_dim3A_195 : f32 to vector<16xf32>
    %swap3A_197 = arith.constant 3 : i32
    %swap3A_198 = arith.index_cast %swap3A_197 : i32 to index
    %swap3A_199 = arith.constant 0 : index
    %swap3A_200 = tpu.vector_load %arg10[%swap3A_198, %swap3A_199] {strides = array<i32>} : memref<16x128xf32, #tpu.memory_space<vmem>>, vector<1x16xf32>,
    %swap3A_201 = vector.shape_cast %swap3A_200 : vector<1x16xf32> to vector<16xf32>
    %swap3A_202 = vector.shape_cast %broadcast_in_dim3A_196 : vector<16xf32> to vector<1x16xf32>
    tpu.vector_store %arg10[%swap3A_198, %swap3A_199], %swap3A_202 {strides = array<i32>} : memref<16x128xf32, #tpu.memory_space<vmem>>, vector<1x16xf32>,
    %broadcast_in_dim3A_203 = arith.constant 0.000000e+00 : f32
    %broadcast_in_dim3A_204 = vector.broadcast %broadcast_in_dim3A_203 : f32 to vector<16xf32>
    %swap3A_205 = arith.constant 3 : i32
    %swap3A_206 = arith.index_cast %swap3A_205 : i32 to index
    %swap3A_207 = arith.constant 16 : index
    %swap3A_208 = tpu.vector_load %arg10[%swap3A_206, %swap3A_207] {strides = array<i32>} : memref<16x128xf32, #tpu.memory_space<vmem>>, vector<1x16xf32>,
    %swap3A_209 = vector.shape_cast %swap3A_208 : vector<1x16xf32> to vector<16xf32>
    %swap3A_210 = vector.shape_cast %broadcast_in_dim3A_204 : vector<16xf32> to vector<1x16xf32>
    tpu.vector_store %arg10[%swap3A_206, %swap3A_207], %swap3A_210 {strides = array<i32>} : memref<16x128xf32, #tpu.memory_space<vmem>>, vector<1x16xf32>,
    %broadcast_in_dim3A_211 = arith.constant 0.000000e+00 : f32
    %broadcast_in_dim3A_212 = vector.broadcast %broadcast_in_dim3A_211 : f32 to vector<16xf32>
    %swap3A_213 = arith.constant 3 : i32
    %swap3A_214 = arith.index_cast %swap3A_213 : i32 to index
    %swap3A_215 = arith.constant 32 : index
    %swap3A_216 = tpu.vector_load %arg10[%swap3A_214, %swap3A_215] {strides = array<i32>} : memref<16x128xf32, #tpu.memory_space<vmem>>, vector<1x16xf32>,
    %swap3A_217 = vector.shape_cast %swap3A_216 : vector<1x16xf32> to vector<16xf32>
    %swap3A_218 = vector.shape_cast %broadcast_in_dim3A_212 : vector<16xf32> to vector<1x16xf32>
    tpu.vector_store %arg10[%swap3A_214, %swap3A_215], %swap3A_218 {strides = array<i32>} : memref<16x128xf32, #tpu.memory_space<vmem>>, vector<1x16xf32>,
    %broadcast_in_dim3A_219 = arith.constant 0.000000e+00 : f32
    %broadcast_in_dim3A_220 = vector.broadcast %broadcast_in_dim3A_219 : f32 to vector<16xf32>
    %swap3A_221 = arith.constant 3 : i32
    %swap3A_222 = arith.index_cast %swap3A_221 : i32 to index
    %swap3A_223 = arith.constant 48 : index
    %swap3A_224 = tpu.vector_load %arg10[%swap3A_222, %swap3A_223] {strides = array<i32>} : memref<16x128xf32, #tpu.memory_space<vmem>>, vector<1x16xf32>,
    %swap3A_225 = vector.shape_cast %swap3A_224 : vector<1x16xf32> to vector<16xf32>
    %swap3A_226 = vector.shape_cast %broadcast_in_dim3A_220 : vector<16xf32> to vector<1x16xf32>
    tpu.vector_store %arg10[%swap3A_222, %swap3A_223], %swap3A_226 {strides = array<i32>} : memref<16x128xf32, #tpu.memory_space<vmem>>, vector<1x16xf32>,
    %broadcast_in_dim3A_227 = arith.constant 0.000000e+00 : f32
    %broadcast_in_dim3A_228 = vector.broadcast %broadcast_in_dim3A_227 : f32 to vector<16xf32>
    %swap3A_229 = arith.constant 3 : i32
    %swap3A_230 = arith.index_cast %swap3A_229 : i32 to index
    %swap3A_231 = arith.constant 64 : index
    %swap3A_232 = tpu.vector_load %arg10[%swap3A_230, %swap3A_231] {strides = array<i32>} : memref<16x128xf32, #tpu.memory_space<vmem>>, vector<1x16xf32>,
    %swap3A_233 = vector.shape_cast %swap3A_232 : vector<1x16xf32> to vector<16xf32>
    %swap3A_234 = vector.shape_cast %broadcast_in_dim3A_228 : vector<16xf32> to vector<1x16xf32>
    tpu.vector_store %arg10[%swap3A_230, %swap3A_231], %swap3A_234 {strides = array<i32>} : memref<16x128xf32, #tpu.memory_space<vmem>>, vector<1x16xf32>,
    %broadcast_in_dim3A_235 = arith.constant 0.000000e+00 : f32
    %broadcast_in_dim3A_236 = vector.broadcast %broadcast_in_dim3A_235 : f32 to vector<16xf32>
    %swap3A_237 = arith.constant 3 : i32
    %swap3A_238 = arith.index_cast %swap3A_237 : i32 to index
    %swap3A_239 = arith.constant 80 : index
    %swap3A_240 = tpu.vector_load %arg10[%swap3A_238, %swap3A_239] {strides = array<i32>} : memref<16x128xf32, #tpu.memory_space<vmem>>, vector<1x16xf32>,
    %swap3A_241 = vector.shape_cast %swap3A_240 : vector<1x16xf32> to vector<16xf32>
    %swap3A_242 = vector.shape_cast %broadcast_in_dim3A_236 : vector<16xf32> to vector<1x16xf32>
    tpu.vector_store %arg10[%swap3A_238, %swap3A_239], %swap3A_242 {strides = array<i32>} : memref<16x128xf32, #tpu.memory_space<vmem>>, vector<1x16xf32>,
    %broadcast_in_dim3A_243 = arith.constant 0.000000e+00 : f32
    %broadcast_in_dim3A_244 = vector.broadcast %broadcast_in_dim3A_243 : f32 to vector<16xf32>
    %swap3A_245 = arith.constant 3 : i32
    %swap3A_246 = arith.index_cast %swap3A_245 : i32 to index
    %swap3A_247 = arith.constant 96 : index
    %swap3A_248 = tpu.vector_load %arg10[%swap3A_246, %swap3A_247] {strides = array<i32>} : memref<16x128xf32, #tpu.memory_space<vmem>>, vector<1x16xf32>,
    %swap3A_249 = vector.shape_cast %swap3A_248 : vector<1x16xf32> to vector<16xf32>
    %swap3A_250 = vector.shape_cast %broadcast_in_dim3A_244 : vector<16xf32> to vector<1x16xf32>
    tpu.vector_store %arg10[%swap3A_246, %swap3A_247], %swap3A_250 {strides = array<i32>} : memref<16x128xf32, #tpu.memory_space<vmem>>, vector<1x16xf32>,
    %broadcast_in_dim3A_251 = arith.constant 0.000000e+00 : f32
    %broadcast_in_dim3A_252 = vector.broadcast %broadcast_in_dim3A_251 : f32 to vector<16xf32>
    %swap3A_253 = arith.constant 3 : i32
    %swap3A_254 = arith.index_cast %swap3A_253 : i32 to index
    %swap3A_255 = arith.constant 112 : index
    %swap3A_256 = tpu.vector_load %arg10[%swap3A_254, %swap3A_255] {strides = array<i32>} : memref<16x128xf32, #tpu.memory_space<vmem>>, vector<1x16xf32>,
    %swap3A_257 = vector.shape_cast %swap3A_256 : vector<1x16xf32> to vector<16xf32>
    %swap3A_258 = vector.shape_cast %broadcast_in_dim3A_252 : vector<16xf32> to vector<1x16xf32>
    tpu.vector_store %arg10[%swap3A_254, %swap3A_255], %swap3A_258 {strides = array<i32>} : memref<16x128xf32, #tpu.memory_space<vmem>>, vector<1x16xf32>,
    %broadcast_in_dim3A_259 = arith.constant 0.000000e+00 : f32
    %broadcast_in_dim3A_260 = vector.broadcast %broadcast_in_dim3A_259 : f32 to vector<16xf32>
    %swap3A_261 = arith.constant 4 : i32
    %swap3A_262 = arith.index_cast %swap3A_261 : i32 to index
    %swap3A_263 = arith.constant 0 : index
    %swap3A_264 = tpu.vector_load %arg10[%swap3A_262, %swap3A_263] {strides = array<i32>} : memref<16x128xf32, #tpu.memory_space<vmem>>, vector<1x16xf32>,
    %swap3A_265 = vector.shape_cast %swap3A_264 : vector<1x16xf32> to vector<16xf32>
    %swap3A_266 = vector.shape_cast %broadcast_in_dim3A_260 : vector<16xf32> to vector<1x16xf32>
    tpu.vector_store %arg10[%swap3A_262, %swap3A_263], %swap3A_266 {strides = array<i32>} : memref<16x128xf32, #tpu.memory_space<vmem>>, vector<1x16xf32>,
    %broadcast_in_dim3A_267 = arith.constant 0.000000e+00 : f32
    %broadcast_in_dim3A_268 = vector.broadcast %broadcast_in_dim3A_267 : f32 to vector<16xf32>
    %swap3A_269 = arith.constant 4 : i32
    %swap3A_270 = arith.index_cast %swap3A_269 : i32 to index
    %swap3A_271 = arith.constant 16 : index
    %swap3A_272 = tpu.vector_load %arg10[%swap3A_270, %swap3A_271] {strides = array<i32>} : memref<16x128xf32, #tpu.memory_space<vmem>>, vector<1x16xf32>,
    %swap3A_273 = vector.shape_cast %swap3A_272 : vector<1x16xf32> to vector<16xf32>
    %swap3A_274 = vector.shape_cast %broadcast_in_dim3A_268 : vector<16xf32> to vector<1x16xf32>
    tpu.vector_store %arg10[%swap3A_270, %swap3A_271], %swap3A_274 {strides = array<i32>} : memref<16x128xf32, #tpu.memory_space<vmem>>, vector<1x16xf32>,
    %broadcast_in_dim3A_275 = arith.constant 0.000000e+00 : f32
    %broadcast_in_dim3A_276 = vector.broadcast %broadcast_in_dim3A_275 : f32 to vector<16xf32>
    %swap3A_277 = arith.constant 4 : i32
    %swap3A_278 = arith.index_cast %swap3A_277 : i32 to index
    %swap3A_279 = arith.constant 32 : index
    %swap3A_280 = tpu.vector_load %arg10[%swap3A_278, %swap3A_279] {strides = array<i32>} : memref<16x128xf32, #tpu.memory_space<vmem>>, vector<1x16xf32>,
    %swap3A_281 = vector.shape_cast %swap3A_280 : vector<1x16xf32> to vector<16xf32>
    %swap3A_282 = vector.shape_cast %broadcast_in_dim3A_276 : vector<16xf32> to vector<1x16xf32>
    tpu.vector_store %arg10[%swap3A_278, %swap3A_279], %swap3A_282 {strides = array<i32>} : memref<16x128xf32, #tpu.memory_space<vmem>>, vector<1x16xf32>,
    %broadcast_in_dim3A_283 = arith.constant 0.000000e+00 : f32
    %broadcast_in_dim3A_284 = vector.broadcast %broadcast_in_dim3A_283 : f32 to vector<16xf32>
    %swap3A_285 = arith.constant 4 : i32
    %swap3A_286 = arith.index_cast %swap3A_285 : i32 to index
    %swap3A_287 = arith.constant 48 : index
    %swap3A_288 = tpu.vector_load %arg10[%swap3A_286, %swap3A_287] {strides = array<i32>} : memref<16x128xf32, #tpu.memory_space<vmem>>, vector<1x16xf32>,
    %swap3A_289 = vector.shape_cast %swap3A_288 : vector<1x16xf32> to vector<16xf32>
    %swap3A_290 = vector.shape_cast %broadcast_in_dim3A_284 : vector<16xf32> to vector<1x16xf32>
    tpu.vector_store %arg10[%swap3A_286, %swap3A_287], %swap3A_290 {strides = array<i32>} : memref<16x128xf32, #tpu.memory_space<vmem>>, vector<1x16xf32>,
    %broadcast_in_dim3A_291 = arith.constant 0.000000e+00 : f32
    %broadcast_in_dim3A_292 = vector.broadcast %broadcast_in_dim3A_291 : f32 to vector<16xf32>
    %swap3A_293 = arith.constant 4 : i32
    %swap3A_294 = arith.index_cast %swap3A_293 : i32 to index
    %swap3A_295 = arith.constant 64 : index
    %swap3A_296 = tpu.vector_load %arg10[%swap3A_294, %swap3A_295] {strides = array<i32>} : memref<16x128xf32, #tpu.memory_space<vmem>>, vector<1x16xf32>,
    %swap3A_297 = vector.shape_cast %swap3A_296 : vector<1x16xf32> to vector<16xf32>
    %swap3A_298 = vector.shape_cast %broadcast_in_dim3A_292 : vector<16xf32> to vector<1x16xf32>
    tpu.vector_store %arg10[%swap3A_294, %swap3A_295], %swap3A_298 {strides = array<i32>} : memref<16x128xf32, #tpu.memory_space<vmem>>, vector<1x16xf32>,
    %broadcast_in_dim3A_299 = arith.constant 0.000000e+00 : f32
    %broadcast_in_dim3A_300 = vector.broadcast %broadcast_in_dim3A_299 : f32 to vector<16xf32>
    %swap3A_301 = arith.constant 4 : i32
    %swap3A_302 = arith.index_cast %swap3A_301 : i32 to index
    %swap3A_303 = arith.constant 80 : index
    %swap3A_304 = tpu.vector_load %arg10[%swap3A_302, %swap3A_303] {strides = array<i32>} : memref<16x128xf32, #tpu.memory_space<vmem>>, vector<1x16xf32>,
    %swap3A_305 = vector.shape_cast %swap3A_304 : vector<1x16xf32> to vector<16xf32>
    %swap3A_306 = vector.shape_cast %broadcast_in_dim3A_300 : vector<16xf32> to vector<1x16xf32>
    tpu.vector_store %arg10[%swap3A_302, %swap3A_303], %swap3A_306 {strides = array<i32>} : memref<16x128xf32, #tpu.memory_space<vmem>>, vector<1x16xf32>,
    %broadcast_in_dim3A_307 = arith.constant 0.000000e+00 : f32
    %broadcast_in_dim3A_308 = vector.broadcast %broadcast_in_dim3A_307 : f32 to vector<16xf32>
    %swap3A_309 = arith.constant 4 : i32
    %swap3A_310 = arith.index_cast %swap3A_309 : i32 to index
    %swap3A_311 = arith.constant 96 : index
    %swap3A_312 = tpu.vector_load %arg10[%swap3A_310, %swap3A_311] {strides = array<i32>} : memref<16x128xf32, #tpu.memory_space<vmem>>, vector<1x16xf32>,
    %swap3A_313 = vector.shape_cast %swap3A_312 : vector<1x16xf32> to vector<16xf32>
    %swap3A_314 = vector.shape_cast %broadcast_in_dim3A_308 : vector<16xf32> to vector<1x16xf32>
    tpu.vector_store %arg10[%swap3A_310, %swap3A_311], %swap3A_314 {strides = array<i32>} : memref<16x128xf32, #tpu.memory_space<vmem>>, vector<1x16xf32>,
    %broadcast_in_dim3A_315 = arith.constant 0.000000e+00 : f32
    %broadcast_in_dim3A_316 = vector.broadcast %broadcast_in_dim3A_315 : f32 to vector<16xf32>
    %swap3A_317 = arith.constant 4 : i32
    %swap3A_318 = arith.index_cast %swap3A_317 : i32 to index
    %swap3A_319 = arith.constant 112 : index
    %swap3A_320 = tpu.vector_load %arg10[%swap3A_318, %swap3A_319] {strides = array<i32>} : memref<16x128xf32, #tpu.memory_space<vmem>>, vector<1x16xf32>,
    %swap3A_321 = vector.shape_cast %swap3A_320 : vector<1x16xf32> to vector<16xf32>
    %swap3A_322 = vector.shape_cast %broadcast_in_dim3A_316 : vector<16xf32> to vector<1x16xf32>
    tpu.vector_store %arg10[%swap3A_318, %swap3A_319], %swap3A_322 {strides = array<i32>} : memref<16x128xf32, #tpu.memory_space<vmem>>, vector<1x16xf32>,
    %broadcast_in_dim3A_323 = arith.constant 0.000000e+00 : f32
    %broadcast_in_dim3A_324 = vector.broadcast %broadcast_in_dim3A_323 : f32 to vector<16xf32>
    %swap3A_325 = arith.constant 5 : i32
    %swap3A_326 = arith.index_cast %swap3A_325 : i32 to index
    %swap3A_327 = arith.constant 0 : index
    %swap3A_328 = tpu.vector_load %arg10[%swap3A_326, %swap3A_327] {strides = array<i32>} : memref<16x128xf32, #tpu.memory_space<vmem>>, vector<1x16xf32>,
    %swap3A_329 = vector.shape_cast %swap3A_328 : vector<1x16xf32> to vector<16xf32>
    %swap3A_330 = vector.shape_cast %broadcast_in_dim3A_324 : vector<16xf32> to vector<1x16xf32>
    tpu.vector_store %arg10[%swap3A_326, %swap3A_327], %swap3A_330 {strides = array<i32>} : memref<16x128xf32, #tpu.memory_space<vmem>>, vector<1x16xf32>,
    %broadcast_in_dim3A_331 = arith.constant 0.000000e+00 : f32
    %broadcast_in_dim3A_332 = vector.broadcast %broadcast_in_dim3A_331 : f32 to vector<16xf32>
    %swap3A_333 = arith.constant 5 : i32
    %swap3A_334 = arith.index_cast %swap3A_333 : i32 to index
    %swap3A_335 = arith.constant 16 : index
    %swap3A_336 = tpu.vector_load %arg10[%swap3A_334, %swap3A_335] {strides = array<i32>} : memref<16x128xf32, #tpu.memory_space<vmem>>, vector<1x16xf32>,
    %swap3A_337 = vector.shape_cast %swap3A_336 : vector<1x16xf32> to vector<16xf32>
    %swap3A_338 = vector.shape_cast %broadcast_in_dim3A_332 : vector<16xf32> to vector<1x16xf32>
    tpu.vector_store %arg10[%swap3A_334, %swap3A_335], %swap3A_338 {strides = array<i32>} : memref<16x128xf32, #tpu.memory_space<vmem>>, vector<1x16xf32>,
    %broadcast_in_dim3A_339 = arith.constant 0.000000e+00 : f32
    %broadcast_in_dim3A_340 = vector.broadcast %broadcast_in_dim3A_339 : f32 to vector<16xf32>
    %swap3A_341 = arith.constant 5 : i32
    %swap3A_342 = arith.index_cast %swap3A_341 : i32 to index
    %swap3A_343 = arith.constant 32 : index
    %swap3A_344 = tpu.vector_load %arg10[%swap3A_342, %swap3A_343] {strides = array<i32>} : memref<16x128xf32, #tpu.memory_space<vmem>>, vector<1x16xf32>,
    %swap3A_345 = vector.shape_cast %swap3A_344 : vector<1x16xf32> to vector<16xf32>
    %swap3A_346 = vector.shape_cast %broadcast_in_dim3A_340 : vector<16xf32> to vector<1x16xf32>
    tpu.vector_store %arg10[%swap3A_342, %swap3A_343], %swap3A_346 {strides = array<i32>} : memref<16x128xf32, #tpu.memory_space<vmem>>, vector<1x16xf32>,
    %broadcast_in_dim3A_347 = arith.constant 0.000000e+00 : f32
    %broadcast_in_dim3A_348 = vector.broadcast %broadcast_in_dim3A_347 : f32 to vector<16xf32>
    %swap3A_349 = arith.constant 5 : i32
    %swap3A_350 = arith.index_cast %swap3A_349 : i32 to index
    %swap3A_351 = arith.constant 48 : index
    %swap3A_352 = tpu.vector_load %arg10[%swap3A_350, %swap3A_351] {strides = array<i32>} : memref<16x128xf32, #tpu.memory_space<vmem>>, vector<1x16xf32>,
    %swap3A_353 = vector.shape_cast %swap3A_352 : vector<1x16xf32> to vector<16xf32>
    %swap3A_354 = vector.shape_cast %broadcast_in_dim3A_348 : vector<16xf32> to vector<1x16xf32>
    tpu.vector_store %arg10[%swap3A_350, %swap3A_351], %swap3A_354 {strides = array<i32>} : memref<16x128xf32, #tpu.memory_space<vmem>>, vector<1x16xf32>,
    %broadcast_in_dim3A_355 = arith.constant 0.000000e+00 : f32
    %broadcast_in_dim3A_356 = vector.broadcast %broadcast_in_dim3A_355 : f32 to vector<16xf32>
    %swap3A_357 = arith.constant 5 : i32
    %swap3A_358 = arith.index_cast %swap3A_357 : i32 to index
    %swap3A_359 = arith.constant 64 : index
    %swap3A_360 = tpu.vector_load %arg10[%swap3A_358, %swap3A_359] {strides = array<i32>} : memref<16x128xf32, #tpu.memory_space<vmem>>, vector<1x16xf32>,
    %swap3A_361 = vector.shape_cast %swap3A_360 : vector<1x16xf32> to vector<16xf32>
    %swap3A_362 = vector.shape_cast %broadcast_in_dim3A_356 : vector<16xf32> to vector<1x16xf32>
    tpu.vector_store %arg10[%swap3A_358, %swap3A_359], %swap3A_362 {strides = array<i32>} : memref<16x128xf32, #tpu.memory_space<vmem>>, vector<1x16xf32>,
    %broadcast_in_dim3A_363 = arith.constant 0.000000e+00 : f32
    %broadcast_in_dim3A_364 = vector.broadcast %broadcast_in_dim3A_363 : f32 to vector<16xf32>
    %swap3A_365 = arith.constant 5 : i32
    %swap3A_366 = arith.index_cast %swap3A_365 : i32 to index
    %swap3A_367 = arith.constant 80 : index
    %swap3A_368 = tpu.vector_load %arg10[%swap3A_366, %swap3A_367] {strides = array<i32>} : memref<16x128xf32, #tpu.memory_space<vmem>>, vector<1x16xf32>,
    %swap3A_369 = vector.shape_cast %swap3A_368 : vector<1x16xf32> to vector<16xf32>
    %swap3A_370 = vector.shape_cast %broadcast_in_dim3A_364 : vector<16xf32> to vector<1x16xf32>
    tpu.vector_store %arg10[%swap3A_366, %swap3A_367], %swap3A_370 {strides = array<i32>} : memref<16x128xf32, #tpu.memory_space<vmem>>, vector<1x16xf32>,
    %broadcast_in_dim3A_371 = arith.constant 0.000000e+00 : f32
    %broadcast_in_dim3A_372 = vector.broadcast %broadcast_in_dim3A_371 : f32 to vector<16xf32>
    %swap3A_373 = arith.constant 5 : i32
    %swap3A_374 = arith.index_cast %swap3A_373 : i32 to index
    %swap3A_375 = arith.constant 96 : index
    %swap3A_376 = tpu.vector_load %arg10[%swap3A_374, %swap3A_375] {strides = array<i32>} : memref<16x128xf32, #tpu.memory_space<vmem>>, vector<1x16xf32>,
    %swap3A_377 = vector.shape_cast %swap3A_376 : vector<1x16xf32> to vector<16xf32>
    %swap3A_378 = vector.shape_cast %broadcast_in_dim3A_372 : vector<16xf32> to vector<1x16xf32>
    tpu.vector_store %arg10[%swap3A_374, %swap3A_375], %swap3A_378 {strides = array<i32>} : memref<16x128xf32, #tpu.memory_space<vmem>>, vector<1x16xf32>,
    %broadcast_in_dim3A_379 = arith.constant 0.000000e+00 : f32
    %broadcast_in_dim3A_380 = vector.broadcast %broadcast_in_dim3A_379 : f32 to vector<16xf32>
    %swap3A_381 = arith.constant 5 : i32
    %swap3A_382 = arith.index_cast %swap3A_381 : i32 to index
    %swap3A_383 = arith.constant 112 : index
    %swap3A_384 = tpu.vector_load %arg10[%swap3A_382, %swap3A_383] {strides = array<i32>} : memref<16x128xf32, #tpu.memory_space<vmem>>, vector<1x16xf32>,
    %swap3A_385 = vector.shape_cast %swap3A_384 : vector<1x16xf32> to vector<16xf32>
    %swap3A_386 = vector.shape_cast %broadcast_in_dim3A_380 : vector<16xf32> to vector<1x16xf32>
    tpu.vector_store %arg10[%swap3A_382, %swap3A_383], %swap3A_386 {strides = array<i32>} : memref<16x128xf32, #tpu.memory_space<vmem>>, vector<1x16xf32>,
    %broadcast_in_dim3A_387 = arith.constant 0.000000e+00 : f32
    %broadcast_in_dim3A_388 = vector.broadcast %broadcast_in_dim3A_387 : f32 to vector<16xf32>
    %swap3A_389 = arith.constant 6 : i32
    %swap3A_390 = arith.index_cast %swap3A_389 : i32 to index
    %swap3A_391 = arith.constant 0 : index
    %swap3A_392 = tpu.vector_load %arg10[%swap3A_390, %swap3A_391] {strides = array<i32>} : memref<16x128xf32, #tpu.memory_space<vmem>>, vector<1x16xf32>,
    %swap3A_393 = vector.shape_cast %swap3A_392 : vector<1x16xf32> to vector<16xf32>
    %swap3A_394 = vector.shape_cast %broadcast_in_dim3A_388 : vector<16xf32> to vector<1x16xf32>
    tpu.vector_store %arg10[%swap3A_390, %swap3A_391], %swap3A_394 {strides = array<i32>} : memref<16x128xf32, #tpu.memory_space<vmem>>, vector<1x16xf32>,
    %broadcast_in_dim3A_395 = arith.constant 0.000000e+00 : f32
    %broadcast_in_dim3A_396 = vector.broadcast %broadcast_in_dim3A_395 : f32 to vector<16xf32>
    %swap3A_397 = arith.constant 6 : i32
    %swap3A_398 = arith.index_cast %swap3A_397 : i32 to index
    %swap3A_399 = arith.constant 16 : index
    %swap3A_400 = tpu.vector_load %arg10[%swap3A_398, %swap3A_399] {strides = array<i32>} : memref<16x128xf32, #tpu.memory_space<vmem>>, vector<1x16xf32>,
    %swap3A_401 = vector.shape_cast %swap3A_400 : vector<1x16xf32> to vector<16xf32>
    %swap3A_402 = vector.shape_cast %broadcast_in_dim3A_396 : vector<16xf32> to vector<1x16xf32>
    tpu.vector_store %arg10[%swap3A_398, %swap3A_399], %swap3A_402 {strides = array<i32>} : memref<16x128xf32, #tpu.memory_space<vmem>>, vector<1x16xf32>,
    %broadcast_in_dim3A_403 = arith.constant 0.000000e+00 : f32
    %broadcast_in_dim3A_404 = vector.broadcast %broadcast_in_dim3A_403 : f32 to vector<16xf32>
    %swap3A_405 = arith.constant 6 : i32
    %swap3A_406 = arith.index_cast %swap3A_405 : i32 to index
    %swap3A_407 = arith.constant 32 : index
    %swap3A_408 = tpu.vector_load %arg10[%swap3A_406, %swap3A_407] {strides = array<i32>} : memref<16x128xf32, #tpu.memory_space<vmem>>, vector<1x16xf32>,
    %swap3A_409 = vector.shape_cast %swap3A_408 : vector<1x16xf32> to vector<16xf32>
    %swap3A_410 = vector.shape_cast %broadcast_in_dim3A_404 : vector<16xf32> to vector<1x16xf32>
    tpu.vector_store %arg10[%swap3A_406, %swap3A_407], %swap3A_410 {strides = array<i32>} : memref<16x128xf32, #tpu.memory_space<vmem>>, vector<1x16xf32>,
    %broadcast_in_dim3A_411 = arith.constant 0.000000e+00 : f32
    %broadcast_in_dim3A_412 = vector.broadcast %broadcast_in_dim3A_411 : f32 to vector<16xf32>
    %swap3A_413 = arith.constant 6 : i32
    %swap3A_414 = arith.index_cast %swap3A_413 : i32 to index
    %swap3A_415 = arith.constant 48 : index
    %swap3A_416 = tpu.vector_load %arg10[%swap3A_414, %swap3A_415] {strides = array<i32>} : memref<16x128xf32, #tpu.memory_space<vmem>>, vector<1x16xf32>,
    %swap3A_417 = vector.shape_cast %swap3A_416 : vector<1x16xf32> to vector<16xf32>
    %swap3A_418 = vector.shape_cast %broadcast_in_dim3A_412 : vector<16xf32> to vector<1x16xf32>
    tpu.vector_store %arg10[%swap3A_414, %swap3A_415], %swap3A_418 {strides = array<i32>} : memref<16x128xf32, #tpu.memory_space<vmem>>, vector<1x16xf32>,
    %broadcast_in_dim3A_419 = arith.constant 0.000000e+00 : f32
    %broadcast_in_dim3A_420 = vector.broadcast %broadcast_in_dim3A_419 : f32 to vector<16xf32>
    %swap3A_421 = arith.constant 6 : i32
    %swap3A_422 = arith.index_cast %swap3A_421 : i32 to index
    %swap3A_423 = arith.constant 64 : index
    %swap3A_424 = tpu.vector_load %arg10[%swap3A_422, %swap3A_423] {strides = array<i32>} : memref<16x128xf32, #tpu.memory_space<vmem>>, vector<1x16xf32>,
    %swap3A_425 = vector.shape_cast %swap3A_424 : vector<1x16xf32> to vector<16xf32>
    %swap3A_426 = vector.shape_cast %broadcast_in_dim3A_420 : vector<16xf32> to vector<1x16xf32>
    tpu.vector_store %arg10[%swap3A_422, %swap3A_423], %swap3A_426 {strides = array<i32>} : memref<16x128xf32, #tpu.memory_space<vmem>>, vector<1x16xf32>,
    %broadcast_in_dim3A_427 = arith.constant 0.000000e+00 : f32
    %broadcast_in_dim3A_428 = vector.broadcast %broadcast_in_dim3A_427 : f32 to vector<16xf32>
    %swap3A_429 = arith.constant 6 : i32
    %swap3A_430 = arith.index_cast %swap3A_429 : i32 to index
    %swap3A_431 = arith.constant 80 : index
    %swap3A_432 = tpu.vector_load %arg10[%swap3A_430, %swap3A_431] {strides = array<i32>} : memref<16x128xf32, #tpu.memory_space<vmem>>, vector<1x16xf32>,
    %swap3A_433 = vector.shape_cast %swap3A_432 : vector<1x16xf32> to vector<16xf32>
    %swap3A_434 = vector.shape_cast %broadcast_in_dim3A_428 : vector<16xf32> to vector<1x16xf32>
    tpu.vector_store %arg10[%swap3A_430, %swap3A_431], %swap3A_434 {strides = array<i32>} : memref<16x128xf32, #tpu.memory_space<vmem>>, vector<1x16xf32>,
    %broadcast_in_dim3A_435 = arith.constant 0.000000e+00 : f32
    %broadcast_in_dim3A_436 = vector.broadcast %broadcast_in_dim3A_435 : f32 to vector<16xf32>
    %swap3A_437 = arith.constant 6 : i32
    %swap3A_438 = arith.index_cast %swap3A_437 : i32 to index
    %swap3A_439 = arith.constant 96 : index
    %swap3A_440 = tpu.vector_load %arg10[%swap3A_438, %swap3A_439] {strides = array<i32>} : memref<16x128xf32, #tpu.memory_space<vmem>>, vector<1x16xf32>,
    %swap3A_441 = vector.shape_cast %swap3A_440 : vector<1x16xf32> to vector<16xf32>
    %swap3A_442 = vector.shape_cast %broadcast_in_dim3A_436 : vector<16xf32> to vector<1x16xf32>
    tpu.vector_store %arg10[%swap3A_438, %swap3A_439], %swap3A_442 {strides = array<i32>} : memref<16x128xf32, #tpu.memory_space<vmem>>, vector<1x16xf32>,
    %broadcast_in_dim3A_443 = arith.constant 0.000000e+00 : f32
    %broadcast_in_dim3A_444 = vector.broadcast %broadcast_in_dim3A_443 : f32 to vector<16xf32>
    %swap3A_445 = arith.constant 6 : i32
    %swap3A_446 = arith.index_cast %swap3A_445 : i32 to index
    %swap3A_447 = arith.constant 112 : index
    %swap3A_448 = tpu.vector_load %arg10[%swap3A_446, %swap3A_447] {strides = array<i32>} : memref<16x128xf32, #tpu.memory_space<vmem>>, vector<1x16xf32>,
    %swap3A_449 = vector.shape_cast %swap3A_448 : vector<1x16xf32> to vector<16xf32>
    %swap3A_450 = vector.shape_cast %broadcast_in_dim3A_444 : vector<16xf32> to vector<1x16xf32>
    tpu.vector_store %arg10[%swap3A_446, %swap3A_447], %swap3A_450 {strides = array<i32>} : memref<16x128xf32, #tpu.memory_space<vmem>>, vector<1x16xf32>,
    %broadcast_in_dim3A_451 = arith.constant 0.000000e+00 : f32
    %broadcast_in_dim3A_452 = vector.broadcast %broadcast_in_dim3A_451 : f32 to vector<16xf32>
    %swap3A_453 = arith.constant 7 : i32
    %swap3A_454 = arith.index_cast %swap3A_453 : i32 to index
    %swap3A_455 = arith.constant 0 : index
    %swap3A_456 = tpu.vector_load %arg10[%swap3A_454, %swap3A_455] {strides = array<i32>} : memref<16x128xf32, #tpu.memory_space<vmem>>, vector<1x16xf32>,
    %swap3A_457 = vector.shape_cast %swap3A_456 : vector<1x16xf32> to vector<16xf32>
    %swap3A_458 = vector.shape_cast %broadcast_in_dim3A_452 : vector<16xf32> to vector<1x16xf32>
    tpu.vector_store %arg10[%swap3A_454, %swap3A_455], %swap3A_458 {strides = array<i32>} : memref<16x128xf32, #tpu.memory_space<vmem>>, vector<1x16xf32>,
    %broadcast_in_dim3A_459 = arith.constant 0.000000e+00 : f32
    %broadcast_in_dim3A_460 = vector.broadcast %broadcast_in_dim3A_459 : f32 to vector<16xf32>
    %swap3A_461 = arith.constant 7 : i32
    %swap3A_462 = arith.index_cast %swap3A_461 : i32 to index
    %swap3A_463 = arith.constant 16 : index
    %swap3A_464 = tpu.vector_load %arg10[%swap3A_462, %swap3A_463] {strides = array<i32>} : memref<16x128xf32, #tpu.memory_space<vmem>>, vector<1x16xf32>,
    %swap3A_465 = vector.shape_cast %swap3A_464 : vector<1x16xf32> to vector<16xf32>
    %swap3A_466 = vector.shape_cast %broadcast_in_dim3A_460 : vector<16xf32> to vector<1x16xf32>
    tpu.vector_store %arg10[%swap3A_462, %swap3A_463], %swap3A_466 {strides = array<i32>} : memref<16x128xf32, #tpu.memory_space<vmem>>, vector<1x16xf32>,
    %broadcast_in_dim3A_467 = arith.constant 0.000000e+00 : f32
    %broadcast_in_dim3A_468 = vector.broadcast %broadcast_in_dim3A_467 : f32 to vector<16xf32>
    %swap3A_469 = arith.constant 7 : i32
    %swap3A_470 = arith.index_cast %swap3A_469 : i32 to index
    %swap3A_471 = arith.constant 32 : index
    %swap3A_472 = tpu.vector_load %arg10[%swap3A_470, %swap3A_471] {strides = array<i32>} : memref<16x128xf32, #tpu.memory_space<vmem>>, vector<1x16xf32>,
    %swap3A_473 = vector.shape_cast %swap3A_472 : vector<1x16xf32> to vector<16xf32>
    %swap3A_474 = vector.shape_cast %broadcast_in_dim3A_468 : vector<16xf32> to vector<1x16xf32>
    tpu.vector_store %arg10[%swap3A_470, %swap3A_471], %swap3A_474 {strides = array<i32>} : memref<16x128xf32, #tpu.memory_space<vmem>>, vector<1x16xf32>,
    %broadcast_in_dim3A_475 = arith.constant 0.000000e+00 : f32
    %broadcast_in_dim3A_476 = vector.broadcast %broadcast_in_dim3A_475 : f32 to vector<16xf32>
    %swap3A_477 = arith.constant 7 : i32
    %swap3A_478 = arith.index_cast %swap3A_477 : i32 to index
    %swap3A_479 = arith.constant 48 : index
    %swap3A_480 = tpu.vector_load %arg10[%swap3A_478, %swap3A_479] {strides = array<i32>} : memref<16x128xf32, #tpu.memory_space<vmem>>, vector<1x16xf32>,
    %swap3A_481 = vector.shape_cast %swap3A_480 : vector<1x16xf32> to vector<16xf32>
    %swap3A_482 = vector.shape_cast %broadcast_in_dim3A_476 : vector<16xf32> to vector<1x16xf32>
    tpu.vector_store %arg10[%swap3A_478, %swap3A_479], %swap3A_482 {strides = array<i32>} : memref<16x128xf32, #tpu.memory_space<vmem>>, vector<1x16xf32>,
    %broadcast_in_dim3A_483 = arith.constant 0.000000e+00 : f32
    %broadcast_in_dim3A_484 = vector.broadcast %broadcast_in_dim3A_483 : f32 to vector<16xf32>
    %swap3A_485 = arith.constant 7 : i32
    %swap3A_486 = arith.index_cast %swap3A_485 : i32 to index
    %swap3A_487 = arith.constant 64 : index
    %swap3A_488 = tpu.vector_load %arg10[%swap3A_486, %swap3A_487] {strides = array<i32>} : memref<16x128xf32, #tpu.memory_space<vmem>>, vector<1x16xf32>,
    %swap3A_489 = vector.shape_cast %swap3A_488 : vector<1x16xf32> to vector<16xf32>
    %swap3A_490 = vector.shape_cast %broadcast_in_dim3A_484 : vector<16xf32> to vector<1x16xf32>
    tpu.vector_store %arg10[%swap3A_486, %swap3A_487], %swap3A_490 {strides = array<i32>} : memref<16x128xf32, #tpu.memory_space<vmem>>, vector<1x16xf32>,
    %broadcast_in_dim3A_491 = arith.constant 0.000000e+00 : f32
    %broadcast_in_dim3A_492 = vector.broadcast %broadcast_in_dim3A_491 : f32 to vector<16xf32>
    %swap3A_493 = arith.constant 7 : i32
    %swap3A_494 = arith.index_cast %swap3A_493 : i32 to index
    %swap3A_495 = arith.constant 80 : index
    %swap3A_496 = tpu.vector_load %arg10[%swap3A_494, %swap3A_495] {strides = array<i32>} : memref<16x128xf32, #tpu.memory_space<vmem>>, vector<1x16xf32>,
    %swap3A_497 = vector.shape_cast %swap3A_496 : vector<1x16xf32> to vector<16xf32>
    %swap3A_498 = vector.shape_cast %broadcast_in_dim3A_492 : vector<16xf32> to vector<1x16xf32>
    tpu.vector_store %arg10[%swap3A_494, %swap3A_495], %swap3A_498 {strides = array<i32>} : memref<16x128xf32, #tpu.memory_space<vmem>>, vector<1x16xf32>,
    %broadcast_in_dim3A_499 = arith.constant 0.000000e+00 : f32
    %broadcast_in_dim3A_500 = vector.broadcast %broadcast_in_dim3A_499 : f32 to vector<16xf32>
    %swap3A_501 = arith.constant 7 : i32
    %swap3A_502 = arith.index_cast %swap3A_501 : i32 to index
    %swap3A_503 = arith.constant 96 : index
    %swap3A_504 = tpu.vector_load %arg10[%swap3A_502, %swap3A_503] {strides = array<i32>} : memref<16x128xf32, #tpu.memory_space<vmem>>, vector<1x16xf32>,
    %swap3A_505 = vector.shape_cast %swap3A_504 : vector<1x16xf32> to vector<16xf32>
    %swap3A_506 = vector.shape_cast %broadcast_in_dim3A_500 : vector<16xf32> to vector<1x16xf32>
    tpu.vector_store %arg10[%swap3A_502, %swap3A_503], %swap3A_506 {strides = array<i32>} : memref<16x128xf32, #tpu.memory_space<vmem>>, vector<1x16xf32>,
    %broadcast_in_dim3A_507 = arith.constant 0.000000e+00 : f32
    %broadcast_in_dim3A_508 = vector.broadcast %broadcast_in_dim3A_507 : f32 to vector<16xf32>
    %swap3A_509 = arith.constant 7 : i32
    %swap3A_510 = arith.index_cast %swap3A_509 : i32 to index
    %swap3A_511 = arith.constant 112 : index
    %swap3A_512 = tpu.vector_load %arg10[%swap3A_510, %swap3A_511] {strides = array<i32>} : memref<16x128xf32, #tpu.memory_space<vmem>>, vector<1x16xf32>,
    %swap3A_513 = vector.shape_cast %swap3A_512 : vector<1x16xf32> to vector<16xf32>
    %swap3A_514 = vector.shape_cast %broadcast_in_dim3A_508 : vector<16xf32> to vector<1x16xf32>
    tpu.vector_store %arg10[%swap3A_510, %swap3A_511], %swap3A_514 {strides = array<i32>} : memref<16x128xf32, #tpu.memory_space<vmem>>, vector<1x16xf32>,
    %broadcast_in_dim3A_515 = arith.constant 0.000000e+00 : f32
    %broadcast_in_dim3A_516 = vector.broadcast %broadcast_in_dim3A_515 : f32 to vector<16xf32>
    %swap3A_517 = arith.constant 8 : i32
    %swap3A_518 = arith.index_cast %swap3A_517 : i32 to index
    %swap3A_519 = arith.constant 0 : index
    %swap3A_520 = tpu.vector_load %arg10[%swap3A_518, %swap3A_519] {strides = array<i32>} : memref<16x128xf32, #tpu.memory_space<vmem>>, vector<1x16xf32>,
    %swap3A_521 = vector.shape_cast %swap3A_520 : vector<1x16xf32> to vector<16xf32>
    %swap3A_522 = vector.shape_cast %broadcast_in_dim3A_516 : vector<16xf32> to vector<1x16xf32>
    tpu.vector_store %arg10[%swap3A_518, %swap3A_519], %swap3A_522 {strides = array<i32>} : memref<16x128xf32, #tpu.memory_space<vmem>>, vector<1x16xf32>,
    %broadcast_in_dim3A_523 = arith.constant 0.000000e+00 : f32
    %broadcast_in_dim3A_524 = vector.broadcast %broadcast_in_dim3A_523 : f32 to vector<16xf32>
    %swap3A_525 = arith.constant 8 : i32
    %swap3A_526 = arith.index_cast %swap3A_525 : i32 to index
    %swap3A_527 = arith.constant 16 : index
    %swap3A_528 = tpu.vector_load %arg10[%swap3A_526, %swap3A_527] {strides = array<i32>} : memref<16x128xf32, #tpu.memory_space<vmem>>, vector<1x16xf32>,
    %swap3A_529 = vector.shape_cast %swap3A_528 : vector<1x16xf32> to vector<16xf32>
    %swap3A_530 = vector.shape_cast %broadcast_in_dim3A_524 : vector<16xf32> to vector<1x16xf32>
    tpu.vector_store %arg10[%swap3A_526, %swap3A_527], %swap3A_530 {strides = array<i32>} : memref<16x128xf32, #tpu.memory_space<vmem>>, vector<1x16xf32>,
    %broadcast_in_dim3A_531 = arith.constant 0.000000e+00 : f32
    %broadcast_in_dim3A_532 = vector.broadcast %broadcast_in_dim3A_531 : f32 to vector<16xf32>
    %swap3A_533 = arith.constant 8 : i32
    %swap3A_534 = arith.index_cast %swap3A_533 : i32 to index
    %swap3A_535 = arith.constant 32 : index
    %swap3A_536 = tpu.vector_load %arg10[%swap3A_534, %swap3A_535] {strides = array<i32>} : memref<16x128xf32, #tpu.memory_space<vmem>>, vector<1x16xf32>,
    %swap3A_537 = vector.shape_cast %swap3A_536 : vector<1x16xf32> to vector<16xf32>
    %swap3A_538 = vector.shape_cast %broadcast_in_dim3A_532 : vector<16xf32> to vector<1x16xf32>
    tpu.vector_store %arg10[%swap3A_534, %swap3A_535], %swap3A_538 {strides = array<i32>} : memref<16x128xf32, #tpu.memory_space<vmem>>, vector<1x16xf32>,
    %broadcast_in_dim3A_539 = arith.constant 0.000000e+00 : f32
    %broadcast_in_dim3A_540 = vector.broadcast %broadcast_in_dim3A_539 : f32 to vector<16xf32>
    %swap3A_541 = arith.constant 8 : i32
    %swap3A_542 = arith.index_cast %swap3A_541 : i32 to index
    %swap3A_543 = arith.constant 48 : index
    %swap3A_544 = tpu.vector_load %arg10[%swap3A_542, %swap3A_543] {strides = array<i32>} : memref<16x128xf32, #tpu.memory_space<vmem>>, vector<1x16xf32>,
    %swap3A_545 = vector.shape_cast %swap3A_544 : vector<1x16xf32> to vector<16xf32>
    %swap3A_546 = vector.shape_cast %broadcast_in_dim3A_540 : vector<16xf32> to vector<1x16xf32>
    tpu.vector_store %arg10[%swap3A_542, %swap3A_543], %swap3A_546 {strides = array<i32>} : memref<16x128xf32, #tpu.memory_space<vmem>>, vector<1x16xf32>,
    %broadcast_in_dim3A_547 = arith.constant 0.000000e+00 : f32
    %broadcast_in_dim3A_548 = vector.broadcast %broadcast_in_dim3A_547 : f32 to vector<16xf32>
    %swap3A_549 = arith.constant 8 : i32
    %swap3A_550 = arith.index_cast %swap3A_549 : i32 to index
    %swap3A_551 = arith.constant 64 : index
    %swap3A_552 = tpu.vector_load %arg10[%swap3A_550, %swap3A_551] {strides = array<i32>} : memref<16x128xf32, #tpu.memory_space<vmem>>, vector<1x16xf32>,
    %swap3A_553 = vector.shape_cast %swap3A_552 : vector<1x16xf32> to vector<16xf32>
    %swap3A_554 = vector.shape_cast %broadcast_in_dim3A_548 : vector<16xf32> to vector<1x16xf32>
    tpu.vector_store %arg10[%swap3A_550, %swap3A_551], %swap3A_554 {strides = array<i32>} : memref<16x128xf32, #tpu.memory_space<vmem>>, vector<1x16xf32>,
    %broadcast_in_dim3A_555 = arith.constant 0.000000e+00 : f32
    %broadcast_in_dim3A_556 = vector.broadcast %broadcast_in_dim3A_555 : f32 to vector<16xf32>
    %swap3A_557 = arith.constant 8 : i32
    %swap3A_558 = arith.index_cast %swap3A_557 : i32 to index
    %swap3A_559 = arith.constant 80 : index
    %swap3A_560 = tpu.vector_load %arg10[%swap3A_558, %swap3A_559] {strides = array<i32>} : memref<16x128xf32, #tpu.memory_space<vmem>>, vector<1x16xf32>,
    %swap3A_561 = vector.shape_cast %swap3A_560 : vector<1x16xf32> to vector<16xf32>
    %swap3A_562 = vector.shape_cast %broadcast_in_dim3A_556 : vector<16xf32> to vector<1x16xf32>
    tpu.vector_store %arg10[%swap3A_558, %swap3A_559], %swap3A_562 {strides = array<i32>} : memref<16x128xf32, #tpu.memory_space<vmem>>, vector<1x16xf32>,
    %broadcast_in_dim3A_563 = arith.constant 0.000000e+00 : f32
    %broadcast_in_dim3A_564 = vector.broadcast %broadcast_in_dim3A_563 : f32 to vector<16xf32>
    %swap3A_565 = arith.constant 8 : i32
    %swap3A_566 = arith.index_cast %swap3A_565 : i32 to index
    %swap3A_567 = arith.constant 96 : index
    %swap3A_568 = tpu.vector_load %arg10[%swap3A_566, %swap3A_567] {strides = array<i32>} : memref<16x128xf32, #tpu.memory_space<vmem>>, vector<1x16xf32>,
    %swap3A_569 = vector.shape_cast %swap3A_568 : vector<1x16xf32> to vector<16xf32>
    %swap3A_570 = vector.shape_cast %broadcast_in_dim3A_564 : vector<16xf32> to vector<1x16xf32>
    tpu.vector_store %arg10[%swap3A_566, %swap3A_567], %swap3A_570 {strides = array<i32>} : memref<16x128xf32, #tpu.memory_space<vmem>>, vector<1x16xf32>,
    %broadcast_in_dim3A_571 = arith.constant 0.000000e+00 : f32
    %broadcast_in_dim3A_572 = vector.broadcast %broadcast_in_dim3A_571 : f32 to vector<16xf32>
    %swap3A_573 = arith.constant 8 : i32
    %swap3A_574 = arith.index_cast %swap3A_573 : i32 to index
    %swap3A_575 = arith.constant 112 : index
    %swap3A_576 = tpu.vector_load %arg10[%swap3A_574, %swap3A_575] {strides = array<i32>} : memref<16x128xf32, #tpu.memory_space<vmem>>, vector<1x16xf32>,
    %swap3A_577 = vector.shape_cast %swap3A_576 : vector<1x16xf32> to vector<16xf32>
    %swap3A_578 = vector.shape_cast %broadcast_in_dim3A_572 : vector<16xf32> to vector<1x16xf32>
    tpu.vector_store %arg10[%swap3A_574, %swap3A_575], %swap3A_578 {strides = array<i32>} : memref<16x128xf32, #tpu.memory_space<vmem>>, vector<1x16xf32>,
    %broadcast_in_dim3A_579 = arith.constant 0.000000e+00 : f32
    %broadcast_in_dim3A_580 = vector.broadcast %broadcast_in_dim3A_579 : f32 to vector<16xf32>
    %swap3A_581 = arith.constant 9 : i32
    %swap3A_582 = arith.index_cast %swap3A_581 : i32 to index
    %swap3A_583 = arith.constant 0 : index
    %swap3A_584 = tpu.vector_load %arg10[%swap3A_582, %swap3A_583] {strides = array<i32>} : memref<16x128xf32, #tpu.memory_space<vmem>>, vector<1x16xf32>,
    %swap3A_585 = vector.shape_cast %swap3A_584 : vector<1x16xf32> to vector<16xf32>
    %swap3A_586 = vector.shape_cast %broadcast_in_dim3A_580 : vector<16xf32> to vector<1x16xf32>
    tpu.vector_store %arg10[%swap3A_582, %swap3A_583], %swap3A_586 {strides = array<i32>} : memref<16x128xf32, #tpu.memory_space<vmem>>, vector<1x16xf32>,
    %broadcast_in_dim3A_587 = arith.constant 0.000000e+00 : f32
    %broadcast_in_dim3A_588 = vector.broadcast %broadcast_in_dim3A_587 : f32 to vector<16xf32>
    %swap3A_589 = arith.constant 9 : i32
    %swap3A_590 = arith.index_cast %swap3A_589 : i32 to index
    %swap3A_591 = arith.constant 16 : index
    %swap3A_592 = tpu.vector_load %arg10[%swap3A_590, %swap3A_591] {strides = array<i32>} : memref<16x128xf32, #tpu.memory_space<vmem>>, vector<1x16xf32>,
    %swap3A_593 = vector.shape_cast %swap3A_592 : vector<1x16xf32> to vector<16xf32>
    %swap3A_594 = vector.shape_cast %broadcast_in_dim3A_588 : vector<16xf32> to vector<1x16xf32>
    tpu.vector_store %arg10[%swap3A_590, %swap3A_591], %swap3A_594 {strides = array<i32>} : memref<16x128xf32, #tpu.memory_space<vmem>>, vector<1x16xf32>,
    %broadcast_in_dim3A_595 = arith.constant 0.000000e+00 : f32
    %broadcast_in_dim3A_596 = vector.broadcast %broadcast_in_dim3A_595 : f32 to vector<16xf32>
    %swap3A_597 = arith.constant 9 : i32
    %swap3A_598 = arith.index_cast %swap3A_597 : i32 to index
    %swap3A_599 = arith.constant 32 : index
    %swap3A_600 = tpu.vector_load %arg10[%swap3A_598, %swap3A_599] {strides = array<i32>} : memref<16x128xf32, #tpu.memory_space<vmem>>, vector<1x16xf32>,
    %swap3A_601 = vector.shape_cast %swap3A_600 : vector<1x16xf32> to vector<16xf32>
    %swap3A_602 = vector.shape_cast %broadcast_in_dim3A_596 : vector<16xf32> to vector<1x16xf32>
    tpu.vector_store %arg10[%swap3A_598, %swap3A_599], %swap3A_602 {strides = array<i32>} : memref<16x128xf32, #tpu.memory_space<vmem>>, vector<1x16xf32>,
    %broadcast_in_dim3A_603 = arith.constant 0.000000e+00 : f32
    %broadcast_in_dim3A_604 = vector.broadcast %broadcast_in_dim3A_603 : f32 to vector<16xf32>
    %swap3A_605 = arith.constant 9 : i32
    %swap3A_606 = arith.index_cast %swap3A_605 : i32 to index
    %swap3A_607 = arith.constant 48 : index
    %swap3A_608 = tpu.vector_load %arg10[%swap3A_606, %swap3A_607] {strides = array<i32>} : memref<16x128xf32, #tpu.memory_space<vmem>>, vector<1x16xf32>,
    %swap3A_609 = vector.shape_cast %swap3A_608 : vector<1x16xf32> to vector<16xf32>
    %swap3A_610 = vector.shape_cast %broadcast_in_dim3A_604 : vector<16xf32> to vector<1x16xf32>
    tpu.vector_store %arg10[%swap3A_606, %swap3A_607], %swap3A_610 {strides = array<i32>} : memref<16x128xf32, #tpu.memory_space<vmem>>, vector<1x16xf32>,
    %broadcast_in_dim3A_611 = arith.constant 0.000000e+00 : f32
    %broadcast_in_dim3A_612 = vector.broadcast %broadcast_in_dim3A_611 : f32 to vector<16xf32>
    %swap3A_613 = arith.constant 9 : i32
    %swap3A_614 = arith.index_cast %swap3A_613 : i32 to index
    %swap3A_615 = arith.constant 64 : index
    %swap3A_616 = tpu.vector_load %arg10[%swap3A_614, %swap3A_615] {strides = array<i32>} : memref<16x128xf32, #tpu.memory_space<vmem>>, vector<1x16xf32>,
    %swap3A_617 = vector.shape_cast %swap3A_616 : vector<1x16xf32> to vector<16xf32>
    %swap3A_618 = vector.shape_cast %broadcast_in_dim3A_612 : vector<16xf32> to vector<1x16xf32>
    tpu.vector_store %arg10[%swap3A_614, %swap3A_615], %swap3A_618 {strides = array<i32>} : memref<16x128xf32, #tpu.memory_space<vmem>>, vector<1x16xf32>,
    %broadcast_in_dim3A_619 = arith.constant 0.000000e+00 : f32
    %broadcast_in_dim3A_620 = vector.broadcast %broadcast_in_dim3A_619 : f32 to vector<16xf32>
    %swap3A_621 = arith.constant 9 : i32
    %swap3A_622 = arith.index_cast %swap3A_621 : i32 to index
    %swap3A_623 = arith.constant 80 : index
    %swap3A_624 = tpu.vector_load %arg10[%swap3A_622, %swap3A_623] {strides = array<i32>} : memref<16x128xf32, #tpu.memory_space<vmem>>, vector<1x16xf32>,
    %swap3A_625 = vector.shape_cast %swap3A_624 : vector<1x16xf32> to vector<16xf32>
    %swap3A_626 = vector.shape_cast %broadcast_in_dim3A_620 : vector<16xf32> to vector<1x16xf32>
    tpu.vector_store %arg10[%swap3A_622, %swap3A_623], %swap3A_626 {strides = array<i32>} : memref<16x128xf32, #tpu.memory_space<vmem>>, vector<1x16xf32>,
    %broadcast_in_dim3A_627 = arith.constant 0.000000e+00 : f32
    %broadcast_in_dim3A_628 = vector.broadcast %broadcast_in_dim3A_627 : f32 to vector<16xf32>
    %swap3A_629 = arith.constant 9 : i32
    %swap3A_630 = arith.index_cast %swap3A_629 : i32 to index
    %swap3A_631 = arith.constant 96 : index
    %swap3A_632 = tpu.vector_load %arg10[%swap3A_630, %swap3A_631] {strides = array<i32>} : memref<16x128xf32, #tpu.memory_space<vmem>>, vector<1x16xf32>,
    %swap3A_633 = vector.shape_cast %swap3A_632 : vector<1x16xf32> to vector<16xf32>
    %swap3A_634 = vector.shape_cast %broadcast_in_dim3A_628 : vector<16xf32> to vector<1x16xf32>
    tpu.vector_store %arg10[%swap3A_630, %swap3A_631], %swap3A_634 {strides = array<i32>} : memref<16x128xf32, #tpu.memory_space<vmem>>, vector<1x16xf32>,
    %broadcast_in_dim3A_635 = arith.constant 0.000000e+00 : f32
    %broadcast_in_dim3A_636 = vector.broadcast %broadcast_in_dim3A_635 : f32 to vector<16xf32>
    %swap3A_637 = arith.constant 9 : i32
    %swap3A_638 = arith.index_cast %swap3A_637 : i32 to index
    %swap3A_639 = arith.constant 112 : index
    %swap3A_640 = tpu.vector_load %arg10[%swap3A_638, %swap3A_639] {strides = array<i32>} : memref<16x128xf32, #tpu.memory_space<vmem>>, vector<1x16xf32>,
    %swap3A_641 = vector.shape_cast %swap3A_640 : vector<1x16xf32> to vector<16xf32>
    %swap3A_642 = vector.shape_cast %broadcast_in_dim3A_636 : vector<16xf32> to vector<1x16xf32>
    tpu.vector_store %arg10[%swap3A_638, %swap3A_639], %swap3A_642 {strides = array<i32>} : memref<16x128xf32, #tpu.memory_space<vmem>>, vector<1x16xf32>,
    %broadcast_in_dim3A_643 = arith.constant 0.000000e+00 : f32
    %broadcast_in_dim3A_644 = vector.broadcast %broadcast_in_dim3A_643 : f32 to vector<16xf32>
    %swap3A_645 = arith.constant 10 : i32
    %swap3A_646 = arith.index_cast %swap3A_645 : i32 to index
    %swap3A_647 = arith.constant 0 : index
    %swap3A_648 = tpu.vector_load %arg10[%swap3A_646, %swap3A_647] {strides = array<i32>} : memref<16x128xf32, #tpu.memory_space<vmem>>, vector<1x16xf32>,
    %swap3A_649 = vector.shape_cast %swap3A_648 : vector<1x16xf32> to vector<16xf32>
    %swap3A_650 = vector.shape_cast %broadcast_in_dim3A_644 : vector<16xf32> to vector<1x16xf32>
    tpu.vector_store %arg10[%swap3A_646, %swap3A_647], %swap3A_650 {strides = array<i32>} : memref<16x128xf32, #tpu.memory_space<vmem>>, vector<1x16xf32>,
    %broadcast_in_dim3A_651 = arith.constant 0.000000e+00 : f32
    %broadcast_in_dim3A_652 = vector.broadcast %broadcast_in_dim3A_651 : f32 to vector<16xf32>
    %swap3A_653 = arith.constant 10 : i32
    %swap3A_654 = arith.index_cast %swap3A_653 : i32 to index
    %swap3A_655 = arith.constant 16 : index
    %swap3A_656 = tpu.vector_load %arg10[%swap3A_654, %swap3A_655] {strides = array<i32>} : memref<16x128xf32, #tpu.memory_space<vmem>>, vector<1x16xf32>,
    %swap3A_657 = vector.shape_cast %swap3A_656 : vector<1x16xf32> to vector<16xf32>
    %swap3A_658 = vector.shape_cast %broadcast_in_dim3A_652 : vector<16xf32> to vector<1x16xf32>
    tpu.vector_store %arg10[%swap3A_654, %swap3A_655], %swap3A_658 {strides = array<i32>} : memref<16x128xf32, #tpu.memory_space<vmem>>, vector<1x16xf32>,
    %broadcast_in_dim3A_659 = arith.constant 0.000000e+00 : f32
    %broadcast_in_dim3A_660 = vector.broadcast %broadcast_in_dim3A_659 : f32 to vector<16xf32>
    %swap3A_661 = arith.constant 10 : i32
    %swap3A_662 = arith.index_cast %swap3A_661 : i32 to index
    %swap3A_663 = arith.constant 32 : index
    %swap3A_664 = tpu.vector_load %arg10[%swap3A_662, %swap3A_663] {strides = array<i32>} : memref<16x128xf32, #tpu.memory_space<vmem>>, vector<1x16xf32>,
    %swap3A_665 = vector.shape_cast %swap3A_664 : vector<1x16xf32> to vector<16xf32>
    %swap3A_666 = vector.shape_cast %broadcast_in_dim3A_660 : vector<16xf32> to vector<1x16xf32>
    tpu.vector_store %arg10[%swap3A_662, %swap3A_663], %swap3A_666 {strides = array<i32>} : memref<16x128xf32, #tpu.memory_space<vmem>>, vector<1x16xf32>,
    %broadcast_in_dim3A_667 = arith.constant 0.000000e+00 : f32
    %broadcast_in_dim3A_668 = vector.broadcast %broadcast_in_dim3A_667 : f32 to vector<16xf32>
    %swap3A_669 = arith.constant 10 : i32
    %swap3A_670 = arith.index_cast %swap3A_669 : i32 to index
    %swap3A_671 = arith.constant 48 : index
    %swap3A_672 = tpu.vector_load %arg10[%swap3A_670, %swap3A_671] {strides = array<i32>} : memref<16x128xf32, #tpu.memory_space<vmem>>, vector<1x16xf32>,
    %swap3A_673 = vector.shape_cast %swap3A_672 : vector<1x16xf32> to vector<16xf32>
    %swap3A_674 = vector.shape_cast %broadcast_in_dim3A_668 : vector<16xf32> to vector<1x16xf32>
    tpu.vector_store %arg10[%swap3A_670, %swap3A_671], %swap3A_674 {strides = array<i32>} : memref<16x128xf32, #tpu.memory_space<vmem>>, vector<1x16xf32>,
    %broadcast_in_dim3A_675 = arith.constant 0.000000e+00 : f32
    %broadcast_in_dim3A_676 = vector.broadcast %broadcast_in_dim3A_675 : f32 to vector<16xf32>
    %swap3A_677 = arith.constant 10 : i32
    %swap3A_678 = arith.index_cast %swap3A_677 : i32 to index
    %swap3A_679 = arith.constant 64 : index
    %swap3A_680 = tpu.vector_load %arg10[%swap3A_678, %swap3A_679] {strides = array<i32>} : memref<16x128xf32, #tpu.memory_space<vmem>>, vector<1x16xf32>,
    %swap3A_681 = vector.shape_cast %swap3A_680 : vector<1x16xf32> to vector<16xf32>
    %swap3A_682 = vector.shape_cast %broadcast_in_dim3A_676 : vector<16xf32> to vector<1x16xf32>
    tpu.vector_store %arg10[%swap3A_678, %swap3A_679], %swap3A_682 {strides = array<i32>} : memref<16x128xf32, #tpu.memory_space<vmem>>, vector<1x16xf32>,
    %broadcast_in_dim3A_683 = arith.constant 0.000000e+00 : f32
    %broadcast_in_dim3A_684 = vector.broadcast %broadcast_in_dim3A_683 : f32 to vector<16xf32>
    %swap3A_685 = arith.constant 10 : i32
    %swap3A_686 = arith.index_cast %swap3A_685 : i32 to index
    %swap3A_687 = arith.constant 80 : index
    %swap3A_688 = tpu.vector_load %arg10[%swap3A_686, %swap3A_687] {strides = array<i32>} : memref<16x128xf32, #tpu.memory_space<vmem>>, vector<1x16xf32>,
    %swap3A_689 = vector.shape_cast %swap3A_688 : vector<1x16xf32> to vector<16xf32>
    %swap3A_690 = vector.shape_cast %broadcast_in_dim3A_684 : vector<16xf32> to vector<1x16xf32>
    tpu.vector_store %arg10[%swap3A_686, %swap3A_687], %swap3A_690 {strides = array<i32>} : memref<16x128xf32, #tpu.memory_space<vmem>>, vector<1x16xf32>,
    %broadcast_in_dim3A_691 = arith.constant 0.000000e+00 : f32
    %broadcast_in_dim3A_692 = vector.broadcast %broadcast_in_dim3A_691 : f32 to vector<16xf32>
    %swap3A_693 = arith.constant 10 : i32
    %swap3A_694 = arith.index_cast %swap3A_693 : i32 to index
    %swap3A_695 = arith.constant 96 : index
    %swap3A_696 = tpu.vector_load %arg10[%swap3A_694, %swap3A_695] {strides = array<i32>} : memref<16x128xf32, #tpu.memory_space<vmem>>, vector<1x16xf32>,
    %swap3A_697 = vector.shape_cast %swap3A_696 : vector<1x16xf32> to vector<16xf32>
    %swap3A_698 = vector.shape_cast %broadcast_in_dim3A_692 : vector<16xf32> to vector<1x16xf32>
    tpu.vector_store %arg10[%swap3A_694, %swap3A_695], %swap3A_698 {strides = array<i32>} : memref<16x128xf32, #tpu.memory_space<vmem>>, vector<1x16xf32>,
    %broadcast_in_dim3A_699 = arith.constant 0.000000e+00 : f32
    %broadcast_in_dim3A_700 = vector.broadcast %broadcast_in_dim3A_699 : f32 to vector<16xf32>
    %swap3A_701 = arith.constant 10 : i32
    %swap3A_702 = arith.index_cast %swap3A_701 : i32 to index
    %swap3A_703 = arith.constant 112 : index
    %swap3A_704 = tpu.vector_load %arg10[%swap3A_702, %swap3A_703] {strides = array<i32>} : memref<16x128xf32, #tpu.memory_space<vmem>>, vector<1x16xf32>,
    %swap3A_705 = vector.shape_cast %swap3A_704 : vector<1x16xf32> to vector<16xf32>
    %swap3A_706 = vector.shape_cast %broadcast_in_dim3A_700 : vector<16xf32> to vector<1x16xf32>
    tpu.vector_store %arg10[%swap3A_702, %swap3A_703], %swap3A_706 {strides = array<i32>} : memref<16x128xf32, #tpu.memory_space<vmem>>, vector<1x16xf32>,
    %broadcast_in_dim3A_707 = arith.constant 0.000000e+00 : f32
    %broadcast_in_dim3A_708 = vector.broadcast %broadcast_in_dim3A_707 : f32 to vector<16xf32>
    %swap3A_709 = arith.constant 11 : i32
    %swap3A_710 = arith.index_cast %swap3A_709 : i32 to index
    %swap3A_711 = arith.constant 0 : index
    %swap3A_712 = tpu.vector_load %arg10[%swap3A_710, %swap3A_711] {strides = array<i32>} : memref<16x128xf32, #tpu.memory_space<vmem>>, vector<1x16xf32>,
    %swap3A_713 = vector.shape_cast %swap3A_712 : vector<1x16xf32> to vector<16xf32>
    %swap3A_714 = vector.shape_cast %broadcast_in_dim3A_708 : vector<16xf32> to vector<1x16xf32>
    tpu.vector_store %arg10[%swap3A_710, %swap3A_711], %swap3A_714 {strides = array<i32>} : memref<16x128xf32, #tpu.memory_space<vmem>>, vector<1x16xf32>,
    %broadcast_in_dim3A_715 = arith.constant 0.000000e+00 : f32
    %broadcast_in_dim3A_716 = vector.broadcast %broadcast_in_dim3A_715 : f32 to vector<16xf32>
    %swap3A_717 = arith.constant 11 : i32
    %swap3A_718 = arith.index_cast %swap3A_717 : i32 to index
    %swap3A_719 = arith.constant 16 : index
    %swap3A_720 = tpu.vector_load %arg10[%swap3A_718, %swap3A_719] {strides = array<i32>} : memref<16x128xf32, #tpu.memory_space<vmem>>, vector<1x16xf32>,
    %swap3A_721 = vector.shape_cast %swap3A_720 : vector<1x16xf32> to vector<16xf32>
    %swap3A_722 = vector.shape_cast %broadcast_in_dim3A_716 : vector<16xf32> to vector<1x16xf32>
    tpu.vector_store %arg10[%swap3A_718, %swap3A_719], %swap3A_722 {strides = array<i32>} : memref<16x128xf32, #tpu.memory_space<vmem>>, vector<1x16xf32>,
    %broadcast_in_dim3A_723 = arith.constant 0.000000e+00 : f32
    %broadcast_in_dim3A_724 = vector.broadcast %broadcast_in_dim3A_723 : f32 to vector<16xf32>
    %swap3A_725 = arith.constant 11 : i32
    %swap3A_726 = arith.index_cast %swap3A_725 : i32 to index
    %swap3A_727 = arith.constant 32 : index
    %swap3A_728 = tpu.vector_load %arg10[%swap3A_726, %swap3A_727] {strides = array<i32>} : memref<16x128xf32, #tpu.memory_space<vmem>>, vector<1x16xf32>,
    %swap3A_729 = vector.shape_cast %swap3A_728 : vector<1x16xf32> to vector<16xf32>
    %swap3A_730 = vector.shape_cast %broadcast_in_dim3A_724 : vector<16xf32> to vector<1x16xf32>
    tpu.vector_store %arg10[%swap3A_726, %swap3A_727], %swap3A_730 {strides = array<i32>} : memref<16x128xf32, #tpu.memory_space<vmem>>, vector<1x16xf32>,
    %broadcast_in_dim3A_731 = arith.constant 0.000000e+00 : f32
    %broadcast_in_dim3A_732 = vector.broadcast %broadcast_in_dim3A_731 : f32 to vector<16xf32>
    %swap3A_733 = arith.constant 11 : i32
    %swap3A_734 = arith.index_cast %swap3A_733 : i32 to index
    %swap3A_735 = arith.constant 48 : index
    %swap3A_736 = tpu.vector_load %arg10[%swap3A_734, %swap3A_735] {strides = array<i32>} : memref<16x128xf32, #tpu.memory_space<vmem>>, vector<1x16xf32>,
    %swap3A_737 = vector.shape_cast %swap3A_736 : vector<1x16xf32> to vector<16xf32>
    %swap3A_738 = vector.shape_cast %broadcast_in_dim3A_732 : vector<16xf32> to vector<1x16xf32>
    tpu.vector_store %arg10[%swap3A_734, %swap3A_735], %swap3A_738 {strides = array<i32>} : memref<16x128xf32, #tpu.memory_space<vmem>>, vector<1x16xf32>,
    %broadcast_in_dim3A_739 = arith.constant 0.000000e+00 : f32
    %broadcast_in_dim3A_740 = vector.broadcast %broadcast_in_dim3A_739 : f32 to vector<16xf32>
    %swap3A_741 = arith.constant 11 : i32
    %swap3A_742 = arith.index_cast %swap3A_741 : i32 to index
    %swap3A_743 = arith.constant 64 : index
    %swap3A_744 = tpu.vector_load %arg10[%swap3A_742, %swap3A_743] {strides = array<i32>} : memref<16x128xf32, #tpu.memory_space<vmem>>, vector<1x16xf32>,
    %swap3A_745 = vector.shape_cast %swap3A_744 : vector<1x16xf32> to vector<16xf32>
    %swap3A_746 = vector.shape_cast %broadcast_in_dim3A_740 : vector<16xf32> to vector<1x16xf32>
    tpu.vector_store %arg10[%swap3A_742, %swap3A_743], %swap3A_746 {strides = array<i32>} : memref<16x128xf32, #tpu.memory_space<vmem>>, vector<1x16xf32>,
    %broadcast_in_dim3A_747 = arith.constant 0.000000e+00 : f32
    %broadcast_in_dim3A_748 = vector.broadcast %broadcast_in_dim3A_747 : f32 to vector<16xf32>
    %swap3A_749 = arith.constant 11 : i32
    %swap3A_750 = arith.index_cast %swap3A_749 : i32 to index
    %swap3A_751 = arith.constant 80 : index
    %swap3A_752 = tpu.vector_load %arg10[%swap3A_750, %swap3A_751] {strides = array<i32>} : memref<16x128xf32, #tpu.memory_space<vmem>>, vector<1x16xf32>,
    %swap3A_753 = vector.shape_cast %swap3A_752 : vector<1x16xf32> to vector<16xf32>
    %swap3A_754 = vector.shape_cast %broadcast_in_dim3A_748 : vector<16xf32> to vector<1x16xf32>
    tpu.vector_store %arg10[%swap3A_750, %swap3A_751], %swap3A_754 {strides = array<i32>} : memref<16x128xf32, #tpu.memory_space<vmem>>, vector<1x16xf32>,
    %broadcast_in_dim3A_755 = arith.constant 0.000000e+00 : f32
    %broadcast_in_dim3A_756 = vector.broadcast %broadcast_in_dim3A_755 : f32 to vector<16xf32>
    %swap3A_757 = arith.constant 11 : i32
    %swap3A_758 = arith.index_cast %swap3A_757 : i32 to index
    %swap3A_759 = arith.constant 96 : index
    %swap3A_760 = tpu.vector_load %arg10[%swap3A_758, %swap3A_759] {strides = array<i32>} : memref<16x128xf32, #tpu.memory_space<vmem>>, vector<1x16xf32>,
    %swap3A_761 = vector.shape_cast %swap3A_760 : vector<1x16xf32> to vector<16xf32>
    %swap3A_762 = vector.shape_cast %broadcast_in_dim3A_756 : vector<16xf32> to vector<1x16xf32>
    tpu.vector_store %arg10[%swap3A_758, %swap3A_759], %swap3A_762 {strides = array<i32>} : memref<16x128xf32, #tpu.memory_space<vmem>>, vector<1x16xf32>,
    %broadcast_in_dim3A_763 = arith.constant 0.000000e+00 : f32
    %broadcast_in_dim3A_764 = vector.broadcast %broadcast_in_dim3A_763 : f32 to vector<16xf32>
    %swap3A_765 = arith.constant 11 : i32
    %swap3A_766 = arith.index_cast %swap3A_765 : i32 to index
    %swap3A_767 = arith.constant 112 : index
    %swap3A_768 = tpu.vector_load %arg10[%swap3A_766, %swap3A_767] {strides = array<i32>} : memref<16x128xf32, #tpu.memory_space<vmem>>, vector<1x16xf32>,
    %swap3A_769 = vector.shape_cast %swap3A_768 : vector<1x16xf32> to vector<16xf32>
    %swap3A_770 = vector.shape_cast %broadcast_in_dim3A_764 : vector<16xf32> to vector<1x16xf32>
    tpu.vector_store %arg10[%swap3A_766, %swap3A_767], %swap3A_770 {strides = array<i32>} : memref<16x128xf32, #tpu.memory_space<vmem>>, vector<1x16xf32>,
    %broadcast_in_dim3A_771 = arith.constant 0.000000e+00 : f32
    %broadcast_in_dim3A_772 = vector.broadcast %broadcast_in_dim3A_771 : f32 to vector<16xf32>
    %swap3A_773 = arith.constant 12 : i32
    %swap3A_774 = arith.index_cast %swap3A_773 : i32 to index
    %swap3A_775 = arith.constant 0 : index
    %swap3A_776 = tpu.vector_load %arg10[%swap3A_774, %swap3A_775] {strides = array<i32>} : memref<16x128xf32, #tpu.memory_space<vmem>>, vector<1x16xf32>,
    %swap3A_777 = vector.shape_cast %swap3A_776 : vector<1x16xf32> to vector<16xf32>
    %swap3A_778 = vector.shape_cast %broadcast_in_dim3A_772 : vector<16xf32> to vector<1x16xf32>
    tpu.vector_store %arg10[%swap3A_774, %swap3A_775], %swap3A_778 {strides = array<i32>} : memref<16x128xf32, #tpu.memory_space<vmem>>, vector<1x16xf32>,
    %broadcast_in_dim3A_779 = arith.constant 0.000000e+00 : f32
    %broadcast_in_dim3A_780 = vector.broadcast %broadcast_in_dim3A_779 : f32 to vector<16xf32>
    %swap3A_781 = arith.constant 12 : i32
    %swap3A_782 = arith.index_cast %swap3A_781 : i32 to index
    %swap3A_783 = arith.constant 16 : index
    %swap3A_784 = tpu.vector_load %arg10[%swap3A_782, %swap3A_783] {strides = array<i32>} : memref<16x128xf32, #tpu.memory_space<vmem>>, vector<1x16xf32>,
    %swap3A_785 = vector.shape_cast %swap3A_784 : vector<1x16xf32> to vector<16xf32>
    %swap3A_786 = vector.shape_cast %broadcast_in_dim3A_780 : vector<16xf32> to vector<1x16xf32>
    tpu.vector_store %arg10[%swap3A_782, %swap3A_783], %swap3A_786 {strides = array<i32>} : memref<16x128xf32, #tpu.memory_space<vmem>>, vector<1x16xf32>,
    %broadcast_in_dim3A_787 = arith.constant 0.000000e+00 : f32
    %broadcast_in_dim3A_788 = vector.broadcast %broadcast_in_dim3A_787 : f32 to vector<16xf32>
    %swap3A_789 = arith.constant 12 : i32
    %swap3A_790 = arith.index_cast %swap3A_789 : i32 to index
    %swap3A_791 = arith.constant 32 : index
    %swap3A_792 = tpu.vector_load %arg10[%swap3A_790, %swap3A_791] {strides = array<i32>} : memref<16x128xf32, #tpu.memory_space<vmem>>, vector<1x16xf32>,
    %swap3A_793 = vector.shape_cast %swap3A_792 : vector<1x16xf32> to vector<16xf32>
    %swap3A_794 = vector.shape_cast %broadcast_in_dim3A_788 : vector<16xf32> to vector<1x16xf32>
    tpu.vector_store %arg10[%swap3A_790, %swap3A_791], %swap3A_794 {strides = array<i32>} : memref<16x128xf32, #tpu.memory_space<vmem>>, vector<1x16xf32>,
    %broadcast_in_dim3A_795 = arith.constant 0.000000e+00 : f32
    %broadcast_in_dim3A_796 = vector.broadcast %broadcast_in_dim3A_795 : f32 to vector<16xf32>
    %swap3A_797 = arith.constant 12 : i32
    %swap3A_798 = arith.index_cast %swap3A_797 : i32 to index
    %swap3A_799 = arith.constant 48 : index
    %swap3A_800 = tpu.vector_load %arg10[%swap3A_798, %swap3A_799] {strides = array<i32>} : memref<16x128xf32, #tpu.memory_space<vmem>>, vector<1x16xf32>,
    %swap3A_801 = vector.shape_cast %swap3A_800 : vector<1x16xf32> to vector<16xf32>
    %swap3A_802 = vector.shape_cast %broadcast_in_dim3A_796 : vector<16xf32> to vector<1x16xf32>
    tpu.vector_store %arg10[%swap3A_798, %swap3A_799], %swap3A_802 {strides = array<i32>} : memref<16x128xf32, #tpu.memory_space<vmem>>, vector<1x16xf32>,
    %broadcast_in_dim3A_803 = arith.constant 0.000000e+00 : f32
    %broadcast_in_dim3A_804 = vector.broadcast %broadcast_in_dim3A_803 : f32 to vector<16xf32>
    %swap3A_805 = arith.constant 12 : i32
    %swap3A_806 = arith.index_cast %swap3A_805 : i32 to index
    %swap3A_807 = arith.constant 64 : index
    %swap3A_808 = tpu.vector_load %arg10[%swap3A_806, %swap3A_807] {strides = array<i32>} : memref<16x128xf32, #tpu.memory_space<vmem>>, vector<1x16xf32>,
    %swap3A_809 = vector.shape_cast %swap3A_808 : vector<1x16xf32> to vector<16xf32>
    %swap3A_810 = vector.shape_cast %broadcast_in_dim3A_804 : vector<16xf32> to vector<1x16xf32>
    tpu.vector_store %arg10[%swap3A_806, %swap3A_807], %swap3A_810 {strides = array<i32>} : memref<16x128xf32, #tpu.memory_space<vmem>>, vector<1x16xf32>,
    %broadcast_in_dim3A_811 = arith.constant 0.000000e+00 : f32
    %broadcast_in_dim3A_812 = vector.broadcast %broadcast_in_dim3A_811 : f32 to vector<16xf32>
    %swap3A_813 = arith.constant 12 : i32
    %swap3A_814 = arith.index_cast %swap3A_813 : i32 to index
    %swap3A_815 = arith.constant 80 : index
    %swap3A_816 = tpu.vector_load %arg10[%swap3A_814, %swap3A_815] {strides = array<i32>} : memref<16x128xf32, #tpu.memory_space<vmem>>, vector<1x16xf32>,
    %swap3A_817 = vector.shape_cast %swap3A_816 : vector<1x16xf32> to vector<16xf32>
    %swap3A_818 = vector.shape_cast %broadcast_in_dim3A_812 : vector<16xf32> to vector<1x16xf32>
    tpu.vector_store %arg10[%swap3A_814, %swap3A_815], %swap3A_818 {strides = array<i32>} : memref<16x128xf32, #tpu.memory_space<vmem>>, vector<1x16xf32>,
    %broadcast_in_dim3A_819 = arith.constant 0.000000e+00 : f32
    %broadcast_in_dim3A_820 = vector.broadcast %broadcast_in_dim3A_819 : f32 to vector<16xf32>
    %swap3A_821 = arith.constant 12 : i32
    %swap3A_822 = arith.index_cast %swap3A_821 : i32 to index
    %swap3A_823 = arith.constant 96 : index
    %swap3A_824 = tpu.vector_load %arg10[%swap3A_822, %swap3A_823] {strides = array<i32>} : memref<16x128xf32, #tpu.memory_space<vmem>>, vector<1x16xf32>,
    %swap3A_825 = vector.shape_cast %swap3A_824 : vector<1x16xf32> to vector<16xf32>
    %swap3A_826 = vector.shape_cast %broadcast_in_dim3A_820 : vector<16xf32> to vector<1x16xf32>
    tpu.vector_store %arg10[%swap3A_822, %swap3A_823], %swap3A_826 {strides = array<i32>} : memref<16x128xf32, #tpu.memory_space<vmem>>, vector<1x16xf32>,
    %broadcast_in_dim3A_827 = arith.constant 0.000000e+00 : f32
    %broadcast_in_dim3A_828 = vector.broadcast %broadcast_in_dim3A_827 : f32 to vector<16xf32>
    %swap3A_829 = arith.constant 12 : i32
    %swap3A_830 = arith.index_cast %swap3A_829 : i32 to index
    %swap3A_831 = arith.constant 112 : index
    %swap3A_832 = tpu.vector_load %arg10[%swap3A_830, %swap3A_831] {strides = array<i32>} : memref<16x128xf32, #tpu.memory_space<vmem>>, vector<1x16xf32>,
    %swap3A_833 = vector.shape_cast %swap3A_832 : vector<1x16xf32> to vector<16xf32>
    %swap3A_834 = vector.shape_cast %broadcast_in_dim3A_828 : vector<16xf32> to vector<1x16xf32>
    tpu.vector_store %arg10[%swap3A_830, %swap3A_831], %swap3A_834 {strides = array<i32>} : memref<16x128xf32, #tpu.memory_space<vmem>>, vector<1x16xf32>,
    %broadcast_in_dim3A_835 = arith.constant 0.000000e+00 : f32
    %broadcast_in_dim3A_836 = vector.broadcast %broadcast_in_dim3A_835 : f32 to vector<16xf32>
    %swap3A_837 = arith.constant 13 : i32
    %swap3A_838 = arith.index_cast %swap3A_837 : i32 to index
    %swap3A_839 = arith.constant 0 : index
    %swap3A_840 = tpu.vector_load %arg10[%swap3A_838, %swap3A_839] {strides = array<i32>} : memref<16x128xf32, #tpu.memory_space<vmem>>, vector<1x16xf32>,
    %swap3A_841 = vector.shape_cast %swap3A_840 : vector<1x16xf32> to vector<16xf32>
    %swap3A_842 = vector.shape_cast %broadcast_in_dim3A_836 : vector<16xf32> to vector<1x16xf32>
    tpu.vector_store %arg10[%swap3A_838, %swap3A_839], %swap3A_842 {strides = array<i32>} : memref<16x128xf32, #tpu.memory_space<vmem>>, vector<1x16xf32>,
    %broadcast_in_dim3A_843 = arith.constant 0.000000e+00 : f32
    %broadcast_in_dim3A_844 = vector.broadcast %broadcast_in_dim3A_843 : f32 to vector<16xf32>
    %swap3A_845 = arith.constant 13 : i32
    %swap3A_846 = arith.index_cast %swap3A_845 : i32 to index
    %swap3A_847 = arith.constant 16 : index
    %swap3A_848 = tpu.vector_load %arg10[%swap3A_846, %swap3A_847] {strides = array<i32>} : memref<16x128xf32, #tpu.memory_space<vmem>>, vector<1x16xf32>,
    %swap3A_849 = vector.shape_cast %swap3A_848 : vector<1x16xf32> to vector<16xf32>
    %swap3A_850 = vector.shape_cast %broadcast_in_dim3A_844 : vector<16xf32> to vector<1x16xf32>
    tpu.vector_store %arg10[%swap3A_846, %swap3A_847], %swap3A_850 {strides = array<i32>} : memref<16x128xf32, #tpu.memory_space<vmem>>, vector<1x16xf32>,
    %broadcast_in_dim3A_851 = arith.constant 0.000000e+00 : f32
    %broadcast_in_dim3A_852 = vector.broadcast %broadcast_in_dim3A_851 : f32 to vector<16xf32>
    %swap3A_853 = arith.constant 13 : i32
    %swap3A_854 = arith.index_cast %swap3A_853 : i32 to index
    %swap3A_855 = arith.constant 32 : index
    %swap3A_856 = tpu.vector_load %arg10[%swap3A_854, %swap3A_855] {strides = array<i32>} : memref<16x128xf32, #tpu.memory_space<vmem>>, vector<1x16xf32>,
    %swap3A_857 = vector.shape_cast %swap3A_856 : vector<1x16xf32> to vector<16xf32>
    %swap3A_858 = vector.shape_cast %broadcast_in_dim3A_852 : vector<16xf32> to vector<1x16xf32>
    tpu.vector_store %arg10[%swap3A_854, %swap3A_855], %swap3A_858 {strides = array<i32>} : memref<16x128xf32, #tpu.memory_space<vmem>>, vector<1x16xf32>,
    %broadcast_in_dim3A_859 = arith.constant 0.000000e+00 : f32
    %broadcast_in_dim3A_860 = vector.broadcast %broadcast_in_dim3A_859 : f32 to vector<16xf32>
    %swap3A_861 = arith.constant 13 : i32
    %swap3A_862 = arith.index_cast %swap3A_861 : i32 to index
    %swap3A_863 = arith.constant 48 : index
    %swap3A_864 = tpu.vector_load %arg10[%swap3A_862, %swap3A_863] {strides = array<i32>} : memref<16x128xf32, #tpu.memory_space<vmem>>, vector<1x16xf32>,
    %swap3A_865 = vector.shape_cast %swap3A_864 : vector<1x16xf32> to vector<16xf32>
    %swap3A_866 = vector.shape_cast %broadcast_in_dim3A_860 : vector<16xf32> to vector<1x16xf32>
    tpu.vector_store %arg10[%swap3A_862, %swap3A_863], %swap3A_866 {strides = array<i32>} : memref<16x128xf32, #tpu.memory_space<vmem>>, vector<1x16xf32>,
    %broadcast_in_dim3A_867 = arith.constant 0.000000e+00 : f32
    %broadcast_in_dim3A_868 = vector.broadcast %broadcast_in_dim3A_867 : f32 to vector<16xf32>
    %swap3A_869 = arith.constant 13 : i32
    %swap3A_870 = arith.index_cast %swap3A_869 : i32 to index
    %swap3A_871 = arith.constant 64 : index
    %swap3A_872 = tpu.vector_load %arg10[%swap3A_870, %swap3A_871] {strides = array<i32>} : memref<16x128xf32, #tpu.memory_space<vmem>>, vector<1x16xf32>,
    %swap3A_873 = vector.shape_cast %swap3A_872 : vector<1x16xf32> to vector<16xf32>
    %swap3A_874 = vector.shape_cast %broadcast_in_dim3A_868 : vector<16xf32> to vector<1x16xf32>
    tpu.vector_store %arg10[%swap3A_870, %swap3A_871], %swap3A_874 {strides = array<i32>} : memref<16x128xf32, #tpu.memory_space<vmem>>, vector<1x16xf32>,
    %broadcast_in_dim3A_875 = arith.constant 0.000000e+00 : f32
    %broadcast_in_dim3A_876 = vector.broadcast %broadcast_in_dim3A_875 : f32 to vector<16xf32>
    %swap3A_877 = arith.constant 13 : i32
    %swap3A_878 = arith.index_cast %swap3A_877 : i32 to index
    %swap3A_879 = arith.constant 80 : index
    %swap3A_880 = tpu.vector_load %arg10[%swap3A_878, %swap3A_879] {strides = array<i32>} : memref<16x128xf32, #tpu.memory_space<vmem>>, vector<1x16xf32>,
    %swap3A_881 = vector.shape_cast %swap3A_880 : vector<1x16xf32> to vector<16xf32>
    %swap3A_882 = vector.shape_cast %broadcast_in_dim3A_876 : vector<16xf32> to vector<1x16xf32>
    tpu.vector_store %arg10[%swap3A_878, %swap3A_879], %swap3A_882 {strides = array<i32>} : memref<16x128xf32, #tpu.memory_space<vmem>>, vector<1x16xf32>,
    %broadcast_in_dim3A_883 = arith.constant 0.000000e+00 : f32
    %broadcast_in_dim3A_884 = vector.broadcast %broadcast_in_dim3A_883 : f32 to vector<16xf32>
    %swap3A_885 = arith.constant 13 : i32
    %swap3A_886 = arith.index_cast %swap3A_885 : i32 to index
    %swap3A_887 = arith.constant 96 : index
    %swap3A_888 = tpu.vector_load %arg10[%swap3A_886, %swap3A_887] {strides = array<i32>} : memref<16x128xf32, #tpu.memory_space<vmem>>, vector<1x16xf32>,
    %swap3A_889 = vector.shape_cast %swap3A_888 : vector<1x16xf32> to vector<16xf32>
    %swap3A_890 = vector.shape_cast %broadcast_in_dim3A_884 : vector<16xf32> to vector<1x16xf32>
    tpu.vector_store %arg10[%swap3A_886, %swap3A_887], %swap3A_890 {strides = array<i32>} : memref<16x128xf32, #tpu.memory_space<vmem>>, vector<1x16xf32>,
    %broadcast_in_dim3A_891 = arith.constant 0.000000e+00 : f32
    %broadcast_in_dim3A_892 = vector.broadcast %broadcast_in_dim3A_891 : f32 to vector<16xf32>
    %swap3A_893 = arith.constant 13 : i32
    %swap3A_894 = arith.index_cast %swap3A_893 : i32 to index
    %swap3A_895 = arith.constant 112 : index
    %swap3A_896 = tpu.vector_load %arg10[%swap3A_894, %swap3A_895] {strides = array<i32>} : memref<16x128xf32, #tpu.memory_space<vmem>>, vector<1x16xf32>,
    %swap3A_897 = vector.shape_cast %swap3A_896 : vector<1x16xf32> to vector<16xf32>
    %swap3A_898 = vector.shape_cast %broadcast_in_dim3A_892 : vector<16xf32> to vector<1x16xf32>
    tpu.vector_store %arg10[%swap3A_894, %swap3A_895], %swap3A_898 {strides = array<i32>} : memref<16x128xf32, #tpu.memory_space<vmem>>, vector<1x16xf32>,
    %broadcast_in_dim3A_899 = arith.constant 0.000000e+00 : f32
    %broadcast_in_dim3A_900 = vector.broadcast %broadcast_in_dim3A_899 : f32 to vector<16xf32>
    %swap3A_901 = arith.constant 14 : i32
    %swap3A_902 = arith.index_cast %swap3A_901 : i32 to index
    %swap3A_903 = arith.constant 0 : index
    %swap3A_904 = tpu.vector_load %arg10[%swap3A_902, %swap3A_903] {strides = array<i32>} : memref<16x128xf32, #tpu.memory_space<vmem>>, vector<1x16xf32>,
    %swap3A_905 = vector.shape_cast %swap3A_904 : vector<1x16xf32> to vector<16xf32>
    %swap3A_906 = vector.shape_cast %broadcast_in_dim3A_900 : vector<16xf32> to vector<1x16xf32>
    tpu.vector_store %arg10[%swap3A_902, %swap3A_903], %swap3A_906 {strides = array<i32>} : memref<16x128xf32, #tpu.memory_space<vmem>>, vector<1x16xf32>,
    %broadcast_in_dim3A_907 = arith.constant 0.000000e+00 : f32
    %broadcast_in_dim3A_908 = vector.broadcast %broadcast_in_dim3A_907 : f32 to vector<16xf32>
    %swap3A_909 = arith.constant 14 : i32
    %swap3A_910 = arith.index_cast %swap3A_909 : i32 to index
    %swap3A_911 = arith.constant 16 : index
    %swap3A_912 = tpu.vector_load %arg10[%swap3A_910, %swap3A_911] {strides = array<i32>} : memref<16x128xf32, #tpu.memory_space<vmem>>, vector<1x16xf32>,
    %swap3A_913 = vector.shape_cast %swap3A_912 : vector<1x16xf32> to vector<16xf32>
    %swap3A_914 = vector.shape_cast %broadcast_in_dim3A_908 : vector<16xf32> to vector<1x16xf32>
    tpu.vector_store %arg10[%swap3A_910, %swap3A_911], %swap3A_914 {strides = array<i32>} : memref<16x128xf32, #tpu.memory_space<vmem>>, vector<1x16xf32>,
    %broadcast_in_dim3A_915 = arith.constant 0.000000e+00 : f32
    %broadcast_in_dim3A_916 = vector.broadcast %broadcast_in_dim3A_915 : f32 to vector<16xf32>
    %swap3A_917 = arith.constant 14 : i32
    %swap3A_918 = arith.index_cast %swap3A_917 : i32 to index
    %swap3A_919 = arith.constant 32 : index
    %swap3A_920 = tpu.vector_load %arg10[%swap3A_918, %swap3A_919] {strides = array<i32>} : memref<16x128xf32, #tpu.memory_space<vmem>>, vector<1x16xf32>,
    %swap3A_921 = vector.shape_cast %swap3A_920 : vector<1x16xf32> to vector<16xf32>
    %swap3A_922 = vector.shape_cast %broadcast_in_dim3A_916 : vector<16xf32> to vector<1x16xf32>
    tpu.vector_store %arg10[%swap3A_918, %swap3A_919], %swap3A_922 {strides = array<i32>} : memref<16x128xf32, #tpu.memory_space<vmem>>, vector<1x16xf32>,
    %broadcast_in_dim3A_923 = arith.constant 0.000000e+00 : f32
    %broadcast_in_dim3A_924 = vector.broadcast %broadcast_in_dim3A_923 : f32 to vector<16xf32>
    %swap3A_925 = arith.constant 14 : i32
    %swap3A_926 = arith.index_cast %swap3A_925 : i32 to index
    %swap3A_927 = arith.constant 48 : index
    %swap3A_928 = tpu.vector_load %arg10[%swap3A_926, %swap3A_927] {strides = array<i32>} : memref<16x128xf32, #tpu.memory_space<vmem>>, vector<1x16xf32>,
    %swap3A_929 = vector.shape_cast %swap3A_928 : vector<1x16xf32> to vector<16xf32>
    %swap3A_930 = vector.shape_cast %broadcast_in_dim3A_924 : vector<16xf32> to vector<1x16xf32>
    tpu.vector_store %arg10[%swap3A_926, %swap3A_927], %swap3A_930 {strides = array<i32>} : memref<16x128xf32, #tpu.memory_space<vmem>>, vector<1x16xf32>,
    %broadcast_in_dim3A_931 = arith.constant 0.000000e+00 : f32
    %broadcast_in_dim3A_932 = vector.broadcast %broadcast_in_dim3A_931 : f32 to vector<16xf32>
    %swap3A_933 = arith.constant 14 : i32
    %swap3A_934 = arith.index_cast %swap3A_933 : i32 to index
    %swap3A_935 = arith.constant 64 : index
    %swap3A_936 = tpu.vector_load %arg10[%swap3A_934, %swap3A_935] {strides = array<i32>} : memref<16x128xf32, #tpu.memory_space<vmem>>, vector<1x16xf32>,
    %swap3A_937 = vector.shape_cast %swap3A_936 : vector<1x16xf32> to vector<16xf32>
    %swap3A_938 = vector.shape_cast %broadcast_in_dim3A_932 : vector<16xf32> to vector<1x16xf32>
    tpu.vector_store %arg10[%swap3A_934, %swap3A_935], %swap3A_938 {strides = array<i32>} : memref<16x128xf32, #tpu.memory_space<vmem>>, vector<1x16xf32>,
    %broadcast_in_dim3A_939 = arith.constant 0.000000e+00 : f32
    %broadcast_in_dim3A_940 = vector.broadcast %broadcast_in_dim3A_939 : f32 to vector<16xf32>
    %swap3A_941 = arith.constant 14 : i32
    %swap3A_942 = arith.index_cast %swap3A_941 : i32 to index
    %swap3A_943 = arith.constant 80 : index
    %swap3A_944 = tpu.vector_load %arg10[%swap3A_942, %swap3A_943] {strides = array<i32>} : memref<16x128xf32, #tpu.memory_space<vmem>>, vector<1x16xf32>,
    %swap3A_945 = vector.shape_cast %swap3A_944 : vector<1x16xf32> to vector<16xf32>
    %swap3A_946 = vector.shape_cast %broadcast_in_dim3A_940 : vector<16xf32> to vector<1x16xf32>
    tpu.vector_store %arg10[%swap3A_942, %swap3A_943], %swap3A_946 {strides = array<i32>} : memref<16x128xf32, #tpu.memory_space<vmem>>, vector<1x16xf32>,
    %broadcast_in_dim3A_947 = arith.constant 0.000000e+00 : f32
    %broadcast_in_dim3A_948 = vector.broadcast %broadcast_in_dim3A_947 : f32 to vector<16xf32>
    %swap3A_949 = arith.constant 14 : i32
    %swap3A_950 = arith.index_cast %swap3A_949 : i32 to index
    %swap3A_951 = arith.constant 96 : index
    %swap3A_952 = tpu.vector_load %arg10[%swap3A_950, %swap3A_951] {strides = array<i32>} : memref<16x128xf32, #tpu.memory_space<vmem>>, vector<1x16xf32>,
    %swap3A_953 = vector.shape_cast %swap3A_952 : vector<1x16xf32> to vector<16xf32>
    %swap3A_954 = vector.shape_cast %broadcast_in_dim3A_948 : vector<16xf32> to vector<1x16xf32>
    tpu.vector_store %arg10[%swap3A_950, %swap3A_951], %swap3A_954 {strides = array<i32>} : memref<16x128xf32, #tpu.memory_space<vmem>>, vector<1x16xf32>,
    %broadcast_in_dim3A_955 = arith.constant 0.000000e+00 : f32
    %broadcast_in_dim3A_956 = vector.broadcast %broadcast_in_dim3A_955 : f32 to vector<16xf32>
    %swap3A_957 = arith.constant 14 : i32
    %swap3A_958 = arith.index_cast %swap3A_957 : i32 to index
    %swap3A_959 = arith.constant 112 : index
    %swap3A_960 = tpu.vector_load %arg10[%swap3A_958, %swap3A_959] {strides = array<i32>} : memref<16x128xf32, #tpu.memory_space<vmem>>, vector<1x16xf32>,
    %swap3A_961 = vector.shape_cast %swap3A_960 : vector<1x16xf32> to vector<16xf32>
    %swap3A_962 = vector.shape_cast %broadcast_in_dim3A_956 : vector<16xf32> to vector<1x16xf32>
    tpu.vector_store %arg10[%swap3A_958, %swap3A_959], %swap3A_962 {strides = array<i32>} : memref<16x128xf32, #tpu.memory_space<vmem>>, vector<1x16xf32>,
    %broadcast_in_dim3A_963 = arith.constant 0.000000e+00 : f32
    %broadcast_in_dim3A_964 = vector.broadcast %broadcast_in_dim3A_963 : f32 to vector<16xf32>
    %swap3A_965 = arith.constant 15 : i32
    %swap3A_966 = arith.index_cast %swap3A_965 : i32 to index
    %swap3A_967 = arith.constant 0 : index
    %swap3A_968 = tpu.vector_load %arg10[%swap3A_966, %swap3A_967] {strides = array<i32>} : memref<16x128xf32, #tpu.memory_space<vmem>>, vector<1x16xf32>,
    %swap3A_969 = vector.shape_cast %swap3A_968 : vector<1x16xf32> to vector<16xf32>
    %swap3A_970 = vector.shape_cast %broadcast_in_dim3A_964 : vector<16xf32> to vector<1x16xf32>
    tpu.vector_store %arg10[%swap3A_966, %swap3A_967], %swap3A_970 {strides = array<i32>} : memref<16x128xf32, #tpu.memory_space<vmem>>, vector<1x16xf32>,
    %broadcast_in_dim3A_971 = arith.constant 0.000000e+00 : f32
    %broadcast_in_dim3A_972 = vector.broadcast %broadcast_in_dim3A_971 : f32 to vector<16xf32>
    %swap3A_973 = arith.constant 15 : i32
    %swap3A_974 = arith.index_cast %swap3A_973 : i32 to index
    %swap3A_975 = arith.constant 16 : index
    %swap3A_976 = tpu.vector_load %arg10[%swap3A_974, %swap3A_975] {strides = array<i32>} : memref<16x128xf32, #tpu.memory_space<vmem>>, vector<1x16xf32>,
    %swap3A_977 = vector.shape_cast %swap3A_976 : vector<1x16xf32> to vector<16xf32>
    %swap3A_978 = vector.shape_cast %broadcast_in_dim3A_972 : vector<16xf32> to vector<1x16xf32>
    tpu.vector_store %arg10[%swap3A_974, %swap3A_975], %swap3A_978 {strides = array<i32>} : memref<16x128xf32, #tpu.memory_space<vmem>>, vector<1x16xf32>,
    %broadcast_in_dim3A_979 = arith.constant 0.000000e+00 : f32
    %broadcast_in_dim3A_980 = vector.broadcast %broadcast_in_dim3A_979 : f32 to vector<16xf32>
    %swap3A_981 = arith.constant 15 : i32
    %swap3A_982 = arith.index_cast %swap3A_981 : i32 to index
    %swap3A_983 = arith.constant 32 : index
    %swap3A_984 = tpu.vector_load %arg10[%swap3A_982, %swap3A_983] {strides = array<i32>} : memref<16x128xf32, #tpu.memory_space<vmem>>, vector<1x16xf32>,
    %swap3A_985 = vector.shape_cast %swap3A_984 : vector<1x16xf32> to vector<16xf32>
    %swap3A_986 = vector.shape_cast %broadcast_in_dim3A_980 : vector<16xf32> to vector<1x16xf32>
    tpu.vector_store %arg10[%swap3A_982, %swap3A_983], %swap3A_986 {strides = array<i32>} : memref<16x128xf32, #tpu.memory_space<vmem>>, vector<1x16xf32>,
    %broadcast_in_dim3A_987 = arith.constant 0.000000e+00 : f32
    %broadcast_in_dim3A_988 = vector.broadcast %broadcast_in_dim3A_987 : f32 to vector<16xf32>
    %swap3A_989 = arith.constant 15 : i32
    %swap3A_990 = arith.index_cast %swap3A_989 : i32 to index
    %swap3A_991 = arith.constant 48 : index
    %swap3A_992 = tpu.vector_load %arg10[%swap3A_990, %swap3A_991] {strides = array<i32>} : memref<16x128xf32, #tpu.memory_space<vmem>>, vector<1x16xf32>,
    %swap3A_993 = vector.shape_cast %swap3A_992 : vector<1x16xf32> to vector<16xf32>
    %swap3A_994 = vector.shape_cast %broadcast_in_dim3A_988 : vector<16xf32> to vector<1x16xf32>
    tpu.vector_store %arg10[%swap3A_990, %swap3A_991], %swap3A_994 {strides = array<i32>} : memref<16x128xf32, #tpu.memory_space<vmem>>, vector<1x16xf32>,
    %broadcast_in_dim3A_995 = arith.constant 0.000000e+00 : f32
    %broadcast_in_dim3A_996 = vector.broadcast %broadcast_in_dim3A_995 : f32 to vector<16xf32>
    %swap3A_997 = arith.constant 15 : i32
    %swap3A_998 = arith.index_cast %swap3A_997 : i32 to index
    %swap3A_999 = arith.constant 64 : index
    %swap3A_1000 = tpu.vector_load %arg10[%swap3A_998, %swap3A_999] {strides = array<i32>} : memref<16x128xf32, #tpu.memory_space<vmem>>, vector<1x16xf32>,
    %swap3A_1001 = vector.shape_cast %swap3A_1000 : vector<1x16xf32> to vector<16xf32>
    %swap3A_1002 = vector.shape_cast %broadcast_in_dim3A_996 : vector<16xf32> to vector<1x16xf32>
    tpu.vector_store %arg10[%swap3A_998, %swap3A_999], %swap3A_1002 {strides = array<i32>} : memref<16x128xf32, #tpu.memory_space<vmem>>, vector<1x16xf32>,
    %broadcast_in_dim3A_1003 = arith.constant 0.000000e+00 : f32
    %broadcast_in_dim3A_1004 = vector.broadcast %broadcast_in_dim3A_1003 : f32 to vector<16xf32>
    %swap3A_1005 = arith.constant 15 : i32
    %swap3A_1006 = arith.index_cast %swap3A_1005 : i32 to index
    %swap3A_1007 = arith.constant 80 : index
    %swap3A_1008 = tpu.vector_load %arg10[%swap3A_1006, %swap3A_1007] {strides = array<i32>} : memref<16x128xf32, #tpu.memory_space<vmem>>, vector<1x16xf32>,
    %swap3A_1009 = vector.shape_cast %swap3A_1008 : vector<1x16xf32> to vector<16xf32>
    %swap3A_1010 = vector.shape_cast %broadcast_in_dim3A_1004 : vector<16xf32> to vector<1x16xf32>
    tpu.vector_store %arg10[%swap3A_1006, %swap3A_1007], %swap3A_1010 {strides = array<i32>} : memref<16x128xf32, #tpu.memory_space<vmem>>, vector<1x16xf32>,
    %broadcast_in_dim3A_1011 = arith.constant 0.000000e+00 : f32
    %broadcast_in_dim3A_1012 = vector.broadcast %broadcast_in_dim3A_1011 : f32 to vector<16xf32>
    %swap3A_1013 = arith.constant 15 : i32
    %swap3A_1014 = arith.index_cast %swap3A_1013 : i32 to index
    %swap3A_1015 = arith.constant 96 : index
    %swap3A_1016 = tpu.vector_load %arg10[%swap3A_1014, %swap3A_1015] {strides = array<i32>} : memref<16x128xf32, #tpu.memory_space<vmem>>, vector<1x16xf32>,
    %swap3A_1017 = vector.shape_cast %swap3A_1016 : vector<1x16xf32> to vector<16xf32>
    %swap3A_1018 = vector.shape_cast %broadcast_in_dim3A_1012 : vector<16xf32> to vector<1x16xf32>
    tpu.vector_store %arg10[%swap3A_1014, %swap3A_1015], %swap3A_1018 {strides = array<i32>} : memref<16x128xf32, #tpu.memory_space<vmem>>, vector<1x16xf32>,
    %broadcast_in_dim3A_1019 = arith.constant 0.000000e+00 : f32
    %broadcast_in_dim3A_1020 = vector.broadcast %broadcast_in_dim3A_1019 : f32 to vector<16xf32>
    %swap3A_1021 = arith.constant 15 : i32
    %swap3A_1022 = arith.index_cast %swap3A_1021 : i32 to index
    %swap3A_1023 = arith.constant 112 : index
    %swap3A_1024 = tpu.vector_load %arg10[%swap3A_1022, %swap3A_1023] {strides = array<i32>} : memref<16x128xf32, #tpu.memory_space<vmem>>, vector<1x16xf32>,
    %swap3A_1025 = vector.shape_cast %swap3A_1024 : vector<1x16xf32> to vector<16xf32>
    %swap3A_1026 = vector.shape_cast %broadcast_in_dim3A_1020 : vector<16xf32> to vector<1x16xf32>
    tpu.vector_store %arg10[%swap3A_1022, %swap3A_1023], %swap3A_1026 {strides = array<i32>} : memref<16x128xf32, #tpu.memory_space<vmem>>, vector<1x16xf32>,
    %mul3A_1027 = arith.constant 320 : i32
    %mul3A_1028 = arith.muli %arg1, %mul3A_1027 : i32
    %scan3A_1029 = arith.constant 0 : i32
    %scan3A_1030 = arith.constant 20 : i32
    %scan3A_1031 = arith.addi %scan3A_1029, %scan3A_1030 : i32
    %scan3A_1032 = arith.constant 1 : i32
    scf.for %scan3A_1053 = %scan3A_1029 to %scan3A_1031 step %scan3A_1032  : i32 {
      %mul3A_1054 = arith.constant 1 : i32
      %mul3A_1055 = arith.muli %scan3A_1053, %mul3A_1054 : i32
      %add3A = arith.constant 0 : i32
      %add3A_1056 = arith.addi %add3A, %mul3A_1055 : i32
      %mul3A_1057 = arith.constant 16 : i32
      %mul3A_1058 = arith.muli %add3A_1056, %mul3A_1057 : i32
      %add3A_1059 = arith.addi %mul3A_1028, %mul3A_1058 : i32
      "tpu.region"() ({
        %run_scoped3A = tpu.sem_alloc : memref<!tpu.dma_semaphore, #tpu.memory_space<semaphore_mem>>
        %dma_start3A_1060 = arith.constant 0 : i32
        %dma_start3A_1061 = tpu.memref_slice %arg11[%add3A_1059, %dma_start3A_1060] : memref<5120x128xf32, #tpu.memory_space<vmem_shared>> -> memref<16x128xf32, #tpu.memory_space<vmem_shared>>
        %dma_start3A_1062 = arith.constant 0 : i32
        %dma_start3A_1063 = tpu.memref_slice %arg11[%add3A_1059, %dma_start3A_1062] : memref<5120x128xf32, #tpu.memory_space<vmem_shared>> -> memref<16x128xf32, #tpu.memory_space<vmem_shared>>
        tpu.enqueue_dma source(%arg10 : memref<16x128xf32, #tpu.memory_space<vmem>>) target(%dma_start3A_1063 : memref<16x128xf32, #tpu.memory_space<vmem_shared>>) target_semaphore(%run_scoped3A : memref<!tpu.dma_semaphore, #tpu.memory_space<semaphore_mem>>)
        %dma_wait3A = arith.constant 0 : i32
        %dma_wait3A_1064 = tpu.memref_slice %arg11[%add3A_1059, %dma_wait3A] : memref<5120x128xf32, #tpu.memory_space<vmem_shared>> -> memref<16x128xf32, #tpu.memory_space<vmem_shared>>
        %dma_wait3A_1065 = arith.constant 0 : i32
        %dma_wait3A_1066 = tpu.memref_slice %arg11[%add3A_1059, %dma_wait3A_1065] : memref<5120x128xf32, #tpu.memory_space<vmem_shared>> -> memref<16x128xf32, #tpu.memory_space<vmem_shared>>
        tpu.wait_dma2 semaphore(%run_scoped3A : memref<!tpu.dma_semaphore, #tpu.memory_space<semaphore_mem>>) src(%arg10 : memref<16x128xf32, #tpu.memory_space<vmem>>) dst(%dma_wait3A_1066 : memref<16x128xf32, #tpu.memory_space<vmem_shared>>)
        tpu.yield
      }) : () -> ()
    }
    %scan3A_1033 = arith.constant 20 : i32
    %barrier3A = arith.constant 0 : index
    tpu.barrier barrier_id(%barrier3A)
    %dma_start3A = arith.constant 0 : i32
    %dma_start3A_1034 = arith.constant 0 : i32
    %dma_start3A_1035 = tpu.memref_slice %arg6[%dma_start3A, %dma_start3A_1034] : memref<160x128xi32, #tpu.memory_space<vmem>> -> memref<1x128xi32, #tpu.memory_space<vmem>>
    %dma_start3A_1036 = tpu.memref_squeeze %dma_start3A_1035 : memref<1x128xi32, #tpu.memory_space<vmem>> -> memref<128xi32, #tpu.memory_space<vmem>>
    %dma_start3A_1037 = arith.constant 0 : i32
    %dma_start3A_1038 = arith.constant 0 : i32
    %dma_start3A_1039 = tpu.memref_slice %arg2[%dma_start3A_1037, %dma_start3A_1038] : memref<10000x128xf32, #tpu.memory_space<hbm>> -> memref<10000x128xf32, #tpu.memory_space<hbm>>
    tpu.enqueue_indirect_dma source(%dma_start3A_1039 : memref<10000x128xf32, #tpu.memory_space<hbm>>) target(%arg8 : memref<128x128xf32, #tpu.memory_space<vmem>>) offsets(%dma_start3A_1036 : memref<128xi32, #tpu.memory_space<vmem>>) semaphore(%arg12 : memref<!tpu.dma_semaphore, #tpu.memory_space<semaphore_mem>>)
    %dma_start3A_1040 = arith.constant 1 : i32
    %dma_start3A_1041 = arith.constant 0 : i32
    %dma_start3A_1042 = tpu.memref_slice %arg6[%dma_start3A_1040, %dma_start3A_1041] : memref<160x128xi32, #tpu.memory_space<vmem>> -> memref<1x128xi32, #tpu.memory_space<vmem>>
    %dma_start3A_1043 = tpu.memref_squeeze %dma_start3A_1042 : memref<1x128xi32, #tpu.memory_space<vmem>> -> memref<128xi32, #tpu.memory_space<vmem>>
    %dma_start3A_1044 = arith.constant 0 : i32
    %dma_start3A_1045 = arith.constant 0 : i32
    %dma_start3A_1046 = tpu.memref_slice %arg2[%dma_start3A_1044, %dma_start3A_1045] : memref<10000x128xf32, #tpu.memory_space<hbm>> -> memref<10000x128xf32, #tpu.memory_space<hbm>>
    tpu.enqueue_indirect_dma source(%dma_start3A_1046 : memref<10000x128xf32, #tpu.memory_space<hbm>>) target(%arg9 : memref<128x128xf32, #tpu.memory_space<vmem>>) offsets(%dma_start3A_1043 : memref<128xi32, #tpu.memory_space<vmem>>) semaphore(%arg13 : memref<!tpu.dma_semaphore, #tpu.memory_space<semaphore_mem>>)
    %scan3A_1047 = arith.constant 0 : i32
    %scan3A_1048 = arith.constant 80 : i32
    %scan3A_1049 = arith.addi %scan3A_1047, %scan3A_1048 : i32
    %scan3A_1050 = arith.constant 1 : i32
    scf.for %scan3A_1053 = %scan3A_1047 to %scan3A_1049 step %scan3A_1050  : i32 {
      %mul3A_1054 = arith.constant 2 : i32
      %mul3A_1055 = arith.muli %scan3A_1053, %mul3A_1054 : i32
      %add3A = arith.constant 0 : i32
      %add3A_1056 = arith.addi %add3A, %mul3A_1055 : i32
      %add3A_1057 = arith.constant 0 : i32
      %add3A_1058 = arith.addi %add3A_1056, %add3A_1057 : i32
      %dma_wait3A = arith.constant 0 : i32
      %dma_wait3A_1059 = tpu.memref_slice %arg6[%add3A_1058, %dma_wait3A] : memref<160x128xi32, #tpu.memory_space<vmem>> -> memref<1x128xi32, #tpu.memory_space<vmem>>
      %dma_wait3A_1060 = tpu.memref_squeeze %dma_wait3A_1059 : memref<1x128xi32, #tpu.memory_space<vmem>> -> memref<128xi32, #tpu.memory_space<vmem>>
      %dma_wait3A_1061 = arith.constant 0 : i32
      %dma_wait3A_1062 = arith.constant 0 : i32
      %dma_wait3A_1063 = tpu.memref_slice %arg2[%dma_wait3A_1061, %dma_wait3A_1062] : memref<10000x128xf32, #tpu.memory_space<hbm>> -> memref<10000x128xf32, #tpu.memory_space<hbm>>
      tpu.wait_indirect_dma semaphore(%arg12 : memref<!tpu.dma_semaphore, #tpu.memory_space<semaphore_mem>>) src(%dma_wait3A_1063 : memref<10000x128xf32, #tpu.memory_space<hbm>>) dst(%arg8 : memref<128x128xf32, #tpu.memory_space<vmem>>)
      "tpu.region"() ({
        %run_scoped3A = tpu.sem_alloc : memref<!tpu.dma_semaphore, #tpu.memory_space<semaphore_mem>>
        %dma_start3A_1083 = arith.constant 0 : i32
        %dma_start3A_1084 = tpu.memref_slice %arg7[%add3A_1058, %dma_start3A_1083] : memref<160x128xi32, #tpu.memory_space<vmem>> -> memref<1x128xi32, #tpu.memory_space<vmem>>
        %dma_start3A_1085 = tpu.memref_squeeze %dma_start3A_1084 : memref<1x128xi32, #tpu.memory_space<vmem>> -> memref<128xi32, #tpu.memory_space<vmem>>
        %dma_start3A_1086 = arith.constant 0 : i32
        %dma_start3A_1087 = arith.constant 0 : i32
        %dma_start3A_1088 = tpu.memref_slice %arg11[%dma_start3A_1086, %dma_start3A_1087] : memref<5120x128xf32, #tpu.memory_space<vmem_shared>> -> memref<5120x128xf32, #tpu.memory_space<vmem_shared>>
        tpu.enqueue_indirect_dma source(%arg8 : memref<128x128xf32, #tpu.memory_space<vmem>>) target(%dma_start3A_1088 : memref<5120x128xf32, #tpu.memory_space<vmem_shared>>) offsets(%dma_start3A_1085 : memref<128xi32, #tpu.memory_space<vmem>>) semaphore(%run_scoped3A : memref<!tpu.dma_semaphore, #tpu.memory_space<semaphore_mem>>) {add = true}
        %dma_wait3A_1089 = arith.constant 0 : i32
        %dma_wait3A_1090 = tpu.memref_slice %arg7[%add3A_1058, %dma_wait3A_1089] : memref<160x128xi32, #tpu.memory_space<vmem>> -> memref<1x128xi32, #tpu.memory_space<vmem>>
        %dma_wait3A_1091 = tpu.memref_squeeze %dma_wait3A_1090 : memref<1x128xi32, #tpu.memory_space<vmem>> -> memref<128xi32, #tpu.memory_space<vmem>>
        %dma_wait3A_1092 = arith.constant 0 : i32
        %dma_wait3A_1093 = arith.constant 0 : i32
        %dma_wait3A_1094 = tpu.memref_slice %arg11[%dma_wait3A_1092, %dma_wait3A_1093] : memref<5120x128xf32, #tpu.memory_space<vmem_shared>> -> memref<5120x128xf32, #tpu.memory_space<vmem_shared>>
        tpu.wait_indirect_dma semaphore(%run_scoped3A : memref<!tpu.dma_semaphore, #tpu.memory_space<semaphore_mem>>) src(%arg8 : memref<128x128xf32, #tpu.memory_space<vmem>>) dst(%dma_wait3A_1094 : memref<5120x128xf32, #tpu.memory_space<vmem_shared>>)
        tpu.yield
      }) : () -> ()
      %add3A_1064 = arith.constant 2 : i32
      %add3A_1065 = arith.addi %add3A_1058, %add3A_1064 : i32
      %lt3A = arith.constant 160 : i32
      %lt3A_1066 = arith.cmpi slt, %add3A_1065, %lt3A : i32
      %convert_element_type3A = arith.extui %lt3A_1066 : i1 to i32
      %cond3A = arith.constant 0 : i32
      %cond3A_1067 = arith.cmpi ne, %convert_element_type3A, %cond3A : i32
      scf.if %cond3A_1067 {
        %add3A_1083 = arith.constant 2 : i32
        %add3A_1084 = arith.addi %add3A_1058, %add3A_1083 : i32
        %dma_start3A_1085 = arith.constant 0 : i32
        %dma_start3A_1086 = tpu.memref_slice %arg6[%add3A_1084, %dma_start3A_1085] : memref<160x128xi32, #tpu.memory_space<vmem>> -> memref<1x128xi32, #tpu.memory_space<vmem>>
        %dma_start3A_1087 = tpu.memref_squeeze %dma_start3A_1086 : memref<1x128xi32, #tpu.memory_space<vmem>> -> memref<128xi32, #tpu.memory_space<vmem>>
        %dma_start3A_1088 = arith.constant 0 : i32
        %dma_start3A_1089 = arith.constant 0 : i32
        %dma_start3A_1090 = tpu.memref_slice %arg2[%dma_start3A_1088, %dma_start3A_1089] : memref<10000x128xf32, #tpu.memory_space<hbm>> -> memref<10000x128xf32, #tpu.memory_space<hbm>>
        tpu.enqueue_indirect_dma source(%dma_start3A_1090 : memref<10000x128xf32, #tpu.memory_space<hbm>>) target(%arg8 : memref<128x128xf32, #tpu.memory_space<vmem>>) offsets(%dma_start3A_1087 : memref<128xi32, #tpu.memory_space<vmem>>) semaphore(%arg12 : memref<!tpu.dma_semaphore, #tpu.memory_space<semaphore_mem>>)
      } else {
      }
      %add3A_1068 = arith.constant 1 : i32
      %add3A_1069 = arith.addi %add3A_1056, %add3A_1068 : i32
      %dma_wait3A_1070 = arith.constant 0 : i32
      %dma_wait3A_1071 = tpu.memref_slice %arg6[%add3A_1069, %dma_wait3A_1070] : memref<160x128xi32, #tpu.memory_space<vmem>> -> memref<1x128xi32, #tpu.memory_space<vmem>>
      %dma_wait3A_1072 = tpu.memref_squeeze %dma_wait3A_1071 : memref<1x128xi32, #tpu.memory_space<vmem>> -> memref<128xi32, #tpu.memory_space<vmem>>
      %dma_wait3A_1073 = arith.constant 0 : i32
      %dma_wait3A_1074 = arith.constant 0 : i32
      %dma_wait3A_1075 = tpu.memref_slice %arg2[%dma_wait3A_1073, %dma_wait3A_1074] : memref<10000x128xf32, #tpu.memory_space<hbm>> -> memref<10000x128xf32, #tpu.memory_space<hbm>>
      tpu.wait_indirect_dma semaphore(%arg13 : memref<!tpu.dma_semaphore, #tpu.memory_space<semaphore_mem>>) src(%dma_wait3A_1075 : memref<10000x128xf32, #tpu.memory_space<hbm>>) dst(%arg9 : memref<128x128xf32, #tpu.memory_space<vmem>>)
      "tpu.region"() ({
        %run_scoped3A = tpu.sem_alloc : memref<!tpu.dma_semaphore, #tpu.memory_space<semaphore_mem>>
        %dma_start3A_1083 = arith.constant 0 : i32
        %dma_start3A_1084 = tpu.memref_slice %arg7[%add3A_1069, %dma_start3A_1083] : memref<160x128xi32, #tpu.memory_space<vmem>> -> memref<1x128xi32, #tpu.memory_space<vmem>>
        %dma_start3A_1085 = tpu.memref_squeeze %dma_start3A_1084 : memref<1x128xi32, #tpu.memory_space<vmem>> -> memref<128xi32, #tpu.memory_space<vmem>>
        %dma_start3A_1086 = arith.constant 0 : i32
        %dma_start3A_1087 = arith.constant 0 : i32
        %dma_start3A_1088 = tpu.memref_slice %arg11[%dma_start3A_1086, %dma_start3A_1087] : memref<5120x128xf32, #tpu.memory_space<vmem_shared>> -> memref<5120x128xf32, #tpu.memory_space<vmem_shared>>
        tpu.enqueue_indirect_dma source(%arg9 : memref<128x128xf32, #tpu.memory_space<vmem>>) target(%dma_start3A_1088 : memref<5120x128xf32, #tpu.memory_space<vmem_shared>>) offsets(%dma_start3A_1085 : memref<128xi32, #tpu.memory_space<vmem>>) semaphore(%run_scoped3A : memref<!tpu.dma_semaphore, #tpu.memory_space<semaphore_mem>>) {add = true}
        %dma_wait3A_1089 = arith.constant 0 : i32
        %dma_wait3A_1090 = tpu.memref_slice %arg7[%add3A_1069, %dma_wait3A_1089] : memref<160x128xi32, #tpu.memory_space<vmem>> -> memref<1x128xi32, #tpu.memory_space<vmem>>
        %dma_wait3A_1091 = tpu.memref_squeeze %dma_wait3A_1090 : memref<1x128xi32, #tpu.memory_space<vmem>> -> memref<128xi32, #tpu.memory_space<vmem>>
        %dma_wait3A_1092 = arith.constant 0 : i32
        %dma_wait3A_1093 = arith.constant 0 : i32
        %dma_wait3A_1094 = tpu.memref_slice %arg11[%dma_wait3A_1092, %dma_wait3A_1093] : memref<5120x128xf32, #tpu.memory_space<vmem_shared>> -> memref<5120x128xf32, #tpu.memory_space<vmem_shared>>
        tpu.wait_indirect_dma semaphore(%run_scoped3A : memref<!tpu.dma_semaphore, #tpu.memory_space<semaphore_mem>>) src(%arg9 : memref<128x128xf32, #tpu.memory_space<vmem>>) dst(%dma_wait3A_1094 : memref<5120x128xf32, #tpu.memory_space<vmem_shared>>)
        tpu.yield
      }) : () -> ()
      %add3A_1076 = arith.constant 2 : i32
      %add3A_1077 = arith.addi %add3A_1069, %add3A_1076 : i32
      %lt3A_1078 = arith.constant 160 : i32
      %lt3A_1079 = arith.cmpi slt, %add3A_1077, %lt3A_1078 : i32
      %convert_element_type3A_1080 = arith.extui %lt3A_1079 : i1 to i32
      %cond3A_1081 = arith.constant 0 : i32
      %cond3A_1082 = arith.cmpi ne, %convert_element_type3A_1080, %cond3A_1081 : i32
      scf.if %cond3A_1082 {
        %add3A_1083 = arith.constant 2 : i32
        %add3A_1084 = arith.addi %add3A_1069, %add3A_1083 : i32
        %dma_start3A_1085 = arith.constant 0 : i32
        %dma_start3A_1086 = tpu.memref_slice %arg6[%add3A_1084, %dma_start3A_1085] : memref<160x128xi32, #tpu.memory_space<vmem>> -> memref<1x128xi32, #tpu.memory_space<vmem>>
        %dma_start3A_1087 = tpu.memref_squeeze %dma_start3A_1086 : memref<1x128xi32, #tpu.memory_space<vmem>> -> memref<128xi32, #tpu.memory_space<vmem>>
        %dma_start3A_1088 = arith.constant 0 : i32
        %dma_start3A_1089 = arith.constant 0 : i32
        %dma_start3A_1090 = tpu.memref_slice %arg2[%dma_start3A_1088, %dma_start3A_1089] : memref<10000x128xf32, #tpu.memory_space<hbm>> -> memref<10000x128xf32, #tpu.memory_space<hbm>>
        tpu.enqueue_indirect_dma source(%dma_start3A_1090 : memref<10000x128xf32, #tpu.memory_space<hbm>>) target(%arg9 : memref<128x128xf32, #tpu.memory_space<vmem>>) offsets(%dma_start3A_1087 : memref<128xi32, #tpu.memory_space<vmem>>) semaphore(%arg13 : memref<!tpu.dma_semaphore, #tpu.memory_space<semaphore_mem>>)
      } else {
      }
    }
    %scan3A_1051 = arith.constant 80 : i32
    %barrier3A_1052 = arith.constant 0 : index
    tpu.barrier barrier_id(%barrier3A_1052)
    "tpu.region"() ({
      %run_scoped3A = tpu.sem_alloc : memref<!tpu.dma_semaphore, #tpu.memory_space<semaphore_mem>>
      %dma_start3A_1053 = arith.constant 0 : i32
      %dma_start3A_1054 = arith.constant 0 : i32
      %dma_start3A_1055 = tpu.memref_slice %arg5[%arg0, %dma_start3A_1053, %dma_start3A_1054] : memref<2x5120x128xf32, #tpu.memory_space<hbm>> -> memref<1x5120x128xf32, #tpu.memory_space<hbm>>
      %dma_start3A_1056 = tpu.memref_squeeze %dma_start3A_1055 : memref<1x5120x128xf32, #tpu.memory_space<hbm>> -> memref<5120x128xf32, #tpu.memory_space<hbm>>
      %dma_start3A_1057 = arith.constant 0 : i32
      %dma_start3A_1058 = tpu.memref_slice %dma_start3A_1056[%mul3A_1028, %dma_start3A_1057] : memref<5120x128xf32, #tpu.memory_space<hbm>> -> memref<320x128xf32, #tpu.memory_space<hbm>>
      %dma_start3A_1059 = arith.constant 0 : i32
      %dma_start3A_1060 = tpu.memref_slice %arg11[%mul3A_1028, %dma_start3A_1059] : memref<5120x128xf32, #tpu.memory_space<vmem_shared>> -> memref<320x128xf32, #tpu.memory_space<vmem_shared>>
      tpu.enqueue_dma source(%dma_start3A_1060 : memref<320x128xf32, #tpu.memory_space<vmem_shared>>) target(%dma_start3A_1058 : memref<320x128xf32, #tpu.memory_space<hbm>>) target_semaphore(%run_scoped3A : memref<!tpu.dma_semaphore, #tpu.memory_space<semaphore_mem>>)
      %dma_wait3A = arith.constant 0 : i32
      %dma_wait3A_1061 = arith.constant 0 : i32
      %dma_wait3A_1062 = tpu.memref_slice %arg5[%arg0, %dma_wait3A, %dma_wait3A_1061] : memref<2x5120x128xf32, #tpu.memory_space<hbm>> -> memref<1x5120x128xf32, #tpu.memory_space<hbm>>
      %dma_wait3A_1063 = tpu.memref_squeeze %dma_wait3A_1062 : memref<1x5120x128xf32, #tpu.memory_space<hbm>> -> memref<5120x128xf32, #tpu.memory_space<hbm>>
      %dma_wait3A_1064 = arith.constant 0 : i32
      %dma_wait3A_1065 = tpu.memref_slice %dma_wait3A_1063[%mul3A_1028, %dma_wait3A_1064] : memref<5120x128xf32, #tpu.memory_space<hbm>> -> memref<320x128xf32, #tpu.memory_space<hbm>>
      %dma_wait3A_1066 = arith.constant 0 : i32
      %dma_wait3A_1067 = tpu.memref_slice %arg11[%mul3A_1028, %dma_wait3A_1066] : memref<5120x128xf32, #tpu.memory_space<vmem_shared>> -> memref<320x128xf32, #tpu.memory_space<vmem_shared>>
      tpu.wait_dma2 semaphore(%run_scoped3A : memref<!tpu.dma_semaphore, #tpu.memory_space<semaphore_mem>>) src(%dma_wait3A_1067 : memref<320x128xf32, #tpu.memory_space<vmem_shared>>) dst(%dma_wait3A_1065 : memref<320x128xf32, #tpu.memory_space<hbm>>)
      tpu.yield
    }) : () -> ()
    return
  }
}

module attributes {stable_mosaic.version = 14 : i64} {
  func.func @_k2_body(%arg0: i32, %arg1: memref<1x1000x128xf32, #tpu.memory_space<vmem>>, %arg2: memref<1000x128xf32, #tpu.memory_space<vmem>>, %arg3: memref<2x1000x16xf32, #tpu.memory_space<vmem>>, %arg4: memref<1x128xf32, #tpu.memory_space<vmem>>, %arg5: memref<128x128xf32, #tpu.memory_space<vmem>>, %arg6: memref<1000x128xf32, #tpu.memory_space<vmem>>) attributes {dimension_semantics = [#tpu.dimension_semantics<arbitrary>], iteration_bounds = array<i64: 10>, scalar_prefetch = 0 : i64, scratch_operands = 0 : i64, tpu.core_type = #tpu.core_type<tc>, window_params = [{transform_indices = @transform_0, window_bounds = array<i64: 1, 1000, 128>}, {transform_indices = @transform_1, window_bounds = array<i64: 1000, 128>}, {transform_indices = @transform_2, window_bounds = array<i64: 2, 1000, 16>}, {pipeline_mode = #tpu.pipeline_mode<synchronous>, transform_indices = @transform_3, window_bounds = array<i64: 1, 128>}, {pipeline_mode = #tpu.pipeline_mode<synchronous>, transform_indices = @transform_4, window_bounds = array<i64: 128, 128>}, {transform_indices = @transform_5, window_bounds = array<i64: 1000, 128>}]} {
    %get3A = arith.constant 0 : index
    %get3A_0 = arith.constant 0 : index
    %get3A_1 = arith.constant 0 : index
    %get3A_2 = vector.load %arg3[%get3A, %get3A_0, %get3A_1] : memref<2x1000x16xf32, #tpu.memory_space<vmem>>, vector<2x1000x16xf32>
    %slice3A = vector.extract_strided_slice %get3A_2 {offsets = [0, 0, 0], sizes = [1, 1000, 1], strides = [1, 1, 1]} : vector<2x1000x16xf32> to vector<1x1000x1xf32>
    %squeeze3A = vector.shape_cast %slice3A : vector<1x1000x1xf32> to vector<1000xf32>
    %add3A = arith.constant 1.000000e+00 : f32
    %add3A_3 = vector.broadcast %add3A : f32 to vector<1000xf32>
    %add3A_4 = arith.addf %squeeze3A, %add3A_3 : vector<1000xf32>
    %rsqrt3A = math.rsqrt %add3A_4 : vector<1000xf32>
    %get3A_5 = arith.constant 0 : index
    %get3A_6 = arith.constant 0 : index
    %get3A_7 = arith.constant 0 : index
    %get3A_8 = vector.load %arg1[%get3A_5, %get3A_6, %get3A_7] : memref<1x1000x128xf32, #tpu.memory_space<vmem>>, vector<1x1000x128xf32>
    %get3A_9 = vector.shape_cast %get3A_8 : vector<1x1000x128xf32> to vector<1000x128xf32>
    %get3A_10 = arith.constant 0 : index
    %get3A_11 = arith.constant 0 : index
    %get3A_12 = vector.load %arg2[%get3A_10, %get3A_11] : memref<1000x128xf32, #tpu.memory_space<vmem>>, vector<1000x128xf32>
    %add3A_13 = arith.addf %get3A_9, %get3A_12 : vector<1000x128xf32>
    %broadcast_in_dim3A = vector.shape_cast %rsqrt3A : vector<1000xf32> to vector<1000x1xf32>
    %mul3A = vector.broadcast %broadcast_in_dim3A : vector<1000x1xf32> to vector<1000x128xf32>
    %mul3A_14 = arith.mulf %add3A_13, %mul3A : vector<1000x128xf32>
    %get3A_15 = arith.constant 0 : index
    %get3A_16 = arith.constant 0 : index
    %get3A_17 = vector.load %arg4[%get3A_15, %get3A_16] : memref<1x128xf32, #tpu.memory_space<vmem>>, vector<1x128xf32>
    %add3A_18 = vector.broadcast %get3A_17 : vector<1x128xf32> to vector<1000x128xf32>
    %add3A_19 = arith.addf %mul3A_14, %add3A_18 : vector<1000x128xf32>
    %max3A = arith.constant 0.000000e+00 : f32
    %max3A_20 = vector.broadcast %max3A : f32 to vector<1000x128xf32>
    %max3A_21 = arith.maximumf %add3A_19, %max3A_20 : vector<1000x128xf32>
    %get3A_22 = arith.constant 0 : index
    %get3A_23 = arith.constant 0 : index
    %get3A_24 = vector.load %arg5[%get3A_22, %get3A_23] : memref<128x128xf32, #tpu.memory_space<vmem>>, vector<128x128xf32>
    %dot_general3A = arith.constant dense<0.000000e+00> : vector<1000x128xf32>
    %dot_general3A_25 = tpu.matmul %max3A_21, %get3A_24, %dot_general3A {dimension_numbers = #tpu.dot_dimension_numbers<[1], [0], [0], [1], [0, 0, 1, 1], [], []>, transpose_lhs_hint = false} : vector<1000x128xf32>, vector<128x128xf32>, vector<1000x128xf32> -> vector<1000x128xf32>
    %broadcast_in_dim3A_26 = vector.shape_cast %rsqrt3A : vector<1000xf32> to vector<1000x1xf32>
    %mul3A_27 = vector.broadcast %broadcast_in_dim3A_26 : vector<1000x1xf32> to vector<1000x128xf32>
    %mul3A_28 = arith.mulf %dot_general3A_25, %mul3A_27 : vector<1000x128xf32>
    %swap3A = arith.constant 0 : index
    %swap3A_29 = arith.constant 0 : index
    %swap3A_30 = vector.load %arg6[%swap3A, %swap3A_29] : memref<1000x128xf32, #tpu.memory_space<vmem>>, vector<1000x128xf32>
    tpu.vector_store %arg6[%swap3A, %swap3A_29], %mul3A_28 {strides = array<i32>} : memref<1000x128xf32, #tpu.memory_space<vmem>>, vector<1000x128xf32>,
    return
  }
  func.func @transform_0(%arg0: i32) -> (i32, i32, i32) {
    %jit3A = arith.constant 5 : i32
    %div3A = arith.divsi %arg0, %jit3A : i32
    %sign3A = arith.constant 0 : i32
    %sign3A_0 = arith.cmpi sgt, %arg0, %sign3A : i32
    %sign3A_1 = arith.extui %sign3A_0 : i1 to i32
    %sign3A_2 = arith.constant 0 : i32
    %sign3A_3 = arith.cmpi slt, %arg0, %sign3A_2 : i32
    %sign3A_4 = arith.extui %sign3A_3 : i1 to i32
    %sign3A_5 = arith.subi %sign3A_1, %sign3A_4 : i32
    %sign3A_6 = arith.constant 0 : i32
    %sign3A_7 = arith.cmpi sgt, %jit3A, %sign3A_6 : i32
    %sign3A_8 = arith.extui %sign3A_7 : i1 to i32
    %sign3A_9 = arith.constant 0 : i32
    %sign3A_10 = arith.cmpi slt, %jit3A, %sign3A_9 : i32
    %sign3A_11 = arith.extui %sign3A_10 : i1 to i32
    %sign3A_12 = arith.subi %sign3A_8, %sign3A_11 : i32
    %ne3A = arith.cmpi ne, %sign3A_5, %sign3A_12 : i32
    %rem3A = arith.remsi %arg0, %jit3A : i32
    %ne3A_13 = arith.constant 0 : i32
    %ne3A_14 = arith.cmpi ne, %rem3A, %ne3A_13 : i32
    %and3A = arith.andi %ne3A, %ne3A_14 : i1
    %sub3A = arith.constant 1 : i32
    %sub3A_15 = arith.subi %div3A, %sub3A : i32
    %select_n3A = arith.select %and3A, %sub3A_15, %div3A : i32
    %jit3A_16 = arith.constant 5 : i32
    %eq3A = arith.constant 0 : i32
    %eq3A_17 = arith.cmpi eq, %jit3A_16, %eq3A : i32
    %jit3A_18 = arith.constant 1 : i32
    %select_n3A_19 = arith.select %eq3A_17, %jit3A_18, %jit3A_16 : i32
    %rem3A_20 = arith.remsi %arg0, %select_n3A_19 : i32
    %ne3A_21 = arith.constant 0 : i32
    %ne3A_22 = arith.cmpi ne, %rem3A_20, %ne3A_21 : i32
    %lt3A = arith.constant 0 : i32
    %lt3A_23 = arith.cmpi slt, %rem3A_20, %lt3A : i32
    %lt3A_24 = arith.constant 0 : i32
    %lt3A_25 = arith.cmpi slt, %select_n3A_19, %lt3A_24 : i32
    %ne3A_26 = arith.xori %lt3A_23, %lt3A_25 : i1
    %and3A_27 = arith.andi %ne3A_26, %ne3A_22 : i1
    %add3A = arith.addi %rem3A_20, %select_n3A_19 : i32
    %select_n3A_28 = arith.select %and3A_27, %add3A, %rem3A_20 : i32
    %c0_i32 = arith.constant 0 : i32
    %c0_i32_29 = arith.constant 0 : i32
    return %select_n3A, %select_n3A_28, %c0_i32 : i32, i32, i32
  }
  func.func @transform_1(%arg0: i32) -> (i32, i32) {
    %c0_i32 = arith.constant 0 : i32
    %c0_i32_0 = arith.constant 0 : i32
    return %arg0, %c0_i32 : i32, i32
  }
  func.func @transform_2(%arg0: i32) -> (i32, i32, i32) {
    %c0_i32 = arith.constant 0 : i32
    %c0_i32_0 = arith.constant 0 : i32
    %c0_i32_1 = arith.constant 0 : i32
    return %c0_i32, %arg0, %c0_i32_0 : i32, i32, i32
  }
  func.func @transform_3(%arg0: i32) -> (i32, i32) {
    %c0_i32 = arith.constant 0 : i32
    %c0_i32_0 = arith.constant 0 : i32
    %c0_i32_1 = arith.constant 0 : i32
    return %c0_i32, %c0_i32_0 : i32, i32
  }
  func.func @transform_4(%arg0: i32) -> (i32, i32) {
    %c0_i32 = arith.constant 0 : i32
    %c0_i32_0 = arith.constant 0 : i32
    %c0_i32_1 = arith.constant 0 : i32
    return %c0_i32, %c0_i32_0 : i32, i32
  }
  func.func @transform_5(%arg0: i32) -> (i32, i32) {
    %c0_i32 = arith.constant 0 : i32
    %c0_i32_0 = arith.constant 0 : i32
    return %arg0, %c0_i32 : i32, i32
  }
}

module attributes {stable_mosaic.version = 14 : i64} {
  func.func @_k1_body(%arg0: i32, %arg1: memref<1000x128xf32, #tpu.memory_space<vmem>>, %arg2: memref<128x128xf32, #tpu.memory_space<vmem>>, %arg3: memref<1x128xf32, #tpu.memory_space<vmem>>, %arg4: memref<128x128xf32, #tpu.memory_space<vmem>>, %arg5: memref<1x128xf32, #tpu.memory_space<vmem>>, %arg6: memref<128x128xf32, #tpu.memory_space<vmem>>, %arg7: memref<2x1000x16xf32, #tpu.memory_space<vmem>>, %arg8: memref<1000x128xf32, #tpu.memory_space<vmem>>) attributes {dimension_semantics = [#tpu.dimension_semantics<arbitrary>], iteration_bounds = array<i64: 10>, scalar_prefetch = 0 : i64, scratch_operands = 0 : i64, tpu.core_type = #tpu.core_type<tc>, window_params = [{transform_indices = @transform_0, window_bounds = array<i64: 1000, 128>}, {pipeline_mode = #tpu.pipeline_mode<synchronous>, transform_indices = @transform_1, window_bounds = array<i64: 128, 128>}, {pipeline_mode = #tpu.pipeline_mode<synchronous>, transform_indices = @transform_2, window_bounds = array<i64: 1, 128>}, {pipeline_mode = #tpu.pipeline_mode<synchronous>, transform_indices = @transform_3, window_bounds = array<i64: 128, 128>}, {pipeline_mode = #tpu.pipeline_mode<synchronous>, transform_indices = @transform_4, window_bounds = array<i64: 1, 128>}, {pipeline_mode = #tpu.pipeline_mode<synchronous>, transform_indices = @transform_5, window_bounds = array<i64: 128, 128>}, {transform_indices = @transform_6, window_bounds = array<i64: 2, 1000, 16>}, {transform_indices = @transform_7, window_bounds = array<i64: 1000, 128>}]} {
    %get3A = arith.constant 0 : index
    %get3A_0 = arith.constant 0 : index
    %get3A_1 = vector.load %arg1[%get3A, %get3A_0] : memref<1000x128xf32, #tpu.memory_space<vmem>>, vector<1000x128xf32>
    %get3A_2 = arith.constant 0 : index
    %get3A_3 = arith.constant 0 : index
    %get3A_4 = vector.load %arg2[%get3A_2, %get3A_3] : memref<128x128xf32, #tpu.memory_space<vmem>>, vector<128x128xf32>
    %dot_general3A = arith.constant dense<0.000000e+00> : vector<1000x128xf32>
    %dot_general3A_5 = tpu.matmul %get3A_1, %get3A_4, %dot_general3A {dimension_numbers = #tpu.dot_dimension_numbers<[1], [0], [0], [1], [0, 0, 1, 1], [], []>, transpose_lhs_hint = false} : vector<1000x128xf32>, vector<128x128xf32>, vector<1000x128xf32> -> vector<1000x128xf32>
    %get3A_6 = arith.constant 0 : index
    %get3A_7 = arith.constant 0 : index
    %get3A_8 = vector.load %arg3[%get3A_6, %get3A_7] : memref<1x128xf32, #tpu.memory_space<vmem>>, vector<1x128xf32>
    %add3A = vector.broadcast %get3A_8 : vector<1x128xf32> to vector<1000x128xf32>
    %add3A_9 = arith.addf %dot_general3A_5, %add3A : vector<1000x128xf32>
    %max3A = arith.constant 0.000000e+00 : f32
    %max3A_10 = vector.broadcast %max3A : f32 to vector<1000x128xf32>
    %max3A_11 = arith.maximumf %add3A_9, %max3A_10 : vector<1000x128xf32>
    %get3A_12 = arith.constant 0 : index
    %get3A_13 = arith.constant 0 : index
    %get3A_14 = vector.load %arg4[%get3A_12, %get3A_13] : memref<128x128xf32, #tpu.memory_space<vmem>>, vector<128x128xf32>
    %dot_general3A_15 = arith.constant dense<0.000000e+00> : vector<1000x128xf32>
    %dot_general3A_16 = tpu.matmul %max3A_11, %get3A_14, %dot_general3A_15 {dimension_numbers = #tpu.dot_dimension_numbers<[1], [0], [0], [1], [0, 0, 1, 1], [], []>, transpose_lhs_hint = false} : vector<1000x128xf32>, vector<128x128xf32>, vector<1000x128xf32> -> vector<1000x128xf32>
    %get3A_17 = arith.constant 0 : index
    %get3A_18 = arith.constant 0 : index
    %get3A_19 = vector.load %arg5[%get3A_17, %get3A_18] : memref<1x128xf32, #tpu.memory_space<vmem>>, vector<1x128xf32>
    %add3A_20 = vector.broadcast %get3A_19 : vector<1x128xf32> to vector<1000x128xf32>
    %add3A_21 = arith.addf %dot_general3A_16, %add3A_20 : vector<1000x128xf32>
    %max3A_22 = arith.constant 0.000000e+00 : f32
    %max3A_23 = vector.broadcast %max3A_22 : f32 to vector<1000x128xf32>
    %max3A_24 = arith.maximumf %add3A_21, %max3A_23 : vector<1000x128xf32>
    %get3A_25 = arith.constant 0 : index
    %get3A_26 = arith.constant 0 : index
    %get3A_27 = arith.constant 0 : index
    %get3A_28 = vector.load %arg7[%get3A_25, %get3A_26, %get3A_27] : memref<2x1000x16xf32, #tpu.memory_space<vmem>>, vector<2x1000x16xf32>
    %slice3A = vector.extract_strided_slice %get3A_28 {offsets = [0, 0, 0], sizes = [1, 1000, 1], strides = [1, 1, 1]} : vector<2x1000x16xf32> to vector<1x1000x1xf32>
    %squeeze3A = vector.shape_cast %slice3A : vector<1x1000x1xf32> to vector<1000xf32>
    %add3A_29 = arith.constant 1.000000e+00 : f32
    %add3A_30 = vector.broadcast %add3A_29 : f32 to vector<1000xf32>
    %add3A_31 = arith.addf %squeeze3A, %add3A_30 : vector<1000xf32>
    %rsqrt3A = math.rsqrt %add3A_31 : vector<1000xf32>
    %get3A_32 = arith.constant 0 : index
    %get3A_33 = arith.constant 0 : index
    %get3A_34 = vector.load %arg6[%get3A_32, %get3A_33] : memref<128x128xf32, #tpu.memory_space<vmem>>, vector<128x128xf32>
    %dot_general3A_35 = arith.constant dense<0.000000e+00> : vector<1000x128xf32>
    %dot_general3A_36 = tpu.matmul %max3A_24, %get3A_34, %dot_general3A_35 {dimension_numbers = #tpu.dot_dimension_numbers<[1], [0], [0], [1], [0, 0, 1, 1], [], []>, transpose_lhs_hint = false} : vector<1000x128xf32>, vector<128x128xf32>, vector<1000x128xf32> -> vector<1000x128xf32>
    %broadcast_in_dim3A = vector.shape_cast %rsqrt3A : vector<1000xf32> to vector<1000x1xf32>
    %mul3A = vector.broadcast %broadcast_in_dim3A : vector<1000x1xf32> to vector<1000x128xf32>
    %mul3A_37 = arith.mulf %dot_general3A_36, %mul3A : vector<1000x128xf32>
    %swap3A = arith.constant 0 : index
    %swap3A_38 = arith.constant 0 : index
    %swap3A_39 = vector.load %arg8[%swap3A, %swap3A_38] : memref<1000x128xf32, #tpu.memory_space<vmem>>, vector<1000x128xf32>
    tpu.vector_store %arg8[%swap3A, %swap3A_38], %mul3A_37 {strides = array<i32>} : memref<1000x128xf32, #tpu.memory_space<vmem>>, vector<1000x128xf32>,
    return
  }
  func.func @transform_0(%arg0: i32) -> (i32, i32) {
    %c0_i32 = arith.constant 0 : i32
    %c0_i32_0 = arith.constant 0 : i32
    return %arg0, %c0_i32 : i32, i32
  }
  func.func @transform_1(%arg0: i32) -> (i32, i32) {
    %c0_i32 = arith.constant 0 : i32
    %c0_i32_0 = arith.constant 0 : i32
    %c0_i32_1 = arith.constant 0 : i32
    return %c0_i32, %c0_i32_0 : i32, i32
  }
  func.func @transform_2(%arg0: i32) -> (i32, i32) {
    %c0_i32 = arith.constant 0 : i32
    %c0_i32_0 = arith.constant 0 : i32
    %c0_i32_1 = arith.constant 0 : i32
    return %c0_i32, %c0_i32_0 : i32, i32
  }
  func.func @transform_3(%arg0: i32) -> (i32, i32) {
    %c0_i32 = arith.constant 0 : i32
    %c0_i32_0 = arith.constant 0 : i32
    %c0_i32_1 = arith.constant 0 : i32
    return %c0_i32, %c0_i32_0 : i32, i32
  }
  func.func @transform_4(%arg0: i32) -> (i32, i32) {
    %c0_i32 = arith.constant 0 : i32
    %c0_i32_0 = arith.constant 0 : i32
    %c0_i32_1 = arith.constant 0 : i32
    return %c0_i32, %c0_i32_0 : i32, i32
  }
  func.func @transform_5(%arg0: i32) -> (i32, i32) {
    %c0_i32 = arith.constant 0 : i32
    %c0_i32_0 = arith.constant 0 : i32
    %c0_i32_1 = arith.constant 0 : i32
    return %c0_i32, %c0_i32_0 : i32, i32
  }
  func.func @transform_6(%arg0: i32) -> (i32, i32, i32) {
    %c0_i32 = arith.constant 0 : i32
    %c0_i32_0 = arith.constant 0 : i32
    %c0_i32_1 = arith.constant 0 : i32
    return %c0_i32, %arg0, %c0_i32_0 : i32, i32, i32
  }
  func.func @transform_7(%arg0: i32) -> (i32, i32) {
    %c0_i32 = arith.constant 0 : i32
    %c0_i32_0 = arith.constant 0 : i32
    return %arg0, %c0_i32 : i32, i32
  }
}

module attributes {stable_mosaic.version = 14 : i64} {
  func.func @_k3_body(%arg0: i32, %arg1: memref<1x1000x128xf32, #tpu.memory_space<vmem>>, %arg2: memref<1000x128xf32, #tpu.memory_space<vmem>>, %arg3: memref<2x1000x16xf32, #tpu.memory_space<vmem>>, %arg4: memref<1x128xf32, #tpu.memory_space<vmem>>, %arg5: memref<128x128xf32, #tpu.memory_space<vmem>>, %arg6: memref<1x128xf32, #tpu.memory_space<vmem>>, %arg7: memref<128x1xf32, #tpu.memory_space<vmem>>, %arg8: memref<1x1xf32, #tpu.memory_space<vmem>>, %arg9: memref<128x128xf32, #tpu.memory_space<vmem>>, %arg10: memref<1x128xf32, #tpu.memory_space<vmem>>, %arg11: memref<128x1xf32, #tpu.memory_space<vmem>>, %arg12: memref<1x1xf32, #tpu.memory_space<vmem>>, %arg13: memref<1000x1xf32, #tpu.memory_space<vmem>>, %arg14: memref<1x128xf32, #tpu.memory_space<vmem>>, %arg15: memref<1x128xf32, #tpu.memory_space<vmem>>) attributes {dimension_semantics = [#tpu.dimension_semantics<arbitrary>], iteration_bounds = array<i64: 10>, scalar_prefetch = 0 : i64, scratch_operands = 0 : i64, tpu.core_type = #tpu.core_type<tc>, window_params = [{transform_indices = @transform_0, window_bounds = array<i64: 1, 1000, 128>}, {transform_indices = @transform_1, window_bounds = array<i64: 1000, 128>}, {transform_indices = @transform_2, window_bounds = array<i64: 2, 1000, 16>}, {pipeline_mode = #tpu.pipeline_mode<synchronous>, transform_indices = @transform_3, window_bounds = array<i64: 1, 128>}, {pipeline_mode = #tpu.pipeline_mode<synchronous>, transform_indices = @transform_4, window_bounds = array<i64: 128, 128>}, {pipeline_mode = #tpu.pipeline_mode<synchronous>, transform_indices = @transform_5, window_bounds = array<i64: 1, 128>}, {pipeline_mode = #tpu.pipeline_mode<synchronous>, transform_indices = @transform_6, window_bounds = array<i64: 128, 1>}, {pipeline_mode = #tpu.pipeline_mode<synchronous>, transform_indices = @transform_7, window_bounds = array<i64: 1, 1>}, {pipeline_mode = #tpu.pipeline_mode<synchronous>, transform_indices = @transform_8, window_bounds = array<i64: 128, 128>}, {pipeline_mode = #tpu.pipeline_mode<synchronous>, transform_indices = @transform_9, window_bounds = array<i64: 1, 128>}, {pipeline_mode = #tpu.pipeline_mode<synchronous>, transform_indices = @transform_10, window_bounds = array<i64: 128, 1>}, {pipeline_mode = #tpu.pipeline_mode<synchronous>, transform_indices = @transform_11, window_bounds = array<i64: 1, 1>}, {transform_indices = @transform_12, window_bounds = array<i64: 1000, 1>}, {pipeline_mode = #tpu.pipeline_mode<synchronous>, transform_indices = @transform_13, window_bounds = array<i64: 1, 128>}, {pipeline_mode = #tpu.pipeline_mode<synchronous>, transform_indices = @transform_14, window_bounds = array<i64: 1, 128>}]} {
    %get3A = arith.constant 0 : index
    %get3A_0 = arith.constant 0 : index
    %get3A_1 = arith.constant 0 : index
    %get3A_2 = vector.load %arg3[%get3A, %get3A_0, %get3A_1] : memref<2x1000x16xf32, #tpu.memory_space<vmem>>, vector<2x1000x16xf32>
    %slice3A = vector.extract_strided_slice %get3A_2 {offsets = [0, 0, 0], sizes = [1, 1000, 1], strides = [1, 1, 1]} : vector<2x1000x16xf32> to vector<1x1000x1xf32>
    %squeeze3A = vector.shape_cast %slice3A : vector<1x1000x1xf32> to vector<1000xf32>
    %add3A = arith.constant 1.000000e+00 : f32
    %add3A_3 = vector.broadcast %add3A : f32 to vector<1000xf32>
    %add3A_4 = arith.addf %squeeze3A, %add3A_3 : vector<1000xf32>
    %rsqrt3A = math.rsqrt %add3A_4 : vector<1000xf32>
    %get3A_5 = arith.constant 0 : index
    %get3A_6 = arith.constant 0 : index
    %get3A_7 = arith.constant 0 : index
    %get3A_8 = vector.load %arg1[%get3A_5, %get3A_6, %get3A_7] : memref<1x1000x128xf32, #tpu.memory_space<vmem>>, vector<1x1000x128xf32>
    %get3A_9 = vector.shape_cast %get3A_8 : vector<1x1000x128xf32> to vector<1000x128xf32>
    %get3A_10 = arith.constant 0 : index
    %get3A_11 = arith.constant 0 : index
    %get3A_12 = vector.load %arg2[%get3A_10, %get3A_11] : memref<1000x128xf32, #tpu.memory_space<vmem>>, vector<1000x128xf32>
    %add3A_13 = arith.addf %get3A_9, %get3A_12 : vector<1000x128xf32>
    %broadcast_in_dim3A = vector.shape_cast %rsqrt3A : vector<1000xf32> to vector<1000x1xf32>
    %mul3A = vector.broadcast %broadcast_in_dim3A : vector<1000x1xf32> to vector<1000x128xf32>
    %mul3A_14 = arith.mulf %add3A_13, %mul3A : vector<1000x128xf32>
    %get3A_15 = arith.constant 0 : index
    %get3A_16 = arith.constant 0 : index
    %get3A_17 = vector.load %arg4[%get3A_15, %get3A_16] : memref<1x128xf32, #tpu.memory_space<vmem>>, vector<1x128xf32>
    %add3A_18 = vector.broadcast %get3A_17 : vector<1x128xf32> to vector<1000x128xf32>
    %add3A_19 = arith.addf %mul3A_14, %add3A_18 : vector<1000x128xf32>
    %max3A = arith.constant 0.000000e+00 : f32
    %max3A_20 = vector.broadcast %max3A : f32 to vector<1000x128xf32>
    %max3A_21 = arith.maximumf %add3A_19, %max3A_20 : vector<1000x128xf32>
    %get3A_22 = arith.constant 0 : index
    %get3A_23 = arith.constant 0 : index
    %get3A_24 = vector.load %arg5[%get3A_22, %get3A_23] : memref<128x128xf32, #tpu.memory_space<vmem>>, vector<128x128xf32>
    %dot_general3A = arith.constant dense<0.000000e+00> : vector<1000x128xf32>
    %dot_general3A_25 = tpu.matmul %max3A_21, %get3A_24, %dot_general3A {dimension_numbers = #tpu.dot_dimension_numbers<[1], [0], [0], [1], [0, 0, 1, 1], [], []>, transpose_lhs_hint = false} : vector<1000x128xf32>, vector<128x128xf32>, vector<1000x128xf32> -> vector<1000x128xf32>
    %get3A_26 = arith.constant 0 : index
    %get3A_27 = arith.constant 0 : index
    %get3A_28 = vector.load %arg6[%get3A_26, %get3A_27] : memref<1x128xf32, #tpu.memory_space<vmem>>, vector<1x128xf32>
    %add3A_29 = vector.broadcast %get3A_28 : vector<1x128xf32> to vector<1000x128xf32>
    %add3A_30 = arith.addf %dot_general3A_25, %add3A_29 : vector<1000x128xf32>
    %max3A_31 = arith.constant 0.000000e+00 : f32
    %max3A_32 = vector.broadcast %max3A_31 : f32 to vector<1000x128xf32>
    %max3A_33 = arith.maximumf %add3A_30, %max3A_32 : vector<1000x128xf32>
    %get3A_34 = arith.constant 0 : index
    %get3A_35 = arith.constant 0 : index
    %get3A_36 = vector.load %arg7[%get3A_34, %get3A_35] : memref<128x1xf32, #tpu.memory_space<vmem>>, vector<128x1xf32>
    %dot_general3A_37 = arith.constant dense<0.000000e+00> : vector<1000x1xf32>
    %dot_general3A_38 = tpu.matmul %max3A_33, %get3A_36, %dot_general3A_37 {dimension_numbers = #tpu.dot_dimension_numbers<[1], [0], [0], [1], [0, 0, 1, 1], [], []>, transpose_lhs_hint = false} : vector<1000x128xf32>, vector<128x1xf32>, vector<1000x1xf32> -> vector<1000x1xf32>
    %get3A_39 = arith.constant 0 : index
    %get3A_40 = arith.constant 0 : index
    %get3A_41 = vector.load %arg8[%get3A_39, %get3A_40] : memref<1x1xf32, #tpu.memory_space<vmem>>, vector<1x1xf32>
    %get3A_42 = vector.extract %get3A_41[0, 0] : f32 from vector<1x1xf32>
    %add3A_43 = vector.broadcast %get3A_42 : f32 to vector<1000x1xf32>
    %add3A_44 = arith.addf %dot_general3A_38, %add3A_43 : vector<1000x1xf32>
    %logistic3A = arith.negf %add3A_44 : vector<1000x1xf32>
    %logistic3A_45 = math.exp %logistic3A : vector<1000x1xf32>
    %logistic3A_46 = arith.constant 1.000000e+00 : f32
    %logistic3A_47 = vector.broadcast %logistic3A_46 : f32 to vector<1000x1xf32>
    %logistic3A_48 = arith.addf %logistic3A_47, %logistic3A_45 : vector<1000x1xf32>
    %logistic3A_49 = arith.divf %logistic3A_47, %logistic3A_48 : vector<1000x1xf32>
    %swap3A = arith.constant 0 : index
    %swap3A_50 = arith.constant 0 : index
    %swap3A_51 = vector.load %arg13[%swap3A, %swap3A_50] : memref<1000x1xf32, #tpu.memory_space<vmem>>, vector<1000x1xf32>
    tpu.vector_store %arg13[%swap3A, %swap3A_50], %logistic3A_49 {strides = array<i32>} : memref<1000x1xf32, #tpu.memory_space<vmem>>, vector<1000x1xf32>,
    %reduce_sum3A = arith.constant dense<0.000000e+00> : vector<128xf32>
    %reduce_sum3A_52 = vector.multi_reduction <add>, %max3A_21, %reduce_sum3A [0] : vector<1000x128xf32> to vector<128xf32>
    %broadcast_in_dim3A_53 = vector.shape_cast %reduce_sum3A_52 : vector<128xf32> to vector<1x128xf32>
    %eq3A = arith.constant 0 : i32
    %eq3A_54 = arith.cmpi eq, %arg0, %eq3A : i32
    %convert_element_type3A = arith.extui %eq3A_54 : i1 to i32
    %cond3A = arith.constant 0 : i32
    %cond3A_55 = arith.cmpi ne, %convert_element_type3A, %cond3A : i32
    scf.if %cond3A_55 {
      %swap3A_65 = arith.constant 0 : index
      %swap3A_66 = arith.constant 0 : index
      %swap3A_67 = vector.load %arg14[%swap3A_65, %swap3A_66] : memref<1x128xf32, #tpu.memory_space<vmem>>, vector<1x128xf32>
      tpu.vector_store %arg14[%swap3A_65, %swap3A_66], %broadcast_in_dim3A_53 {strides = array<i32>} : memref<1x128xf32, #tpu.memory_space<vmem>>, vector<1x128xf32>,
      %broadcast_in_dim3A_68 = arith.constant 0.000000e+00 : f32
      %broadcast_in_dim3A_69 = vector.broadcast %broadcast_in_dim3A_68 : f32 to vector<1x128xf32>
      %swap3A_70 = arith.constant 0 : index
      %swap3A_71 = arith.constant 0 : index
      %swap3A_72 = vector.load %arg15[%swap3A_70, %swap3A_71] : memref<1x128xf32, #tpu.memory_space<vmem>>, vector<1x128xf32>
      tpu.vector_store %arg15[%swap3A_70, %swap3A_71], %broadcast_in_dim3A_69 {strides = array<i32>} : memref<1x128xf32, #tpu.memory_space<vmem>>, vector<1x128xf32>,
    } else {
    }
    %gt3A = arith.constant 0 : i32
    %gt3A_56 = arith.cmpi sgt, %arg0, %gt3A : i32
    %convert_element_type3A_57 = arith.extui %gt3A_56 : i1 to i32
    %cond3A_58 = arith.constant 0 : i32
    %cond3A_59 = arith.cmpi ne, %convert_element_type3A_57, %cond3A_58 : i32
    scf.if %cond3A_59 {
      %get3A_65 = arith.constant 0 : index
      %get3A_66 = arith.constant 0 : index
      %get3A_67 = vector.load %arg14[%get3A_65, %get3A_66] : memref<1x128xf32, #tpu.memory_space<vmem>>, vector<1x128xf32>
      %add3A_68 = arith.addf %get3A_67, %broadcast_in_dim3A_53 : vector<1x128xf32>
      %swap3A_69 = arith.constant 0 : index
      %swap3A_70 = arith.constant 0 : index
      %swap3A_71 = vector.load %arg14[%swap3A_69, %swap3A_70] : memref<1x128xf32, #tpu.memory_space<vmem>>, vector<1x128xf32>
      tpu.vector_store %arg14[%swap3A_69, %swap3A_70], %add3A_68 {strides = array<i32>} : memref<1x128xf32, #tpu.memory_space<vmem>>, vector<1x128xf32>,
    } else {
    }
    %eq3A_60 = arith.constant 9 : i32
    %eq3A_61 = arith.cmpi eq, %arg0, %eq3A_60 : i32
    %convert_element_type3A_62 = arith.extui %eq3A_61 : i1 to i32
    %cond3A_63 = arith.constant 0 : i32
    %cond3A_64 = arith.cmpi ne, %convert_element_type3A_62, %cond3A_63 : i32
    scf.if %cond3A_64 {
      %get3A_65 = arith.constant 0 : index
      %get3A_66 = arith.constant 0 : index
      %get3A_67 = vector.load %arg14[%get3A_65, %get3A_66] : memref<1x128xf32, #tpu.memory_space<vmem>>, vector<1x128xf32>
      %mul3A_68 = arith.constant 9.99999974E-5 : f32
      %mul3A_69 = vector.broadcast %mul3A_68 : f32 to vector<1x128xf32>
      %mul3A_70 = arith.mulf %get3A_67, %mul3A_69 : vector<1x128xf32>
      %get3A_71 = arith.constant 0 : index
      %get3A_72 = arith.constant 0 : index
      %get3A_73 = vector.load %arg9[%get3A_71, %get3A_72] : memref<128x128xf32, #tpu.memory_space<vmem>>, vector<128x128xf32>
      %dot_general3A_74 = arith.constant dense<0.000000e+00> : vector<1x128xf32>
      %dot_general3A_75 = tpu.matmul %mul3A_70, %get3A_73, %dot_general3A_74 {dimension_numbers = #tpu.dot_dimension_numbers<[1], [0], [0], [1], [0, 0, 1, 1], [], []>, transpose_lhs_hint = false} : vector<1x128xf32>, vector<128x128xf32>, vector<1x128xf32> -> vector<1x128xf32>
      %get3A_76 = arith.constant 0 : index
      %get3A_77 = arith.constant 0 : index
      %get3A_78 = vector.load %arg10[%get3A_76, %get3A_77] : memref<1x128xf32, #tpu.memory_space<vmem>>, vector<1x128xf32>
      %add3A_79 = arith.addf %dot_general3A_75, %get3A_78 : vector<1x128xf32>
      %max3A_80 = arith.constant 0.000000e+00 : f32
      %max3A_81 = vector.broadcast %max3A_80 : f32 to vector<1x128xf32>
      %max3A_82 = arith.maximumf %add3A_79, %max3A_81 : vector<1x128xf32>
      %get3A_83 = arith.constant 0 : index
      %get3A_84 = arith.constant 0 : index
      %get3A_85 = vector.load %arg11[%get3A_83, %get3A_84] : memref<128x1xf32, #tpu.memory_space<vmem>>, vector<128x1xf32>
      %dot_general3A_86 = arith.constant dense<0.000000e+00> : vector<1x1xf32>
      %dot_general3A_87 = tpu.matmul %max3A_82, %get3A_85, %dot_general3A_86 {dimension_numbers = #tpu.dot_dimension_numbers<[1], [0], [0], [1], [0, 0, 1, 1], [], []>, transpose_lhs_hint = false} : vector<1x128xf32>, vector<128x1xf32>, vector<1x1xf32> -> vector<1x1xf32>
      %get3A_88 = arith.constant 0 : index
      %get3A_89 = arith.constant 0 : index
      %get3A_90 = vector.load %arg12[%get3A_88, %get3A_89] : memref<1x1xf32, #tpu.memory_space<vmem>>, vector<1x1xf32>
      %get3A_91 = vector.extract %get3A_90[0, 0] : f32 from vector<1x1xf32>
      %add3A_92 = vector.broadcast %get3A_91 : f32 to vector<1x1xf32>
      %add3A_93 = arith.addf %dot_general3A_87, %add3A_92 : vector<1x1xf32>
      %broadcast_in_dim3A_94 = vector.shape_cast %add3A_93 : vector<1x1xf32> to vector<1x1xf32>
      %broadcast_in_dim3A_95 = vector.broadcast %broadcast_in_dim3A_94 : vector<1x1xf32> to vector<1x128xf32>
      %swap3A_96 = arith.constant 0 : index
      %swap3A_97 = arith.constant 0 : index
      %swap3A_98 = vector.load %arg15[%swap3A_96, %swap3A_97] : memref<1x128xf32, #tpu.memory_space<vmem>>, vector<1x128xf32>
      tpu.vector_store %arg15[%swap3A_96, %swap3A_97], %broadcast_in_dim3A_95 {strides = array<i32>} : memref<1x128xf32, #tpu.memory_space<vmem>>, vector<1x128xf32>,
    } else {
    }
    return
  }
  func.func @transform_0(%arg0: i32) -> (i32, i32, i32) {
    %jit3A = arith.constant 5 : i32
    %div3A = arith.divsi %arg0, %jit3A : i32
    %sign3A = arith.constant 0 : i32
    %sign3A_0 = arith.cmpi sgt, %arg0, %sign3A : i32
    %sign3A_1 = arith.extui %sign3A_0 : i1 to i32
    %sign3A_2 = arith.constant 0 : i32
    %sign3A_3 = arith.cmpi slt, %arg0, %sign3A_2 : i32
    %sign3A_4 = arith.extui %sign3A_3 : i1 to i32
    %sign3A_5 = arith.subi %sign3A_1, %sign3A_4 : i32
    %sign3A_6 = arith.constant 0 : i32
    %sign3A_7 = arith.cmpi sgt, %jit3A, %sign3A_6 : i32
    %sign3A_8 = arith.extui %sign3A_7 : i1 to i32
    %sign3A_9 = arith.constant 0 : i32
    %sign3A_10 = arith.cmpi slt, %jit3A, %sign3A_9 : i32
    %sign3A_11 = arith.extui %sign3A_10 : i1 to i32
    %sign3A_12 = arith.subi %sign3A_8, %sign3A_11 : i32
    %ne3A = arith.cmpi ne, %sign3A_5, %sign3A_12 : i32
    %rem3A = arith.remsi %arg0, %jit3A : i32
    %ne3A_13 = arith.constant 0 : i32
    %ne3A_14 = arith.cmpi ne, %rem3A, %ne3A_13 : i32
    %and3A = arith.andi %ne3A, %ne3A_14 : i1
    %sub3A = arith.constant 1 : i32
    %sub3A_15 = arith.subi %div3A, %sub3A : i32
    %select_n3A = arith.select %and3A, %sub3A_15, %div3A : i32
    %jit3A_16 = arith.constant 5 : i32
    %eq3A = arith.constant 0 : i32
    %eq3A_17 = arith.cmpi eq, %jit3A_16, %eq3A : i32
    %jit3A_18 = arith.constant 1 : i32
    %select_n3A_19 = arith.select %eq3A_17, %jit3A_18, %jit3A_16 : i32
    %rem3A_20 = arith.remsi %arg0, %select_n3A_19 : i32
    %ne3A_21 = arith.constant 0 : i32
    %ne3A_22 = arith.cmpi ne, %rem3A_20, %ne3A_21 : i32
    %lt3A = arith.constant 0 : i32
    %lt3A_23 = arith.cmpi slt, %rem3A_20, %lt3A : i32
    %lt3A_24 = arith.constant 0 : i32
    %lt3A_25 = arith.cmpi slt, %select_n3A_19, %lt3A_24 : i32
    %ne3A_26 = arith.xori %lt3A_23, %lt3A_25 : i1
    %and3A_27 = arith.andi %ne3A_26, %ne3A_22 : i1
    %add3A = arith.addi %rem3A_20, %select_n3A_19 : i32
    %select_n3A_28 = arith.select %and3A_27, %add3A, %rem3A_20 : i32
    %c0_i32 = arith.constant 0 : i32
    %c0_i32_29 = arith.constant 0 : i32
    return %select_n3A, %select_n3A_28, %c0_i32 : i32, i32, i32
  }
  func.func @transform_1(%arg0: i32) -> (i32, i32) {
    %c0_i32 = arith.constant 0 : i32
    %c0_i32_0 = arith.constant 0 : i32
    return %arg0, %c0_i32 : i32, i32
  }
  func.func @transform_2(%arg0: i32) -> (i32, i32, i32) {
    %c0_i32 = arith.constant 0 : i32
    %c0_i32_0 = arith.constant 0 : i32
    %c0_i32_1 = arith.constant 0 : i32
    return %c0_i32, %arg0, %c0_i32_0 : i32, i32, i32
  }
  func.func @transform_3(%arg0: i32) -> (i32, i32) {
    %c0_i32 = arith.constant 0 : i32
    %c0_i32_0 = arith.constant 0 : i32
    %c0_i32_1 = arith.constant 0 : i32
    return %c0_i32, %c0_i32_0 : i32, i32
  }
  func.func @transform_4(%arg0: i32) -> (i32, i32) {
    %c0_i32 = arith.constant 0 : i32
    %c0_i32_0 = arith.constant 0 : i32
    %c0_i32_1 = arith.constant 0 : i32
    return %c0_i32, %c0_i32_0 : i32, i32
  }
  func.func @transform_5(%arg0: i32) -> (i32, i32) {
    %c0_i32 = arith.constant 0 : i32
    %c0_i32_0 = arith.constant 0 : i32
    %c0_i32_1 = arith.constant 0 : i32
    return %c0_i32, %c0_i32_0 : i32, i32
  }
  func.func @transform_6(%arg0: i32) -> (i32, i32) {
    %c0_i32 = arith.constant 0 : i32
    %c0_i32_0 = arith.constant 0 : i32
    %c0_i32_1 = arith.constant 0 : i32
    return %c0_i32, %c0_i32_0 : i32, i32
  }
  func.func @transform_7(%arg0: i32) -> (i32, i32) {
    %c0_i32 = arith.constant 0 : i32
    %c0_i32_0 = arith.constant 0 : i32
    %c0_i32_1 = arith.constant 0 : i32
    return %c0_i32, %c0_i32_0 : i32, i32
  }
  func.func @transform_8(%arg0: i32) -> (i32, i32) {
    %c0_i32 = arith.constant 0 : i32
    %c0_i32_0 = arith.constant 0 : i32
    %c0_i32_1 = arith.constant 0 : i32
    return %c0_i32, %c0_i32_0 : i32, i32
  }
  func.func @transform_9(%arg0: i32) -> (i32, i32) {
    %c0_i32 = arith.constant 0 : i32
    %c0_i32_0 = arith.constant 0 : i32
    %c0_i32_1 = arith.constant 0 : i32
    return %c0_i32, %c0_i32_0 : i32, i32
  }
  func.func @transform_10(%arg0: i32) -> (i32, i32) {
    %c0_i32 = arith.constant 0 : i32
    %c0_i32_0 = arith.constant 0 : i32
    %c0_i32_1 = arith.constant 0 : i32
    return %c0_i32, %c0_i32_0 : i32, i32
  }
  func.func @transform_11(%arg0: i32) -> (i32, i32) {
    %c0_i32 = arith.constant 0 : i32
    %c0_i32_0 = arith.constant 0 : i32
    %c0_i32_1 = arith.constant 0 : i32
    return %c0_i32, %c0_i32_0 : i32, i32
  }
  func.func @transform_12(%arg0: i32) -> (i32, i32) {
    %c0_i32 = arith.constant 0 : i32
    %c0_i32_0 = arith.constant 0 : i32
    return %arg0, %c0_i32 : i32, i32
  }
  func.func @transform_13(%arg0: i32) -> (i32, i32) {
    %c0_i32 = arith.constant 0 : i32
    %c0_i32_0 = arith.constant 0 : i32
    %c0_i32_1 = arith.constant 0 : i32
    return %c0_i32, %c0_i32_0 : i32, i32
  }
  func.func @transform_14(%arg0: i32) -> (i32, i32) {
    %c0_i32 = arith.constant 0 : i32
    %c0_i32_0 = arith.constant 0 : i32
    %c0_i32_1 = arith.constant 0 : i32
    return %c0_i32, %c0_i32_0 : i32, i32
  }
}

</mosaic_0001>

<sc_bundles>
// kernel: kernel.11.cloned.1.call-start
scs
__scs_entry_jumppad:
0x0: {  	(pc) =	sbr.rel $0x88, $3  }
0x1: {  	(tag) =	ssettag $0x0;
	lr =	simm.s32 $0x1  }
0x2: {  	[smem:$0x3F8F] =	sst lr;
	_ =	strace $0xD0000000  }
0x3: {  	_ = 	snop  }
0x4: {  	_ = 	snop  }
0x5: {  	_ = 	snop  }
0x6: {  	_ = 	snop  }
0x7: {  	_ = 	snop  }
__scs_overlays_trampoline_lowered:
0x8: {  	[smem:$0x3F9E] =	sst s0  }
0x9: {  	[smem:$0x3F9F] =	sst s1  }
0xa: {  	[smem:$0x3FA0] =	sst s2  }
0xb: {  	[smem:$0x3FA1] =	sst s3  }
0xc: {  	[smem:$0x3FA2] =	sst s4  }
0xd: {  	[smem:$0x3FA3] =	sst s5  }
0xe: {  	[smem:$0x3FA4] =	sst s6  }
0xf: {  	[smem:$0x3FA5] =	sst s7  }
0x10: {  	[smem:$0x3FA6] =	sst s8  }
0x11: {  	[smem:$0x3FA7] =	sst s9;
	s0 =	simm.s32 @!p0 $0x0  }
0x12: {  	s1 =	sld [smem:$0x3F8D];
	s0 =	simm.s32 @p0 $0x1  }
0x13: {  	[smem:$0x3FA8] =	sst s0;
	s0 =	simm.s32 @!p1 $0x0  }
0x14: {  	s2 =	sld [smem:$0x3F8C];
	s0 =	simm.s32 @p1 $0x1  }
0x15: {  	[smem:$0x3FA9] =	sst s0;
	s0 =	simm.s32 @!p2 $0x0  }
0x16: {  	s3 =	sld [smem:$0x3FDB];
	s0 =	simm.s32 @p2 $0x1  }
0x17: {  	s4 =	simm.s32 $0x1BF5;
	[smem:$0x3FAB] =	sst s0  }
0x18: {  	s0 =	sld [smem:$0x3F8E];
	_ =	swait.ge [sflag:s4], $0x0  }
0x19: {  	s7 =	sld [smem:$0x3F8F]  }
0x1a: {  	s8 =	sadd.s32 $0xFFFFE003, lr  }
0x1b: {  	s9 =	sadd.s32 $0xFFFFFEF7, lr;
	s5 =	simm.s32 $0xFFFFFFFF;
	p2 =	slt.u32 s8, $0xFFFFF086  }
0x1c: {  	p1 =	slt.u32 s9, $0xF7A;
	s5 =	simm.s32 @!p2 $0x0  }
0x1d: {  	s5 =	simm.s32 @p1 $0x1;
	p0 =	seq.s32 s7, s2  }
0x1e: {  	s7 =	smul.u32 @!p0 $0xF7A, s2;
	p2 =	seq.s32 @!p0 s5, $0x0  }
0x1f: {  	s9 =	smul.u32 $0xF7A, s1;
	s8 =	simm.s32 @!p0 $0x1BF5;
	p2 =	por !p2, p0  }
0x20: {  	[sflag:s8] =	ssyncset.s32 @!p0 $0xFFFFF086;
	s6 =	sadd.s32 @!p0 s3, s7;
	s7 =	simm.s32 @!p0 $0x108  }
0x21: {  	s3 =	sadd.s32 s3, s9;
	s6 =	sadd.s32 @!p0 $0x88, s6;
	s7 =	simm.s32 @p2 $0x1082  }
0x22: {  	[simem:s7], [sflag:s8] =	dma.local @!p0 [hbm:s6], $0xF7A  }
0x23: {  	s9 =	sor.u32 $0xD0000000, s2;
	s6 =	simm.s32 $0x108;
	_ =	swait.ge @!p0 [sflag:s8], $0x0  }
0x24: {  	s3 =	sadd.s32 $0x88, s3;
	s6 =	simm.s32 @!p1 $0x1082;
	[sflag:s4] =	ssyncset.s32 $0xFFFFF086  }
0x25: {  	[simem:s6], [sflag:s4] =	dma.local [hbm:s3], $0xF7A  }
0x26: {  	[smem:$0x3F8F] =	sst s1;
	(tag) =	ssettag s2;
	_ =	strace s9  }
0x27: {  	s1 =	sld [smem:$0x3F9F]  }
0x28: {  	s2 =	sld [smem:$0x3FA0]  }
0x29: {  	s4 =	sld [smem:$0x3FA2]  }
0x2a: {  	p0 =	seq.s32 s5, $0x0;
	s5 =	sld [smem:$0x3FA3]  }
0x2b: {  	s6 =	sld [smem:$0x3FA4]  }
0x2c: {  	s7 =	sld [smem:$0x3FA5]  }
0x2d: {  	s3 =	simm.s32 $0x108;
	s8 =	sld [smem:$0x3FA6]  }
0x2e: {  	s3 =	simm.s32 @!p0 $0x1082;
	s9 =	sld [smem:$0x3FA7]  }
0x2f: {  	lr =	sadd.s32 s0, s3;
	s0 =	sld [smem:$0x3F9E]  }
0x30: {  	s3 =	sld [smem:$0x3FA1]  }
0x31: {  	[smem:$0x3FAA] =	sst s10  }
0x32: {  	s10 =	sld [smem:$0x3FA8];
	_ =	sdelay $0x3  }
0x33: {  	p0 =	seq.s32 s10, $0x1;
	s10 =	sld [smem:$0x3FAA];
	_ =	sdelay $0x3  }
0x34: {  	[smem:$0x3FAA] =	sst s10  }
0x35: {  	s10 =	sld [smem:$0x3FA9];
	_ =	sdelay $0x3  }
0x36: {  	p1 =	seq.s32 s10, $0x1;
	s10 =	sld [smem:$0x3FAA];
	_ =	sdelay $0x3  }
0x37: {  	[smem:$0x3FAA] =	sst s10  }
0x38: {  	s10 =	sld [smem:$0x3FAB]  }
0x39: {  	_ = 	snop;
	(pc) =	sbr.ind lr, $3  }
0x3a: {  	_ = 	snop  }
0x3b: {  	_ = 	snop  }
0x3c: {  	p2 =	seq.s32 s10, $0x1;
	s10 =	sld [smem:$0x3FAA]  }
0x3d: {  	_ =	shalt  }
0x3e: {  	_ =	shalt  }
0x3f: {  	_ =	shalt  }
0x40: {  	_ =	shalt  }
0x41: {  	_ =	shalt  }
0x42: {  	_ =	shalt  }
0x43: {  	_ =	shalt  }
0x44: {  	_ =	shalt  }
0x45: {  	_ =	shalt  }
0x46: {  	_ =	shalt  }
0x47: {  	_ =	shalt  }
0x48: {  	_ =	shalt  }
0x49: {  	_ =	shalt  }
0x4a: {  	_ =	shalt  }
0x4b: {  	_ =	shalt  }
0x4c: {  	_ =	shalt  }
0x4d: {  	_ =	shalt  }
0x4e: {  	_ =	shalt  }
0x4f: {  	_ =	shalt  }
0x50: {  	_ =	shalt  }
0x51: {  	_ =	shalt  }
0x52: {  	_ =	shalt  }
0x53: {  	_ =	shalt  }
0x54: {  	_ =	shalt  }
0x55: {  	_ =	shalt  }
0x56: {  	_ =	shalt  }
0x57: {  	_ =	shalt  }
0x58: {  	_ =	shalt  }
0x59: {  	_ =	shalt  }
0x5a: {  	_ =	shalt  }
0x5b: {  	_ =	shalt  }
0x5c: {  	_ =	shalt  }
0x5d: {  	_ =	shalt  }
0x5e: {  	_ =	shalt  }
0x5f: {  	_ =	shalt  }
0x60: {  	_ =	shalt  }
0x61: {  	_ =	shalt  }
0x62: {  	_ =	shalt  }
0x63: {  	_ =	shalt  }
0x64: {  	_ =	shalt  }
0x65: {  	_ =	shalt  }
0x66: {  	_ =	shalt  }
0x67: {  	_ =	shalt  }
0x68: {  	_ =	shalt  }
0x69: {  	_ =	shalt  }
0x6a: {  	_ =	shalt  }
0x6b: {  	_ =	shalt  }
0x6c: {  	_ =	shalt  }
0x6d: {  	_ =	shalt  }
0x6e: {  	_ =	shalt  }
0x6f: {  	_ =	shalt  }
0x70: {  	_ =	shalt  }
0x71: {  	_ =	shalt  }
0x72: {  	_ =	shalt  }
0x73: {  	_ =	shalt  }
0x74: {  	_ =	shalt  }
0x75: {  	_ =	shalt  }
0x76: {  	_ =	shalt  }
0x77: {  	_ =	shalt  }
0x78: {  	_ =	shalt  }
0x79: {  	_ =	shalt  }
0x7a: {  	_ =	shalt  }
0x7b: {  	_ =	shalt  }
0x7c: {  	_ =	shalt  }
0x7d: {  	_ =	shalt  }
0x7e: {  	_ =	shalt  }
0x7f: {  	_ =	shalt  }
0x80: {  	_ =	shalt  }
0x81: {  	_ =	shalt  }
0x82: {  	_ =	shalt  }
0x83: {  	_ =	shalt  }
0x84: {  	_ =	shalt  }
0x85: {  	_ =	shalt  }
0x86: {  	_ =	shalt  }
0x87: {  	_ =	shalt  }
.Lfunc_end0:
.L_simem_size_0:
called_computation.1_lowered:
.L_overlay_start_0:
0x88: {  	s2 =	sld [smem:$0x3FD9]  }
0x89: {  	s3 =	sld [smem:$0x3FFE];
	_ =	sdelay $0x1  }
0x8a: {  	s1 =	srdreg.scid  }
0x8b: {  	s0 =	sand.u32 $0x1, s1  }
0x8c: {  	s16 =	sshll.u32 s0, $0xA;
	s2 =	sadd.s32 s3, s2  }
0x8d: {  	s2 =	sadd.s32 s2, s16  }
0x8e: {  	[smem:$0x3FB6] =	sst s2  }
0x8f: {  	_ = 	snop  }
0x90: {  	(tm) =	ssettm $0x1  }
0x91: {  	s17 =	sld [smem:$0x3FFB];
	_ =	sdelay $0x3  }
0x92: {  	_ =	strace s17  }
0x93: {  	s2 =	sld [smem:$0x3FFC];
	_ =	sdelay $0x3  }
0x94: {  	_ =	strace s2  }
0x95: {  	s2 =	sld [smem:$0x3FFD];
	_ =	sdelay $0x3  }
0x96: {  	_ =	strace s2  }
0x97: {  	_ =	strace $0x8FFFFFFF  }
0x98: {  	s18 =	sld [smem:$0x3FDB];
	_ =	sdelay $0x1  }
0x99: {  	s19 =	simm.s32 $_scs_section_size  }
0x9a: {  	s4 =	simm.s32 $_size__tile_overlayer_lowered;
	s5 =	simm.s32 $_tile_overlayer_lowered  }
0x9b: {  	s22 =	simm.s32 $0x1BFF;
	s21 =	sshll.u32 s5, $0x1;
	s2 =	sadd.s32 s19, s18  }
0x9c: {  	s6 =	simm.s32 $0x0;
	s20 =	sshll.u32 s4, $0x1;
	s4 =	sadd.s32 s21, s2  }
0x9d: {  	[timem:s6], [sflag:s22] =	dma.local [hbm:s4], s20  }
0x9e: {  	_ =	swait.ge [sflag:s22], s20  }
0x9f: {  	s3 =	ssub.s32 $0x0, s20;
	[sflag:s22] =	ssyncset.done $0x0  }
0xa0: {  	[sflag:s22] =	ssyncadd.s32 s3;
	_ =	sdelay $0x1  }
0xa1: {  	s23 =	simm.s32 $0x1B8B  }
0xa2: {  	_ =	swait.ge [sflag:s23], $0x1  }
0xa3: {  	[sflag:s23] =	ssyncset.done $0x0  }
0xa4: {  	s25 =	simm.s32 $0x1B8E;
	s24 =	sld [smem:$0x3FFE];
	[sflag:s23] =	ssyncadd.s32 $0xFFFFFFFF  }
0xa5: {  	s26 =	simm.s32 $execute0_lowered;
	[smem:$0x3FD2] =	sst s25  }
0xa6: {  	s4 =	sshll.u32 s26, $0x1;
	_ =	strace $0x80000049;
	[dreg:$0x1] =	wrdreg $0xFFFFFFFF  }
0xa7: {  	s28 =	simm.s32 $_size_execute0_lowered;
	s2 =	sadd.s32 s2, s4;
	[dreg:$0x0] =	wrdreg $0x0  }
0xa8: {  	s4 =	sshll.u32 s28, $0x1;
	[dreg:$0x2] =	wrdreg s2  }
0xa9: {  	[dreg:$0x3] =	wrdreg s4  }
0xaa: {  	[dreg:$0x4] =	wrdreg $0xC0  }
0xab: {  	_ =	task [dreg:s6], $0x5FFFF  }
0xac: {  	[dreg:$0x1] =	wrdreg $0xFFFFFFFF  }
0xad: {  	[dreg:$0x0] =	wrdreg $0x60  }
0xae: {  	[dreg:$0x2] =	wrdreg s24  }
0xaf: {  	[dreg:$0x3] =	wrdreg $0x128000  }
0xb0: {  	[dreg:$0x4] =	wrdreg $0x9  }
0xb1: {  	_ =	task.clear_ibuf [dreg:s6], $0x5FFFF;
	_ =	strace $0x90000049  }
0xb2: {  	s29 =	simm.s32 $0x9;
	_ =	strace $0x8000004B  }
0xb3: {  	_ =	swait.ge [sflag:s29], $0x1  }
0xb4: {  	[sflag:s29] =	ssyncadd.s32 $0xFFFFFFFF  }
0xb5: {  	_ =	strace $0x9000004B  }
0xb6: {  	_ =	sfence  }
0xb7: {  	s30 =	sld [smem:$0x0];
	_ =	sdelay $0x2  }
0xb8: {  	s31 =	sshll.u32 s1, $0xD;
	s1 =	sshrl.u32 s1, $0x2  }
0xb9: {  	s3 =	sand.u32 $0x4000, s31;
	s1 =	sadd.s32 s1, s30  }
0xba: {  	s0 =	sor.u32 s3, s0;
	s1 =	sshll.u32 s1, $0x11  }
0xbb: {  	s0 =	sor.u32 s1, s0  }
0xbc: {  	s0 =	sadd.s32 $0x8F2B, s0  }
0xbd: {  	[sflag:s0] =	ssyncadd.remote.s32 $0x1  }
0xbe: {  	_ =	sfence.sel $0xFFFF  }
0xbf: {  	[dreg:$0x0] =	wrdreg $0xFFFFFFFF;
	(pc) =	sbr.abs _section_cstart, $3  }
0xc0: {  	[dreg:$0x1] =	wrdreg $0xFFFFFFFF  }
0xc1: {  	_ =	task.clear_ibuf [dreg:s6], $0x2FFFF;
	_ =	strace $0x9FFFFFFF  }
0xc2: {  	(tm) =	ssettm $0x7FFFFFFF  }
0xc3: {  	_ =	shalt  }
tec
execute0_lowered:
.L_overlay_start_1:
0x0: {  	(tag) =	ssettag $0x1  }
0x1: {  	s0 =	rddreg [dreg:$0x0];
	s9 =	stileid.u32  }
0x2: {  	s2 =	rddreg [dreg:$0x1];
	s3 =	simm.s32 $0x0;
	s25 =	smul.u32 $0xA00, s9  }
0x3: {  	s1 =	srdreg.scid;
	s30 =	simm.s32 $0x3;
	s8 =	smul.u32 $0x28000, s9  }
0x4: {  	s31 =	simm.s32 $0x80;
	s1 =	sand.u32 $0x1, s1;
	s11 =	smul.u32 $0x1400, s9  }
0x5: {  	[smem:$0x7FF] =	sst s3;
	s4 =	sadd.s32 $0x67800, s0;
	s5 =	smul.u32 $0x14000, s1  }
0x6: {  	_ =	strace $0x8000004A;
	s6 =	ssub.s32 $0x2, s1;
	s10 =	smul.u32 $0x1388, s1  }
0x7: {  	s1 =	simm.s32 $0xA000;
	s7 =	sshrl.u32 s6, $0x1;
	s3 =	sadd.s32 s25, s0  }
0x8: {  	s8 =	sshrl.u32 s8, $0x2;
	s26 =	ssub.s32 s6, s7;
	s7 =	sadd.s32 $0x5D800, s3  }
0x9: {  	s0 =	sadd.s32 s5, s0;
	s3 =	sadd.s32 $0x3800, s3;
	[dreg:$0x3] =	wrdreg s7  }
0xa: {  	s5 =	simm.s32 $0x1;
	s6 =	simm.s32 $0x2;
	[dreg:$0x4] =	wrdreg s3  }
0xb: {  	s7 =	sadd.s32 s8, s2;
	s0 =	sadd.s32 $0x8EA00, s0;
	s23 =	smax.u32 s26, $0x1  }
0xc: {  	s3 =	simm.s32 $0xE000;
	s8 =	simm.s32 $0x0;
	[dreg:$0x5] =	wrdreg s23  }
0xd: {  	s24 =	sadd.s32 $0x800, s7;
	s25 =	sadd.s32 $0x1000, s7;
	s26 =	sadd.s32 $0x1800, s7  }
0xe: {  	s12 =	sadd.s32 $0x2000, s7;
	s13 =	sadd.s32 $0x2800, s7;
	s14 =	sadd.s32 $0x3000, s7  }
0xf: {  	s15 =	sadd.s32 $0x3800, s7;
	s16 =	sadd.s32 $0x4000, s7;
	s17 =	sadd.s32 $0x4800, s7  }
0x10: {  	s18 =	sadd.s32 $0x5000, s7;
	s19 =	sadd.s32 $0x5800, s7;
	s20 =	sadd.s32 $0x6000, s7  }
0x11: {  	s21 =	sadd.s32 $0x6800, s7;
	s22 =	sadd.s32 $0x7000, s7;
	[dreg:$0x6] =	wrdreg s24  }
0x12: {  	s23 =	sadd.s32 s11, s0;
	s28 =	sadd.s32 $0x9000, s7;
	[dreg:$0x7] =	wrdreg s25  }
0x13: {  	s29 =	sadd.s32 $0x9800, s7;
	s0 =	simm.s32 $0x12000;
	[dreg:$0x8] =	wrdreg s26  }
0x14: {  	v1 =	vimm.f32 $0.0e+00;
	v0 =	vmov s10;
	s24 =	sadd.s32 $0x7800, s7;
	s25 =	sadd.s32 $0x8000, s7;
	s26 =	sadd.s32 $0x8800, s7  }
.LBB2_1:
0x15: {  	s9 =	simm.s32 $0x0;
	s10 =	rddreg [dreg:$0x3]  }
0x16: {  	[tilespmem:s9], [sflag:$0x3] =	stream.linear.gather [hbm4b:s10+s9], $0x5000, $0x38;
	[tilespmem:$0x1C800] =	vst v63  }
0x17: {  	_ =	swait.ge [sflag:s30], $0x5000  }
0x18: {  	[sflag:s30] =	ssyncset.done $0x0  }
0x19: {  	s11 =	simm.s32 $0x5000;
	s10 =	rddreg [dreg:$0x4];
	[sflag:s30] =	ssyncadd.s32 $0xFFFFB000  }
0x1a: {  	[tilespmem:s11], [sflag:$0x3] =	stream.linear.gather [hbm4b:s10+s9], $0x5000, $0x38;
	[tilespmem:$0x1C800] =	vst v63  }
0x1b: {  	_ =	swait.ge [sflag:s30], $0x5000  }
0x1c: {  	[sflag:s30] =	ssyncset.done $0x0  }
0x1d: {  	s9 =	simm.s32 $0x0;
	[sflag:s30] =	ssyncadd.s32 $0xFFFFB000  }
0x1e: {  	v3 =	vld [tilespmem:s9+$0x5000]  }
0x1f: {  	v4 =	vld [tilespmem:s9+$0x5010]  }
0x20: {  	v6 =	vld [tilespmem:s9+$0x5020]  }
0x21: {  	v5 =	vld [tilespmem:s9+$0x5030]  }
0x22: {  	v2 =	vld [tilespmem:s9+$0x5040]  }
0x23: {  	v7 =	vsub.s32 v3, v0;
	v3 =	vld [tilespmem:s9+$0x5050]  }
0x24: {  	s10 =	simm.s32 $0x200;
	v8 =	vsub.s32 v4, v0;
	v4 =	vld [tilespmem:s9+$0x5060];
	v7 =	vmin.u32 v7, $0x1388  }
.LBB2_2:
0x25: {  	s11 =	sshra.s32 s10, $0x2;
	p0 =	sne.s32 s10, $0x13E00;
	[tilespmem:s9+$0x5000] =	vst v7;
	v7 =	vmin.u32 v8, $0x1388;
	v6 =	vsub.s32 v6, v0;
	v8 =	vld [tilespmem:s9+$0x5070]  }
0x26: {  	v9 =	vld [tilespmem:s11+$0x5000];
	[tilespmem:s9+$0x5010] =	vst v7;
	v6 =	vmin.u32 v6, $0x1388;
	v5 =	vsub.s32 v5, v0  }
0x27: {  	v10 =	vld [tilespmem:s11+$0x5010];
	[tilespmem:s9+$0x5020] =	vst v6;
	v5 =	vmin.u32 v5, $0x1388;
	v2 =	vsub.s32 v2, v0  }
.Ltmp0:
0x28: {  	v6 =	vld [tilespmem:s11+$0x5020];
	[tilespmem:s9+$0x5030] =	vst v5;
	v2 =	vmin.u32 v2, $0x1388;
	v3 =	vsub.s32 v3, v0;
	(pc) =	sbr.rel @p0 .LBB2_2-.Ltmp0, $4  }
0x29: {  	v5 =	vld [tilespmem:s11+$0x5030];
	[tilespmem:s9+$0x5040] =	vst v2;
	v3 =	vmin.u32 v3, $0x1388;
	v4 =	vsub.s32 v4, v0  }
0x2a: {  	v2 =	vld [tilespmem:s11+$0x5040];
	[tilespmem:s9+$0x5050] =	vst v3;
	v4 =	vmin.u32 v4, $0x1388;
	v7 =	vsub.s32 v8, v0  }
0x2b: {  	v8 =	vsub.s32 v9, v0;
	v3 =	vld [tilespmem:s11+$0x5050];
	[tilespmem:s9+$0x5060] =	vst v4;
	v9 =	vmin.u32 v7, $0x1388  }
0x2c: {  	s10 =	sadd.s32 $0x200, s10;
	v7 =	vmin.u32 v8, $0x1388;
	v8 =	vsub.s32 v10, v0;
	v4 =	vld [tilespmem:s11+$0x5060];
	[tilespmem:s9+$0x5070] =	vst v9;
	s9 =	smov.u32 s11  }
0x2d: {  	[tilespmem:s9+$0x5000] =	vst v7;
	v62 =	vmin.u32 v8, $0x1388;
	v6 =	vsub.s32 v6, v0;
	v63 =	vld [tilespmem:s9+$0x5070]  }
0x2e: {  	[tilespmem:s9+$0x5010] =	vst v62;
	v6 =	vmin.u32 v6, $0x1388;
	v5 =	vsub.s32 v5, v0  }
0x2f: {  	[tilespmem:s9+$0x5020] =	vst v6;
	v5 =	vmin.u32 v5, $0x1388;
	v2 =	vsub.s32 v2, v0  }
0x30: {  	[tilespmem:s9+$0x5030] =	vst v5;
	v2 =	vmin.u32 v2, $0x1388;
	v3 =	vsub.s32 v3, v0  }
0x31: {  	[tilespmem:s9+$0x5040] =	vst v2;
	v2 =	vmin.u32 v3, $0x1388;
	v3 =	vsub.s32 v4, v0  }
0x32: {  	[tilespmem:s9+$0x5050] =	vst v2;
	v2 =	vmin.u32 v3, $0x1388;
	v3 =	vsub.s32 v63, v0  }
0x33: {  	[tilespmem:s9+$0x5060] =	vst v2;
	v2 =	vmin.u32 v3, $0x1388  }
0x34: {  	[tilespmem:s9+$0x5070] =	vst v2  }
0x35: {  	[tilespmem:$0x12000] =	vst v1  }
0x36: {  	[tilespmem:$0x12010] =	vst v1  }
0x37: {  	[tilespmem:$0x12020] =	vst v1  }
0x38: {  	[tilespmem:$0x12030] =	vst v1  }
0x39: {  	[tilespmem:$0x12040] =	vst v1  }
0x3a: {  	[tilespmem:$0x12050] =	vst v1  }
0x3b: {  	[tilespmem:$0x12060] =	vst v1  }
0x3c: {  	[tilespmem:$0x12070] =	vst v1  }
0x3d: {  	[tilespmem:$0x12080] =	vst v1  }
0x3e: {  	[tilespmem:$0x12090] =	vst v1  }
0x3f: {  	[tilespmem:$0x120A0] =	vst v1  }
0x40: {  	[tilespmem:$0x120B0] =	vst v1  }
0x41: {  	[tilespmem:$0x120C0] =	vst v1  }
0x42: {  	[tilespmem:$0x120D0] =	vst v1  }
0x43: {  	[tilespmem:$0x120E0] =	vst v1  }
0x44: {  	[tilespmem:$0x120F0] =	vst v1  }
0x45: {  	[tilespmem:$0x12100] =	vst v1  }
0x46: {  	[tilespmem:$0x12110] =	vst v1  }
0x47: {  	[tilespmem:$0x12120] =	vst v1  }
0x48: {  	[tilespmem:$0x12130] =	vst v1  }
0x49: {  	[tilespmem:$0x12140] =	vst v1  }
0x4a: {  	[tilespmem:$0x12150] =	vst v1  }
0x4b: {  	[tilespmem:$0x12160] =	vst v1  }
0x4c: {  	[tilespmem:$0x12170] =	vst v1  }
0x4d: {  	[tilespmem:$0x12180] =	vst v1  }
0x4e: {  	[tilespmem:$0x12190] =	vst v1  }
0x4f: {  	[tilespmem:$0x121A0] =	vst v1  }
0x50: {  	[tilespmem:$0x121B0] =	vst v1  }
0x51: {  	[tilespmem:$0x121C0] =	vst v1  }
0x52: {  	[tilespmem:$0x121D0] =	vst v1  }
0x53: {  	[tilespmem:$0x121E0] =	vst v1  }
0x54: {  	[tilespmem:$0x121F0] =	vst v1  }
0x55: {  	[tilespmem:$0x12200] =	vst v1  }
0x56: {  	[tilespmem:$0x12210] =	vst v1  }
0x57: {  	[tilespmem:$0x12220] =	vst v1  }
0x58: {  	[tilespmem:$0x12230] =	vst v1  }
0x59: {  	[tilespmem:$0x12240] =	vst v1  }
0x5a: {  	[tilespmem:$0x12250] =	vst v1  }
0x5b: {  	[tilespmem:$0x12260] =	vst v1  }
0x5c: {  	[tilespmem:$0x12270] =	vst v1  }
0x5d: {  	[tilespmem:$0x12280] =	vst v1  }
0x5e: {  	[tilespmem:$0x12290] =	vst v1  }
0x5f: {  	[tilespmem:$0x122A0] =	vst v1  }
0x60: {  	[tilespmem:$0x122B0] =	vst v1  }
0x61: {  	[tilespmem:$0x122C0] =	vst v1  }
0x62: {  	[tilespmem:$0x122D0] =	vst v1  }
0x63: {  	[tilespmem:$0x122E0] =	vst v1  }
0x64: {  	[tilespmem:$0x122F0] =	vst v1  }
0x65: {  	[tilespmem:$0x12300] =	vst v1  }
0x66: {  	[tilespmem:$0x12310] =	vst v1  }
0x67: {  	[tilespmem:$0x12320] =	vst v1  }
0x68: {  	[tilespmem:$0x12330] =	vst v1  }
0x69: {  	[tilespmem:$0x12340] =	vst v1  }
0x6a: {  	[tilespmem:$0x12350] =	vst v1  }
0x6b: {  	[tilespmem:$0x12360] =	vst v1  }
0x6c: {  	[tilespmem:$0x12370] =	vst v1  }
0x6d: {  	[tilespmem:$0x12380] =	vst v1  }
0x6e: {  	[tilespmem:$0x12390] =	vst v1  }
0x6f: {  	[tilespmem:$0x123A0] =	vst v1  }
0x70: {  	[tilespmem:$0x123B0] =	vst v1  }
0x71: {  	[tilespmem:$0x123C0] =	vst v1  }
0x72: {  	[tilespmem:$0x123D0] =	vst v1  }
0x73: {  	[tilespmem:$0x123E0] =	vst v1  }
0x74: {  	[tilespmem:$0x123F0] =	vst v1  }
0x75: {  	[tilespmem:$0x12400] =	vst v1  }
0x76: {  	[tilespmem:$0x12410] =	vst v1  }
0x77: {  	[tilespmem:$0x12420] =	vst v1  }
0x78: {  	[tilespmem:$0x12430] =	vst v1  }
0x79: {  	[tilespmem:$0x12440] =	vst v1  }
0x7a: {  	[tilespmem:$0x12450] =	vst v1  }
0x7b: {  	[tilespmem:$0x12460] =	vst v1  }
0x7c: {  	[tilespmem:$0x12470] =	vst v1  }
0x7d: {  	[tilespmem:$0x12480] =	vst v1  }
0x7e: {  	[tilespmem:$0x12490] =	vst v1  }
0x7f: {  	[tilespmem:$0x124A0] =	vst v1  }
0x80: {  	[tilespmem:$0x124B0] =	vst v1  }
0x81: {  	[tilespmem:$0x124C0] =	vst v1  }
0x82: {  	[tilespmem:$0x124D0] =	vst v1  }
0x83: {  	[tilespmem:$0x124E0] =	vst v1  }
0x84: {  	[tilespmem:$0x124F0] =	vst v1  }
0x85: {  	[tilespmem:$0x12500] =	vst v1  }
0x86: {  	[tilespmem:$0x12510] =	vst v1  }
0x87: {  	[tilespmem:$0x12520] =	vst v1  }
0x88: {  	[tilespmem:$0x12530] =	vst v1  }
0x89: {  	[tilespmem:$0x12540] =	vst v1  }
0x8a: {  	[tilespmem:$0x12550] =	vst v1  }
0x8b: {  	[tilespmem:$0x12560] =	vst v1  }
0x8c: {  	[tilespmem:$0x12570] =	vst v1  }
0x8d: {  	[tilespmem:$0x12580] =	vst v1  }
0x8e: {  	[tilespmem:$0x12590] =	vst v1  }
0x8f: {  	[tilespmem:$0x125A0] =	vst v1  }
0x90: {  	[tilespmem:$0x125B0] =	vst v1  }
0x91: {  	[tilespmem:$0x125C0] =	vst v1  }
0x92: {  	[tilespmem:$0x125D0] =	vst v1  }
0x93: {  	[tilespmem:$0x125E0] =	vst v1  }
0x94: {  	[tilespmem:$0x125F0] =	vst v1  }
0x95: {  	[tilespmem:$0x12600] =	vst v1  }
0x96: {  	[tilespmem:$0x12610] =	vst v1  }
0x97: {  	[tilespmem:$0x12620] =	vst v1  }
0x98: {  	[tilespmem:$0x12630] =	vst v1  }
0x99: {  	[tilespmem:$0x12640] =	vst v1  }
0x9a: {  	[tilespmem:$0x12650] =	vst v1  }
0x9b: {  	[tilespmem:$0x12660] =	vst v1  }
0x9c: {  	[tilespmem:$0x12670] =	vst v1  }
0x9d: {  	[tilespmem:$0x12680] =	vst v1  }
0x9e: {  	[tilespmem:$0x12690] =	vst v1  }
0x9f: {  	[tilespmem:$0x126A0] =	vst v1  }
0xa0: {  	[tilespmem:$0x126B0] =	vst v1  }
0xa1: {  	[tilespmem:$0x126C0] =	vst v1  }
0xa2: {  	[tilespmem:$0x126D0] =	vst v1  }
0xa3: {  	[tilespmem:$0x126E0] =	vst v1  }
0xa4: {  	[tilespmem:$0x126F0] =	vst v1  }
0xa5: {  	[tilespmem:$0x12700] =	vst v1  }
0xa6: {  	[tilespmem:$0x12710] =	vst v1  }
0xa7: {  	[tilespmem:$0x12720] =	vst v1  }
0xa8: {  	[tilespmem:$0x12730] =	vst v1  }
0xa9: {  	[tilespmem:$0x12740] =	vst v1  }
0xaa: {  	[tilespmem:$0x12750] =	vst v1  }
0xab: {  	[tilespmem:$0x12760] =	vst v1  }
0xac: {  	[tilespmem:$0x12770] =	vst v1  }
0xad: {  	[tilespmem:$0x12780] =	vst v1  }
0xae: {  	[tilespmem:$0x12790] =	vst v1  }
0xaf: {  	[tilespmem:$0x127A0] =	vst v1  }
0xb0: {  	[tilespmem:$0x127B0] =	vst v1  }
0xb1: {  	[tilespmem:$0x127C0] =	vst v1  }
0xb2: {  	[tilespmem:$0x127D0] =	vst v1  }
0xb3: {  	[tilespmem:$0x127E0] =	vst v1  }
0xb4: {  	[tilespmem:$0x127F0] =	vst v1  }
0xb5: {  	[spmem:s7] =	stream.linear.scatter [tilespmem:s0], [sflag:$0x3], $0x800, $0x38;
	[tilespmem:$0x1C800] =	vst v63  }
0xb6: {  	_ =	swait.ge [sflag:s30], $0x800  }
0xb7: {  	[sflag:s30] =	ssyncset.done $0x0  }
0xb8: {  	s11 =	rddreg [dreg:$0x6];
	[sflag:s30] =	ssyncadd.s32 $0xFFFFF800  }
0xb9: {  	[spmem:s11] =	stream.linear.scatter [tilespmem:s0], [sflag:$0x3], $0x800, $0x38;
	[tilespmem:$0x1C800] =	vst v63  }
0xba: {  	_ =	swait.ge [sflag:s30], $0x800  }
0xbb: {  	[sflag:s30] =	ssyncset.done $0x0  }
0xbc: {  	s10 =	rddreg [dreg:$0x7];
	[sflag:s30] =	ssyncadd.s32 $0xFFFFF800  }
0xbd: {  	[spmem:s10] =	stream.linear.scatter [tilespmem:s0], [sflag:$0x3], $0x800, $0x38;
	[tilespmem:$0x1C800] =	vst v63  }
0xbe: {  	_ =	swait.ge [sflag:s30], $0x800  }
0xbf: {  	[sflag:s30] =	ssyncset.done $0x0  }
0xc0: {  	s11 =	rddreg [dreg:$0x8];
	[sflag:s30] =	ssyncadd.s32 $0xFFFFF800  }
0xc1: {  	[spmem:s11] =	stream.linear.scatter [tilespmem:s0], [sflag:$0x3], $0x800, $0x38;
	[tilespmem:$0x1C800] =	vst v63  }
0xc2: {  	_ =	swait.ge [sflag:s30], $0x800  }
0xc3: {  	[sflag:s30] =	ssyncset.done $0x0  }
0xc4: {  	[sflag:s30] =	ssyncadd.s32 $0xFFFFF800  }
0xc5: {  	[spmem:s12] =	stream.linear.scatter [tilespmem:s0], [sflag:$0x3], $0x800, $0x38;
	[tilespmem:$0x1C800] =	vst v63  }
0xc6: {  	_ =	swait.ge [sflag:s30], $0x800  }
0xc7: {  	[sflag:s30] =	ssyncset.done $0x0  }
0xc8: {  	[sflag:s30] =	ssyncadd.s32 $0xFFFFF800  }
0xc9: {  	[spmem:s13] =	stream.linear.scatter [tilespmem:s0], [sflag:$0x3], $0x800, $0x38;
	[tilespmem:$0x1C800] =	vst v63  }
0xca: {  	_ =	swait.ge [sflag:s30], $0x800  }
0xcb: {  	[sflag:s30] =	ssyncset.done $0x0  }
0xcc: {  	[sflag:s30] =	ssyncadd.s32 $0xFFFFF800  }
0xcd: {  	[spmem:s14] =	stream.linear.scatter [tilespmem:s0], [sflag:$0x3], $0x800, $0x38;
	[tilespmem:$0x1C800] =	vst v63  }
0xce: {  	_ =	swait.ge [sflag:s30], $0x800  }
0xcf: {  	[sflag:s30] =	ssyncset.done $0x0  }
0xd0: {  	[sflag:s30] =	ssyncadd.s32 $0xFFFFF800  }
0xd1: {  	[spmem:s15] =	stream.linear.scatter [tilespmem:s0], [sflag:$0x3], $0x800, $0x38;
	[tilespmem:$0x1C800] =	vst v63  }
0xd2: {  	_ =	swait.ge [sflag:s30], $0x800  }
0xd3: {  	[sflag:s30] =	ssyncset.done $0x0  }
0xd4: {  	[sflag:s30] =	ssyncadd.s32 $0xFFFFF800  }
0xd5: {  	[spmem:s16] =	stream.linear.scatter [tilespmem:s0], [sflag:$0x3], $0x800, $0x38;
	[tilespmem:$0x1C800] =	vst v63  }
0xd6: {  	_ =	swait.ge [sflag:s30], $0x800  }
0xd7: {  	[sflag:s30] =	ssyncset.done $0x0  }
0xd8: {  	[sflag:s30] =	ssyncadd.s32 $0xFFFFF800  }
0xd9: {  	[spmem:s17] =	stream.linear.scatter [tilespmem:s0], [sflag:$0x3], $0x800, $0x38;
	[tilespmem:$0x1C800] =	vst v63  }
0xda: {  	_ =	swait.ge [sflag:s30], $0x800  }
0xdb: {  	[sflag:s30] =	ssyncset.done $0x0  }
0xdc: {  	[sflag:s30] =	ssyncadd.s32 $0xFFFFF800  }
0xdd: {  	[spmem:s18] =	stream.linear.scatter [tilespmem:s0], [sflag:$0x3], $0x800, $0x38;
	[tilespmem:$0x1C800] =	vst v63  }
0xde: {  	_ =	swait.ge [sflag:s30], $0x800  }
0xdf: {  	[sflag:s30] =	ssyncset.done $0x0  }
0xe0: {  	[sflag:s30] =	ssyncadd.s32 $0xFFFFF800  }
0xe1: {  	[spmem:s19] =	stream.linear.scatter [tilespmem:s0], [sflag:$0x3], $0x800, $0x38;
	[tilespmem:$0x1C800] =	vst v63  }
0xe2: {  	_ =	swait.ge [sflag:s30], $0x800  }
0xe3: {  	[sflag:s30] =	ssyncset.done $0x0  }
0xe4: {  	[sflag:s30] =	ssyncadd.s32 $0xFFFFF800  }
0xe5: {  	[spmem:s20] =	stream.linear.scatter [tilespmem:s0], [sflag:$0x3], $0x800, $0x38;
	[tilespmem:$0x1C800] =	vst v63  }
0xe6: {  	_ =	swait.ge [sflag:s30], $0x800  }
0xe7: {  	[sflag:s30] =	ssyncset.done $0x0  }
0xe8: {  	[sflag:s30] =	ssyncadd.s32 $0xFFFFF800  }
0xe9: {  	[spmem:s21] =	stream.linear.scatter [tilespmem:s0], [sflag:$0x3], $0x800, $0x38;
	[tilespmem:$0x1C800] =	vst v63  }
0xea: {  	_ =	swait.ge [sflag:s30], $0x800  }
0xeb: {  	[sflag:s30] =	ssyncset.done $0x0  }
0xec: {  	[sflag:s30] =	ssyncadd.s32 $0xFFFFF800  }
0xed: {  	[spmem:s22] =	stream.linear.scatter [tilespmem:s0], [sflag:$0x3], $0x800, $0x38;
	[tilespmem:$0x1C800] =	vst v63  }
0xee: {  	_ =	swait.ge [sflag:s30], $0x800  }
0xef: {  	[sflag:s30] =	ssyncset.done $0x0  }
0xf0: {  	[sflag:s30] =	ssyncadd.s32 $0xFFFFF800  }
0xf1: {  	[spmem:s24] =	stream.linear.scatter [tilespmem:s0], [sflag:$0x3], $0x800, $0x38;
	[tilespmem:$0x1C800] =	vst v63  }
0xf2: {  	_ =	swait.ge [sflag:s30], $0x800  }
0xf3: {  	[sflag:s30] =	ssyncset.done $0x0  }
0xf4: {  	[sflag:s30] =	ssyncadd.s32 $0xFFFFF800  }
0xf5: {  	[spmem:s25] =	stream.linear.scatter [tilespmem:s0], [sflag:$0x3], $0x800, $0x38;
	[tilespmem:$0x1C800] =	vst v63  }
0xf6: {  	_ =	swait.ge [sflag:s30], $0x800  }
0xf7: {  	[sflag:s30] =	ssyncset.done $0x0  }
0xf8: {  	[sflag:s30] =	ssyncadd.s32 $0xFFFFF800  }
0xf9: {  	[spmem:s26] =	stream.linear.scatter [tilespmem:s0], [sflag:$0x3], $0x800, $0x38;
	[tilespmem:$0x1C800] =	vst v63  }
0xfa: {  	_ =	swait.ge [sflag:s30], $0x800  }
0xfb: {  	[sflag:s30] =	ssyncset.done $0x0  }
0xfc: {  	[sflag:s30] =	ssyncadd.s32 $0xFFFFF800  }
0xfd: {  	[spmem:s28] =	stream.linear.scatter [tilespmem:s0], [sflag:$0x3], $0x800, $0x38;
	[tilespmem:$0x1C800] =	vst v63  }
0xfe: {  	_ =	swait.ge [sflag:s30], $0x800  }
0xff: {  	[sflag:s30] =	ssyncset.done $0x0  }
0x100: {  	[sflag:s30] =	ssyncadd.s32 $0xFFFFF800  }
0x101: {  	[spmem:s29] =	stream.linear.scatter [tilespmem:s0], [sflag:$0x3], $0x800, $0x38;
	[tilespmem:$0x1C800] =	vst v63  }
0x102: {  	_ =	swait.ge [sflag:s30], $0x800  }
0x103: {  	[sflag:s30] =	ssyncset.done $0x0  }
0x104: {  	[sflag:s30] =	ssyncadd.s32 $0xFFFFF800  }
0x105: {  	s10 =	simm.s32 $0x0;
	[bflag:$0x0] =	sbarrier.arrive $0xFFFF  }
0x106: {  	[tilespmem:s1], [sflag:$0x1] =	stream.indirect.gather [hbm4b:s4+s31], $0x80, s10, s31, $0xb8;
	[tilespmem:$0x1C800] =	vst v63  }
0x107: {  	_ = 	snop  }
0x108: {  	[tilespmem:s3], [sflag:$0x2] =	stream.indirect.gather [hbm4b:s4+s31], $0x80, s31, s31, $0xb8;
	[tilespmem:$0x1C800] =	vst v63  }
0x109: {  	_ =	swait.ge [sflag:s5], $0x4000  }
0x10a: {  	[sflag:s5] =	ssyncset.done $0x0  }
0x10b: {  	s11 =	simm.s32 $0x5000;
	[sflag:s5] =	ssyncadd.s32 $0xFFFFC000  }
0x10c: {  	[spmem:s2] =	stream.indirect.scatter.add.f32 [tilespmem:s1], [sflag:$0x3], $0x80, s11, s31, $0xb8;
	[tilespmem:$0x1C800] =	vst v63  }
0x10d: {  	_ =	swait.ge [sflag:s30], $0x4000  }
0x10e: {  	[sflag:s30] =	ssyncset.done $0x0  }
0x10f: {  	s10 =	simm.s32 $0x100;
	[sflag:s30] =	ssyncadd.s32 $0xFFFFC000  }
0x110: {  	[tilespmem:s1], [sflag:$0x1] =	stream.indirect.gather [hbm4b:s4+s31], $0x80, s10, s31, $0xb8;
	[tilespmem:$0x1C800] =	vst v63  }
0x111: {  	_ =	swait.ge [sflag:s6], $0x4000  }
0x112: {  	[sflag:s6] =	ssyncset.done $0x0  }
0x113: {  	s11 =	simm.s32 $0x5080;
	[sflag:s6] =	ssyncadd.s32 $0xFFFFC000  }
0x114: {  	[spmem:s2] =	stream.indirect.scatter.add.f32 [tilespmem:s3], [sflag:$0x3], $0x80, s11, s31, $0xb8;
	[tilespmem:$0x1C800] =	vst v63  }
0x115: {  	_ =	swait.ge [sflag:s30], $0x4000  }
0x116: {  	[sflag:s30] =	ssyncset.done $0x0  }
0x117: {  	s9 =	simm.s32 $0x400;
	s10 =	simm.s32 $0x180;
	[sflag:s30] =	ssyncadd.s32 $0xFFFFC000  }
.LBB2_4:
0x118: {  	[tilespmem:s3], [sflag:$0x2] =	stream.indirect.gather [hbm4b:s4+s31], $0x80, s10, s31, $0xb8;
	[tilespmem:$0x1C800] =	vst v63  }
0x119: {  	s10 =	smov.u32 s9  }
0x11a: {  	p0 =	sne.s32 s9, $0x13800;
	s9 =	sadd.s32 $0x400, s9;
	_ =	swait.ge [sflag:s5], $0x4000  }
0x11b: {  	s10 =	sshra.s32 s10, $0x2;
	[sflag:s5] =	ssyncset.done $0x0  }
0x11c: {  	s11 =	sadd.s32 $0x5000, s10;
	[sflag:s5] =	ssyncadd.s32 $0xFFFFC000  }
0x11d: {  	[spmem:s2] =	stream.indirect.scatter.add.f32 [tilespmem:s1], [sflag:$0x3], $0x80, s11, s31, $0xb8;
	[tilespmem:$0x1C800] =	vst v63  }
0x11e: {  	_ =	swait.ge [sflag:s30], $0x4000  }
0x11f: {  	[sflag:s30] =	ssyncset.done $0x0  }
0x120: {  	s11 =	sadd.s32 $0x100, s10;
	[sflag:s30] =	ssyncadd.s32 $0xFFFFC000  }
0x121: {  	[tilespmem:s1], [sflag:$0x1] =	stream.indirect.gather [hbm4b:s4+s31], $0x80, s11, s31, $0xb8;
	[tilespmem:$0x1C800] =	vst v63  }
0x122: {  	_ =	swait.ge [sflag:s6], $0x4000  }
0x123: {  	[sflag:s6] =	ssyncset.done $0x0  }
.Ltmp1:
0x124: {  	s11 =	sadd.s32 $0x5080, s10;
	[sflag:s6] =	ssyncadd.s32 $0xFFFFC000;
	(pc) =	sbr.rel @p0 .LBB2_4-.Ltmp1, $4  }
0x125: {  	[spmem:s2] =	stream.indirect.scatter.add.f32 [tilespmem:s3], [sflag:$0x3], $0x80, s11, s31, $0xb8;
	[tilespmem:$0x1C800] =	vst v63  }
0x126: {  	_ =	swait.ge [sflag:s30], $0x4000  }
0x127: {  	[sflag:s30] =	ssyncset.done $0x0  }
0x128: {  	s10 =	sadd.s32 $0x180, s10;
	[sflag:s30] =	ssyncadd.s32 $0xFFFFC000  }
0x129: {  	[tilespmem:s3], [sflag:$0x2] =	stream.indirect.gather [hbm4b:s4+s31], $0x80, s10, s31, $0xb8;
	[tilespmem:$0x1C800] =	vst v63  }
0x12a: {  	_ =	swait.ge [sflag:s5], $0x4000  }
0x12b: {  	[sflag:s5] =	ssyncset.done $0x0  }
0x12c: {  	s9 =	simm.s32 $0x9F00;
	[sflag:s5] =	ssyncadd.s32 $0xFFFFC000  }
0x12d: {  	[spmem:s2] =	stream.indirect.scatter.add.f32 [tilespmem:s1], [sflag:$0x3], $0x80, s9, s31, $0xb8;
	[tilespmem:$0x1C800] =	vst v63  }
0x12e: {  	_ =	swait.ge [sflag:s30], $0x4000  }
0x12f: {  	[sflag:s30] =	ssyncset.done $0x0  }
0x130: {  	[sflag:s30] =	ssyncadd.s32 $0xFFFFC000  }
0x131: {  	_ =	swait.ge [sflag:s6], $0x4000  }
0x132: {  	[sflag:s6] =	ssyncset.done $0x0  }
0x133: {  	s11 =	simm.s32 $0x9F80;
	[sflag:s6] =	ssyncadd.s32 $0xFFFFC000  }
0x134: {  	[spmem:s2] =	stream.indirect.scatter.add.f32 [tilespmem:s3], [sflag:$0x3], $0x80, s11, s31, $0xb8;
	[tilespmem:$0x1C800] =	vst v63  }
0x135: {  	_ =	swait.ge [sflag:s30], $0x4000  }
0x136: {  	s10 =	stileid.u32;
	[sflag:s30] =	ssyncset.done $0x0  }
0x137: {  	s9 =	sshll.u32 s10, $0x6;
	[sflag:s30] =	ssyncadd.s32 $0xFFFFC000  }
0x138: {  	s9 =	sor.u32 $0x1C03, s9;
	s11 =	sshrl.u32 s7, $0x3;
	[bflag:$0x0] =	sbarrier.arrive $0xFFFF  }
0x139: {  	[hbm:s23], [sflag:s9] =	dma.local [spmem:s11], $0x1400  }
0x13a: {  	_ =	swait.ge [sflag:s30], $0x1400  }
0x13b: {  	s8 =	sadd.s32 $0x1, s8;
	s11 =	rddreg [dreg:$0x5]  }
0x13c: {  	p0 =	sne.s32 s8, s11  }
.Ltmp2:
0x13d: {  	_ = 	snop;
	(pc) =	sbr.rel @p0 .LBB2_1-.Ltmp2, $3  }
0x13e: {  	_ =	sdelay $0x1  }
0x13f: {  	[sflag:s30] =	ssyncset.done $0x0  }
0x140: {  	[sflag:s30] =	ssyncadd.s32 $0xFFFFEC00  }
0x141: {  	_ =	sfence.sel $0x180000  }
0x142: {  	[bflag:$0x0] =	sbarrier.arrive $0xFFFF  }
0x143: {  	_ =	strace $0x9000004A  }
0x144: {  	s0 =	stileid.u32;
	[bflag:$0x2] =	sbarrier.arrive $0xFFFF  }
0x145: {  	p0 =	sne.s32 s0, $0x0;
	s0 =	rddreg [dreg:$0x2]  }
0x146: {  	s0 =	sadd.s32 @!p0 $0x100000, s0  }
0x147: {  	[sflag:s0] =	ssyncadd.tile.s32 @!p0 $0x1;
	_ =	shalt  }
.Lfunc_end2:
_tile_overlayer_lowered:
.L_overlay_start_2:
0x148: {  	(tag) =	ssettag $0x2  }
0x149: {  	s0 =	rddreg [dreg:$0x0];
	s2 =	stileid.u32  }
0x14a: {  	s1 =	rddreg [dreg:$0x1];
	p0 =	sne.s32 s2, $0x0  }
0x14b: {  	s3 =	rddreg [dreg:$0x2];
	[bflag:$0x3] =	sbarrier.arrive $0xFFFF;
	s2 =	simm.s32 @!p0 $0x1C03  }
0x14c: {  	[timem:s3], [sflag:s2] =	dma.local @!p0 [hbm:s0], s1  }
0x14d: {  	s0 =	simm.s32 @!p0 $0x3  }
0x14e: {  	_ =	swait.ge @!p0 [sflag:s0], s1  }
0x14f: {  	s1 =	ssub.s32 @!p0 $0x0, s1;
	[sflag:s0] =	ssyncset.done @!p0 $0x0  }
0x150: {  	[sflag:s0] =	ssyncadd.s32 @!p0 s1  }
0x151: {  	[bflag:$0x3] =	sbarrier.arrive $0xFFFF  }
0x152: {  	_ =	shalt  }

// kernel: kernel.14.cloned.1.call-start
scs
__scs_entry_jumppad:
0x0: {  	(pc) =	sbr.rel $0x88, $3  }
0x1: {  	(tag) =	ssettag $0x0;
	lr =	simm.s32 $0x1  }
0x2: {  	[smem:$0x3F8F] =	sst lr;
	_ =	strace $0xD0000000  }
0x3: {  	_ = 	snop  }
0x4: {  	_ = 	snop  }
0x5: {  	_ = 	snop  }
0x6: {  	_ = 	snop  }
0x7: {  	_ = 	snop  }
__scs_overlays_trampoline_lowered:
0x8: {  	[smem:$0x3F9E] =	sst s0  }
0x9: {  	[smem:$0x3F9F] =	sst s1  }
0xa: {  	[smem:$0x3FA0] =	sst s2  }
0xb: {  	[smem:$0x3FA1] =	sst s3  }
0xc: {  	[smem:$0x3FA2] =	sst s4  }
0xd: {  	[smem:$0x3FA3] =	sst s5  }
0xe: {  	[smem:$0x3FA4] =	sst s6  }
0xf: {  	[smem:$0x3FA5] =	sst s7  }
0x10: {  	[smem:$0x3FA6] =	sst s8  }
0x11: {  	[smem:$0x3FA7] =	sst s9;
	s0 =	simm.s32 @!p0 $0x0  }
0x12: {  	s1 =	sld [smem:$0x3F8D];
	s0 =	simm.s32 @p0 $0x1  }
0x13: {  	[smem:$0x3FA8] =	sst s0;
	s0 =	simm.s32 @!p1 $0x0  }
0x14: {  	s2 =	sld [smem:$0x3F8C];
	s0 =	simm.s32 @p1 $0x1  }
0x15: {  	[smem:$0x3FA9] =	sst s0;
	s0 =	simm.s32 @!p2 $0x0  }
0x16: {  	s3 =	sld [smem:$0x3FDB];
	s0 =	simm.s32 @p2 $0x1  }
0x17: {  	s4 =	simm.s32 $0x1BF5;
	[smem:$0x3FAB] =	sst s0  }
0x18: {  	s0 =	sld [smem:$0x3F8E];
	_ =	swait.ge [sflag:s4], $0x0  }
0x19: {  	s7 =	sld [smem:$0x3F8F]  }
0x1a: {  	s8 =	sadd.s32 $0xFFFFE003, lr  }
0x1b: {  	s9 =	sadd.s32 $0xFFFFFEF7, lr;
	s5 =	simm.s32 $0xFFFFFFFF;
	p2 =	slt.u32 s8, $0xFFFFF086  }
0x1c: {  	p1 =	slt.u32 s9, $0xF7A;
	s5 =	simm.s32 @!p2 $0x0  }
0x1d: {  	s5 =	simm.s32 @p1 $0x1;
	p0 =	seq.s32 s7, s2  }
0x1e: {  	s7 =	smul.u32 @!p0 $0xF7A, s2;
	p2 =	seq.s32 @!p0 s5, $0x0  }
0x1f: {  	s9 =	smul.u32 $0xF7A, s1;
	s8 =	simm.s32 @!p0 $0x1BF5;
	p2 =	por !p2, p0  }
0x20: {  	[sflag:s8] =	ssyncset.s32 @!p0 $0xFFFFF086;
	s6 =	sadd.s32 @!p0 s3, s7;
	s7 =	simm.s32 @!p0 $0x108  }
0x21: {  	s3 =	sadd.s32 s3, s9;
	s6 =	sadd.s32 @!p0 $0x88, s6;
	s7 =	simm.s32 @p2 $0x1082  }
0x22: {  	[simem:s7], [sflag:s8] =	dma.local @!p0 [hbm:s6], $0xF7A  }
0x23: {  	s9 =	sor.u32 $0xD0000000, s2;
	s6 =	simm.s32 $0x108;
	_ =	swait.ge @!p0 [sflag:s8], $0x0  }
0x24: {  	s3 =	sadd.s32 $0x88, s3;
	s6 =	simm.s32 @!p1 $0x1082;
	[sflag:s4] =	ssyncset.s32 $0xFFFFF086  }
0x25: {  	[simem:s6], [sflag:s4] =	dma.local [hbm:s3], $0xF7A  }
0x26: {  	[smem:$0x3F8F] =	sst s1;
	(tag) =	ssettag s2;
	_ =	strace s9  }
0x27: {  	s1 =	sld [smem:$0x3F9F]  }
0x28: {  	s2 =	sld [smem:$0x3FA0]  }
0x29: {  	s4 =	sld [smem:$0x3FA2]  }
0x2a: {  	p0 =	seq.s32 s5, $0x0;
	s5 =	sld [smem:$0x3FA3]  }
0x2b: {  	s6 =	sld [smem:$0x3FA4]  }
0x2c: {  	s7 =	sld [smem:$0x3FA5]  }
0x2d: {  	s3 =	simm.s32 $0x108;
	s8 =	sld [smem:$0x3FA6]  }
0x2e: {  	s3 =	simm.s32 @!p0 $0x1082;
	s9 =	sld [smem:$0x3FA7]  }
0x2f: {  	lr =	sadd.s32 s0, s3;
	s0 =	sld [smem:$0x3F9E]  }
0x30: {  	s3 =	sld [smem:$0x3FA1]  }
0x31: {  	[smem:$0x3FAA] =	sst s10  }
0x32: {  	s10 =	sld [smem:$0x3FA8];
	_ =	sdelay $0x3  }
0x33: {  	p0 =	seq.s32 s10, $0x1;
	s10 =	sld [smem:$0x3FAA];
	_ =	sdelay $0x3  }
0x34: {  	[smem:$0x3FAA] =	sst s10  }
0x35: {  	s10 =	sld [smem:$0x3FA9];
	_ =	sdelay $0x3  }
0x36: {  	p1 =	seq.s32 s10, $0x1;
	s10 =	sld [smem:$0x3FAA];
	_ =	sdelay $0x3  }
0x37: {  	[smem:$0x3FAA] =	sst s10  }
0x38: {  	s10 =	sld [smem:$0x3FAB]  }
0x39: {  	_ = 	snop;
	(pc) =	sbr.ind lr, $3  }
0x3a: {  	_ = 	snop  }
0x3b: {  	_ = 	snop  }
0x3c: {  	p2 =	seq.s32 s10, $0x1;
	s10 =	sld [smem:$0x3FAA]  }
0x3d: {  	_ =	shalt  }
0x3e: {  	_ =	shalt  }
0x3f: {  	_ =	shalt  }
0x40: {  	_ =	shalt  }
0x41: {  	_ =	shalt  }
0x42: {  	_ =	shalt  }
0x43: {  	_ =	shalt  }
0x44: {  	_ =	shalt  }
0x45: {  	_ =	shalt  }
0x46: {  	_ =	shalt  }
0x47: {  	_ =	shalt  }
0x48: {  	_ =	shalt  }
0x49: {  	_ =	shalt  }
0x4a: {  	_ =	shalt  }
0x4b: {  	_ =	shalt  }
0x4c: {  	_ =	shalt  }
0x4d: {  	_ =	shalt  }
0x4e: {  	_ =	shalt  }
0x4f: {  	_ =	shalt  }
0x50: {  	_ =	shalt  }
0x51: {  	_ =	shalt  }
0x52: {  	_ =	shalt  }
0x53: {  	_ =	shalt  }
0x54: {  	_ =	shalt  }
0x55: {  	_ =	shalt  }
0x56: {  	_ =	shalt  }
0x57: {  	_ =	shalt  }
0x58: {  	_ =	shalt  }
0x59: {  	_ =	shalt  }
0x5a: {  	_ =	shalt  }
0x5b: {  	_ =	shalt  }
0x5c: {  	_ =	shalt  }
0x5d: {  	_ =	shalt  }
0x5e: {  	_ =	shalt  }
0x5f: {  	_ =	shalt  }
0x60: {  	_ =	shalt  }
0x61: {  	_ =	shalt  }
0x62: {  	_ =	shalt  }
0x63: {  	_ =	shalt  }
0x64: {  	_ =	shalt  }
0x65: {  	_ =	shalt  }
0x66: {  	_ =	shalt  }
0x67: {  	_ =	shalt  }
0x68: {  	_ =	shalt  }
0x69: {  	_ =	shalt  }
0x6a: {  	_ =	shalt  }
0x6b: {  	_ =	shalt  }
0x6c: {  	_ =	shalt  }
0x6d: {  	_ =	shalt  }
0x6e: {  	_ =	shalt  }
0x6f: {  	_ =	shalt  }
0x70: {  	_ =	shalt  }
0x71: {  	_ =	shalt  }
0x72: {  	_ =	shalt  }
0x73: {  	_ =	shalt  }
0x74: {  	_ =	shalt  }
0x75: {  	_ =	shalt  }
0x76: {  	_ =	shalt  }
0x77: {  	_ =	shalt  }
0x78: {  	_ =	shalt  }
0x79: {  	_ =	shalt  }
0x7a: {  	_ =	shalt  }
0x7b: {  	_ =	shalt  }
0x7c: {  	_ =	shalt  }
0x7d: {  	_ =	shalt  }
0x7e: {  	_ =	shalt  }
0x7f: {  	_ =	shalt  }
0x80: {  	_ =	shalt  }
0x81: {  	_ =	shalt  }
0x82: {  	_ =	shalt  }
0x83: {  	_ =	shalt  }
0x84: {  	_ =	shalt  }
0x85: {  	_ =	shalt  }
0x86: {  	_ =	shalt  }
0x87: {  	_ =	shalt  }
.Lfunc_end0:
.L_simem_size_0:
called_computation.2_lowered:
.L_overlay_start_0:
0x88: {  	s2 =	sld [smem:$0x3FD9]  }
0x89: {  	s3 =	sld [smem:$0x3FFE];
	_ =	sdelay $0x1  }
0x8a: {  	s1 =	srdreg.scid  }
0x8b: {  	s0 =	sand.u32 $0x1, s1  }
0x8c: {  	s16 =	sshll.u32 s0, $0xA;
	s2 =	sadd.s32 s3, s2  }
0x8d: {  	s2 =	sadd.s32 s2, s16  }
0x8e: {  	[smem:$0x3FB6] =	sst s2  }
0x8f: {  	_ = 	snop  }
0x90: {  	(tm) =	ssettm $0x1  }
0x91: {  	s17 =	sld [smem:$0x3FFB];
	_ =	sdelay $0x3  }
0x92: {  	_ =	strace s17  }
0x93: {  	s2 =	sld [smem:$0x3FFC];
	_ =	sdelay $0x3  }
0x94: {  	_ =	strace s2  }
0x95: {  	s2 =	sld [smem:$0x3FFD];
	_ =	sdelay $0x3  }
0x96: {  	_ =	strace s2  }
0x97: {  	_ =	strace $0x8FFFFFFF  }
0x98: {  	s18 =	sld [smem:$0x3FDB];
	_ =	sdelay $0x1  }
0x99: {  	s19 =	simm.s32 $_scs_section_size  }
0x9a: {  	s4 =	simm.s32 $_size__tile_overlayer_lowered;
	s5 =	simm.s32 $_tile_overlayer_lowered  }
0x9b: {  	s22 =	simm.s32 $0x1BFF;
	s21 =	sshll.u32 s5, $0x1;
	s2 =	sadd.s32 s19, s18  }
0x9c: {  	s6 =	simm.s32 $0x0;
	s20 =	sshll.u32 s4, $0x1;
	s4 =	sadd.s32 s21, s2  }
0x9d: {  	[timem:s6], [sflag:s22] =	dma.local [hbm:s4], s20  }
0x9e: {  	_ =	swait.ge [sflag:s22], s20  }
0x9f: {  	s3 =	ssub.s32 $0x0, s20;
	[sflag:s22] =	ssyncset.done $0x0  }
0xa0: {  	[sflag:s22] =	ssyncadd.s32 s3;
	_ =	sdelay $0x1  }
0xa1: {  	s23 =	simm.s32 $0x1B8B  }
0xa2: {  	_ =	swait.ge [sflag:s23], $0x1  }
0xa3: {  	[sflag:s23] =	ssyncset.done $0x0  }
0xa4: {  	s25 =	simm.s32 $0x1B8E;
	s24 =	sld [smem:$0x3FFE];
	[sflag:s23] =	ssyncadd.s32 $0xFFFFFFFF  }
0xa5: {  	s26 =	simm.s32 $execute0_lowered;
	[smem:$0x3FD2] =	sst s25  }
0xa6: {  	s4 =	sshll.u32 s26, $0x1;
	_ =	strace $0x8000004C;
	[dreg:$0x1] =	wrdreg $0xFFFFFFFF  }
0xa7: {  	s28 =	simm.s32 $_size_execute0_lowered;
	s2 =	sadd.s32 s2, s4;
	[dreg:$0x0] =	wrdreg $0x0  }
0xa8: {  	s4 =	sshll.u32 s28, $0x1;
	[dreg:$0x2] =	wrdreg s2  }
0xa9: {  	[dreg:$0x3] =	wrdreg s4  }
0xaa: {  	[dreg:$0x4] =	wrdreg $0xC0  }
0xab: {  	_ =	task [dreg:s6], $0x5FFFF  }
0xac: {  	[dreg:$0x1] =	wrdreg $0xFFFFFFFF  }
0xad: {  	[dreg:$0x0] =	wrdreg $0x60  }
0xae: {  	[dreg:$0x2] =	wrdreg s24  }
0xaf: {  	[dreg:$0x3] =	wrdreg $0x128000  }
0xb0: {  	[dreg:$0x4] =	wrdreg $0x9  }
0xb1: {  	_ =	task.clear_ibuf [dreg:s6], $0x5FFFF;
	_ =	strace $0x9000004C  }
0xb2: {  	s29 =	simm.s32 $0x9;
	_ =	strace $0x8000004E  }
0xb3: {  	_ =	swait.ge [sflag:s29], $0x1  }
0xb4: {  	[sflag:s29] =	ssyncadd.s32 $0xFFFFFFFF  }
0xb5: {  	_ =	strace $0x9000004E  }
0xb6: {  	_ =	sfence  }
0xb7: {  	s30 =	sld [smem:$0x0];
	_ =	sdelay $0x2  }
0xb8: {  	s31 =	sshll.u32 s1, $0xD;
	s1 =	sshrl.u32 s1, $0x2  }
0xb9: {  	s3 =	sand.u32 $0x4000, s31;
	s1 =	sadd.s32 s1, s30  }
0xba: {  	s0 =	sor.u32 s3, s0;
	s1 =	sshll.u32 s1, $0x11  }
0xbb: {  	s0 =	sor.u32 s1, s0  }
0xbc: {  	s0 =	sadd.s32 $0x8F2B, s0  }
0xbd: {  	[sflag:s0] =	ssyncadd.remote.s32 $0x1  }
0xbe: {  	_ =	sfence.sel $0xFFFF  }
0xbf: {  	[dreg:$0x0] =	wrdreg $0xFFFFFFFF;
	(pc) =	sbr.abs _section_cstart, $3  }
0xc0: {  	[dreg:$0x1] =	wrdreg $0xFFFFFFFF  }
0xc1: {  	_ =	task.clear_ibuf [dreg:s6], $0x2FFFF;
	_ =	strace $0x9FFFFFFF  }
0xc2: {  	(tm) =	ssettm $0x7FFFFFFF  }
0xc3: {  	_ =	shalt  }
tec
execute0_lowered:
.L_overlay_start_1:
0x0: {  	(tag) =	ssettag $0x1  }
0x1: {  	s0 =	rddreg [dreg:$0x0];
	s9 =	stileid.u32  }
0x2: {  	s2 =	rddreg [dreg:$0x1];
	s3 =	simm.s32 $0x0;
	s25 =	smul.u32 $0xA00, s9  }
0x3: {  	s1 =	srdreg.scid;
	s30 =	simm.s32 $0x3;
	s8 =	smul.u32 $0x28000, s9  }
0x4: {  	s31 =	simm.s32 $0x80;
	s1 =	sand.u32 $0x1, s1;
	s11 =	smul.u32 $0x1400, s9  }
0x5: {  	[smem:$0x7FF] =	sst s3;
	s4 =	sadd.s32 $0x67800, s0;
	s5 =	smul.u32 $0x14000, s1  }
0x6: {  	_ =	strace $0x8000004D;
	s6 =	ssub.s32 $0x2, s1;
	s10 =	smul.u32 $0x1388, s1  }
0x7: {  	s1 =	simm.s32 $0xA000;
	s7 =	sshrl.u32 s6, $0x1;
	s3 =	sadd.s32 s25, s0  }
0x8: {  	s8 =	sshrl.u32 s8, $0x2;
	s26 =	ssub.s32 s6, s7;
	s7 =	sadd.s32 $0x5D800, s3  }
0x9: {  	s0 =	sadd.s32 s5, s0;
	s3 =	sadd.s32 $0x3800, s3;
	[dreg:$0x3] =	wrdreg s7  }
0xa: {  	s5 =	simm.s32 $0x1;
	s6 =	simm.s32 $0x2;
	[dreg:$0x4] =	wrdreg s3  }
0xb: {  	s7 =	sadd.s32 s8, s2;
	s0 =	sadd.s32 $0x8EA00, s0;
	s23 =	smax.u32 s26, $0x1  }
0xc: {  	s3 =	simm.s32 $0xE000;
	s8 =	simm.s32 $0x0;
	[dreg:$0x5] =	wrdreg s23  }
0xd: {  	s24 =	sadd.s32 $0x800, s7;
	s25 =	sadd.s32 $0x1000, s7;
	s26 =	sadd.s32 $0x1800, s7  }
0xe: {  	s12 =	sadd.s32 $0x2000, s7;
	s13 =	sadd.s32 $0x2800, s7;
	s14 =	sadd.s32 $0x3000, s7  }
0xf: {  	s15 =	sadd.s32 $0x3800, s7;
	s16 =	sadd.s32 $0x4000, s7;
	s17 =	sadd.s32 $0x4800, s7  }
0x10: {  	s18 =	sadd.s32 $0x5000, s7;
	s19 =	sadd.s32 $0x5800, s7;
	s20 =	sadd.s32 $0x6000, s7  }
0x11: {  	s21 =	sadd.s32 $0x6800, s7;
	s22 =	sadd.s32 $0x7000, s7;
	[dreg:$0x6] =	wrdreg s24  }
0x12: {  	s23 =	sadd.s32 s11, s0;
	s28 =	sadd.s32 $0x9000, s7;
	[dreg:$0x7] =	wrdreg s25  }
0x13: {  	s29 =	sadd.s32 $0x9800, s7;
	s0 =	simm.s32 $0x12000;
	[dreg:$0x8] =	wrdreg s26  }
0x14: {  	v1 =	vimm.f32 $0.0e+00;
	v0 =	vmov s10;
	s24 =	sadd.s32 $0x7800, s7;
	s25 =	sadd.s32 $0x8000, s7;
	s26 =	sadd.s32 $0x8800, s7  }
.LBB2_1:
0x15: {  	s9 =	simm.s32 $0x0;
	s10 =	rddreg [dreg:$0x3]  }
0x16: {  	[tilespmem:s9], [sflag:$0x3] =	stream.linear.gather [hbm4b:s10+s9], $0x5000, $0x38;
	[tilespmem:$0x1C800] =	vst v63  }
0x17: {  	_ =	swait.ge [sflag:s30], $0x5000  }
0x18: {  	[sflag:s30] =	ssyncset.done $0x0  }
0x19: {  	s11 =	simm.s32 $0x5000;
	s10 =	rddreg [dreg:$0x4];
	[sflag:s30] =	ssyncadd.s32 $0xFFFFB000  }
0x1a: {  	[tilespmem:s11], [sflag:$0x3] =	stream.linear.gather [hbm4b:s10+s9], $0x5000, $0x38;
	[tilespmem:$0x1C800] =	vst v63  }
0x1b: {  	_ =	swait.ge [sflag:s30], $0x5000  }
0x1c: {  	[sflag:s30] =	ssyncset.done $0x0  }
0x1d: {  	s9 =	simm.s32 $0x0;
	[sflag:s30] =	ssyncadd.s32 $0xFFFFB000  }
0x1e: {  	v3 =	vld [tilespmem:s9+$0x5000]  }
0x1f: {  	v4 =	vld [tilespmem:s9+$0x5010]  }
0x20: {  	v6 =	vld [tilespmem:s9+$0x5020]  }
0x21: {  	v5 =	vld [tilespmem:s9+$0x5030]  }
0x22: {  	v2 =	vld [tilespmem:s9+$0x5040]  }
0x23: {  	v7 =	vsub.s32 v3, v0;
	v3 =	vld [tilespmem:s9+$0x5050]  }
0x24: {  	s10 =	simm.s32 $0x200;
	v8 =	vsub.s32 v4, v0;
	v4 =	vld [tilespmem:s9+$0x5060];
	v7 =	vmin.u32 v7, $0x1388  }
.LBB2_2:
0x25: {  	s11 =	sshra.s32 s10, $0x2;
	p0 =	sne.s32 s10, $0x13E00;
	[tilespmem:s9+$0x5000] =	vst v7;
	v7 =	vmin.u32 v8, $0x1388;
	v6 =	vsub.s32 v6, v0;
	v8 =	vld [tilespmem:s9+$0x5070]  }
0x26: {  	v9 =	vld [tilespmem:s11+$0x5000];
	[tilespmem:s9+$0x5010] =	vst v7;
	v6 =	vmin.u32 v6, $0x1388;
	v5 =	vsub.s32 v5, v0  }
0x27: {  	v10 =	vld [tilespmem:s11+$0x5010];
	[tilespmem:s9+$0x5020] =	vst v6;
	v5 =	vmin.u32 v5, $0x1388;
	v2 =	vsub.s32 v2, v0  }
.Ltmp0:
0x28: {  	v6 =	vld [tilespmem:s11+$0x5020];
	[tilespmem:s9+$0x5030] =	vst v5;
	v2 =	vmin.u32 v2, $0x1388;
	v3 =	vsub.s32 v3, v0;
	(pc) =	sbr.rel @p0 .LBB2_2-.Ltmp0, $4  }
0x29: {  	v5 =	vld [tilespmem:s11+$0x5030];
	[tilespmem:s9+$0x5040] =	vst v2;
	v3 =	vmin.u32 v3, $0x1388;
	v4 =	vsub.s32 v4, v0  }
0x2a: {  	v2 =	vld [tilespmem:s11+$0x5040];
	[tilespmem:s9+$0x5050] =	vst v3;
	v4 =	vmin.u32 v4, $0x1388;
	v7 =	vsub.s32 v8, v0  }
0x2b: {  	v8 =	vsub.s32 v9, v0;
	v3 =	vld [tilespmem:s11+$0x5050];
	[tilespmem:s9+$0x5060] =	vst v4;
	v9 =	vmin.u32 v7, $0x1388  }
0x2c: {  	s10 =	sadd.s32 $0x200, s10;
	v7 =	vmin.u32 v8, $0x1388;
	v8 =	vsub.s32 v10, v0;
	v4 =	vld [tilespmem:s11+$0x5060];
	[tilespmem:s9+$0x5070] =	vst v9;
	s9 =	smov.u32 s11  }
0x2d: {  	[tilespmem:s9+$0x5000] =	vst v7;
	v62 =	vmin.u32 v8, $0x1388;
	v6 =	vsub.s32 v6, v0;
	v63 =	vld [tilespmem:s9+$0x5070]  }
0x2e: {  	[tilespmem:s9+$0x5010] =	vst v62;
	v6 =	vmin.u32 v6, $0x1388;
	v5 =	vsub.s32 v5, v0  }
0x2f: {  	[tilespmem:s9+$0x5020] =	vst v6;
	v5 =	vmin.u32 v5, $0x1388;
	v2 =	vsub.s32 v2, v0  }
0x30: {  	[tilespmem:s9+$0x5030] =	vst v5;
	v2 =	vmin.u32 v2, $0x1388;
	v3 =	vsub.s32 v3, v0  }
0x31: {  	[tilespmem:s9+$0x5040] =	vst v2;
	v2 =	vmin.u32 v3, $0x1388;
	v3 =	vsub.s32 v4, v0  }
0x32: {  	[tilespmem:s9+$0x5050] =	vst v2;
	v2 =	vmin.u32 v3, $0x1388;
	v3 =	vsub.s32 v63, v0  }
0x33: {  	[tilespmem:s9+$0x5060] =	vst v2;
	v2 =	vmin.u32 v3, $0x1388  }
0x34: {  	[tilespmem:s9+$0x5070] =	vst v2  }
0x35: {  	[tilespmem:$0x12000] =	vst v1  }
0x36: {  	[tilespmem:$0x12010] =	vst v1  }
0x37: {  	[tilespmem:$0x12020] =	vst v1  }
0x38: {  	[tilespmem:$0x12030] =	vst v1  }
0x39: {  	[tilespmem:$0x12040] =	vst v1  }
0x3a: {  	[tilespmem:$0x12050] =	vst v1  }
0x3b: {  	[tilespmem:$0x12060] =	vst v1  }
0x3c: {  	[tilespmem:$0x12070] =	vst v1  }
0x3d: {  	[tilespmem:$0x12080] =	vst v1  }
0x3e: {  	[tilespmem:$0x12090] =	vst v1  }
0x3f: {  	[tilespmem:$0x120A0] =	vst v1  }
0x40: {  	[tilespmem:$0x120B0] =	vst v1  }
0x41: {  	[tilespmem:$0x120C0] =	vst v1  }
0x42: {  	[tilespmem:$0x120D0] =	vst v1  }
0x43: {  	[tilespmem:$0x120E0] =	vst v1  }
0x44: {  	[tilespmem:$0x120F0] =	vst v1  }
0x45: {  	[tilespmem:$0x12100] =	vst v1  }
0x46: {  	[tilespmem:$0x12110] =	vst v1  }
0x47: {  	[tilespmem:$0x12120] =	vst v1  }
0x48: {  	[tilespmem:$0x12130] =	vst v1  }
0x49: {  	[tilespmem:$0x12140] =	vst v1  }
0x4a: {  	[tilespmem:$0x12150] =	vst v1  }
0x4b: {  	[tilespmem:$0x12160] =	vst v1  }
0x4c: {  	[tilespmem:$0x12170] =	vst v1  }
0x4d: {  	[tilespmem:$0x12180] =	vst v1  }
0x4e: {  	[tilespmem:$0x12190] =	vst v1  }
0x4f: {  	[tilespmem:$0x121A0] =	vst v1  }
0x50: {  	[tilespmem:$0x121B0] =	vst v1  }
0x51: {  	[tilespmem:$0x121C0] =	vst v1  }
0x52: {  	[tilespmem:$0x121D0] =	vst v1  }
0x53: {  	[tilespmem:$0x121E0] =	vst v1  }
0x54: {  	[tilespmem:$0x121F0] =	vst v1  }
0x55: {  	[tilespmem:$0x12200] =	vst v1  }
0x56: {  	[tilespmem:$0x12210] =	vst v1  }
0x57: {  	[tilespmem:$0x12220] =	vst v1  }
0x58: {  	[tilespmem:$0x12230] =	vst v1  }
0x59: {  	[tilespmem:$0x12240] =	vst v1  }
0x5a: {  	[tilespmem:$0x12250] =	vst v1  }
0x5b: {  	[tilespmem:$0x12260] =	vst v1  }
0x5c: {  	[tilespmem:$0x12270] =	vst v1  }
0x5d: {  	[tilespmem:$0x12280] =	vst v1  }
0x5e: {  	[tilespmem:$0x12290] =	vst v1  }
0x5f: {  	[tilespmem:$0x122A0] =	vst v1  }
0x60: {  	[tilespmem:$0x122B0] =	vst v1  }
0x61: {  	[tilespmem:$0x122C0] =	vst v1  }
0x62: {  	[tilespmem:$0x122D0] =	vst v1  }
0x63: {  	[tilespmem:$0x122E0] =	vst v1  }
0x64: {  	[tilespmem:$0x122F0] =	vst v1  }
0x65: {  	[tilespmem:$0x12300] =	vst v1  }
0x66: {  	[tilespmem:$0x12310] =	vst v1  }
0x67: {  	[tilespmem:$0x12320] =	vst v1  }
0x68: {  	[tilespmem:$0x12330] =	vst v1  }
0x69: {  	[tilespmem:$0x12340] =	vst v1  }
0x6a: {  	[tilespmem:$0x12350] =	vst v1  }
0x6b: {  	[tilespmem:$0x12360] =	vst v1  }
0x6c: {  	[tilespmem:$0x12370] =	vst v1  }
0x6d: {  	[tilespmem:$0x12380] =	vst v1  }
0x6e: {  	[tilespmem:$0x12390] =	vst v1  }
0x6f: {  	[tilespmem:$0x123A0] =	vst v1  }
0x70: {  	[tilespmem:$0x123B0] =	vst v1  }
0x71: {  	[tilespmem:$0x123C0] =	vst v1  }
0x72: {  	[tilespmem:$0x123D0] =	vst v1  }
0x73: {  	[tilespmem:$0x123E0] =	vst v1  }
0x74: {  	[tilespmem:$0x123F0] =	vst v1  }
0x75: {  	[tilespmem:$0x12400] =	vst v1  }
0x76: {  	[tilespmem:$0x12410] =	vst v1  }
0x77: {  	[tilespmem:$0x12420] =	vst v1  }
0x78: {  	[tilespmem:$0x12430] =	vst v1  }
0x79: {  	[tilespmem:$0x12440] =	vst v1  }
0x7a: {  	[tilespmem:$0x12450] =	vst v1  }
0x7b: {  	[tilespmem:$0x12460] =	vst v1  }
0x7c: {  	[tilespmem:$0x12470] =	vst v1  }
0x7d: {  	[tilespmem:$0x12480] =	vst v1  }
0x7e: {  	[tilespmem:$0x12490] =	vst v1  }
0x7f: {  	[tilespmem:$0x124A0] =	vst v1  }
0x80: {  	[tilespmem:$0x124B0] =	vst v1  }
0x81: {  	[tilespmem:$0x124C0] =	vst v1  }
0x82: {  	[tilespmem:$0x124D0] =	vst v1  }
0x83: {  	[tilespmem:$0x124E0] =	vst v1  }
0x84: {  	[tilespmem:$0x124F0] =	vst v1  }
0x85: {  	[tilespmem:$0x12500] =	vst v1  }
0x86: {  	[tilespmem:$0x12510] =	vst v1  }
0x87: {  	[tilespmem:$0x12520] =	vst v1  }
0x88: {  	[tilespmem:$0x12530] =	vst v1  }
0x89: {  	[tilespmem:$0x12540] =	vst v1  }
0x8a: {  	[tilespmem:$0x12550] =	vst v1  }
0x8b: {  	[tilespmem:$0x12560] =	vst v1  }
0x8c: {  	[tilespmem:$0x12570] =	vst v1  }
0x8d: {  	[tilespmem:$0x12580] =	vst v1  }
0x8e: {  	[tilespmem:$0x12590] =	vst v1  }
0x8f: {  	[tilespmem:$0x125A0] =	vst v1  }
0x90: {  	[tilespmem:$0x125B0] =	vst v1  }
0x91: {  	[tilespmem:$0x125C0] =	vst v1  }
0x92: {  	[tilespmem:$0x125D0] =	vst v1  }
0x93: {  	[tilespmem:$0x125E0] =	vst v1  }
0x94: {  	[tilespmem:$0x125F0] =	vst v1  }
0x95: {  	[tilespmem:$0x12600] =	vst v1  }
0x96: {  	[tilespmem:$0x12610] =	vst v1  }
0x97: {  	[tilespmem:$0x12620] =	vst v1  }
0x98: {  	[tilespmem:$0x12630] =	vst v1  }
0x99: {  	[tilespmem:$0x12640] =	vst v1  }
0x9a: {  	[tilespmem:$0x12650] =	vst v1  }
0x9b: {  	[tilespmem:$0x12660] =	vst v1  }
0x9c: {  	[tilespmem:$0x12670] =	vst v1  }
0x9d: {  	[tilespmem:$0x12680] =	vst v1  }
0x9e: {  	[tilespmem:$0x12690] =	vst v1  }
0x9f: {  	[tilespmem:$0x126A0] =	vst v1  }
0xa0: {  	[tilespmem:$0x126B0] =	vst v1  }
0xa1: {  	[tilespmem:$0x126C0] =	vst v1  }
0xa2: {  	[tilespmem:$0x126D0] =	vst v1  }
0xa3: {  	[tilespmem:$0x126E0] =	vst v1  }
0xa4: {  	[tilespmem:$0x126F0] =	vst v1  }
0xa5: {  	[tilespmem:$0x12700] =	vst v1  }
0xa6: {  	[tilespmem:$0x12710] =	vst v1  }
0xa7: {  	[tilespmem:$0x12720] =	vst v1  }
0xa8: {  	[tilespmem:$0x12730] =	vst v1  }
0xa9: {  	[tilespmem:$0x12740] =	vst v1  }
0xaa: {  	[tilespmem:$0x12750] =	vst v1  }
0xab: {  	[tilespmem:$0x12760] =	vst v1  }
0xac: {  	[tilespmem:$0x12770] =	vst v1  }
0xad: {  	[tilespmem:$0x12780] =	vst v1  }
0xae: {  	[tilespmem:$0x12790] =	vst v1  }
0xaf: {  	[tilespmem:$0x127A0] =	vst v1  }
0xb0: {  	[tilespmem:$0x127B0] =	vst v1  }
0xb1: {  	[tilespmem:$0x127C0] =	vst v1  }
0xb2: {  	[tilespmem:$0x127D0] =	vst v1  }
0xb3: {  	[tilespmem:$0x127E0] =	vst v1  }
0xb4: {  	[tilespmem:$0x127F0] =	vst v1  }
0xb5: {  	[spmem:s7] =	stream.linear.scatter [tilespmem:s0], [sflag:$0x3], $0x800, $0x38;
	[tilespmem:$0x1C800] =	vst v63  }
0xb6: {  	_ =	swait.ge [sflag:s30], $0x800  }
0xb7: {  	[sflag:s30] =	ssyncset.done $0x0  }
0xb8: {  	s11 =	rddreg [dreg:$0x6];
	[sflag:s30] =	ssyncadd.s32 $0xFFFFF800  }
0xb9: {  	[spmem:s11] =	stream.linear.scatter [tilespmem:s0], [sflag:$0x3], $0x800, $0x38;
	[tilespmem:$0x1C800] =	vst v63  }
0xba: {  	_ =	swait.ge [sflag:s30], $0x800  }
0xbb: {  	[sflag:s30] =	ssyncset.done $0x0  }
0xbc: {  	s10 =	rddreg [dreg:$0x7];
	[sflag:s30] =	ssyncadd.s32 $0xFFFFF800  }
0xbd: {  	[spmem:s10] =	stream.linear.scatter [tilespmem:s0], [sflag:$0x3], $0x800, $0x38;
	[tilespmem:$0x1C800] =	vst v63  }
0xbe: {  	_ =	swait.ge [sflag:s30], $0x800  }
0xbf: {  	[sflag:s30] =	ssyncset.done $0x0  }
0xc0: {  	s11 =	rddreg [dreg:$0x8];
	[sflag:s30] =	ssyncadd.s32 $0xFFFFF800  }
0xc1: {  	[spmem:s11] =	stream.linear.scatter [tilespmem:s0], [sflag:$0x3], $0x800, $0x38;
	[tilespmem:$0x1C800] =	vst v63  }
0xc2: {  	_ =	swait.ge [sflag:s30], $0x800  }
0xc3: {  	[sflag:s30] =	ssyncset.done $0x0  }
0xc4: {  	[sflag:s30] =	ssyncadd.s32 $0xFFFFF800  }
0xc5: {  	[spmem:s12] =	stream.linear.scatter [tilespmem:s0], [sflag:$0x3], $0x800, $0x38;
	[tilespmem:$0x1C800] =	vst v63  }
0xc6: {  	_ =	swait.ge [sflag:s30], $0x800  }
0xc7: {  	[sflag:s30] =	ssyncset.done $0x0  }
0xc8: {  	[sflag:s30] =	ssyncadd.s32 $0xFFFFF800  }
0xc9: {  	[spmem:s13] =	stream.linear.scatter [tilespmem:s0], [sflag:$0x3], $0x800, $0x38;
	[tilespmem:$0x1C800] =	vst v63  }
0xca: {  	_ =	swait.ge [sflag:s30], $0x800  }
0xcb: {  	[sflag:s30] =	ssyncset.done $0x0  }
0xcc: {  	[sflag:s30] =	ssyncadd.s32 $0xFFFFF800  }
0xcd: {  	[spmem:s14] =	stream.linear.scatter [tilespmem:s0], [sflag:$0x3], $0x800, $0x38;
	[tilespmem:$0x1C800] =	vst v63  }
0xce: {  	_ =	swait.ge [sflag:s30], $0x800  }
0xcf: {  	[sflag:s30] =	ssyncset.done $0x0  }
0xd0: {  	[sflag:s30] =	ssyncadd.s32 $0xFFFFF800  }
0xd1: {  	[spmem:s15] =	stream.linear.scatter [tilespmem:s0], [sflag:$0x3], $0x800, $0x38;
	[tilespmem:$0x1C800] =	vst v63  }
0xd2: {  	_ =	swait.ge [sflag:s30], $0x800  }
0xd3: {  	[sflag:s30] =	ssyncset.done $0x0  }
0xd4: {  	[sflag:s30] =	ssyncadd.s32 $0xFFFFF800  }
0xd5: {  	[spmem:s16] =	stream.linear.scatter [tilespmem:s0], [sflag:$0x3], $0x800, $0x38;
	[tilespmem:$0x1C800] =	vst v63  }
0xd6: {  	_ =	swait.ge [sflag:s30], $0x800  }
0xd7: {  	[sflag:s30] =	ssyncset.done $0x0  }
0xd8: {  	[sflag:s30] =	ssyncadd.s32 $0xFFFFF800  }
0xd9: {  	[spmem:s17] =	stream.linear.scatter [tilespmem:s0], [sflag:$0x3], $0x800, $0x38;
	[tilespmem:$0x1C800] =	vst v63  }
0xda: {  	_ =	swait.ge [sflag:s30], $0x800  }
0xdb: {  	[sflag:s30] =	ssyncset.done $0x0  }
0xdc: {  	[sflag:s30] =	ssyncadd.s32 $0xFFFFF800  }
0xdd: {  	[spmem:s18] =	stream.linear.scatter [tilespmem:s0], [sflag:$0x3], $0x800, $0x38;
	[tilespmem:$0x1C800] =	vst v63  }
0xde: {  	_ =	swait.ge [sflag:s30], $0x800  }
0xdf: {  	[sflag:s30] =	ssyncset.done $0x0  }
0xe0: {  	[sflag:s30] =	ssyncadd.s32 $0xFFFFF800  }
0xe1: {  	[spmem:s19] =	stream.linear.scatter [tilespmem:s0], [sflag:$0x3], $0x800, $0x38;
	[tilespmem:$0x1C800] =	vst v63  }
0xe2: {  	_ =	swait.ge [sflag:s30], $0x800  }
0xe3: {  	[sflag:s30] =	ssyncset.done $0x0  }
0xe4: {  	[sflag:s30] =	ssyncadd.s32 $0xFFFFF800  }
0xe5: {  	[spmem:s20] =	stream.linear.scatter [tilespmem:s0], [sflag:$0x3], $0x800, $0x38;
	[tilespmem:$0x1C800] =	vst v63  }
0xe6: {  	_ =	swait.ge [sflag:s30], $0x800  }
0xe7: {  	[sflag:s30] =	ssyncset.done $0x0  }
0xe8: {  	[sflag:s30] =	ssyncadd.s32 $0xFFFFF800  }
0xe9: {  	[spmem:s21] =	stream.linear.scatter [tilespmem:s0], [sflag:$0x3], $0x800, $0x38;
	[tilespmem:$0x1C800] =	vst v63  }
0xea: {  	_ =	swait.ge [sflag:s30], $0x800  }
0xeb: {  	[sflag:s30] =	ssyncset.done $0x0  }
0xec: {  	[sflag:s30] =	ssyncadd.s32 $0xFFFFF800  }
0xed: {  	[spmem:s22] =	stream.linear.scatter [tilespmem:s0], [sflag:$0x3], $0x800, $0x38;
	[tilespmem:$0x1C800] =	vst v63  }
0xee: {  	_ =	swait.ge [sflag:s30], $0x800  }
0xef: {  	[sflag:s30] =	ssyncset.done $0x0  }
0xf0: {  	[sflag:s30] =	ssyncadd.s32 $0xFFFFF800  }
0xf1: {  	[spmem:s24] =	stream.linear.scatter [tilespmem:s0], [sflag:$0x3], $0x800, $0x38;
	[tilespmem:$0x1C800] =	vst v63  }
0xf2: {  	_ =	swait.ge [sflag:s30], $0x800  }
0xf3: {  	[sflag:s30] =	ssyncset.done $0x0  }
0xf4: {  	[sflag:s30] =	ssyncadd.s32 $0xFFFFF800  }
0xf5: {  	[spmem:s25] =	stream.linear.scatter [tilespmem:s0], [sflag:$0x3], $0x800, $0x38;
	[tilespmem:$0x1C800] =	vst v63  }
0xf6: {  	_ =	swait.ge [sflag:s30], $0x800  }
0xf7: {  	[sflag:s30] =	ssyncset.done $0x0  }
0xf8: {  	[sflag:s30] =	ssyncadd.s32 $0xFFFFF800  }
0xf9: {  	[spmem:s26] =	stream.linear.scatter [tilespmem:s0], [sflag:$0x3], $0x800, $0x38;
	[tilespmem:$0x1C800] =	vst v63  }
0xfa: {  	_ =	swait.ge [sflag:s30], $0x800  }
0xfb: {  	[sflag:s30] =	ssyncset.done $0x0  }
0xfc: {  	[sflag:s30] =	ssyncadd.s32 $0xFFFFF800  }
0xfd: {  	[spmem:s28] =	stream.linear.scatter [tilespmem:s0], [sflag:$0x3], $0x800, $0x38;
	[tilespmem:$0x1C800] =	vst v63  }
0xfe: {  	_ =	swait.ge [sflag:s30], $0x800  }
0xff: {  	[sflag:s30] =	ssyncset.done $0x0  }
0x100: {  	[sflag:s30] =	ssyncadd.s32 $0xFFFFF800  }
0x101: {  	[spmem:s29] =	stream.linear.scatter [tilespmem:s0], [sflag:$0x3], $0x800, $0x38;
	[tilespmem:$0x1C800] =	vst v63  }
0x102: {  	_ =	swait.ge [sflag:s30], $0x800  }
0x103: {  	[sflag:s30] =	ssyncset.done $0x0  }
0x104: {  	[sflag:s30] =	ssyncadd.s32 $0xFFFFF800  }
0x105: {  	s10 =	simm.s32 $0x0;
	[bflag:$0x0] =	sbarrier.arrive $0xFFFF  }
0x106: {  	[tilespmem:s1], [sflag:$0x1] =	stream.indirect.gather [hbm4b:s4+s31], $0x80, s10, s31, $0xb8;
	[tilespmem:$0x1C800] =	vst v63  }
0x107: {  	_ = 	snop  }
0x108: {  	[tilespmem:s3], [sflag:$0x2] =	stream.indirect.gather [hbm4b:s4+s31], $0x80, s31, s31, $0xb8;
	[tilespmem:$0x1C800] =	vst v63  }
0x109: {  	_ =	swait.ge [sflag:s5], $0x4000  }
0x10a: {  	[sflag:s5] =	ssyncset.done $0x0  }
0x10b: {  	s11 =	simm.s32 $0x5000;
	[sflag:s5] =	ssyncadd.s32 $0xFFFFC000  }
0x10c: {  	[spmem:s2] =	stream.indirect.scatter.add.f32 [tilespmem:s1], [sflag:$0x3], $0x80, s11, s31, $0xb8;
	[tilespmem:$0x1C800] =	vst v63  }
0x10d: {  	_ =	swait.ge [sflag:s30], $0x4000  }
0x10e: {  	[sflag:s30] =	ssyncset.done $0x0  }
0x10f: {  	s10 =	simm.s32 $0x100;
	[sflag:s30] =	ssyncadd.s32 $0xFFFFC000  }
0x110: {  	[tilespmem:s1], [sflag:$0x1] =	stream.indirect.gather [hbm4b:s4+s31], $0x80, s10, s31, $0xb8;
	[tilespmem:$0x1C800] =	vst v63  }
0x111: {  	_ =	swait.ge [sflag:s6], $0x4000  }
0x112: {  	[sflag:s6] =	ssyncset.done $0x0  }
0x113: {  	s11 =	simm.s32 $0x5080;
	[sflag:s6] =	ssyncadd.s32 $0xFFFFC000  }
0x114: {  	[spmem:s2] =	stream.indirect.scatter.add.f32 [tilespmem:s3], [sflag:$0x3], $0x80, s11, s31, $0xb8;
	[tilespmem:$0x1C800] =	vst v63  }
0x115: {  	_ =	swait.ge [sflag:s30], $0x4000  }
0x116: {  	[sflag:s30] =	ssyncset.done $0x0  }
0x117: {  	s9 =	simm.s32 $0x400;
	s10 =	simm.s32 $0x180;
	[sflag:s30] =	ssyncadd.s32 $0xFFFFC000  }
.LBB2_4:
0x118: {  	[tilespmem:s3], [sflag:$0x2] =	stream.indirect.gather [hbm4b:s4+s31], $0x80, s10, s31, $0xb8;
	[tilespmem:$0x1C800] =	vst v63  }
0x119: {  	s10 =	smov.u32 s9  }
0x11a: {  	p0 =	sne.s32 s9, $0x13800;
	s9 =	sadd.s32 $0x400, s9;
	_ =	swait.ge [sflag:s5], $0x4000  }
0x11b: {  	s10 =	sshra.s32 s10, $0x2;
	[sflag:s5] =	ssyncset.done $0x0  }
0x11c: {  	s11 =	sadd.s32 $0x5000, s10;
	[sflag:s5] =	ssyncadd.s32 $0xFFFFC000  }
0x11d: {  	[spmem:s2] =	stream.indirect.scatter.add.f32 [tilespmem:s1], [sflag:$0x3], $0x80, s11, s31, $0xb8;
	[tilespmem:$0x1C800] =	vst v63  }
0x11e: {  	_ =	swait.ge [sflag:s30], $0x4000  }
0x11f: {  	[sflag:s30] =	ssyncset.done $0x0  }
0x120: {  	s11 =	sadd.s32 $0x100, s10;
	[sflag:s30] =	ssyncadd.s32 $0xFFFFC000  }
0x121: {  	[tilespmem:s1], [sflag:$0x1] =	stream.indirect.gather [hbm4b:s4+s31], $0x80, s11, s31, $0xb8;
	[tilespmem:$0x1C800] =	vst v63  }
0x122: {  	_ =	swait.ge [sflag:s6], $0x4000  }
0x123: {  	[sflag:s6] =	ssyncset.done $0x0  }
.Ltmp1:
0x124: {  	s11 =	sadd.s32 $0x5080, s10;
	[sflag:s6] =	ssyncadd.s32 $0xFFFFC000;
	(pc) =	sbr.rel @p0 .LBB2_4-.Ltmp1, $4  }
0x125: {  	[spmem:s2] =	stream.indirect.scatter.add.f32 [tilespmem:s3], [sflag:$0x3], $0x80, s11, s31, $0xb8;
	[tilespmem:$0x1C800] =	vst v63  }
0x126: {  	_ =	swait.ge [sflag:s30], $0x4000  }
0x127: {  	[sflag:s30] =	ssyncset.done $0x0  }
0x128: {  	s10 =	sadd.s32 $0x180, s10;
	[sflag:s30] =	ssyncadd.s32 $0xFFFFC000  }
0x129: {  	[tilespmem:s3], [sflag:$0x2] =	stream.indirect.gather [hbm4b:s4+s31], $0x80, s10, s31, $0xb8;
	[tilespmem:$0x1C800] =	vst v63  }
0x12a: {  	_ =	swait.ge [sflag:s5], $0x4000  }
0x12b: {  	[sflag:s5] =	ssyncset.done $0x0  }
0x12c: {  	s9 =	simm.s32 $0x9F00;
	[sflag:s5] =	ssyncadd.s32 $0xFFFFC000  }
0x12d: {  	[spmem:s2] =	stream.indirect.scatter.add.f32 [tilespmem:s1], [sflag:$0x3], $0x80, s9, s31, $0xb8;
	[tilespmem:$0x1C800] =	vst v63  }
0x12e: {  	_ =	swait.ge [sflag:s30], $0x4000  }
0x12f: {  	[sflag:s30] =	ssyncset.done $0x0  }
0x130: {  	[sflag:s30] =	ssyncadd.s32 $0xFFFFC000  }
0x131: {  	_ =	swait.ge [sflag:s6], $0x4000  }
0x132: {  	[sflag:s6] =	ssyncset.done $0x0  }
0x133: {  	s11 =	simm.s32 $0x9F80;
	[sflag:s6] =	ssyncadd.s32 $0xFFFFC000  }
0x134: {  	[spmem:s2] =	stream.indirect.scatter.add.f32 [tilespmem:s3], [sflag:$0x3], $0x80, s11, s31, $0xb8;
	[tilespmem:$0x1C800] =	vst v63  }
0x135: {  	_ =	swait.ge [sflag:s30], $0x4000  }
0x136: {  	s10 =	stileid.u32;
	[sflag:s30] =	ssyncset.done $0x0  }
0x137: {  	s9 =	sshll.u32 s10, $0x6;
	[sflag:s30] =	ssyncadd.s32 $0xFFFFC000  }
0x138: {  	s9 =	sor.u32 $0x1C03, s9;
	s11 =	sshrl.u32 s7, $0x3;
	[bflag:$0x0] =	sbarrier.arrive $0xFFFF  }
0x139: {  	[hbm:s23], [sflag:s9] =	dma.local [spmem:s11], $0x1400  }
0x13a: {  	_ =	swait.ge [sflag:s30], $0x1400  }
0x13b: {  	s8 =	sadd.s32 $0x1, s8;
	s11 =	rddreg [dreg:$0x5]  }
0x13c: {  	p0 =	sne.s32 s8, s11  }
.Ltmp2:
0x13d: {  	_ = 	snop;
	(pc) =	sbr.rel @p0 .LBB2_1-.Ltmp2, $3  }
0x13e: {  	_ =	sdelay $0x1  }
0x13f: {  	[sflag:s30] =	ssyncset.done $0x0  }
0x140: {  	[sflag:s30] =	ssyncadd.s32 $0xFFFFEC00  }
0x141: {  	_ =	sfence.sel $0x180000  }
0x142: {  	[bflag:$0x0] =	sbarrier.arrive $0xFFFF  }
0x143: {  	_ =	strace $0x9000004D  }
0x144: {  	s0 =	stileid.u32;
	[bflag:$0x2] =	sbarrier.arrive $0xFFFF  }
0x145: {  	p0 =	sne.s32 s0, $0x0;
	s0 =	rddreg [dreg:$0x2]  }
0x146: {  	s0 =	sadd.s32 @!p0 $0x100000, s0  }
0x147: {  	[sflag:s0] =	ssyncadd.tile.s32 @!p0 $0x1;
	_ =	shalt  }
.Lfunc_end2:
_tile_overlayer_lowered:
.L_overlay_start_2:
0x148: {  	(tag) =	ssettag $0x2  }
0x149: {  	s0 =	rddreg [dreg:$0x0];
	s2 =	stileid.u32  }
0x14a: {  	s1 =	rddreg [dreg:$0x1];
	p0 =	sne.s32 s2, $0x0  }
0x14b: {  	s3 =	rddreg [dreg:$0x2];
	[bflag:$0x3] =	sbarrier.arrive $0xFFFF;
	s2 =	simm.s32 @!p0 $0x1C03  }
0x14c: {  	[timem:s3], [sflag:s2] =	dma.local @!p0 [hbm:s0], s1  }
0x14d: {  	s0 =	simm.s32 @!p0 $0x3  }
0x14e: {  	_ =	swait.ge @!p0 [sflag:s0], s1  }
0x14f: {  	s1 =	ssub.s32 @!p0 $0x0, s1;
	[sflag:s0] =	ssyncset.done @!p0 $0x0  }
0x150: {  	[sflag:s0] =	ssyncadd.s32 @!p0 s1  }
0x151: {  	[bflag:$0x3] =	sbarrier.arrive $0xFFFF  }
0x152: {  	_ =	shalt  }

// kernel: kernel.8.cloned.1.call-start
scs
__scs_entry_jumppad:
0x0: {  	(pc) =	sbr.rel $0x88, $3  }
0x1: {  	(tag) =	ssettag $0x0;
	lr =	simm.s32 $0x1  }
0x2: {  	[smem:$0x3F8F] =	sst lr;
	_ =	strace $0xD0000000  }
0x3: {  	_ = 	snop  }
0x4: {  	_ = 	snop  }
0x5: {  	_ = 	snop  }
0x6: {  	_ = 	snop  }
0x7: {  	_ = 	snop  }
__scs_overlays_trampoline_lowered:
0x8: {  	[smem:$0x3F9E] =	sst s0  }
0x9: {  	[smem:$0x3F9F] =	sst s1  }
0xa: {  	[smem:$0x3FA0] =	sst s2  }
0xb: {  	[smem:$0x3FA1] =	sst s3  }
0xc: {  	[smem:$0x3FA2] =	sst s4  }
0xd: {  	[smem:$0x3FA3] =	sst s5  }
0xe: {  	[smem:$0x3FA4] =	sst s6  }
0xf: {  	[smem:$0x3FA5] =	sst s7  }
0x10: {  	[smem:$0x3FA6] =	sst s8  }
0x11: {  	[smem:$0x3FA7] =	sst s9;
	s0 =	simm.s32 @!p0 $0x0  }
0x12: {  	s1 =	sld [smem:$0x3F8D];
	s0 =	simm.s32 @p0 $0x1  }
0x13: {  	[smem:$0x3FA8] =	sst s0;
	s0 =	simm.s32 @!p1 $0x0  }
0x14: {  	s2 =	sld [smem:$0x3F8C];
	s0 =	simm.s32 @p1 $0x1  }
0x15: {  	[smem:$0x3FA9] =	sst s0;
	s0 =	simm.s32 @!p2 $0x0  }
0x16: {  	s3 =	sld [smem:$0x3FDB];
	s0 =	simm.s32 @p2 $0x1  }
0x17: {  	s4 =	simm.s32 $0x1BF5;
	[smem:$0x3FAB] =	sst s0  }
0x18: {  	s0 =	sld [smem:$0x3F8E];
	_ =	swait.ge [sflag:s4], $0x0  }
0x19: {  	s7 =	sld [smem:$0x3F8F]  }
0x1a: {  	s8 =	sadd.s32 $0xFFFFE003, lr  }
0x1b: {  	s9 =	sadd.s32 $0xFFFFFEF7, lr;
	s5 =	simm.s32 $0xFFFFFFFF;
	p2 =	slt.u32 s8, $0xFFFFF086  }
0x1c: {  	p1 =	slt.u32 s9, $0xF7A;
	s5 =	simm.s32 @!p2 $0x0  }
0x1d: {  	s5 =	simm.s32 @p1 $0x1;
	p0 =	seq.s32 s7, s2  }
0x1e: {  	s7 =	smul.u32 @!p0 $0xF7A, s2;
	p2 =	seq.s32 @!p0 s5, $0x0  }
0x1f: {  	s9 =	smul.u32 $0xF7A, s1;
	s8 =	simm.s32 @!p0 $0x1BF5;
	p2 =	por !p2, p0  }
0x20: {  	[sflag:s8] =	ssyncset.s32 @!p0 $0xFFFFF086;
	s6 =	sadd.s32 @!p0 s3, s7;
	s7 =	simm.s32 @!p0 $0x108  }
0x21: {  	s3 =	sadd.s32 s3, s9;
	s6 =	sadd.s32 @!p0 $0x88, s6;
	s7 =	simm.s32 @p2 $0x1082  }
0x22: {  	[simem:s7], [sflag:s8] =	dma.local @!p0 [hbm:s6], $0xF7A  }
0x23: {  	s9 =	sor.u32 $0xD0000000, s2;
	s6 =	simm.s32 $0x108;
	_ =	swait.ge @!p0 [sflag:s8], $0x0  }
0x24: {  	s3 =	sadd.s32 $0x88, s3;
	s6 =	simm.s32 @!p1 $0x1082;
	[sflag:s4] =	ssyncset.s32 $0xFFFFF086  }
0x25: {  	[simem:s6], [sflag:s4] =	dma.local [hbm:s3], $0xF7A  }
0x26: {  	[smem:$0x3F8F] =	sst s1;
	(tag) =	ssettag s2;
	_ =	strace s9  }
0x27: {  	s1 =	sld [smem:$0x3F9F]  }
0x28: {  	s2 =	sld [smem:$0x3FA0]  }
0x29: {  	s4 =	sld [smem:$0x3FA2]  }
0x2a: {  	p0 =	seq.s32 s5, $0x0;
	s5 =	sld [smem:$0x3FA3]  }
0x2b: {  	s6 =	sld [smem:$0x3FA4]  }
0x2c: {  	s7 =	sld [smem:$0x3FA5]  }
0x2d: {  	s3 =	simm.s32 $0x108;
	s8 =	sld [smem:$0x3FA6]  }
0x2e: {  	s3 =	simm.s32 @!p0 $0x1082;
	s9 =	sld [smem:$0x3FA7]  }
0x2f: {  	lr =	sadd.s32 s0, s3;
	s0 =	sld [smem:$0x3F9E]  }
0x30: {  	s3 =	sld [smem:$0x3FA1]  }
0x31: {  	[smem:$0x3FAA] =	sst s10  }
0x32: {  	s10 =	sld [smem:$0x3FA8];
	_ =	sdelay $0x3  }
0x33: {  	p0 =	seq.s32 s10, $0x1;
	s10 =	sld [smem:$0x3FAA];
	_ =	sdelay $0x3  }
0x34: {  	[smem:$0x3FAA] =	sst s10  }
0x35: {  	s10 =	sld [smem:$0x3FA9];
	_ =	sdelay $0x3  }
0x36: {  	p1 =	seq.s32 s10, $0x1;
	s10 =	sld [smem:$0x3FAA];
	_ =	sdelay $0x3  }
0x37: {  	[smem:$0x3FAA] =	sst s10  }
0x38: {  	s10 =	sld [smem:$0x3FAB]  }
0x39: {  	_ = 	snop;
	(pc) =	sbr.ind lr, $3  }
0x3a: {  	_ = 	snop  }
0x3b: {  	_ = 	snop  }
0x3c: {  	p2 =	seq.s32 s10, $0x1;
	s10 =	sld [smem:$0x3FAA]  }
0x3d: {  	_ =	shalt  }
0x3e: {  	_ =	shalt  }
0x3f: {  	_ =	shalt  }
0x40: {  	_ =	shalt  }
0x41: {  	_ =	shalt  }
0x42: {  	_ =	shalt  }
0x43: {  	_ =	shalt  }
0x44: {  	_ =	shalt  }
0x45: {  	_ =	shalt  }
0x46: {  	_ =	shalt  }
0x47: {  	_ =	shalt  }
0x48: {  	_ =	shalt  }
0x49: {  	_ =	shalt  }
0x4a: {  	_ =	shalt  }
0x4b: {  	_ =	shalt  }
0x4c: {  	_ =	shalt  }
0x4d: {  	_ =	shalt  }
0x4e: {  	_ =	shalt  }
0x4f: {  	_ =	shalt  }
0x50: {  	_ =	shalt  }
0x51: {  	_ =	shalt  }
0x52: {  	_ =	shalt  }
0x53: {  	_ =	shalt  }
0x54: {  	_ =	shalt  }
0x55: {  	_ =	shalt  }
0x56: {  	_ =	shalt  }
0x57: {  	_ =	shalt  }
0x58: {  	_ =	shalt  }
0x59: {  	_ =	shalt  }
0x5a: {  	_ =	shalt  }
0x5b: {  	_ =	shalt  }
0x5c: {  	_ =	shalt  }
0x5d: {  	_ =	shalt  }
0x5e: {  	_ =	shalt  }
0x5f: {  	_ =	shalt  }
0x60: {  	_ =	shalt  }
0x61: {  	_ =	shalt  }
0x62: {  	_ =	shalt  }
0x63: {  	_ =	shalt  }
0x64: {  	_ =	shalt  }
0x65: {  	_ =	shalt  }
0x66: {  	_ =	shalt  }
0x67: {  	_ =	shalt  }
0x68: {  	_ =	shalt  }
0x69: {  	_ =	shalt  }
0x6a: {  	_ =	shalt  }
0x6b: {  	_ =	shalt  }
0x6c: {  	_ =	shalt  }
0x6d: {  	_ =	shalt  }
0x6e: {  	_ =	shalt  }
0x6f: {  	_ =	shalt  }
0x70: {  	_ =	shalt  }
0x71: {  	_ =	shalt  }
0x72: {  	_ =	shalt  }
0x73: {  	_ =	shalt  }
0x74: {  	_ =	shalt  }
0x75: {  	_ =	shalt  }
0x76: {  	_ =	shalt  }
0x77: {  	_ =	shalt  }
0x78: {  	_ =	shalt  }
0x79: {  	_ =	shalt  }
0x7a: {  	_ =	shalt  }
0x7b: {  	_ =	shalt  }
0x7c: {  	_ =	shalt  }
0x7d: {  	_ =	shalt  }
0x7e: {  	_ =	shalt  }
0x7f: {  	_ =	shalt  }
0x80: {  	_ =	shalt  }
0x81: {  	_ =	shalt  }
0x82: {  	_ =	shalt  }
0x83: {  	_ =	shalt  }
0x84: {  	_ =	shalt  }
0x85: {  	_ =	shalt  }
0x86: {  	_ =	shalt  }
0x87: {  	_ =	shalt  }
.Lfunc_end0:
.L_simem_size_0:
called_computation_lowered:
.L_overlay_start_0:
0x88: {  	s2 =	sld [smem:$0x3FD9]  }
0x89: {  	s3 =	sld [smem:$0x3FFE];
	_ =	sdelay $0x1  }
0x8a: {  	s1 =	srdreg.scid  }
0x8b: {  	s0 =	sand.u32 $0x1, s1  }
0x8c: {  	s16 =	sshll.u32 s0, $0xA;
	s2 =	sadd.s32 s3, s2  }
0x8d: {  	s2 =	sadd.s32 s2, s16  }
0x8e: {  	[smem:$0x3FB6] =	sst s2  }
0x8f: {  	_ = 	snop  }
0x90: {  	(tm) =	ssettm $0x1  }
0x91: {  	s17 =	sld [smem:$0x3FFB];
	_ =	sdelay $0x3  }
0x92: {  	_ =	strace s17  }
0x93: {  	s2 =	sld [smem:$0x3FFC];
	_ =	sdelay $0x3  }
0x94: {  	_ =	strace s2  }
0x95: {  	s2 =	sld [smem:$0x3FFD];
	_ =	sdelay $0x3  }
0x96: {  	_ =	strace s2  }
0x97: {  	_ =	strace $0x8FFFFFFF  }
0x98: {  	s18 =	sld [smem:$0x3FDB];
	_ =	sdelay $0x1  }
0x99: {  	s19 =	simm.s32 $_scs_section_size  }
0x9a: {  	s4 =	simm.s32 $_size__tile_overlayer_lowered;
	s5 =	simm.s32 $_tile_overlayer_lowered  }
0x9b: {  	s22 =	simm.s32 $0x1BFF;
	s21 =	sshll.u32 s5, $0x1;
	s2 =	sadd.s32 s19, s18  }
0x9c: {  	s6 =	simm.s32 $0x0;
	s20 =	sshll.u32 s4, $0x1;
	s4 =	sadd.s32 s21, s2  }
0x9d: {  	[timem:s6], [sflag:s22] =	dma.local [hbm:s4], s20  }
0x9e: {  	_ =	swait.ge [sflag:s22], s20  }
0x9f: {  	s3 =	ssub.s32 $0x0, s20;
	[sflag:s22] =	ssyncset.done $0x0  }
0xa0: {  	[sflag:s22] =	ssyncadd.s32 s3;
	_ =	sdelay $0x1  }
0xa1: {  	s23 =	simm.s32 $0x1B8B  }
0xa2: {  	_ =	swait.ge [sflag:s23], $0x1  }
0xa3: {  	[sflag:s23] =	ssyncset.done $0x0  }
0xa4: {  	s25 =	simm.s32 $0x1B8E;
	s24 =	sld [smem:$0x3FFE];
	[sflag:s23] =	ssyncadd.s32 $0xFFFFFFFF  }
0xa5: {  	s26 =	simm.s32 $execute0_lowered;
	[smem:$0x3FD2] =	sst s25  }
0xa6: {  	s4 =	sshll.u32 s26, $0x1;
	_ =	strace $0x80000046;
	[dreg:$0x1] =	wrdreg $0xFFFFFFFF  }
0xa7: {  	s28 =	simm.s32 $_size_execute0_lowered;
	s2 =	sadd.s32 s2, s4;
	[dreg:$0x0] =	wrdreg $0x0  }
0xa8: {  	s4 =	sshll.u32 s28, $0x1;
	[dreg:$0x2] =	wrdreg s2  }
0xa9: {  	[dreg:$0x3] =	wrdreg s4  }
0xaa: {  	[dreg:$0x4] =	wrdreg $0xC0  }
0xab: {  	_ =	task [dreg:s6], $0x5FFFF  }
0xac: {  	[dreg:$0x1] =	wrdreg $0xFFFFFFFF  }
0xad: {  	[dreg:$0x0] =	wrdreg $0x60  }
0xae: {  	[dreg:$0x2] =	wrdreg s24  }
0xaf: {  	[dreg:$0x3] =	wrdreg $0x98000  }
0xb0: {  	[dreg:$0x4] =	wrdreg $0x9  }
0xb1: {  	_ =	task.clear_ibuf [dreg:s6], $0x5FFFF;
	_ =	strace $0x90000046  }
0xb2: {  	s29 =	simm.s32 $0x9;
	_ =	strace $0x80000048  }
0xb3: {  	_ =	swait.ge [sflag:s29], $0x1  }
0xb4: {  	[sflag:s29] =	ssyncadd.s32 $0xFFFFFFFF  }
0xb5: {  	_ =	strace $0x90000048  }
0xb6: {  	_ =	sfence  }
0xb7: {  	s30 =	sld [smem:$0x0];
	_ =	sdelay $0x2  }
0xb8: {  	s31 =	sshll.u32 s1, $0xD;
	s1 =	sshrl.u32 s1, $0x2  }
0xb9: {  	s3 =	sand.u32 $0x4000, s31;
	s1 =	sadd.s32 s1, s30  }
0xba: {  	s0 =	sor.u32 s3, s0;
	s1 =	sshll.u32 s1, $0x11  }
0xbb: {  	s0 =	sor.u32 s1, s0  }
0xbc: {  	s0 =	sadd.s32 $0x8F2B, s0  }
0xbd: {  	[sflag:s0] =	ssyncadd.remote.s32 $0x1  }
0xbe: {  	_ =	sfence.sel $0xFFFF  }
0xbf: {  	[dreg:$0x0] =	wrdreg $0xFFFFFFFF;
	(pc) =	sbr.abs _section_cstart, $3  }
0xc0: {  	[dreg:$0x1] =	wrdreg $0xFFFFFFFF  }
0xc1: {  	_ =	task.clear_ibuf [dreg:s6], $0x2FFFF;
	_ =	strace $0x9FFFFFFF  }
0xc2: {  	(tm) =	ssettm $0x7FFFFFFF  }
0xc3: {  	_ =	shalt  }
tec
execute0_lowered:
.L_overlay_start_1:
0x0: {  	(tag) =	ssettag $0x1  }
0x1: {  	s4 =	rddreg [dreg:$0x0];
	s0 =	stileid.u32  }
0x2: {  	s1 =	srdreg.scid;
	s2 =	rddreg [dreg:$0x1];
	s3 =	simm.s32 $0x0  }
0x3: {  	s9 =	simm.s32 $0x80;
	s10 =	simm.s32 $0x5000;
	s5 =	smul.u32 $0xA00, s0  }
0x4: {  	s6 =	sand.u32 $0x1, s1;
	s1 =	rddreg [dreg:$0x2];
	s8 =	smul.u32 $0x50000, s0  }
0x5: {  	s14 =	simm.s32 $0x0;
	[smem:$0x7FF] =	sst s3;
	s12 =	smul.u32 $0x2800, s0  }
0x6: {  	s31 =	sshll.u32 s0, $0x6;
	s7 =	smul.u32 $0x28000, s6;
	s6 =	ssub.s32 $0x2, s6  }
0x7: {  	_ =	strace $0x80000047;
	s5 =	sadd.s32 s5, s4;
	s30 =	sshrl.u32 s6, $0x1  }
0x8: {  	s8 =	sshrl.u32 s8, $0x2;
	s7 =	sadd.s32 s7, s4;
	s6 =	ssub.s32 s6, s30  }
0x9: {  	s4 =	sadd.s32 $0x3800, s5;
	s5 =	sadd.s32 s8, s2;
	s8 =	simm.s32 $0x9000  }
0xa: {  	s11 =	sadd.s32 $0xD800, s7;
	s6 =	smax.u32 s6, $0x1;
	s7 =	simm.s32 $0x1  }
0xb: {  	v0 =	vimm.f32 $0.0e+00;
	v1 =	vimm.f32 $1.000000000e+00;
	s13 =	sshrl.u32 s5, $0x3;
	s11 =	sadd.s32 s12, s11;
	s12 =	sor.u32 $0x1C01, s31  }
.LBB2_1:
0xc: {  	[tilespmem:s3], [sflag:$0x1] =	stream.linear.gather [hbm4b:s4+s3], $0x5000, $0x38;
	[tilespmem:$0xC000] =	vst v63  }
0xd: {  	_ =	swait.ge [sflag:s7], $0x5000  }
0xe: {  	[sflag:s7] =	ssyncset.done $0x0  }
0xf: {  	[sflag:s7] =	ssyncadd.s32 $0xFFFFB000  }
0x10: {  	[tilespmem:$0x9000] =	vst v0  }
0x11: {  	[tilespmem:$0x9080] =	vst v0  }
0x12: {  	[tilespmem:$0x9100] =	vst v0  }
0x13: {  	[tilespmem:$0x9180] =	vst v0  }
0x14: {  	[tilespmem:$0x9200] =	vst v0  }
0x15: {  	[tilespmem:$0x9280] =	vst v0  }
0x16: {  	[tilespmem:$0x9300] =	vst v0  }
0x17: {  	[tilespmem:$0x9380] =	vst v0  }
0x18: {  	[tilespmem:$0x9400] =	vst v0  }
0x19: {  	[tilespmem:$0x9480] =	vst v0  }
0x1a: {  	[tilespmem:$0x9500] =	vst v0  }
0x1b: {  	[tilespmem:$0x9580] =	vst v0  }
0x1c: {  	[tilespmem:$0x9600] =	vst v0  }
0x1d: {  	[tilespmem:$0x9680] =	vst v0  }
0x1e: {  	[tilespmem:$0x9700] =	vst v0  }
0x1f: {  	[tilespmem:$0x9780] =	vst v0  }
0x20: {  	[tilespmem:$0x5000] =	vst v1  }
0x21: {  	[tilespmem:$0x5080] =	vst v1  }
0x22: {  	[tilespmem:$0x5100] =	vst v1  }
0x23: {  	[tilespmem:$0x5180] =	vst v1  }
0x24: {  	[tilespmem:$0x5200] =	vst v1  }
0x25: {  	[tilespmem:$0x5280] =	vst v1  }
0x26: {  	[tilespmem:$0x5300] =	vst v1  }
0x27: {  	[tilespmem:$0x5380] =	vst v1  }
0x28: {  	[tilespmem:$0x5400] =	vst v1  }
0x29: {  	[tilespmem:$0x5480] =	vst v1  }
0x2a: {  	[tilespmem:$0x5500] =	vst v1  }
0x2b: {  	[tilespmem:$0x5580] =	vst v1  }
0x2c: {  	[tilespmem:$0x5600] =	vst v1  }
0x2d: {  	[tilespmem:$0x5680] =	vst v1  }
0x2e: {  	[tilespmem:$0x5700] =	vst v1  }
0x2f: {  	[tilespmem:$0x5780] =	vst v1  }
0x30: {  	[tilespmem:$0x5800] =	vst v1  }
0x31: {  	[tilespmem:$0x5880] =	vst v1  }
0x32: {  	[tilespmem:$0x5900] =	vst v1  }
0x33: {  	[tilespmem:$0x5980] =	vst v1  }
0x34: {  	[tilespmem:$0x5A00] =	vst v1  }
0x35: {  	[tilespmem:$0x5A80] =	vst v1  }
0x36: {  	[tilespmem:$0x5B00] =	vst v1  }
0x37: {  	[tilespmem:$0x5B80] =	vst v1  }
0x38: {  	[tilespmem:$0x5C00] =	vst v1  }
0x39: {  	[tilespmem:$0x5C80] =	vst v1  }
0x3a: {  	[tilespmem:$0x5D00] =	vst v1  }
0x3b: {  	[tilespmem:$0x5D80] =	vst v1  }
0x3c: {  	[tilespmem:$0x5E00] =	vst v1  }
0x3d: {  	[tilespmem:$0x5E80] =	vst v1  }
0x3e: {  	[tilespmem:$0x5F00] =	vst v1  }
0x3f: {  	[tilespmem:$0x5F80] =	vst v1  }
0x40: {  	[tilespmem:$0x6000] =	vst v1  }
0x41: {  	[tilespmem:$0x6080] =	vst v1  }
0x42: {  	[tilespmem:$0x6100] =	vst v1  }
0x43: {  	[tilespmem:$0x6180] =	vst v1  }
0x44: {  	[tilespmem:$0x6200] =	vst v1  }
0x45: {  	[tilespmem:$0x6280] =	vst v1  }
0x46: {  	[tilespmem:$0x6300] =	vst v1  }
0x47: {  	[tilespmem:$0x6380] =	vst v1  }
0x48: {  	[tilespmem:$0x6400] =	vst v1  }
0x49: {  	[tilespmem:$0x6480] =	vst v1  }
0x4a: {  	[tilespmem:$0x6500] =	vst v1  }
0x4b: {  	[tilespmem:$0x6580] =	vst v1  }
0x4c: {  	[tilespmem:$0x6600] =	vst v1  }
0x4d: {  	[tilespmem:$0x6680] =	vst v1  }
0x4e: {  	[tilespmem:$0x6700] =	vst v1  }
0x4f: {  	[tilespmem:$0x6780] =	vst v1  }
0x50: {  	[tilespmem:$0x6800] =	vst v1  }
0x51: {  	[tilespmem:$0x6880] =	vst v1  }
0x52: {  	[tilespmem:$0x6900] =	vst v1  }
0x53: {  	[tilespmem:$0x6980] =	vst v1  }
0x54: {  	[tilespmem:$0x6A00] =	vst v1  }
0x55: {  	[tilespmem:$0x6A80] =	vst v1  }
0x56: {  	[tilespmem:$0x6B00] =	vst v1  }
0x57: {  	[tilespmem:$0x6B80] =	vst v1  }
0x58: {  	[tilespmem:$0x6C00] =	vst v1  }
0x59: {  	[tilespmem:$0x6C80] =	vst v1  }
0x5a: {  	[tilespmem:$0x6D00] =	vst v1  }
0x5b: {  	[tilespmem:$0x6D80] =	vst v1  }
0x5c: {  	[tilespmem:$0x6E00] =	vst v1  }
0x5d: {  	[tilespmem:$0x6E80] =	vst v1  }
0x5e: {  	[tilespmem:$0x6F00] =	vst v1  }
0x5f: {  	[tilespmem:$0x6F80] =	vst v1  }
0x60: {  	[tilespmem:$0x7000] =	vst v1  }
0x61: {  	[tilespmem:$0x7080] =	vst v1  }
0x62: {  	[tilespmem:$0x7100] =	vst v1  }
0x63: {  	[tilespmem:$0x7180] =	vst v1  }
0x64: {  	[tilespmem:$0x7200] =	vst v1  }
0x65: {  	[tilespmem:$0x7280] =	vst v1  }
0x66: {  	[tilespmem:$0x7300] =	vst v1  }
0x67: {  	[tilespmem:$0x7380] =	vst v1  }
0x68: {  	[tilespmem:$0x7400] =	vst v1  }
0x69: {  	[tilespmem:$0x7480] =	vst v1  }
0x6a: {  	[tilespmem:$0x7500] =	vst v1  }
0x6b: {  	[tilespmem:$0x7580] =	vst v1  }
0x6c: {  	[tilespmem:$0x7600] =	vst v1  }
0x6d: {  	[tilespmem:$0x7680] =	vst v1  }
0x6e: {  	[tilespmem:$0x7700] =	vst v1  }
0x6f: {  	[tilespmem:$0x7780] =	vst v1  }
0x70: {  	[tilespmem:$0x7800] =	vst v1  }
0x71: {  	[tilespmem:$0x7880] =	vst v1  }
0x72: {  	[tilespmem:$0x7900] =	vst v1  }
0x73: {  	[tilespmem:$0x7980] =	vst v1  }
0x74: {  	[tilespmem:$0x7A00] =	vst v1  }
0x75: {  	[tilespmem:$0x7A80] =	vst v1  }
0x76: {  	[tilespmem:$0x7B00] =	vst v1  }
0x77: {  	[tilespmem:$0x7B80] =	vst v1  }
0x78: {  	[tilespmem:$0x7C00] =	vst v1  }
0x79: {  	[tilespmem:$0x7C80] =	vst v1  }
0x7a: {  	[tilespmem:$0x7D00] =	vst v1  }
0x7b: {  	[tilespmem:$0x7D80] =	vst v1  }
0x7c: {  	[tilespmem:$0x7E00] =	vst v1  }
0x7d: {  	[tilespmem:$0x7E80] =	vst v1  }
0x7e: {  	[tilespmem:$0x7F00] =	vst v1  }
0x7f: {  	[tilespmem:$0x7F80] =	vst v1  }
0x80: {  	[tilespmem:$0x8000] =	vst v1  }
0x81: {  	[tilespmem:$0x8080] =	vst v1  }
0x82: {  	[tilespmem:$0x8100] =	vst v1  }
0x83: {  	[tilespmem:$0x8180] =	vst v1  }
0x84: {  	[tilespmem:$0x8200] =	vst v1  }
0x85: {  	[tilespmem:$0x8280] =	vst v1  }
0x86: {  	[tilespmem:$0x8300] =	vst v1  }
0x87: {  	[tilespmem:$0x8380] =	vst v1  }
0x88: {  	[tilespmem:$0x8400] =	vst v1  }
0x89: {  	[tilespmem:$0x8480] =	vst v1  }
0x8a: {  	[tilespmem:$0x8500] =	vst v1  }
0x8b: {  	[tilespmem:$0x8580] =	vst v1  }
0x8c: {  	[tilespmem:$0x8600] =	vst v1  }
0x8d: {  	[tilespmem:$0x8680] =	vst v1  }
0x8e: {  	[tilespmem:$0x8700] =	vst v1  }
0x8f: {  	[tilespmem:$0x8780] =	vst v1  }
0x90: {  	[tilespmem:$0x8800] =	vst v1  }
0x91: {  	[tilespmem:$0x8880] =	vst v1  }
0x92: {  	[tilespmem:$0x8900] =	vst v1  }
0x93: {  	[tilespmem:$0x8980] =	vst v1  }
0x94: {  	[tilespmem:$0x8A00] =	vst v1  }
0x95: {  	[tilespmem:$0x8A80] =	vst v1  }
0x96: {  	[tilespmem:$0x8B00] =	vst v1  }
0x97: {  	[tilespmem:$0x8B80] =	vst v1  }
0x98: {  	[tilespmem:$0x8C00] =	vst v1  }
0x99: {  	[tilespmem:$0x8C80] =	vst v1  }
0x9a: {  	[tilespmem:$0x8D00] =	vst v1  }
0x9b: {  	[tilespmem:$0x8D80] =	vst v1  }
0x9c: {  	[tilespmem:$0x8E00] =	vst v1  }
0x9d: {  	[tilespmem:$0x8E80] =	vst v1  }
0x9e: {  	[tilespmem:$0x8F00] =	vst v1  }
0x9f: {  	s15 =	sadd.s32 $0x0, s5;
	[tilespmem:$0x8F80] =	vst v1  }
0xa0: {  	[spmem:s15] =	stream.linear.scatter [tilespmem:s8], [sflag:$0x1], $0x800, $0x38;
	[tilespmem:$0xC000] =	vst v63  }
0xa1: {  	s15 =	simm.s32 $0x2000;
	_ =	swait.ge [sflag:s7], $0x800  }
.LBB2_2:
0xa2: {  	s16 =	sshra.s32 s15, $0x2;
	[sflag:s7] =	ssyncset.done $0x0;
	p0 =	sne.s32 s15, $0x4E000  }
.Ltmp0:
0xa3: {  	s16 =	sadd.s32 s16, s5;
	[sflag:s7] =	ssyncadd.s32 $0xFFFFF800;
	(pc) =	sbr.rel @p0 .LBB2_2-.Ltmp0, $3  }
0xa4: {  	[spmem:s16] =	stream.linear.scatter [tilespmem:s8], [sflag:$0x1], $0x800, $0x38;
	[tilespmem:$0xC000] =	vst v63  }
0xa5: {  	s15 =	sadd.s32 $0x2000, s15;
	_ =	sdelay $0x1  }
0xa6: {  	_ =	swait.ge [sflag:s7], $0x800  }
0xa7: {  	[sflag:s7] =	ssyncset.done $0x0  }
0xa8: {  	[sflag:s7] =	ssyncadd.s32 $0xFFFFF800  }
0xa9: {  	s15 =	simm.s32 $0x0;
	[bflag:$0x0] =	sbarrier.arrive $0xFFFF  }
0xaa: {  	[spmem:s2] =	stream.indirect.scatter.add.f32 [tilespmem:s10], [sflag:$0x1], $0x10, s15, s9, $0xb8;
	[tilespmem:$0xC000] =	vst v63  }
0xab: {  	_ =	swait.ge [sflag:s7], $0x800  }
0xac: {  	s15 =	simm.s32 $0x200;
	[sflag:s7] =	ssyncset.done $0x0  }
.LBB2_4:
0xad: {  	s16 =	sshra.s32 s15, $0x2;
	[sflag:s7] =	ssyncadd.s32 $0xFFFFF800;
	p0 =	sne.s32 s15, $0x13E00  }
0xae: {  	[spmem:s2] =	stream.indirect.scatter.add.f32 [tilespmem:s10], [sflag:$0x1], $0x10, s16, s9, $0xb8;
	[tilespmem:$0xC000] =	vst v63  }
.Ltmp1:
0xaf: {  	_ = 	snop;
	(pc) =	sbr.rel @p0 .LBB2_4-.Ltmp1, $4  }
0xb0: {  	_ = 	snop  }
0xb1: {  	s15 =	sadd.s32 $0x200, s15  }
0xb2: {  	_ =	swait.ge [sflag:s7], $0x800  }
0xb3: {  	[sflag:s7] =	ssyncset.done $0x0  }
0xb4: {  	s14 =	sadd.s32 $0x1, s14  }
0xb5: {  	[sflag:s7] =	ssyncadd.s32 $0xFFFFF800;
	p0 =	sne.s32 s14, s6  }
.Ltmp2:
0xb6: {  	[bflag:$0x0] =	sbarrier.arrive $0xFFFF;
	(pc) =	sbr.rel @p0 .LBB2_1-.Ltmp2, $4  }
0xb7: {  	[hbm:s11], [sflag:s12] =	dma.local [spmem:s13], $0x2800  }
0xb8: {  	_ =	swait.ge [sflag:s7], $0x2800  }
0xb9: {  	[sflag:s7] =	ssyncset.done $0x0  }
0xba: {  	[sflag:s7] =	ssyncadd.s32 $0xFFFFD800  }
0xbb: {  	_ =	sfence.sel $0x180000  }
0xbc: {  	[bflag:$0x0] =	sbarrier.arrive $0xFFFF  }
0xbd: {  	p0 =	sne.s32 s0, $0x0;
	_ =	strace $0x90000047  }
0xbe: {  	s0 =	sadd.s32 @!p0 $0x100000, s1;
	[bflag:$0x2] =	sbarrier.arrive $0xFFFF  }
0xbf: {  	[sflag:s0] =	ssyncadd.tile.s32 @!p0 $0x1;
	_ =	shalt  }
.Lfunc_end2:
_tile_overlayer_lowered:
.L_overlay_start_2:
0xc0: {  	(tag) =	ssettag $0x2  }
0xc1: {  	s0 =	rddreg [dreg:$0x0];
	s2 =	stileid.u32  }
0xc2: {  	s1 =	rddreg [dreg:$0x1];
	p0 =	sne.s32 s2, $0x0  }
0xc3: {  	s3 =	rddreg [dreg:$0x2];
	[bflag:$0x3] =	sbarrier.arrive $0xFFFF;
	s2 =	simm.s32 @!p0 $0x1C01  }
0xc4: {  	[timem:s3], [sflag:s2] =	dma.local @!p0 [hbm:s0], s1  }
0xc5: {  	s0 =	simm.s32 @!p0 $0x1  }
0xc6: {  	_ =	swait.ge @!p0 [sflag:s0], s1  }
0xc7: {  	s1 =	ssub.s32 @!p0 $0x0, s1;
	[sflag:s0] =	ssyncset.done @!p0 $0x0  }
0xc8: {  	[sflag:s0] =	ssyncadd.s32 @!p0 s1  }
0xc9: {  	[bflag:$0x3] =	sbarrier.arrive $0xFFFF  }
0xca: {  	_ =	shalt  }

</sc_bundles>
